<compile_context>
chip_gen: v7x
topology: tpu7x:2x2x1
jax: 0.10.2.dev20260603
libtpu: 0.0.44.dev20260713+nightly
codegen_flags: <defaults>
</compile_context>

<pallas_src>
import functools

import jax
import jax.numpy as jnp
from jax import lax
from jax.experimental import pallas as pl
from jax.experimental.pallas import tpu as pltpu
from jax.experimental.pallas import tpu_sc as plsc

B, N, D, K, DEPTH = 4, 4096, 128, 16, 4
HID, NCLS = 256, 13
BN = B * N
DC = 136
EPS = 1e-5


def _dot(a, b):
    return jnp.dot(a, b, preferred_element_type=jnp.float32)


def _lnk(x, g, b):
    m = jnp.mean(x, axis=-1, keepdims=True)
    v = jnp.mean((x - m) * (x - m), axis=-1, keepdims=True)
    return (x - m) / jnp.sqrt(v + EPS) * g + b



_QB = 512


def _knn_body(q_ref, cT_ref, out_ref):
    b = pl.program_id(0)
    q = q_ref[0]
    c = cT_ref[0]
    qsq = (q[:, 0:1] * q[:, 0:1] + q[:, 2:3] * q[:, 2:3]) + q[:, 1:2] * q[:, 1:2]
    csq = (c[0:1] * c[0:1] + c[2:3] * c[2:3]) + c[1:2] * c[1:2]
    d2 = qsq + csq - 2.0 * jnp.dot(q, c, preferred_element_type=jnp.float32)
    colidx = lax.broadcasted_iota(jnp.int32, d2.shape, 1)
    kcol = lax.broadcasted_iota(jnp.int32, (_QB, K), 1)
    acc = jnp.zeros((_QB, K), jnp.int32)
    big = jnp.int32(2**30)
    inf = jnp.float32(jnp.inf)
    for k in range(K):
        m = jnp.min(d2, axis=1, keepdims=True)
        am = jnp.min(jnp.where(d2 == m, colidx, big), axis=1, keepdims=True)
        acc = jnp.where(kcol == k, am, acc)
        d2 = jnp.where(colidx == am, inf, d2)
    out_ref[0] = acc + b * N


def _knn(pts, ptsT):
    return pl.pallas_call(
        _knn_body,
        grid=(B, N // _QB),
        in_specs=[
            pl.BlockSpec((1, _QB, 3), lambda b, q: (b, q, 0)),
            pl.BlockSpec((1, 3, N), lambda b, q: (b, 0, 0)),
        ],
        out_specs=pl.BlockSpec((1, _QB, K), lambda b, q: (b, q, 0)),
        out_shape=jax.ShapeDtypeStruct((B, N, K), jnp.int32),
    )(pts, ptsT)



def _stem_body(p_ref, w1_ref, g1_ref, b1_ref, w2_ref, g2_ref, b2_ref, x_ref):
    p = p_ref[...]
    x = jax.nn.relu(_lnk(_dot(p, w1_ref[...]), g1_ref[...], b1_ref[...]))
    x_ref[...] = jax.nn.relu(_lnk(_dot(x, w2_ref[...]), g2_ref[...], b2_ref[...]))


def _stem(pts2, w1, g1, b1, w2, g2, b2):
    rb = 2048
    full = lambda a: pl.BlockSpec(a.shape, lambda r: tuple(0 for _ in a.shape))
    return pl.pallas_call(
        _stem_body,
        grid=(BN // rb,),
        in_specs=[pl.BlockSpec((rb, 3), lambda r: (r, 0))]
        + [full(a) for a in (w1, g1, b1, w2, g2, b2)],
        out_specs=pl.BlockSpec((rb, D), lambda r: (r, 0)),
        out_shape=jax.ShapeDtypeStruct((BN, D), jnp.float32),
    )(pts2, w1, g1, b1, w2, g2, b2)



_NW = 32
_PW = BN // _NW
_CPTS = 8
_NCH = _PW // _CPTS


def _sc_gather_body(x_hbm, gidx2_hbm, dd_hbm, idx_v, rows0_v, rows1_v,
                    sem0, sem1):
    c = lax.axis_index("c")
    s = lax.axis_index("s")
    w = s * 2 + c
    base_pt = w * _PW
    rows = (rows0_v, rows1_v)
    sems = (sem0, sem1)
    pltpu.sync_copy(gidx2_hbm.at[pl.ds(w * _NCH, _NCH)], idx_v)

    def fire(ch, buf):
        pltpu.async_copy(x_hbm.at[idx_v.at[ch]], rows[buf], sems[buf])

    fire(0, 0)
    fire(1, 1)

    def pair_body(t, carry):
        ch = 2 * t
        for buf in range(2):
            chb = ch + buf
            pltpu.make_async_copy(x_hbm.at[idx_v.at[chb]], rows[buf],
                                  sems[buf]).wait()
            pltpu.sync_copy(
                rows[buf],
                dd_hbm.at[pl.ds((base_pt + chb * _CPTS) * K, _CPTS * K)])

            @pl.when(chb + 2 < _NCH)
            def _():
                fire(chb + 2, buf)
        return carry

    lax.fori_loop(0, _NCH // 2, pair_body, 0)


def _sc_gather(x, gidx2):
    return pl.kernel(
        _sc_gather_body,
        out_type=jax.ShapeDtypeStruct((BN * K, D), jnp.float32),
        mesh=plsc.VectorSubcoreMesh(core_axis_name="c", subcore_axis_name="s"),
        compiler_params=pltpu.CompilerParams(needs_layout_passes=False),
        scratch_types=[
            pltpu.VMEM((_NCH, _CPTS * K), jnp.int32),
            pltpu.VMEM((_CPTS * K, D), jnp.float32),
            pltpu.VMEM((_CPTS * K, D), jnp.float32),
            pltpu.SemaphoreType.DMA,
            pltpu.SemaphoreType.DMA,
        ],
    )(x, gidx2)


def _sc_rel_body(px_hbm, py_hbm, pz_hbm, gidx_hbm, rel_hbm,
                 px_v, py_v, pz_v, idx_v, rel_v, sem):
    c = lax.axis_index("c")
    s = lax.axis_index("s")
    w = s * 2 + c
    base_pt = w * _PW
    pltpu.sync_copy(px_hbm, px_v)
    pltpu.sync_copy(py_hbm, py_v)
    pltpu.sync_copy(pz_hbm, pz_v)
    zeros = jnp.zeros((16,), jnp.float32)
    for g in range(_CPTS):
        for j in range(D // 16):
            rel_v[g, pl.ds(16 * j, 16)] = zeros
    lanes = lax.iota(jnp.int32, 16) * 8

    def chunk_body(ch, carry):
        pbase = base_pt + ch * _CPTS
        pltpu.sync_copy(gidx_hbm.at[pl.ds(pbase * K, _CPTS * K)], idx_v)
        for g in range(_CPTS):
            gv = jnp.full((16,), g, jnp.int32)
            iv = idx_v[pl.ds(16 * g, 16)]
            cidx = jnp.full((16,), pbase + g, jnp.int32)
            for comp, table in ((0, px_v), (1, py_v), (2, pz_v)):
                nb = plsc.load_gather(table, [iv])
                cn = plsc.load_gather(table, [cidx])
                plsc.store_scatter(rel_v, [gv, lanes + comp], nb - cn)
        pltpu.sync_copy(rel_v, rel_hbm.at[pl.ds(pbase, _CPTS)])
        return carry

    lax.fori_loop(0, _NCH, chunk_body, 0)


def _sc_rel(px, py, pz, gidx_flat):
    return pl.kernel(
        _sc_rel_body,
        out_type=jax.ShapeDtypeStruct((BN, D), jnp.float32),
        mesh=plsc.VectorSubcoreMesh(core_axis_name="c", subcore_axis_name="s"),
        compiler_params=pltpu.CompilerParams(needs_layout_passes=False),
        scratch_types=[
            pltpu.VMEM((BN,), jnp.float32),
            pltpu.VMEM((BN,), jnp.float32),
            pltpu.VMEM((BN,), jnp.float32),
            pltpu.VMEM((_CPTS * K,), jnp.int32),
            pltpu.VMEM((_CPTS, D), jnp.float32),
            pltpu.SemaphoreType.DMA,
        ],
    )(px, py, pz, gidx_flat)



_RB = 512


def _blk_core(dd_ref, x_ref, rel_ref, wm_ref, lg_ref, lb_ref,
              g1_ref, b1_ref, w1_ref, w2_ref, g2_ref, b2_ref):
    x_in = x_ref[...]
    d = dd_ref[...].reshape(_RB, K, D) - x_in[:, None, :]
    rel8 = rel_ref[...].reshape(_RB, K, 8)
    cat = jnp.concatenate([d, rel8], axis=2).reshape(_RB * K, DC)
    msg = _dot(cat, wm_ref[...])
    msg = jax.nn.relu(_lnk(msg, lg_ref[...], lb_ref[...]))
    agg = jnp.max(msg.reshape(_RB, K, D), axis=1)
    x = _lnk(x_in + agg, g1_ref[...], b1_ref[...])
    h = _dot(jax.nn.relu(_dot(x, w1_ref[...])), w2_ref[...])
    return _lnk(x + h, g2_ref[...], b2_ref[...])


def _blk_mid_body(dd_ref, x_ref, rel_ref, wm_ref, lg_ref, lb_ref,
                  g1_ref, b1_ref, w1_ref, w2_ref, g2_ref, b2_ref, xo_ref):
    xo_ref[...] = _blk_core(dd_ref, x_ref, rel_ref, wm_ref, lg_ref, lb_ref,
                            g1_ref, b1_ref, w1_ref, w2_ref, g2_ref, b2_ref)


def _blk_last_body(dd_ref, x_ref, rel_ref, wm_ref, lg_ref, lb_ref,
                   g1_ref, b1_ref, w1_ref, w2_ref, g2_ref, b2_ref,
                   ng_ref, nb_ref, xo_ref):
    x = _blk_core(dd_ref, x_ref, rel_ref, wm_ref, lg_ref, lb_ref,
                  g1_ref, b1_ref, w1_ref, w2_ref, g2_ref, b2_ref)
    xo_ref[...] = _lnk(x, ng_ref[...], nb_ref[...])


def _blk(dd, x, rel, wm, lg, lb, g1, b1, w1, w2, g2, b2, norm=None):
    full = lambda a: pl.BlockSpec(a.shape, lambda r: tuple(0 for _ in a.shape))
    ins = [dd, x, rel, wm, lg, lb, g1, b1, w1, w2, g2, b2]
    body = _blk_mid_body
    if norm is not None:
        ins += list(norm)
        body = _blk_last_body
    return pl.pallas_call(
        body,
        grid=(BN // _RB,),
        in_specs=[pl.BlockSpec((_RB * K, D), lambda r: (r, 0)),
                  pl.BlockSpec((_RB, D), lambda r: (r, 0)),
                  pl.BlockSpec((_RB, D), lambda r: (r, 0))]
        + [full(a) for a in ins[3:]],
        out_specs=pl.BlockSpec((_RB, D), lambda r: (r, 0)),
        out_shape=jax.ShapeDtypeStruct((BN, D), jnp.float32),
    )(*ins)



def _gmax_body(x_ref, o_ref):
    o_ref[...] = jnp.max(x_ref[...].reshape(B, N, D), axis=1)


def _gmax(xfin):
    return pl.pallas_call(
        _gmax_body,
        in_specs=[pl.BlockSpec((BN, D), lambda: (0, 0))],
        out_specs=pl.BlockSpec((B, D), lambda: (0, 0)),
        out_shape=jax.ShapeDtypeStruct((B, D), jnp.float32),
    )(xfin)



def _head_body(e_ref, x_ref, g_ref, wa_ref, wb_ref, wc_ref, bg1_ref, bb1_ref,
               w2_ref, bg2_ref, bb2_ref, w3_ref, b3_ref, o_ref):
    gb = g_ref[pl.ds(pl.program_id(0), 1), :]
    h = (_dot(e_ref[...], wa_ref[...]) + _dot(x_ref[...], wb_ref[...])
         + _dot(gb, wc_ref[...]))
    h = jax.nn.relu(h * bg1_ref[...] + bb1_ref[...])
    h = _dot(h, w2_ref[...])
    h = jax.nn.relu(h * bg2_ref[...] + bb2_ref[...])
    o_ref[...] = _dot(h, w3_ref[...]) + b3_ref[...]


def _head(early, xfin, g, wa, wb, wc, bg1, bb1, w2, bg2, bb2, w3, b3):
    rb = 2048
    row = pl.BlockSpec((rb, D), lambda b, r: (b * (N // rb) + r, 0))
    full = lambda a: pl.BlockSpec(a.shape, lambda b, r: tuple(0 for _ in a.shape))
    return pl.pallas_call(
        _head_body,
        grid=(B, N // rb),
        in_specs=[row, row, pl.BlockSpec((B, D), lambda b, r: (0, 0))]
        + [full(a) for a in (wa, wb, wc, bg1, bb1, w2, bg2, bb2, w3, b3)],
        out_specs=pl.BlockSpec((rb, NCLS), lambda b, r: (b * (N // rb) + r, 0)),
        out_shape=jax.ShapeDtypeStruct((BN, NCLS), jnp.float32),
    )(early, xfin, g, wa, wb, wc, bg1, bb1, w2, bg2, bb2, w3, b3)



def kernel(points, params):
    pts = points
    pts2 = pts.reshape(BN, 3)
    ptsT = pts.transpose(0, 2, 1)
    blocks = params['blocks']
    r2 = lambda a: a.reshape(1, -1)
    pad_wm = lambda w: jnp.concatenate(
        [w, jnp.zeros((DC - w.shape[0], D), jnp.float32)], axis=0)

    gidx = _knn(pts, ptsT)
    gidx_flat = gidx.reshape(-1)
    gidx2 = gidx_flat.reshape(-1, _CPTS * K)
    rel = _sc_rel(pts2[:, 0], pts2[:, 1], pts2[:, 2], gidx_flat)

    x = _stem(pts2,
              params['stem_w1'], r2(params['stem_ln1_g']), r2(params['stem_ln1_b']),
              params['stem_w2'], r2(params['stem_ln2_g']), r2(params['stem_ln2_b']))

    early = None
    for i in range(DEPTH):
        blk = blocks[i]
        dd = _sc_gather(x, gidx2)
        norm = (r2(params['norm_g']), r2(params['norm_b'])) if i == DEPTH - 1 else None
        x = _blk(dd, x, rel,
                 pad_wm(blk['wm']), r2(blk['lnm_g']), r2(blk['lnm_b']),
                 r2(blk['ln1_g']), r2(blk['ln1_b']),
                 blk['ffn_w1'], blk['ffn_w2'],
                 r2(blk['ln2_g']), r2(blk['ln2_b']), norm=norm)
        if i == DEPTH // 2 - 1:
            early = x

    xfin = x
    g = _gmax(xfin)
    h1 = params['h1_w']
    out = _head(early, xfin, g,
                h1[:D], h1[D:2 * D], h1[2 * D:],
                r2(params['h1_bn_g']), r2(params['h1_bn_b']),
                params['h2_w'],
                r2(params['h2_bn_g']), r2(params['h2_bn_b']),
                params['h3_w'], r2(params['h3_b']))
    return out.reshape(B, N, NCLS).transpose(0, 2, 1)

# --- scband reference (transcript-rebuilt; emitter-appended) ---
"""Pipeline reference for scband-point-mlpseg-57664230916169 (READ-ONLY COPY).

The authoritative reference and input builder live on the scoring server;
editing this copy changes nothing except your own understanding.
"""

import jax, jax.numpy as jnp
import numpy as np

B, N = 4, 4096
DIM, DEPTH, K = 128, 4, 16
FFN_MULT = 2.0
NUM_CLASSES = 13
HID = int(DIM * FFN_MULT)
SEG_IN = DIM * 3


def _ln(x, g, b, eps=1e-5):
    m = jnp.mean(x, axis=-1, keepdims=True)
    v = jnp.var(x, axis=-1, keepdims=True)
    return (x - m) / jnp.sqrt(v + eps) * g + b


def _gather(a, idx):
    # a: [B, N, d], idx: [B, N, k] -> [B, N, k, d]
    return jax.vmap(lambda ab, ib: ab[ib])(a, idx)


def knn_indices(xyz, k, chunk=512):
    # xyz: [B, N, 3] -> idx [B, N, k] of nearest neighbors (incl. self)
    sq = jnp.sum(xyz * xyz, axis=-1)  # [B, N]
    outs = []
    for s in range(0, xyz.shape[1], chunk):
        q = xyz[:, s:s + chunk]
        d2 = jnp.sum(q * q, -1)[:, :, None] + sq[:, None, :] - 2.0 * jnp.einsum('bqd,bnd->bqn', q, xyz)
        _, ii = jax.lax.top_k(-d2, k)
        outs.append(ii)
    return jnp.concatenate(outs, axis=1)


def _init_params(key):
    cnt = [0]
    def w(shape, scale=0.05):
        cnt[0] += 1
        return jax.random.normal(jax.random.fold_in(key, cnt[0]), shape, jnp.float32) * scale
    def ones(n):
        return jnp.ones((n,), jnp.float32)
    def zeros(n):
        return jnp.zeros((n,), jnp.float32)
    p = {
        'stem_w1': w((3, DIM), 0.3), 'stem_ln1_g': ones(DIM), 'stem_ln1_b': zeros(DIM),
        'stem_w2': w((DIM, DIM)), 'stem_ln2_g': ones(DIM), 'stem_ln2_b': zeros(DIM),
        'norm_g': ones(DIM), 'norm_b': zeros(DIM),
    }
    blocks = []
    for _ in range(DEPTH):
        blocks.append({
            'wm': w((DIM + 3, DIM)), 'lnm_g': ones(DIM), 'lnm_b': zeros(DIM),
            'ln1_g': ones(DIM), 'ln1_b': zeros(DIM),
            'ffn_w1': w((DIM, HID)), 'ffn_w2': w((HID, DIM)),
            'ln2_g': ones(DIM), 'ln2_b': zeros(DIM),
        })
    p['blocks'] = blocks
    p['h1_w'] = w((SEG_IN, 128)); p['h1_bn_g'] = ones(128); p['h1_bn_b'] = zeros(128)
    p['h2_w'] = w((128, 64)); p['h2_bn_g'] = ones(64); p['h2_bn_b'] = zeros(64)
    p['h3_w'] = w((64, NUM_CLASSES)); p['h3_b'] = zeros(NUM_CLASSES)
    return p


def setup_inputs(seed: int = 0) -> dict:
    key = jax.random.key(seed)
    kx, kp = jax.random.split(key)
    points = jax.random.normal(kx, (B, N, 3), jnp.float32)
    params = _init_params(kp)
    return {'points': points, 'params': params}


def _block(xyz, x, idx, p):
    nbr = _gather(x, idx)            # [B, N, k, d]
    pnbr = _gather(xyz, idx)         # [B, N, k, 3]
    center = x[:, :, None, :]
    rel = pnbr - xyz[:, :, None, :]
    msg = jnp.concatenate([nbr - center, rel], axis=-1)          # [B, N, k, d+3]
    msg = jax.nn.relu(_ln(msg @ p['wm'], p['lnm_g'], p['lnm_b']))
    agg = jnp.max(msg, axis=2)                                    # [B, N, d]
    x = _ln(x + agg, p['ln1_g'], p['ln1_b'])
    h = jax.nn.relu(x @ p['ffn_w1']) @ p['ffn_w2']
    x = _ln(x + h, p['ln2_g'], p['ln2_b'])
    return x


def _forward(points, params, idx):
    x = jax.nn.relu(_ln(points @ params['stem_w1'], params['stem_ln1_g'], params['stem_ln1_b']))
    x = jax.nn.relu(_ln(x @ params['stem_w2'], params['stem_ln2_g'], params['stem_ln2_b']))
    mid = DEPTH // 2
    early = x
    for i in range(DEPTH):
        x = _block(points, x, idx, params['blocks'][i])
        if i == mid - 1:
            early = x
    x = _ln(x, params['norm_g'], params['norm_b'])
    g = jnp.max(x, axis=1, keepdims=True)
    g = jnp.broadcast_to(g, x.shape)
    feat = jnp.concatenate([early, x, g], axis=-1)  # [B, N, 3*dim]
    # seg head (1x1 convs == per-point linears; BN in eval mode = affine identity; dropout off)
    h = feat @ params['h1_w']
    h = jax.nn.relu(h * params['h1_bn_g'] + params['h1_bn_b'])
    h = h @ params['h2_w']
    h = jax.nn.relu(h * params['h2_bn_g'] + params['h2_bn_b'])
    h = h @ params['h3_w'] + params['h3_b']
    return jnp.transpose(h, (0, 2, 1))  # [B, num_classes, N]


def reference(points, params):
    idx = knn_indices(points, K)
    return _forward(points, params, idx)

if __name__ == "__main__":
    import jax
    _d = setup_inputs()
    print(jax.jit(kernel)(*tuple(_d.values())))

</pallas_src>

<mosaic_0001>
#map = affine_map<(d0, d1) -> (0, 0)>
module attributes {stable_mosaic.version = 14 : i64} {
  func.func @_sc_gather_body(%arg0: i32, %arg1: i32, %arg2: memref<16384x128xf32, #tpu.memory_space<hbm>>, %arg3: memref<2048x128xi32, #tpu.memory_space<hbm>>, %arg4: memref<262144x128xf32, #tpu.memory_space<hbm>>, %arg5: memref<64x128xi32, #tpu.memory_space<vmem>>, %arg6: memref<128x128xf32, #tpu.memory_space<vmem>>, %arg7: memref<128x128xf32, #tpu.memory_space<vmem>>, %arg8: memref<!tpu.dma_semaphore, #tpu.memory_space<semaphore_mem>>, %arg9: memref<!tpu.dma_semaphore, #tpu.memory_space<semaphore_mem>>) attributes {dimension_semantics = [#tpu.dimension_semantics<core_parallel>, #tpu.dimension_semantics<subcore_parallel>], iteration_bounds = array<i64: 2, 16>, scalar_prefetch = 0 : i64, scratch_operands = 5 : i64, tpu.core_type = #tpu.core_type<sc_vector_subcore>, window_params = [{transform_indices = #map}, {transform_indices = #map}, {transform_indices = #map}]} {
    %mul3A = arith.constant 2 : i32
    %mul3A_0 = arith.muli %arg1, %mul3A : i32
    %add3A = arith.addi %mul3A_0, %arg0 : i32
    %mul3A_1 = arith.constant 512 : i32
    %mul3A_2 = arith.muli %add3A, %mul3A_1 : i32
    %mul3A_3 = arith.constant 64 : i32
    %mul3A_4 = arith.muli %add3A, %mul3A_3 : i32
    "tpu.region"() ({
      %run_scoped3A = tpu.sem_alloc : memref<!tpu.dma_semaphore, #tpu.memory_space<semaphore_mem>>
      %dma_start3A_23 = arith.constant 0 : i32
      %dma_start3A_24 = tpu.memref_slice %arg3[%mul3A_4, %dma_start3A_23] : memref<2048x128xi32, #tpu.memory_space<hbm>> -> memref<64x128xi32, #tpu.memory_space<hbm>>
      %dma_start3A_25 = arith.constant 0 : i32
      %dma_start3A_26 = tpu.memref_slice %arg3[%mul3A_4, %dma_start3A_25] : memref<2048x128xi32, #tpu.memory_space<hbm>> -> memref<64x128xi32, #tpu.memory_space<hbm>>
      tpu.enqueue_dma source(%dma_start3A_26 : memref<64x128xi32, #tpu.memory_space<hbm>>) target(%arg5 : memref<64x128xi32, #tpu.memory_space<vmem>>) target_semaphore(%run_scoped3A : memref<!tpu.dma_semaphore, #tpu.memory_space<semaphore_mem>>)
      %dma_wait3A = arith.constant 0 : i32
      %dma_wait3A_27 = tpu.memref_slice %arg3[%mul3A_4, %dma_wait3A] : memref<2048x128xi32, #tpu.memory_space<hbm>> -> memref<64x128xi32, #tpu.memory_space<hbm>>
      %dma_wait3A_28 = arith.constant 0 : i32
      %dma_wait3A_29 = tpu.memref_slice %arg3[%mul3A_4, %dma_wait3A_28] : memref<2048x128xi32, #tpu.memory_space<hbm>> -> memref<64x128xi32, #tpu.memory_space<hbm>>
      tpu.wait_dma2 semaphore(%run_scoped3A : memref<!tpu.dma_semaphore, #tpu.memory_space<semaphore_mem>>) src(%dma_wait3A_29 : memref<64x128xi32, #tpu.memory_space<hbm>>) dst(%arg5 : memref<64x128xi32, #tpu.memory_space<vmem>>)
      tpu.yield
    }) : () -> ()
    %dma_start3A = arith.constant 0 : i32
    %dma_start3A_5 = arith.constant 0 : i32
    %dma_start3A_6 = tpu.memref_slice %arg5[%dma_start3A, %dma_start3A_5] : memref<64x128xi32, #tpu.memory_space<vmem>> -> memref<1x128xi32, #tpu.memory_space<vmem>>
    %dma_start3A_7 = tpu.memref_squeeze %dma_start3A_6 : memref<1x128xi32, #tpu.memory_space<vmem>> -> memref<128xi32, #tpu.memory_space<vmem>>
    %dma_start3A_8 = arith.constant 0 : i32
    %dma_start3A_9 = arith.constant 0 : i32
    %dma_start3A_10 = tpu.memref_slice %arg2[%dma_start3A_8, %dma_start3A_9] : memref<16384x128xf32, #tpu.memory_space<hbm>> -> memref<16384x128xf32, #tpu.memory_space<hbm>>
    tpu.enqueue_indirect_dma source(%dma_start3A_10 : memref<16384x128xf32, #tpu.memory_space<hbm>>) target(%arg6 : memref<128x128xf32, #tpu.memory_space<vmem>>) offsets(%dma_start3A_7 : memref<128xi32, #tpu.memory_space<vmem>>) semaphore(%arg8 : memref<!tpu.dma_semaphore, #tpu.memory_space<semaphore_mem>>)
    %dma_start3A_11 = arith.constant 1 : i32
    %dma_start3A_12 = arith.constant 0 : i32
    %dma_start3A_13 = tpu.memref_slice %arg5[%dma_start3A_11, %dma_start3A_12] : memref<64x128xi32, #tpu.memory_space<vmem>> -> memref<1x128xi32, #tpu.memory_space<vmem>>
    %dma_start3A_14 = tpu.memref_squeeze %dma_start3A_13 : memref<1x128xi32, #tpu.memory_space<vmem>> -> memref<128xi32, #tpu.memory_space<vmem>>
    %dma_start3A_15 = arith.constant 0 : i32
    %dma_start3A_16 = arith.constant 0 : i32
    %dma_start3A_17 = tpu.memref_slice %arg2[%dma_start3A_15, %dma_start3A_16] : memref<16384x128xf32, #tpu.memory_space<hbm>> -> memref<16384x128xf32, #tpu.memory_space<hbm>>
    tpu.enqueue_indirect_dma source(%dma_start3A_17 : memref<16384x128xf32, #tpu.memory_space<hbm>>) target(%arg7 : memref<128x128xf32, #tpu.memory_space<vmem>>) offsets(%dma_start3A_14 : memref<128xi32, #tpu.memory_space<vmem>>) semaphore(%arg9 : memref<!tpu.dma_semaphore, #tpu.memory_space<semaphore_mem>>)
    %scan3A = arith.constant 0 : i32
    %scan3A_18 = arith.constant 0 : i32
    %scan3A_19 = arith.constant 32 : i32
    %scan3A_20 = arith.addi %scan3A_18, %scan3A_19 : i32
    %scan3A_21 = arith.constant 1 : i32
    scf.for %scan3A_23 = %scan3A_18 to %scan3A_20 step %scan3A_21  : i32 {
      %mul3A_24 = arith.constant 2 : i32
      %mul3A_25 = arith.muli %mul3A_24, %scan3A_23 : i32
      %add3A_26 = arith.constant 0 : i32
      %add3A_27 = arith.addi %mul3A_25, %add3A_26 : i32
      %dma_wait3A = arith.constant 0 : i32
      %dma_wait3A_28 = tpu.memref_slice %arg5[%add3A_27, %dma_wait3A] : memref<64x128xi32, #tpu.memory_space<vmem>> -> memref<1x128xi32, #tpu.memory_space<vmem>>
      %dma_wait3A_29 = tpu.memref_squeeze %dma_wait3A_28 : memref<1x128xi32, #tpu.memory_space<vmem>> -> memref<128xi32, #tpu.memory_space<vmem>>
      %dma_wait3A_30 = arith.constant 0 : i32
      %dma_wait3A_31 = arith.constant 0 : i32
      %dma_wait3A_32 = tpu.memref_slice %arg2[%dma_wait3A_30, %dma_wait3A_31] : memref<16384x128xf32, #tpu.memory_space<hbm>> -> memref<16384x128xf32, #tpu.memory_space<hbm>>
      tpu.wait_indirect_dma semaphore(%arg8 : memref<!tpu.dma_semaphore, #tpu.memory_space<semaphore_mem>>) src(%dma_wait3A_32 : memref<16384x128xf32, #tpu.memory_space<hbm>>) dst(%arg6 : memref<128x128xf32, #tpu.memory_space<vmem>>)
      %mul3A_33 = arith.constant 8 : i32
      %mul3A_34 = arith.muli %add3A_27, %mul3A_33 : i32
      %add3A_35 = arith.addi %mul3A_2, %mul3A_34 : i32
      %mul3A_36 = arith.constant 16 : i32
      %mul3A_37 = arith.muli %add3A_35, %mul3A_36 : i32
      "tpu.region"() ({
        %run_scoped3A = tpu.sem_alloc : memref<!tpu.dma_semaphore, #tpu.memory_space<semaphore_mem>>
        %dma_start3A_62 = arith.constant 0 : i32
        %dma_start3A_63 = tpu.memref_slice %arg4[%mul3A_37, %dma_start3A_62] : memref<262144x128xf32, #tpu.memory_space<hbm>> -> memref<128x128xf32, #tpu.memory_space<hbm>>
        %dma_start3A_64 = arith.constant 0 : i32
        %dma_start3A_65 = tpu.memref_slice %arg4[%mul3A_37, %dma_start3A_64] : memref<262144x128xf32, #tpu.memory_space<hbm>> -> memref<128x128xf32, #tpu.memory_space<hbm>>
        tpu.enqueue_dma source(%arg6 : memref<128x128xf32, #tpu.memory_space<vmem>>) target(%dma_start3A_65 : memref<128x128xf32, #tpu.memory_space<hbm>>) target_semaphore(%run_scoped3A : memref<!tpu.dma_semaphore, #tpu.memory_space<semaphore_mem>>)
        %dma_wait3A_66 = arith.constant 0 : i32
        %dma_wait3A_67 = tpu.memref_slice %arg4[%mul3A_37, %dma_wait3A_66] : memref<262144x128xf32, #tpu.memory_space<hbm>> -> memref<128x128xf32, #tpu.memory_space<hbm>>
        %dma_wait3A_68 = arith.constant 0 : i32
        %dma_wait3A_69 = tpu.memref_slice %arg4[%mul3A_37, %dma_wait3A_68] : memref<262144x128xf32, #tpu.memory_space<hbm>> -> memref<128x128xf32, #tpu.memory_space<hbm>>
        tpu.wait_dma2 semaphore(%run_scoped3A : memref<!tpu.dma_semaphore, #tpu.memory_space<semaphore_mem>>) src(%arg6 : memref<128x128xf32, #tpu.memory_space<vmem>>) dst(%dma_wait3A_69 : memref<128x128xf32, #tpu.memory_space<hbm>>)
        tpu.yield
      }) : () -> ()
      %add3A_38 = arith.constant 2 : i32
      %add3A_39 = arith.addi %add3A_27, %add3A_38 : i32
      %lt3A = arith.constant 64 : i32
      %lt3A_40 = arith.cmpi slt, %add3A_39, %lt3A : i32
      %convert_element_type3A = arith.extui %lt3A_40 : i1 to i32
      %cond3A = arith.constant 0 : i32
      %cond3A_41 = arith.cmpi ne, %convert_element_type3A, %cond3A : i32
      scf.if %cond3A_41 {
        %add3A_62 = arith.constant 2 : i32
        %add3A_63 = arith.addi %add3A_27, %add3A_62 : i32
        %dma_start3A_64 = arith.constant 0 : i32
        %dma_start3A_65 = tpu.memref_slice %arg5[%add3A_63, %dma_start3A_64] : memref<64x128xi32, #tpu.memory_space<vmem>> -> memref<1x128xi32, #tpu.memory_space<vmem>>
        %dma_start3A_66 = tpu.memref_squeeze %dma_start3A_65 : memref<1x128xi32, #tpu.memory_space<vmem>> -> memref<128xi32, #tpu.memory_space<vmem>>
        %dma_start3A_67 = arith.constant 0 : i32
        %dma_start3A_68 = arith.constant 0 : i32
        %dma_start3A_69 = tpu.memref_slice %arg2[%dma_start3A_67, %dma_start3A_68] : memref<16384x128xf32, #tpu.memory_space<hbm>> -> memref<16384x128xf32, #tpu.memory_space<hbm>>
        tpu.enqueue_indirect_dma source(%dma_start3A_69 : memref<16384x128xf32, #tpu.memory_space<hbm>>) target(%arg6 : memref<128x128xf32, #tpu.memory_space<vmem>>) offsets(%dma_start3A_66 : memref<128xi32, #tpu.memory_space<vmem>>) semaphore(%arg8 : memref<!tpu.dma_semaphore, #tpu.memory_space<semaphore_mem>>)
      } else {
      }
      %add3A_42 = arith.constant 1 : i32
      %add3A_43 = arith.addi %mul3A_25, %add3A_42 : i32
      %dma_wait3A_44 = arith.constant 0 : i32
      %dma_wait3A_45 = tpu.memref_slice %arg5[%add3A_43, %dma_wait3A_44] : memref<64x128xi32, #tpu.memory_space<vmem>> -> memref<1x128xi32, #tpu.memory_space<vmem>>
      %dma_wait3A_46 = tpu.memref_squeeze %dma_wait3A_45 : memref<1x128xi32, #tpu.memory_space<vmem>> -> memref<128xi32, #tpu.memory_space<vmem>>
      %dma_wait3A_47 = arith.constant 0 : i32
      %dma_wait3A_48 = arith.constant 0 : i32
      %dma_wait3A_49 = tpu.memref_slice %arg2[%dma_wait3A_47, %dma_wait3A_48] : memref<16384x128xf32, #tpu.memory_space<hbm>> -> memref<16384x128xf32, #tpu.memory_space<hbm>>
      tpu.wait_indirect_dma semaphore(%arg9 : memref<!tpu.dma_semaphore, #tpu.memory_space<semaphore_mem>>) src(%dma_wait3A_49 : memref<16384x128xf32, #tpu.memory_space<hbm>>) dst(%arg7 : memref<128x128xf32, #tpu.memory_space<vmem>>)
      %mul3A_50 = arith.constant 8 : i32
      %mul3A_51 = arith.muli %add3A_43, %mul3A_50 : i32
      %add3A_52 = arith.addi %mul3A_2, %mul3A_51 : i32
      %mul3A_53 = arith.constant 16 : i32
      %mul3A_54 = arith.muli %add3A_52, %mul3A_53 : i32
      "tpu.region"() ({
        %run_scoped3A = tpu.sem_alloc : memref<!tpu.dma_semaphore, #tpu.memory_space<semaphore_mem>>
        %dma_start3A_62 = arith.constant 0 : i32
        %dma_start3A_63 = tpu.memref_slice %arg4[%mul3A_54, %dma_start3A_62] : memref<262144x128xf32, #tpu.memory_space<hbm>> -> memref<128x128xf32, #tpu.memory_space<hbm>>
        %dma_start3A_64 = arith.constant 0 : i32
        %dma_start3A_65 = tpu.memref_slice %arg4[%mul3A_54, %dma_start3A_64] : memref<262144x128xf32, #tpu.memory_space<hbm>> -> memref<128x128xf32, #tpu.memory_space<hbm>>
        tpu.enqueue_dma source(%arg7 : memref<128x128xf32, #tpu.memory_space<vmem>>) target(%dma_start3A_65 : memref<128x128xf32, #tpu.memory_space<hbm>>) target_semaphore(%run_scoped3A : memref<!tpu.dma_semaphore, #tpu.memory_space<semaphore_mem>>)
        %dma_wait3A_66 = arith.constant 0 : i32
        %dma_wait3A_67 = tpu.memref_slice %arg4[%mul3A_54, %dma_wait3A_66] : memref<262144x128xf32, #tpu.memory_space<hbm>> -> memref<128x128xf32, #tpu.memory_space<hbm>>
        %dma_wait3A_68 = arith.constant 0 : i32
        %dma_wait3A_69 = tpu.memref_slice %arg4[%mul3A_54, %dma_wait3A_68] : memref<262144x128xf32, #tpu.memory_space<hbm>> -> memref<128x128xf32, #tpu.memory_space<hbm>>
        tpu.wait_dma2 semaphore(%run_scoped3A : memref<!tpu.dma_semaphore, #tpu.memory_space<semaphore_mem>>) src(%arg7 : memref<128x128xf32, #tpu.memory_space<vmem>>) dst(%dma_wait3A_69 : memref<128x128xf32, #tpu.memory_space<hbm>>)
        tpu.yield
      }) : () -> ()
      %add3A_55 = arith.constant 2 : i32
      %add3A_56 = arith.addi %add3A_43, %add3A_55 : i32
      %lt3A_57 = arith.constant 64 : i32
      %lt3A_58 = arith.cmpi slt, %add3A_56, %lt3A_57 : i32
      %convert_element_type3A_59 = arith.extui %lt3A_58 : i1 to i32
      %cond3A_60 = arith.constant 0 : i32
      %cond3A_61 = arith.cmpi ne, %convert_element_type3A_59, %cond3A_60 : i32
      scf.if %cond3A_61 {
        %add3A_62 = arith.constant 2 : i32
        %add3A_63 = arith.addi %add3A_43, %add3A_62 : i32
        %dma_start3A_64 = arith.constant 0 : i32
        %dma_start3A_65 = tpu.memref_slice %arg5[%add3A_63, %dma_start3A_64] : memref<64x128xi32, #tpu.memory_space<vmem>> -> memref<1x128xi32, #tpu.memory_space<vmem>>
        %dma_start3A_66 = tpu.memref_squeeze %dma_start3A_65 : memref<1x128xi32, #tpu.memory_space<vmem>> -> memref<128xi32, #tpu.memory_space<vmem>>
        %dma_start3A_67 = arith.constant 0 : i32
        %dma_start3A_68 = arith.constant 0 : i32
        %dma_start3A_69 = tpu.memref_slice %arg2[%dma_start3A_67, %dma_start3A_68] : memref<16384x128xf32, #tpu.memory_space<hbm>> -> memref<16384x128xf32, #tpu.memory_space<hbm>>
        tpu.enqueue_indirect_dma source(%dma_start3A_69 : memref<16384x128xf32, #tpu.memory_space<hbm>>) target(%arg7 : memref<128x128xf32, #tpu.memory_space<vmem>>) offsets(%dma_start3A_66 : memref<128xi32, #tpu.memory_space<vmem>>) semaphore(%arg9 : memref<!tpu.dma_semaphore, #tpu.memory_space<semaphore_mem>>)
      } else {
      }
    }
    %scan3A_22 = arith.constant 32 : i32
    return
  }
}

#map = affine_map<(d0, d1) -> (0)>
#map1 = affine_map<(d0, d1) -> (0, 0)>
module attributes {stable_mosaic.version = 14 : i64} {
  func.func @_sc_rel_body(%arg0: i32, %arg1: i32, %arg2: memref<16384xf32, #tpu.memory_space<hbm>>, %arg3: memref<16384xf32, #tpu.memory_space<hbm>>, %arg4: memref<16384xf32, #tpu.memory_space<hbm>>, %arg5: memref<262144xi32, #tpu.memory_space<hbm>>, %arg6: memref<16384x128xf32, #tpu.memory_space<hbm>>, %arg7: memref<16384xf32, #tpu.memory_space<vmem>>, %arg8: memref<16384xf32, #tpu.memory_space<vmem>>, %arg9: memref<16384xf32, #tpu.memory_space<vmem>>, %arg10: memref<128xi32, #tpu.memory_space<vmem>>, %arg11: memref<8x128xf32, #tpu.memory_space<vmem>>, %arg12: memref<!tpu.dma_semaphore, #tpu.memory_space<semaphore_mem>>) attributes {dimension_semantics = [#tpu.dimension_semantics<core_parallel>, #tpu.dimension_semantics<subcore_parallel>], iteration_bounds = array<i64: 2, 16>, scalar_prefetch = 0 : i64, scratch_operands = 6 : i64, tpu.core_type = #tpu.core_type<sc_vector_subcore>, window_params = [{transform_indices = #map}, {transform_indices = #map}, {transform_indices = #map}, {transform_indices = #map}, {transform_indices = #map1}]} {
    %mul3A = arith.constant 2 : i32
    %mul3A_0 = arith.muli %arg1, %mul3A : i32
    %add3A = arith.addi %mul3A_0, %arg0 : i32
    %mul3A_1 = arith.constant 512 : i32
    %mul3A_2 = arith.muli %add3A, %mul3A_1 : i32
    "tpu.region"() ({
      %run_scoped3A = tpu.sem_alloc : memref<!tpu.dma_semaphore, #tpu.memory_space<semaphore_mem>>
      tpu.enqueue_dma source(%arg2 : memref<16384xf32, #tpu.memory_space<hbm>>) target(%arg7 : memref<16384xf32, #tpu.memory_space<vmem>>) target_semaphore(%run_scoped3A : memref<!tpu.dma_semaphore, #tpu.memory_space<semaphore_mem>>)
      tpu.wait_dma2 semaphore(%run_scoped3A : memref<!tpu.dma_semaphore, #tpu.memory_space<semaphore_mem>>) src(%arg2 : memref<16384xf32, #tpu.memory_space<hbm>>) dst(%arg7 : memref<16384xf32, #tpu.memory_space<vmem>>)
      tpu.yield
    }) : () -> ()
    "tpu.region"() ({
      %run_scoped3A = tpu.sem_alloc : memref<!tpu.dma_semaphore, #tpu.memory_space<semaphore_mem>>
      tpu.enqueue_dma source(%arg3 : memref<16384xf32, #tpu.memory_space<hbm>>) target(%arg8 : memref<16384xf32, #tpu.memory_space<vmem>>) target_semaphore(%run_scoped3A : memref<!tpu.dma_semaphore, #tpu.memory_space<semaphore_mem>>)
      tpu.wait_dma2 semaphore(%run_scoped3A : memref<!tpu.dma_semaphore, #tpu.memory_space<semaphore_mem>>) src(%arg3 : memref<16384xf32, #tpu.memory_space<hbm>>) dst(%arg8 : memref<16384xf32, #tpu.memory_space<vmem>>)
      tpu.yield
    }) : () -> ()
    "tpu.region"() ({
      %run_scoped3A = tpu.sem_alloc : memref<!tpu.dma_semaphore, #tpu.memory_space<semaphore_mem>>
      tpu.enqueue_dma source(%arg4 : memref<16384xf32, #tpu.memory_space<hbm>>) target(%arg9 : memref<16384xf32, #tpu.memory_space<vmem>>) target_semaphore(%run_scoped3A : memref<!tpu.dma_semaphore, #tpu.memory_space<semaphore_mem>>)
      tpu.wait_dma2 semaphore(%run_scoped3A : memref<!tpu.dma_semaphore, #tpu.memory_space<semaphore_mem>>) src(%arg4 : memref<16384xf32, #tpu.memory_space<hbm>>) dst(%arg9 : memref<16384xf32, #tpu.memory_space<vmem>>)
      tpu.yield
    }) : () -> ()
    %broadcast_in_dim3A = arith.constant 0.000000e+00 : f32
    %broadcast_in_dim3A_3 = vector.broadcast %broadcast_in_dim3A : f32 to vector<16xf32>
    %swap3A = arith.constant 0 : i32
    %swap3A_4 = arith.index_cast %swap3A : i32 to index
    %swap3A_5 = arith.constant 0 : index
    %swap3A_6 = tpu.vector_load %arg11[%swap3A_4, %swap3A_5] {strides = array<i32>} : memref<8x128xf32, #tpu.memory_space<vmem>>, vector<16xf32>,
    tpu.vector_store %arg11[%swap3A_4, %swap3A_5], %broadcast_in_dim3A_3 {strides = array<i32>} : memref<8x128xf32, #tpu.memory_space<vmem>>, vector<16xf32>,
    %swap3A_7 = arith.constant 0 : i32
    %swap3A_8 = arith.index_cast %swap3A_7 : i32 to index
    %swap3A_9 = arith.constant 16 : index
    %swap3A_10 = tpu.vector_load %arg11[%swap3A_8, %swap3A_9] {strides = array<i32>} : memref<8x128xf32, #tpu.memory_space<vmem>>, vector<16xf32>,
    tpu.vector_store %arg11[%swap3A_8, %swap3A_9], %broadcast_in_dim3A_3 {strides = array<i32>} : memref<8x128xf32, #tpu.memory_space<vmem>>, vector<16xf32>,
    %swap3A_11 = arith.constant 0 : i32
    %swap3A_12 = arith.index_cast %swap3A_11 : i32 to index
    %swap3A_13 = arith.constant 32 : index
    %swap3A_14 = tpu.vector_load %arg11[%swap3A_12, %swap3A_13] {strides = array<i32>} : memref<8x128xf32, #tpu.memory_space<vmem>>, vector<16xf32>,
    tpu.vector_store %arg11[%swap3A_12, %swap3A_13], %broadcast_in_dim3A_3 {strides = array<i32>} : memref<8x128xf32, #tpu.memory_space<vmem>>, vector<16xf32>,
    %swap3A_15 = arith.constant 0 : i32
    %swap3A_16 = arith.index_cast %swap3A_15 : i32 to index
    %swap3A_17 = arith.constant 48 : index
    %swap3A_18 = tpu.vector_load %arg11[%swap3A_16, %swap3A_17] {strides = array<i32>} : memref<8x128xf32, #tpu.memory_space<vmem>>, vector<16xf32>,
    tpu.vector_store %arg11[%swap3A_16, %swap3A_17], %broadcast_in_dim3A_3 {strides = array<i32>} : memref<8x128xf32, #tpu.memory_space<vmem>>, vector<16xf32>,
    %swap3A_19 = arith.constant 0 : i32
    %swap3A_20 = arith.index_cast %swap3A_19 : i32 to index
    %swap3A_21 = arith.constant 64 : index
    %swap3A_22 = tpu.vector_load %arg11[%swap3A_20, %swap3A_21] {strides = array<i32>} : memref<8x128xf32, #tpu.memory_space<vmem>>, vector<16xf32>,
    tpu.vector_store %arg11[%swap3A_20, %swap3A_21], %broadcast_in_dim3A_3 {strides = array<i32>} : memref<8x128xf32, #tpu.memory_space<vmem>>, vector<16xf32>,
    %swap3A_23 = arith.constant 0 : i32
    %swap3A_24 = arith.index_cast %swap3A_23 : i32 to index
    %swap3A_25 = arith.constant 80 : index
    %swap3A_26 = tpu.vector_load %arg11[%swap3A_24, %swap3A_25] {strides = array<i32>} : memref<8x128xf32, #tpu.memory_space<vmem>>, vector<16xf32>,
    tpu.vector_store %arg11[%swap3A_24, %swap3A_25], %broadcast_in_dim3A_3 {strides = array<i32>} : memref<8x128xf32, #tpu.memory_space<vmem>>, vector<16xf32>,
    %swap3A_27 = arith.constant 0 : i32
    %swap3A_28 = arith.index_cast %swap3A_27 : i32 to index
    %swap3A_29 = arith.constant 96 : index
    %swap3A_30 = tpu.vector_load %arg11[%swap3A_28, %swap3A_29] {strides = array<i32>} : memref<8x128xf32, #tpu.memory_space<vmem>>, vector<16xf32>,
    tpu.vector_store %arg11[%swap3A_28, %swap3A_29], %broadcast_in_dim3A_3 {strides = array<i32>} : memref<8x128xf32, #tpu.memory_space<vmem>>, vector<16xf32>,
    %swap3A_31 = arith.constant 0 : i32
    %swap3A_32 = arith.index_cast %swap3A_31 : i32 to index
    %swap3A_33 = arith.constant 112 : index
    %swap3A_34 = tpu.vector_load %arg11[%swap3A_32, %swap3A_33] {strides = array<i32>} : memref<8x128xf32, #tpu.memory_space<vmem>>, vector<16xf32>,
    tpu.vector_store %arg11[%swap3A_32, %swap3A_33], %broadcast_in_dim3A_3 {strides = array<i32>} : memref<8x128xf32, #tpu.memory_space<vmem>>, vector<16xf32>,
    %swap3A_35 = arith.constant 1 : i32
    %swap3A_36 = arith.index_cast %swap3A_35 : i32 to index
    %swap3A_37 = arith.constant 0 : index
    %swap3A_38 = tpu.vector_load %arg11[%swap3A_36, %swap3A_37] {strides = array<i32>} : memref<8x128xf32, #tpu.memory_space<vmem>>, vector<16xf32>,
    tpu.vector_store %arg11[%swap3A_36, %swap3A_37], %broadcast_in_dim3A_3 {strides = array<i32>} : memref<8x128xf32, #tpu.memory_space<vmem>>, vector<16xf32>,
    %swap3A_39 = arith.constant 1 : i32
    %swap3A_40 = arith.index_cast %swap3A_39 : i32 to index
    %swap3A_41 = arith.constant 16 : index
    %swap3A_42 = tpu.vector_load %arg11[%swap3A_40, %swap3A_41] {strides = array<i32>} : memref<8x128xf32, #tpu.memory_space<vmem>>, vector<16xf32>,
    tpu.vector_store %arg11[%swap3A_40, %swap3A_41], %broadcast_in_dim3A_3 {strides = array<i32>} : memref<8x128xf32, #tpu.memory_space<vmem>>, vector<16xf32>,
    %swap3A_43 = arith.constant 1 : i32
    %swap3A_44 = arith.index_cast %swap3A_43 : i32 to index
    %swap3A_45 = arith.constant 32 : index
    %swap3A_46 = tpu.vector_load %arg11[%swap3A_44, %swap3A_45] {strides = array<i32>} : memref<8x128xf32, #tpu.memory_space<vmem>>, vector<16xf32>,
    tpu.vector_store %arg11[%swap3A_44, %swap3A_45], %broadcast_in_dim3A_3 {strides = array<i32>} : memref<8x128xf32, #tpu.memory_space<vmem>>, vector<16xf32>,
    %swap3A_47 = arith.constant 1 : i32
    %swap3A_48 = arith.index_cast %swap3A_47 : i32 to index
    %swap3A_49 = arith.constant 48 : index
    %swap3A_50 = tpu.vector_load %arg11[%swap3A_48, %swap3A_49] {strides = array<i32>} : memref<8x128xf32, #tpu.memory_space<vmem>>, vector<16xf32>,
    tpu.vector_store %arg11[%swap3A_48, %swap3A_49], %broadcast_in_dim3A_3 {strides = array<i32>} : memref<8x128xf32, #tpu.memory_space<vmem>>, vector<16xf32>,
    %swap3A_51 = arith.constant 1 : i32
    %swap3A_52 = arith.index_cast %swap3A_51 : i32 to index
    %swap3A_53 = arith.constant 64 : index
    %swap3A_54 = tpu.vector_load %arg11[%swap3A_52, %swap3A_53] {strides = array<i32>} : memref<8x128xf32, #tpu.memory_space<vmem>>, vector<16xf32>,
    tpu.vector_store %arg11[%swap3A_52, %swap3A_53], %broadcast_in_dim3A_3 {strides = array<i32>} : memref<8x128xf32, #tpu.memory_space<vmem>>, vector<16xf32>,
    %swap3A_55 = arith.constant 1 : i32
    %swap3A_56 = arith.index_cast %swap3A_55 : i32 to index
    %swap3A_57 = arith.constant 80 : index
    %swap3A_58 = tpu.vector_load %arg11[%swap3A_56, %swap3A_57] {strides = array<i32>} : memref<8x128xf32, #tpu.memory_space<vmem>>, vector<16xf32>,
    tpu.vector_store %arg11[%swap3A_56, %swap3A_57], %broadcast_in_dim3A_3 {strides = array<i32>} : memref<8x128xf32, #tpu.memory_space<vmem>>, vector<16xf32>,
    %swap3A_59 = arith.constant 1 : i32
    %swap3A_60 = arith.index_cast %swap3A_59 : i32 to index
    %swap3A_61 = arith.constant 96 : index
    %swap3A_62 = tpu.vector_load %arg11[%swap3A_60, %swap3A_61] {strides = array<i32>} : memref<8x128xf32, #tpu.memory_space<vmem>>, vector<16xf32>,
    tpu.vector_store %arg11[%swap3A_60, %swap3A_61], %broadcast_in_dim3A_3 {strides = array<i32>} : memref<8x128xf32, #tpu.memory_space<vmem>>, vector<16xf32>,
    %swap3A_63 = arith.constant 1 : i32
    %swap3A_64 = arith.index_cast %swap3A_63 : i32 to index
    %swap3A_65 = arith.constant 112 : index
    %swap3A_66 = tpu.vector_load %arg11[%swap3A_64, %swap3A_65] {strides = array<i32>} : memref<8x128xf32, #tpu.memory_space<vmem>>, vector<16xf32>,
    tpu.vector_store %arg11[%swap3A_64, %swap3A_65], %broadcast_in_dim3A_3 {strides = array<i32>} : memref<8x128xf32, #tpu.memory_space<vmem>>, vector<16xf32>,
    %swap3A_67 = arith.constant 2 : i32
    %swap3A_68 = arith.index_cast %swap3A_67 : i32 to index
    %swap3A_69 = arith.constant 0 : index
    %swap3A_70 = tpu.vector_load %arg11[%swap3A_68, %swap3A_69] {strides = array<i32>} : memref<8x128xf32, #tpu.memory_space<vmem>>, vector<16xf32>,
    tpu.vector_store %arg11[%swap3A_68, %swap3A_69], %broadcast_in_dim3A_3 {strides = array<i32>} : memref<8x128xf32, #tpu.memory_space<vmem>>, vector<16xf32>,
    %swap3A_71 = arith.constant 2 : i32
    %swap3A_72 = arith.index_cast %swap3A_71 : i32 to index
    %swap3A_73 = arith.constant 16 : index
    %swap3A_74 = tpu.vector_load %arg11[%swap3A_72, %swap3A_73] {strides = array<i32>} : memref<8x128xf32, #tpu.memory_space<vmem>>, vector<16xf32>,
    tpu.vector_store %arg11[%swap3A_72, %swap3A_73], %broadcast_in_dim3A_3 {strides = array<i32>} : memref<8x128xf32, #tpu.memory_space<vmem>>, vector<16xf32>,
    %swap3A_75 = arith.constant 2 : i32
    %swap3A_76 = arith.index_cast %swap3A_75 : i32 to index
    %swap3A_77 = arith.constant 32 : index
    %swap3A_78 = tpu.vector_load %arg11[%swap3A_76, %swap3A_77] {strides = array<i32>} : memref<8x128xf32, #tpu.memory_space<vmem>>, vector<16xf32>,
    tpu.vector_store %arg11[%swap3A_76, %swap3A_77], %broadcast_in_dim3A_3 {strides = array<i32>} : memref<8x128xf32, #tpu.memory_space<vmem>>, vector<16xf32>,
    %swap3A_79 = arith.constant 2 : i32
    %swap3A_80 = arith.index_cast %swap3A_79 : i32 to index
    %swap3A_81 = arith.constant 48 : index
    %swap3A_82 = tpu.vector_load %arg11[%swap3A_80, %swap3A_81] {strides = array<i32>} : memref<8x128xf32, #tpu.memory_space<vmem>>, vector<16xf32>,
    tpu.vector_store %arg11[%swap3A_80, %swap3A_81], %broadcast_in_dim3A_3 {strides = array<i32>} : memref<8x128xf32, #tpu.memory_space<vmem>>, vector<16xf32>,
    %swap3A_83 = arith.constant 2 : i32
    %swap3A_84 = arith.index_cast %swap3A_83 : i32 to index
    %swap3A_85 = arith.constant 64 : index
    %swap3A_86 = tpu.vector_load %arg11[%swap3A_84, %swap3A_85] {strides = array<i32>} : memref<8x128xf32, #tpu.memory_space<vmem>>, vector<16xf32>,
    tpu.vector_store %arg11[%swap3A_84, %swap3A_85], %broadcast_in_dim3A_3 {strides = array<i32>} : memref<8x128xf32, #tpu.memory_space<vmem>>, vector<16xf32>,
    %swap3A_87 = arith.constant 2 : i32
    %swap3A_88 = arith.index_cast %swap3A_87 : i32 to index
    %swap3A_89 = arith.constant 80 : index
    %swap3A_90 = tpu.vector_load %arg11[%swap3A_88, %swap3A_89] {strides = array<i32>} : memref<8x128xf32, #tpu.memory_space<vmem>>, vector<16xf32>,
    tpu.vector_store %arg11[%swap3A_88, %swap3A_89], %broadcast_in_dim3A_3 {strides = array<i32>} : memref<8x128xf32, #tpu.memory_space<vmem>>, vector<16xf32>,
    %swap3A_91 = arith.constant 2 : i32
    %swap3A_92 = arith.index_cast %swap3A_91 : i32 to index
    %swap3A_93 = arith.constant 96 : index
    %swap3A_94 = tpu.vector_load %arg11[%swap3A_92, %swap3A_93] {strides = array<i32>} : memref<8x128xf32, #tpu.memory_space<vmem>>, vector<16xf32>,
    tpu.vector_store %arg11[%swap3A_92, %swap3A_93], %broadcast_in_dim3A_3 {strides = array<i32>} : memref<8x128xf32, #tpu.memory_space<vmem>>, vector<16xf32>,
    %swap3A_95 = arith.constant 2 : i32
    %swap3A_96 = arith.index_cast %swap3A_95 : i32 to index
    %swap3A_97 = arith.constant 112 : index
    %swap3A_98 = tpu.vector_load %arg11[%swap3A_96, %swap3A_97] {strides = array<i32>} : memref<8x128xf32, #tpu.memory_space<vmem>>, vector<16xf32>,
    tpu.vector_store %arg11[%swap3A_96, %swap3A_97], %broadcast_in_dim3A_3 {strides = array<i32>} : memref<8x128xf32, #tpu.memory_space<vmem>>, vector<16xf32>,
    %swap3A_99 = arith.constant 3 : i32
    %swap3A_100 = arith.index_cast %swap3A_99 : i32 to index
    %swap3A_101 = arith.constant 0 : index
    %swap3A_102 = tpu.vector_load %arg11[%swap3A_100, %swap3A_101] {strides = array<i32>} : memref<8x128xf32, #tpu.memory_space<vmem>>, vector<16xf32>,
    tpu.vector_store %arg11[%swap3A_100, %swap3A_101], %broadcast_in_dim3A_3 {strides = array<i32>} : memref<8x128xf32, #tpu.memory_space<vmem>>, vector<16xf32>,
    %swap3A_103 = arith.constant 3 : i32
    %swap3A_104 = arith.index_cast %swap3A_103 : i32 to index
    %swap3A_105 = arith.constant 16 : index
    %swap3A_106 = tpu.vector_load %arg11[%swap3A_104, %swap3A_105] {strides = array<i32>} : memref<8x128xf32, #tpu.memory_space<vmem>>, vector<16xf32>,
    tpu.vector_store %arg11[%swap3A_104, %swap3A_105], %broadcast_in_dim3A_3 {strides = array<i32>} : memref<8x128xf32, #tpu.memory_space<vmem>>, vector<16xf32>,
    %swap3A_107 = arith.constant 3 : i32
    %swap3A_108 = arith.index_cast %swap3A_107 : i32 to index
    %swap3A_109 = arith.constant 32 : index
    %swap3A_110 = tpu.vector_load %arg11[%swap3A_108, %swap3A_109] {strides = array<i32>} : memref<8x128xf32, #tpu.memory_space<vmem>>, vector<16xf32>,
    tpu.vector_store %arg11[%swap3A_108, %swap3A_109], %broadcast_in_dim3A_3 {strides = array<i32>} : memref<8x128xf32, #tpu.memory_space<vmem>>, vector<16xf32>,
    %swap3A_111 = arith.constant 3 : i32
    %swap3A_112 = arith.index_cast %swap3A_111 : i32 to index
    %swap3A_113 = arith.constant 48 : index
    %swap3A_114 = tpu.vector_load %arg11[%swap3A_112, %swap3A_113] {strides = array<i32>} : memref<8x128xf32, #tpu.memory_space<vmem>>, vector<16xf32>,
    tpu.vector_store %arg11[%swap3A_112, %swap3A_113], %broadcast_in_dim3A_3 {strides = array<i32>} : memref<8x128xf32, #tpu.memory_space<vmem>>, vector<16xf32>,
    %swap3A_115 = arith.constant 3 : i32
    %swap3A_116 = arith.index_cast %swap3A_115 : i32 to index
    %swap3A_117 = arith.constant 64 : index
    %swap3A_118 = tpu.vector_load %arg11[%swap3A_116, %swap3A_117] {strides = array<i32>} : memref<8x128xf32, #tpu.memory_space<vmem>>, vector<16xf32>,
    tpu.vector_store %arg11[%swap3A_116, %swap3A_117], %broadcast_in_dim3A_3 {strides = array<i32>} : memref<8x128xf32, #tpu.memory_space<vmem>>, vector<16xf32>,
    %swap3A_119 = arith.constant 3 : i32
    %swap3A_120 = arith.index_cast %swap3A_119 : i32 to index
    %swap3A_121 = arith.constant 80 : index
    %swap3A_122 = tpu.vector_load %arg11[%swap3A_120, %swap3A_121] {strides = array<i32>} : memref<8x128xf32, #tpu.memory_space<vmem>>, vector<16xf32>,
    tpu.vector_store %arg11[%swap3A_120, %swap3A_121], %broadcast_in_dim3A_3 {strides = array<i32>} : memref<8x128xf32, #tpu.memory_space<vmem>>, vector<16xf32>,
    %swap3A_123 = arith.constant 3 : i32
    %swap3A_124 = arith.index_cast %swap3A_123 : i32 to index
    %swap3A_125 = arith.constant 96 : index
    %swap3A_126 = tpu.vector_load %arg11[%swap3A_124, %swap3A_125] {strides = array<i32>} : memref<8x128xf32, #tpu.memory_space<vmem>>, vector<16xf32>,
    tpu.vector_store %arg11[%swap3A_124, %swap3A_125], %broadcast_in_dim3A_3 {strides = array<i32>} : memref<8x128xf32, #tpu.memory_space<vmem>>, vector<16xf32>,
    %swap3A_127 = arith.constant 3 : i32
    %swap3A_128 = arith.index_cast %swap3A_127 : i32 to index
    %swap3A_129 = arith.constant 112 : index
    %swap3A_130 = tpu.vector_load %arg11[%swap3A_128, %swap3A_129] {strides = array<i32>} : memref<8x128xf32, #tpu.memory_space<vmem>>, vector<16xf32>,
    tpu.vector_store %arg11[%swap3A_128, %swap3A_129], %broadcast_in_dim3A_3 {strides = array<i32>} : memref<8x128xf32, #tpu.memory_space<vmem>>, vector<16xf32>,
    %swap3A_131 = arith.constant 4 : i32
    %swap3A_132 = arith.index_cast %swap3A_131 : i32 to index
    %swap3A_133 = arith.constant 0 : index
    %swap3A_134 = tpu.vector_load %arg11[%swap3A_132, %swap3A_133] {strides = array<i32>} : memref<8x128xf32, #tpu.memory_space<vmem>>, vector<16xf32>,
    tpu.vector_store %arg11[%swap3A_132, %swap3A_133], %broadcast_in_dim3A_3 {strides = array<i32>} : memref<8x128xf32, #tpu.memory_space<vmem>>, vector<16xf32>,
    %swap3A_135 = arith.constant 4 : i32
    %swap3A_136 = arith.index_cast %swap3A_135 : i32 to index
    %swap3A_137 = arith.constant 16 : index
    %swap3A_138 = tpu.vector_load %arg11[%swap3A_136, %swap3A_137] {strides = array<i32>} : memref<8x128xf32, #tpu.memory_space<vmem>>, vector<16xf32>,
    tpu.vector_store %arg11[%swap3A_136, %swap3A_137], %broadcast_in_dim3A_3 {strides = array<i32>} : memref<8x128xf32, #tpu.memory_space<vmem>>, vector<16xf32>,
    %swap3A_139 = arith.constant 4 : i32
    %swap3A_140 = arith.index_cast %swap3A_139 : i32 to index
    %swap3A_141 = arith.constant 32 : index
    %swap3A_142 = tpu.vector_load %arg11[%swap3A_140, %swap3A_141] {strides = array<i32>} : memref<8x128xf32, #tpu.memory_space<vmem>>, vector<16xf32>,
    tpu.vector_store %arg11[%swap3A_140, %swap3A_141], %broadcast_in_dim3A_3 {strides = array<i32>} : memref<8x128xf32, #tpu.memory_space<vmem>>, vector<16xf32>,
    %swap3A_143 = arith.constant 4 : i32
    %swap3A_144 = arith.index_cast %swap3A_143 : i32 to index
    %swap3A_145 = arith.constant 48 : index
    %swap3A_146 = tpu.vector_load %arg11[%swap3A_144, %swap3A_145] {strides = array<i32>} : memref<8x128xf32, #tpu.memory_space<vmem>>, vector<16xf32>,
    tpu.vector_store %arg11[%swap3A_144, %swap3A_145], %broadcast_in_dim3A_3 {strides = array<i32>} : memref<8x128xf32, #tpu.memory_space<vmem>>, vector<16xf32>,
    %swap3A_147 = arith.constant 4 : i32
    %swap3A_148 = arith.index_cast %swap3A_147 : i32 to index
    %swap3A_149 = arith.constant 64 : index
    %swap3A_150 = tpu.vector_load %arg11[%swap3A_148, %swap3A_149] {strides = array<i32>} : memref<8x128xf32, #tpu.memory_space<vmem>>, vector<16xf32>,
    tpu.vector_store %arg11[%swap3A_148, %swap3A_149], %broadcast_in_dim3A_3 {strides = array<i32>} : memref<8x128xf32, #tpu.memory_space<vmem>>, vector<16xf32>,
    %swap3A_151 = arith.constant 4 : i32
    %swap3A_152 = arith.index_cast %swap3A_151 : i32 to index
    %swap3A_153 = arith.constant 80 : index
    %swap3A_154 = tpu.vector_load %arg11[%swap3A_152, %swap3A_153] {strides = array<i32>} : memref<8x128xf32, #tpu.memory_space<vmem>>, vector<16xf32>,
    tpu.vector_store %arg11[%swap3A_152, %swap3A_153], %broadcast_in_dim3A_3 {strides = array<i32>} : memref<8x128xf32, #tpu.memory_space<vmem>>, vector<16xf32>,
    %swap3A_155 = arith.constant 4 : i32
    %swap3A_156 = arith.index_cast %swap3A_155 : i32 to index
    %swap3A_157 = arith.constant 96 : index
    %swap3A_158 = tpu.vector_load %arg11[%swap3A_156, %swap3A_157] {strides = array<i32>} : memref<8x128xf32, #tpu.memory_space<vmem>>, vector<16xf32>,
    tpu.vector_store %arg11[%swap3A_156, %swap3A_157], %broadcast_in_dim3A_3 {strides = array<i32>} : memref<8x128xf32, #tpu.memory_space<vmem>>, vector<16xf32>,
    %swap3A_159 = arith.constant 4 : i32
    %swap3A_160 = arith.index_cast %swap3A_159 : i32 to index
    %swap3A_161 = arith.constant 112 : index
    %swap3A_162 = tpu.vector_load %arg11[%swap3A_160, %swap3A_161] {strides = array<i32>} : memref<8x128xf32, #tpu.memory_space<vmem>>, vector<16xf32>,
    tpu.vector_store %arg11[%swap3A_160, %swap3A_161], %broadcast_in_dim3A_3 {strides = array<i32>} : memref<8x128xf32, #tpu.memory_space<vmem>>, vector<16xf32>,
    %swap3A_163 = arith.constant 5 : i32
    %swap3A_164 = arith.index_cast %swap3A_163 : i32 to index
    %swap3A_165 = arith.constant 0 : index
    %swap3A_166 = tpu.vector_load %arg11[%swap3A_164, %swap3A_165] {strides = array<i32>} : memref<8x128xf32, #tpu.memory_space<vmem>>, vector<16xf32>,
    tpu.vector_store %arg11[%swap3A_164, %swap3A_165], %broadcast_in_dim3A_3 {strides = array<i32>} : memref<8x128xf32, #tpu.memory_space<vmem>>, vector<16xf32>,
    %swap3A_167 = arith.constant 5 : i32
    %swap3A_168 = arith.index_cast %swap3A_167 : i32 to index
    %swap3A_169 = arith.constant 16 : index
    %swap3A_170 = tpu.vector_load %arg11[%swap3A_168, %swap3A_169] {strides = array<i32>} : memref<8x128xf32, #tpu.memory_space<vmem>>, vector<16xf32>,
    tpu.vector_store %arg11[%swap3A_168, %swap3A_169], %broadcast_in_dim3A_3 {strides = array<i32>} : memref<8x128xf32, #tpu.memory_space<vmem>>, vector<16xf32>,
    %swap3A_171 = arith.constant 5 : i32
    %swap3A_172 = arith.index_cast %swap3A_171 : i32 to index
    %swap3A_173 = arith.constant 32 : index
    %swap3A_174 = tpu.vector_load %arg11[%swap3A_172, %swap3A_173] {strides = array<i32>} : memref<8x128xf32, #tpu.memory_space<vmem>>, vector<16xf32>,
    tpu.vector_store %arg11[%swap3A_172, %swap3A_173], %broadcast_in_dim3A_3 {strides = array<i32>} : memref<8x128xf32, #tpu.memory_space<vmem>>, vector<16xf32>,
    %swap3A_175 = arith.constant 5 : i32
    %swap3A_176 = arith.index_cast %swap3A_175 : i32 to index
    %swap3A_177 = arith.constant 48 : index
    %swap3A_178 = tpu.vector_load %arg11[%swap3A_176, %swap3A_177] {strides = array<i32>} : memref<8x128xf32, #tpu.memory_space<vmem>>, vector<16xf32>,
    tpu.vector_store %arg11[%swap3A_176, %swap3A_177], %broadcast_in_dim3A_3 {strides = array<i32>} : memref<8x128xf32, #tpu.memory_space<vmem>>, vector<16xf32>,
    %swap3A_179 = arith.constant 5 : i32
    %swap3A_180 = arith.index_cast %swap3A_179 : i32 to index
    %swap3A_181 = arith.constant 64 : index
    %swap3A_182 = tpu.vector_load %arg11[%swap3A_180, %swap3A_181] {strides = array<i32>} : memref<8x128xf32, #tpu.memory_space<vmem>>, vector<16xf32>,
    tpu.vector_store %arg11[%swap3A_180, %swap3A_181], %broadcast_in_dim3A_3 {strides = array<i32>} : memref<8x128xf32, #tpu.memory_space<vmem>>, vector<16xf32>,
    %swap3A_183 = arith.constant 5 : i32
    %swap3A_184 = arith.index_cast %swap3A_183 : i32 to index
    %swap3A_185 = arith.constant 80 : index
    %swap3A_186 = tpu.vector_load %arg11[%swap3A_184, %swap3A_185] {strides = array<i32>} : memref<8x128xf32, #tpu.memory_space<vmem>>, vector<16xf32>,
    tpu.vector_store %arg11[%swap3A_184, %swap3A_185], %broadcast_in_dim3A_3 {strides = array<i32>} : memref<8x128xf32, #tpu.memory_space<vmem>>, vector<16xf32>,
    %swap3A_187 = arith.constant 5 : i32
    %swap3A_188 = arith.index_cast %swap3A_187 : i32 to index
    %swap3A_189 = arith.constant 96 : index
    %swap3A_190 = tpu.vector_load %arg11[%swap3A_188, %swap3A_189] {strides = array<i32>} : memref<8x128xf32, #tpu.memory_space<vmem>>, vector<16xf32>,
    tpu.vector_store %arg11[%swap3A_188, %swap3A_189], %broadcast_in_dim3A_3 {strides = array<i32>} : memref<8x128xf32, #tpu.memory_space<vmem>>, vector<16xf32>,
    %swap3A_191 = arith.constant 5 : i32
    %swap3A_192 = arith.index_cast %swap3A_191 : i32 to index
    %swap3A_193 = arith.constant 112 : index
    %swap3A_194 = tpu.vector_load %arg11[%swap3A_192, %swap3A_193] {strides = array<i32>} : memref<8x128xf32, #tpu.memory_space<vmem>>, vector<16xf32>,
    tpu.vector_store %arg11[%swap3A_192, %swap3A_193], %broadcast_in_dim3A_3 {strides = array<i32>} : memref<8x128xf32, #tpu.memory_space<vmem>>, vector<16xf32>,
    %swap3A_195 = arith.constant 6 : i32
    %swap3A_196 = arith.index_cast %swap3A_195 : i32 to index
    %swap3A_197 = arith.constant 0 : index
    %swap3A_198 = tpu.vector_load %arg11[%swap3A_196, %swap3A_197] {strides = array<i32>} : memref<8x128xf32, #tpu.memory_space<vmem>>, vector<16xf32>,
    tpu.vector_store %arg11[%swap3A_196, %swap3A_197], %broadcast_in_dim3A_3 {strides = array<i32>} : memref<8x128xf32, #tpu.memory_space<vmem>>, vector<16xf32>,
    %swap3A_199 = arith.constant 6 : i32
    %swap3A_200 = arith.index_cast %swap3A_199 : i32 to index
    %swap3A_201 = arith.constant 16 : index
    %swap3A_202 = tpu.vector_load %arg11[%swap3A_200, %swap3A_201] {strides = array<i32>} : memref<8x128xf32, #tpu.memory_space<vmem>>, vector<16xf32>,
    tpu.vector_store %arg11[%swap3A_200, %swap3A_201], %broadcast_in_dim3A_3 {strides = array<i32>} : memref<8x128xf32, #tpu.memory_space<vmem>>, vector<16xf32>,
    %swap3A_203 = arith.constant 6 : i32
    %swap3A_204 = arith.index_cast %swap3A_203 : i32 to index
    %swap3A_205 = arith.constant 32 : index
    %swap3A_206 = tpu.vector_load %arg11[%swap3A_204, %swap3A_205] {strides = array<i32>} : memref<8x128xf32, #tpu.memory_space<vmem>>, vector<16xf32>,
    tpu.vector_store %arg11[%swap3A_204, %swap3A_205], %broadcast_in_dim3A_3 {strides = array<i32>} : memref<8x128xf32, #tpu.memory_space<vmem>>, vector<16xf32>,
    %swap3A_207 = arith.constant 6 : i32
    %swap3A_208 = arith.index_cast %swap3A_207 : i32 to index
    %swap3A_209 = arith.constant 48 : index
    %swap3A_210 = tpu.vector_load %arg11[%swap3A_208, %swap3A_209] {strides = array<i32>} : memref<8x128xf32, #tpu.memory_space<vmem>>, vector<16xf32>,
    tpu.vector_store %arg11[%swap3A_208, %swap3A_209], %broadcast_in_dim3A_3 {strides = array<i32>} : memref<8x128xf32, #tpu.memory_space<vmem>>, vector<16xf32>,
    %swap3A_211 = arith.constant 6 : i32
    %swap3A_212 = arith.index_cast %swap3A_211 : i32 to index
    %swap3A_213 = arith.constant 64 : index
    %swap3A_214 = tpu.vector_load %arg11[%swap3A_212, %swap3A_213] {strides = array<i32>} : memref<8x128xf32, #tpu.memory_space<vmem>>, vector<16xf32>,
    tpu.vector_store %arg11[%swap3A_212, %swap3A_213], %broadcast_in_dim3A_3 {strides = array<i32>} : memref<8x128xf32, #tpu.memory_space<vmem>>, vector<16xf32>,
    %swap3A_215 = arith.constant 6 : i32
    %swap3A_216 = arith.index_cast %swap3A_215 : i32 to index
    %swap3A_217 = arith.constant 80 : index
    %swap3A_218 = tpu.vector_load %arg11[%swap3A_216, %swap3A_217] {strides = array<i32>} : memref<8x128xf32, #tpu.memory_space<vmem>>, vector<16xf32>,
    tpu.vector_store %arg11[%swap3A_216, %swap3A_217], %broadcast_in_dim3A_3 {strides = array<i32>} : memref<8x128xf32, #tpu.memory_space<vmem>>, vector<16xf32>,
    %swap3A_219 = arith.constant 6 : i32
    %swap3A_220 = arith.index_cast %swap3A_219 : i32 to index
    %swap3A_221 = arith.constant 96 : index
    %swap3A_222 = tpu.vector_load %arg11[%swap3A_220, %swap3A_221] {strides = array<i32>} : memref<8x128xf32, #tpu.memory_space<vmem>>, vector<16xf32>,
    tpu.vector_store %arg11[%swap3A_220, %swap3A_221], %broadcast_in_dim3A_3 {strides = array<i32>} : memref<8x128xf32, #tpu.memory_space<vmem>>, vector<16xf32>,
    %swap3A_223 = arith.constant 6 : i32
    %swap3A_224 = arith.index_cast %swap3A_223 : i32 to index
    %swap3A_225 = arith.constant 112 : index
    %swap3A_226 = tpu.vector_load %arg11[%swap3A_224, %swap3A_225] {strides = array<i32>} : memref<8x128xf32, #tpu.memory_space<vmem>>, vector<16xf32>,
    tpu.vector_store %arg11[%swap3A_224, %swap3A_225], %broadcast_in_dim3A_3 {strides = array<i32>} : memref<8x128xf32, #tpu.memory_space<vmem>>, vector<16xf32>,
    %swap3A_227 = arith.constant 7 : i32
    %swap3A_228 = arith.index_cast %swap3A_227 : i32 to index
    %swap3A_229 = arith.constant 0 : index
    %swap3A_230 = tpu.vector_load %arg11[%swap3A_228, %swap3A_229] {strides = array<i32>} : memref<8x128xf32, #tpu.memory_space<vmem>>, vector<16xf32>,
    tpu.vector_store %arg11[%swap3A_228, %swap3A_229], %broadcast_in_dim3A_3 {strides = array<i32>} : memref<8x128xf32, #tpu.memory_space<vmem>>, vector<16xf32>,
    %swap3A_231 = arith.constant 7 : i32
    %swap3A_232 = arith.index_cast %swap3A_231 : i32 to index
    %swap3A_233 = arith.constant 16 : index
    %swap3A_234 = tpu.vector_load %arg11[%swap3A_232, %swap3A_233] {strides = array<i32>} : memref<8x128xf32, #tpu.memory_space<vmem>>, vector<16xf32>,
    tpu.vector_store %arg11[%swap3A_232, %swap3A_233], %broadcast_in_dim3A_3 {strides = array<i32>} : memref<8x128xf32, #tpu.memory_space<vmem>>, vector<16xf32>,
    %swap3A_235 = arith.constant 7 : i32
    %swap3A_236 = arith.index_cast %swap3A_235 : i32 to index
    %swap3A_237 = arith.constant 32 : index
    %swap3A_238 = tpu.vector_load %arg11[%swap3A_236, %swap3A_237] {strides = array<i32>} : memref<8x128xf32, #tpu.memory_space<vmem>>, vector<16xf32>,
    tpu.vector_store %arg11[%swap3A_236, %swap3A_237], %broadcast_in_dim3A_3 {strides = array<i32>} : memref<8x128xf32, #tpu.memory_space<vmem>>, vector<16xf32>,
    %swap3A_239 = arith.constant 7 : i32
    %swap3A_240 = arith.index_cast %swap3A_239 : i32 to index
    %swap3A_241 = arith.constant 48 : index
    %swap3A_242 = tpu.vector_load %arg11[%swap3A_240, %swap3A_241] {strides = array<i32>} : memref<8x128xf32, #tpu.memory_space<vmem>>, vector<16xf32>,
    tpu.vector_store %arg11[%swap3A_240, %swap3A_241], %broadcast_in_dim3A_3 {strides = array<i32>} : memref<8x128xf32, #tpu.memory_space<vmem>>, vector<16xf32>,
    %swap3A_243 = arith.constant 7 : i32
    %swap3A_244 = arith.index_cast %swap3A_243 : i32 to index
    %swap3A_245 = arith.constant 64 : index
    %swap3A_246 = tpu.vector_load %arg11[%swap3A_244, %swap3A_245] {strides = array<i32>} : memref<8x128xf32, #tpu.memory_space<vmem>>, vector<16xf32>,
    tpu.vector_store %arg11[%swap3A_244, %swap3A_245], %broadcast_in_dim3A_3 {strides = array<i32>} : memref<8x128xf32, #tpu.memory_space<vmem>>, vector<16xf32>,
    %swap3A_247 = arith.constant 7 : i32
    %swap3A_248 = arith.index_cast %swap3A_247 : i32 to index
    %swap3A_249 = arith.constant 80 : index
    %swap3A_250 = tpu.vector_load %arg11[%swap3A_248, %swap3A_249] {strides = array<i32>} : memref<8x128xf32, #tpu.memory_space<vmem>>, vector<16xf32>,
    tpu.vector_store %arg11[%swap3A_248, %swap3A_249], %broadcast_in_dim3A_3 {strides = array<i32>} : memref<8x128xf32, #tpu.memory_space<vmem>>, vector<16xf32>,
    %swap3A_251 = arith.constant 7 : i32
    %swap3A_252 = arith.index_cast %swap3A_251 : i32 to index
    %swap3A_253 = arith.constant 96 : index
    %swap3A_254 = tpu.vector_load %arg11[%swap3A_252, %swap3A_253] {strides = array<i32>} : memref<8x128xf32, #tpu.memory_space<vmem>>, vector<16xf32>,
    tpu.vector_store %arg11[%swap3A_252, %swap3A_253], %broadcast_in_dim3A_3 {strides = array<i32>} : memref<8x128xf32, #tpu.memory_space<vmem>>, vector<16xf32>,
    %swap3A_255 = arith.constant 7 : i32
    %swap3A_256 = arith.index_cast %swap3A_255 : i32 to index
    %swap3A_257 = arith.constant 112 : index
    %swap3A_258 = tpu.vector_load %arg11[%swap3A_256, %swap3A_257] {strides = array<i32>} : memref<8x128xf32, #tpu.memory_space<vmem>>, vector<16xf32>,
    tpu.vector_store %arg11[%swap3A_256, %swap3A_257], %broadcast_in_dim3A_3 {strides = array<i32>} : memref<8x128xf32, #tpu.memory_space<vmem>>, vector<16xf32>,
    %iota3A = tpu.iota {dimensions = array<i32: 0>} : vector<16xi32>
    %mul3A_259 = arith.constant 8 : i32
    %mul3A_260 = vector.broadcast %mul3A_259 : i32 to vector<16xi32>
    %mul3A_261 = arith.muli %iota3A, %mul3A_260 : vector<16xi32>
    %scan3A = arith.constant 0 : i32
    %scan3A_262 = arith.constant 0 : i32
    %scan3A_263 = arith.constant 64 : i32
    %scan3A_264 = arith.addi %scan3A_262, %scan3A_263 : i32
    %scan3A_265 = arith.constant 1 : i32
    scf.for %scan3A_267 = %scan3A_262 to %scan3A_264 step %scan3A_265  : i32 {
      %mul3A_268 = arith.constant 8 : i32
      %mul3A_269 = arith.muli %scan3A_267, %mul3A_268 : i32
      %add3A_270 = arith.addi %mul3A_2, %mul3A_269 : i32
      %mul3A_271 = arith.constant 16 : i32
      %mul3A_272 = arith.muli %add3A_270, %mul3A_271 : i32
      "tpu.region"() ({
        %run_scoped3A = tpu.sem_alloc : memref<!tpu.dma_semaphore, #tpu.memory_space<semaphore_mem>>
        %dma_start3A = tpu.memref_slice %arg5[%mul3A_272] : memref<262144xi32, #tpu.memory_space<hbm>> -> memref<128xi32, #tpu.memory_space<hbm>>
        %dma_start3A_470 = tpu.memref_slice %arg5[%mul3A_272] : memref<262144xi32, #tpu.memory_space<hbm>> -> memref<128xi32, #tpu.memory_space<hbm>>
        tpu.enqueue_dma source(%dma_start3A_470 : memref<128xi32, #tpu.memory_space<hbm>>) target(%arg10 : memref<128xi32, #tpu.memory_space<vmem>>) target_semaphore(%run_scoped3A : memref<!tpu.dma_semaphore, #tpu.memory_space<semaphore_mem>>)
        %dma_wait3A = tpu.memref_slice %arg5[%mul3A_272] : memref<262144xi32, #tpu.memory_space<hbm>> -> memref<128xi32, #tpu.memory_space<hbm>>
        %dma_wait3A_471 = tpu.memref_slice %arg5[%mul3A_272] : memref<262144xi32, #tpu.memory_space<hbm>> -> memref<128xi32, #tpu.memory_space<hbm>>
        tpu.wait_dma2 semaphore(%run_scoped3A : memref<!tpu.dma_semaphore, #tpu.memory_space<semaphore_mem>>) src(%dma_wait3A_471 : memref<128xi32, #tpu.memory_space<hbm>>) dst(%arg10 : memref<128xi32, #tpu.memory_space<vmem>>)
        tpu.yield
      }) : () -> ()
      %broadcast_in_dim3A_273 = arith.constant 0 : i32
      %broadcast_in_dim3A_274 = vector.broadcast %broadcast_in_dim3A_273 : i32 to vector<16xi32>
      %get3A = arith.constant 0 : index
      %get3A_275 = tpu.vector_load %arg10[%get3A] {strides = array<i32>} : memref<128xi32, #tpu.memory_space<vmem>>, vector<16xi32>,
      %add3A_276 = arith.constant 0 : i32
      %add3A_277 = arith.addi %add3A_270, %add3A_276 : i32
      %broadcast_in_dim3A_278 = vector.broadcast %add3A_277 : i32 to vector<16xi32>
      %gather3A = tpu.vector_load_idx %arg7[%get3A_275] : memref<16384xf32, #tpu.memory_space<vmem>>[vector<16xi32>], vector<16xf32>,
      %gather3A_279 = tpu.vector_load_idx %arg7[%broadcast_in_dim3A_278] : memref<16384xf32, #tpu.memory_space<vmem>>[vector<16xi32>], vector<16xf32>,
      %add3A_280 = arith.constant 0 : i32
      %add3A_281 = vector.broadcast %add3A_280 : i32 to vector<16xi32>
      %add3A_282 = arith.addi %mul3A_261, %add3A_281 : vector<16xi32>
      %sub3A = arith.subf %gather3A, %gather3A_279 : vector<16xf32>
      tpu.vector_store_idx %arg11[%broadcast_in_dim3A_274, %add3A_282], %sub3A : memref<8x128xf32, #tpu.memory_space<vmem>>[vector<16xi32>, vector<16xi32>], vector<16xf32>,
      %gather3A_283 = tpu.vector_load_idx %arg8[%get3A_275] : memref<16384xf32, #tpu.memory_space<vmem>>[vector<16xi32>], vector<16xf32>,
      %gather3A_284 = tpu.vector_load_idx %arg8[%broadcast_in_dim3A_278] : memref<16384xf32, #tpu.memory_space<vmem>>[vector<16xi32>], vector<16xf32>,
      %add3A_285 = arith.constant 1 : i32
      %add3A_286 = vector.broadcast %add3A_285 : i32 to vector<16xi32>
      %add3A_287 = arith.addi %mul3A_261, %add3A_286 : vector<16xi32>
      %sub3A_288 = arith.subf %gather3A_283, %gather3A_284 : vector<16xf32>
      tpu.vector_store_idx %arg11[%broadcast_in_dim3A_274, %add3A_287], %sub3A_288 : memref<8x128xf32, #tpu.memory_space<vmem>>[vector<16xi32>, vector<16xi32>], vector<16xf32>,
      %gather3A_289 = tpu.vector_load_idx %arg9[%get3A_275] : memref<16384xf32, #tpu.memory_space<vmem>>[vector<16xi32>], vector<16xf32>,
      %gather3A_290 = tpu.vector_load_idx %arg9[%broadcast_in_dim3A_278] : memref<16384xf32, #tpu.memory_space<vmem>>[vector<16xi32>], vector<16xf32>,
      %add3A_291 = arith.constant 2 : i32
      %add3A_292 = vector.broadcast %add3A_291 : i32 to vector<16xi32>
      %add3A_293 = arith.addi %mul3A_261, %add3A_292 : vector<16xi32>
      %sub3A_294 = arith.subf %gather3A_289, %gather3A_290 : vector<16xf32>
      tpu.vector_store_idx %arg11[%broadcast_in_dim3A_274, %add3A_293], %sub3A_294 : memref<8x128xf32, #tpu.memory_space<vmem>>[vector<16xi32>, vector<16xi32>], vector<16xf32>,
      %broadcast_in_dim3A_295 = arith.constant 1 : i32
      %broadcast_in_dim3A_296 = vector.broadcast %broadcast_in_dim3A_295 : i32 to vector<16xi32>
      %get3A_297 = arith.constant 16 : index
      %get3A_298 = tpu.vector_load %arg10[%get3A_297] {strides = array<i32>} : memref<128xi32, #tpu.memory_space<vmem>>, vector<16xi32>,
      %add3A_299 = arith.constant 1 : i32
      %add3A_300 = arith.addi %add3A_270, %add3A_299 : i32
      %broadcast_in_dim3A_301 = vector.broadcast %add3A_300 : i32 to vector<16xi32>
      %gather3A_302 = tpu.vector_load_idx %arg7[%get3A_298] : memref<16384xf32, #tpu.memory_space<vmem>>[vector<16xi32>], vector<16xf32>,
      %gather3A_303 = tpu.vector_load_idx %arg7[%broadcast_in_dim3A_301] : memref<16384xf32, #tpu.memory_space<vmem>>[vector<16xi32>], vector<16xf32>,
      %add3A_304 = arith.constant 0 : i32
      %add3A_305 = vector.broadcast %add3A_304 : i32 to vector<16xi32>
      %add3A_306 = arith.addi %mul3A_261, %add3A_305 : vector<16xi32>
      %sub3A_307 = arith.subf %gather3A_302, %gather3A_303 : vector<16xf32>
      tpu.vector_store_idx %arg11[%broadcast_in_dim3A_296, %add3A_306], %sub3A_307 : memref<8x128xf32, #tpu.memory_space<vmem>>[vector<16xi32>, vector<16xi32>], vector<16xf32>,
      %gather3A_308 = tpu.vector_load_idx %arg8[%get3A_298] : memref<16384xf32, #tpu.memory_space<vmem>>[vector<16xi32>], vector<16xf32>,
      %gather3A_309 = tpu.vector_load_idx %arg8[%broadcast_in_dim3A_301] : memref<16384xf32, #tpu.memory_space<vmem>>[vector<16xi32>], vector<16xf32>,
      %add3A_310 = arith.constant 1 : i32
      %add3A_311 = vector.broadcast %add3A_310 : i32 to vector<16xi32>
      %add3A_312 = arith.addi %mul3A_261, %add3A_311 : vector<16xi32>
      %sub3A_313 = arith.subf %gather3A_308, %gather3A_309 : vector<16xf32>
      tpu.vector_store_idx %arg11[%broadcast_in_dim3A_296, %add3A_312], %sub3A_313 : memref<8x128xf32, #tpu.memory_space<vmem>>[vector<16xi32>, vector<16xi32>], vector<16xf32>,
      %gather3A_314 = tpu.vector_load_idx %arg9[%get3A_298] : memref<16384xf32, #tpu.memory_space<vmem>>[vector<16xi32>], vector<16xf32>,
      %gather3A_315 = tpu.vector_load_idx %arg9[%broadcast_in_dim3A_301] : memref<16384xf32, #tpu.memory_space<vmem>>[vector<16xi32>], vector<16xf32>,
      %add3A_316 = arith.constant 2 : i32
      %add3A_317 = vector.broadcast %add3A_316 : i32 to vector<16xi32>
      %add3A_318 = arith.addi %mul3A_261, %add3A_317 : vector<16xi32>
      %sub3A_319 = arith.subf %gather3A_314, %gather3A_315 : vector<16xf32>
      tpu.vector_store_idx %arg11[%broadcast_in_dim3A_296, %add3A_318], %sub3A_319 : memref<8x128xf32, #tpu.memory_space<vmem>>[vector<16xi32>, vector<16xi32>], vector<16xf32>,
      %broadcast_in_dim3A_320 = arith.constant 2 : i32
      %broadcast_in_dim3A_321 = vector.broadcast %broadcast_in_dim3A_320 : i32 to vector<16xi32>
      %get3A_322 = arith.constant 32 : index
      %get3A_323 = tpu.vector_load %arg10[%get3A_322] {strides = array<i32>} : memref<128xi32, #tpu.memory_space<vmem>>, vector<16xi32>,
      %add3A_324 = arith.constant 2 : i32
      %add3A_325 = arith.addi %add3A_270, %add3A_324 : i32
      %broadcast_in_dim3A_326 = vector.broadcast %add3A_325 : i32 to vector<16xi32>
      %gather3A_327 = tpu.vector_load_idx %arg7[%get3A_323] : memref<16384xf32, #tpu.memory_space<vmem>>[vector<16xi32>], vector<16xf32>,
      %gather3A_328 = tpu.vector_load_idx %arg7[%broadcast_in_dim3A_326] : memref<16384xf32, #tpu.memory_space<vmem>>[vector<16xi32>], vector<16xf32>,
      %add3A_329 = arith.constant 0 : i32
      %add3A_330 = vector.broadcast %add3A_329 : i32 to vector<16xi32>
      %add3A_331 = arith.addi %mul3A_261, %add3A_330 : vector<16xi32>
      %sub3A_332 = arith.subf %gather3A_327, %gather3A_328 : vector<16xf32>
      tpu.vector_store_idx %arg11[%broadcast_in_dim3A_321, %add3A_331], %sub3A_332 : memref<8x128xf32, #tpu.memory_space<vmem>>[vector<16xi32>, vector<16xi32>], vector<16xf32>,
      %gather3A_333 = tpu.vector_load_idx %arg8[%get3A_323] : memref<16384xf32, #tpu.memory_space<vmem>>[vector<16xi32>], vector<16xf32>,
      %gather3A_334 = tpu.vector_load_idx %arg8[%broadcast_in_dim3A_326] : memref<16384xf32, #tpu.memory_space<vmem>>[vector<16xi32>], vector<16xf32>,
      %add3A_335 = arith.constant 1 : i32
      %add3A_336 = vector.broadcast %add3A_335 : i32 to vector<16xi32>
      %add3A_337 = arith.addi %mul3A_261, %add3A_336 : vector<16xi32>
      %sub3A_338 = arith.subf %gather3A_333, %gather3A_334 : vector<16xf32>
      tpu.vector_store_idx %arg11[%broadcast_in_dim3A_321, %add3A_337], %sub3A_338 : memref<8x128xf32, #tpu.memory_space<vmem>>[vector<16xi32>, vector<16xi32>], vector<16xf32>,
      %gather3A_339 = tpu.vector_load_idx %arg9[%get3A_323] : memref<16384xf32, #tpu.memory_space<vmem>>[vector<16xi32>], vector<16xf32>,
      %gather3A_340 = tpu.vector_load_idx %arg9[%broadcast_in_dim3A_326] : memref<16384xf32, #tpu.memory_space<vmem>>[vector<16xi32>], vector<16xf32>,
      %add3A_341 = arith.constant 2 : i32
      %add3A_342 = vector.broadcast %add3A_341 : i32 to vector<16xi32>
      %add3A_343 = arith.addi %mul3A_261, %add3A_342 : vector<16xi32>
      %sub3A_344 = arith.subf %gather3A_339, %gather3A_340 : vector<16xf32>
      tpu.vector_store_idx %arg11[%broadcast_in_dim3A_321, %add3A_343], %sub3A_344 : memref<8x128xf32, #tpu.memory_space<vmem>>[vector<16xi32>, vector<16xi32>], vector<16xf32>,
      %broadcast_in_dim3A_345 = arith.constant 3 : i32
      %broadcast_in_dim3A_346 = vector.broadcast %broadcast_in_dim3A_345 : i32 to vector<16xi32>
      %get3A_347 = arith.constant 48 : index
      %get3A_348 = tpu.vector_load %arg10[%get3A_347] {strides = array<i32>} : memref<128xi32, #tpu.memory_space<vmem>>, vector<16xi32>,
      %add3A_349 = arith.constant 3 : i32
      %add3A_350 = arith.addi %add3A_270, %add3A_349 : i32
      %broadcast_in_dim3A_351 = vector.broadcast %add3A_350 : i32 to vector<16xi32>
      %gather3A_352 = tpu.vector_load_idx %arg7[%get3A_348] : memref<16384xf32, #tpu.memory_space<vmem>>[vector<16xi32>], vector<16xf32>,
      %gather3A_353 = tpu.vector_load_idx %arg7[%broadcast_in_dim3A_351] : memref<16384xf32, #tpu.memory_space<vmem>>[vector<16xi32>], vector<16xf32>,
      %add3A_354 = arith.constant 0 : i32
      %add3A_355 = vector.broadcast %add3A_354 : i32 to vector<16xi32>
      %add3A_356 = arith.addi %mul3A_261, %add3A_355 : vector<16xi32>
      %sub3A_357 = arith.subf %gather3A_352, %gather3A_353 : vector<16xf32>
      tpu.vector_store_idx %arg11[%broadcast_in_dim3A_346, %add3A_356], %sub3A_357 : memref<8x128xf32, #tpu.memory_space<vmem>>[vector<16xi32>, vector<16xi32>], vector<16xf32>,
      %gather3A_358 = tpu.vector_load_idx %arg8[%get3A_348] : memref<16384xf32, #tpu.memory_space<vmem>>[vector<16xi32>], vector<16xf32>,
      %gather3A_359 = tpu.vector_load_idx %arg8[%broadcast_in_dim3A_351] : memref<16384xf32, #tpu.memory_space<vmem>>[vector<16xi32>], vector<16xf32>,
      %add3A_360 = arith.constant 1 : i32
      %add3A_361 = vector.broadcast %add3A_360 : i32 to vector<16xi32>
      %add3A_362 = arith.addi %mul3A_261, %add3A_361 : vector<16xi32>
      %sub3A_363 = arith.subf %gather3A_358, %gather3A_359 : vector<16xf32>
      tpu.vector_store_idx %arg11[%broadcast_in_dim3A_346, %add3A_362], %sub3A_363 : memref<8x128xf32, #tpu.memory_space<vmem>>[vector<16xi32>, vector<16xi32>], vector<16xf32>,
      %gather3A_364 = tpu.vector_load_idx %arg9[%get3A_348] : memref<16384xf32, #tpu.memory_space<vmem>>[vector<16xi32>], vector<16xf32>,
      %gather3A_365 = tpu.vector_load_idx %arg9[%broadcast_in_dim3A_351] : memref<16384xf32, #tpu.memory_space<vmem>>[vector<16xi32>], vector<16xf32>,
      %add3A_366 = arith.constant 2 : i32
      %add3A_367 = vector.broadcast %add3A_366 : i32 to vector<16xi32>
      %add3A_368 = arith.addi %mul3A_261, %add3A_367 : vector<16xi32>
      %sub3A_369 = arith.subf %gather3A_364, %gather3A_365 : vector<16xf32>
      tpu.vector_store_idx %arg11[%broadcast_in_dim3A_346, %add3A_368], %sub3A_369 : memref<8x128xf32, #tpu.memory_space<vmem>>[vector<16xi32>, vector<16xi32>], vector<16xf32>,
      %broadcast_in_dim3A_370 = arith.constant 4 : i32
      %broadcast_in_dim3A_371 = vector.broadcast %broadcast_in_dim3A_370 : i32 to vector<16xi32>
      %get3A_372 = arith.constant 64 : index
      %get3A_373 = tpu.vector_load %arg10[%get3A_372] {strides = array<i32>} : memref<128xi32, #tpu.memory_space<vmem>>, vector<16xi32>,
      %add3A_374 = arith.constant 4 : i32
      %add3A_375 = arith.addi %add3A_270, %add3A_374 : i32
      %broadcast_in_dim3A_376 = vector.broadcast %add3A_375 : i32 to vector<16xi32>
      %gather3A_377 = tpu.vector_load_idx %arg7[%get3A_373] : memref<16384xf32, #tpu.memory_space<vmem>>[vector<16xi32>], vector<16xf32>,
      %gather3A_378 = tpu.vector_load_idx %arg7[%broadcast_in_dim3A_376] : memref<16384xf32, #tpu.memory_space<vmem>>[vector<16xi32>], vector<16xf32>,
      %add3A_379 = arith.constant 0 : i32
      %add3A_380 = vector.broadcast %add3A_379 : i32 to vector<16xi32>
      %add3A_381 = arith.addi %mul3A_261, %add3A_380 : vector<16xi32>
      %sub3A_382 = arith.subf %gather3A_377, %gather3A_378 : vector<16xf32>
      tpu.vector_store_idx %arg11[%broadcast_in_dim3A_371, %add3A_381], %sub3A_382 : memref<8x128xf32, #tpu.memory_space<vmem>>[vector<16xi32>, vector<16xi32>], vector<16xf32>,
      %gather3A_383 = tpu.vector_load_idx %arg8[%get3A_373] : memref<16384xf32, #tpu.memory_space<vmem>>[vector<16xi32>], vector<16xf32>,
      %gather3A_384 = tpu.vector_load_idx %arg8[%broadcast_in_dim3A_376] : memref<16384xf32, #tpu.memory_space<vmem>>[vector<16xi32>], vector<16xf32>,
      %add3A_385 = arith.constant 1 : i32
      %add3A_386 = vector.broadcast %add3A_385 : i32 to vector<16xi32>
      %add3A_387 = arith.addi %mul3A_261, %add3A_386 : vector<16xi32>
      %sub3A_388 = arith.subf %gather3A_383, %gather3A_384 : vector<16xf32>
      tpu.vector_store_idx %arg11[%broadcast_in_dim3A_371, %add3A_387], %sub3A_388 : memref<8x128xf32, #tpu.memory_space<vmem>>[vector<16xi32>, vector<16xi32>], vector<16xf32>,
      %gather3A_389 = tpu.vector_load_idx %arg9[%get3A_373] : memref<16384xf32, #tpu.memory_space<vmem>>[vector<16xi32>], vector<16xf32>,
      %gather3A_390 = tpu.vector_load_idx %arg9[%broadcast_in_dim3A_376] : memref<16384xf32, #tpu.memory_space<vmem>>[vector<16xi32>], vector<16xf32>,
      %add3A_391 = arith.constant 2 : i32
      %add3A_392 = vector.broadcast %add3A_391 : i32 to vector<16xi32>
      %add3A_393 = arith.addi %mul3A_261, %add3A_392 : vector<16xi32>
      %sub3A_394 = arith.subf %gather3A_389, %gather3A_390 : vector<16xf32>
      tpu.vector_store_idx %arg11[%broadcast_in_dim3A_371, %add3A_393], %sub3A_394 : memref<8x128xf32, #tpu.memory_space<vmem>>[vector<16xi32>, vector<16xi32>], vector<16xf32>,
      %broadcast_in_dim3A_395 = arith.constant 5 : i32
      %broadcast_in_dim3A_396 = vector.broadcast %broadcast_in_dim3A_395 : i32 to vector<16xi32>
      %get3A_397 = arith.constant 80 : index
      %get3A_398 = tpu.vector_load %arg10[%get3A_397] {strides = array<i32>} : memref<128xi32, #tpu.memory_space<vmem>>, vector<16xi32>,
      %add3A_399 = arith.constant 5 : i32
      %add3A_400 = arith.addi %add3A_270, %add3A_399 : i32
      %broadcast_in_dim3A_401 = vector.broadcast %add3A_400 : i32 to vector<16xi32>
      %gather3A_402 = tpu.vector_load_idx %arg7[%get3A_398] : memref<16384xf32, #tpu.memory_space<vmem>>[vector<16xi32>], vector<16xf32>,
      %gather3A_403 = tpu.vector_load_idx %arg7[%broadcast_in_dim3A_401] : memref<16384xf32, #tpu.memory_space<vmem>>[vector<16xi32>], vector<16xf32>,
      %add3A_404 = arith.constant 0 : i32
      %add3A_405 = vector.broadcast %add3A_404 : i32 to vector<16xi32>
      %add3A_406 = arith.addi %mul3A_261, %add3A_405 : vector<16xi32>
      %sub3A_407 = arith.subf %gather3A_402, %gather3A_403 : vector<16xf32>
      tpu.vector_store_idx %arg11[%broadcast_in_dim3A_396, %add3A_406], %sub3A_407 : memref<8x128xf32, #tpu.memory_space<vmem>>[vector<16xi32>, vector<16xi32>], vector<16xf32>,
      %gather3A_408 = tpu.vector_load_idx %arg8[%get3A_398] : memref<16384xf32, #tpu.memory_space<vmem>>[vector<16xi32>], vector<16xf32>,
      %gather3A_409 = tpu.vector_load_idx %arg8[%broadcast_in_dim3A_401] : memref<16384xf32, #tpu.memory_space<vmem>>[vector<16xi32>], vector<16xf32>,
      %add3A_410 = arith.constant 1 : i32
      %add3A_411 = vector.broadcast %add3A_410 : i32 to vector<16xi32>
      %add3A_412 = arith.addi %mul3A_261, %add3A_411 : vector<16xi32>
      %sub3A_413 = arith.subf %gather3A_408, %gather3A_409 : vector<16xf32>
      tpu.vector_store_idx %arg11[%broadcast_in_dim3A_396, %add3A_412], %sub3A_413 : memref<8x128xf32, #tpu.memory_space<vmem>>[vector<16xi32>, vector<16xi32>], vector<16xf32>,
      %gather3A_414 = tpu.vector_load_idx %arg9[%get3A_398] : memref<16384xf32, #tpu.memory_space<vmem>>[vector<16xi32>], vector<16xf32>,
      %gather3A_415 = tpu.vector_load_idx %arg9[%broadcast_in_dim3A_401] : memref<16384xf32, #tpu.memory_space<vmem>>[vector<16xi32>], vector<16xf32>,
      %add3A_416 = arith.constant 2 : i32
      %add3A_417 = vector.broadcast %add3A_416 : i32 to vector<16xi32>
      %add3A_418 = arith.addi %mul3A_261, %add3A_417 : vector<16xi32>
      %sub3A_419 = arith.subf %gather3A_414, %gather3A_415 : vector<16xf32>
      tpu.vector_store_idx %arg11[%broadcast_in_dim3A_396, %add3A_418], %sub3A_419 : memref<8x128xf32, #tpu.memory_space<vmem>>[vector<16xi32>, vector<16xi32>], vector<16xf32>,
      %broadcast_in_dim3A_420 = arith.constant 6 : i32
      %broadcast_in_dim3A_421 = vector.broadcast %broadcast_in_dim3A_420 : i32 to vector<16xi32>
      %get3A_422 = arith.constant 96 : index
      %get3A_423 = tpu.vector_load %arg10[%get3A_422] {strides = array<i32>} : memref<128xi32, #tpu.memory_space<vmem>>, vector<16xi32>,
      %add3A_424 = arith.constant 6 : i32
      %add3A_425 = arith.addi %add3A_270, %add3A_424 : i32
      %broadcast_in_dim3A_426 = vector.broadcast %add3A_425 : i32 to vector<16xi32>
      %gather3A_427 = tpu.vector_load_idx %arg7[%get3A_423] : memref<16384xf32, #tpu.memory_space<vmem>>[vector<16xi32>], vector<16xf32>,
      %gather3A_428 = tpu.vector_load_idx %arg7[%broadcast_in_dim3A_426] : memref<16384xf32, #tpu.memory_space<vmem>>[vector<16xi32>], vector<16xf32>,
      %add3A_429 = arith.constant 0 : i32
      %add3A_430 = vector.broadcast %add3A_429 : i32 to vector<16xi32>
      %add3A_431 = arith.addi %mul3A_261, %add3A_430 : vector<16xi32>
      %sub3A_432 = arith.subf %gather3A_427, %gather3A_428 : vector<16xf32>
      tpu.vector_store_idx %arg11[%broadcast_in_dim3A_421, %add3A_431], %sub3A_432 : memref<8x128xf32, #tpu.memory_space<vmem>>[vector<16xi32>, vector<16xi32>], vector<16xf32>,
      %gather3A_433 = tpu.vector_load_idx %arg8[%get3A_423] : memref<16384xf32, #tpu.memory_space<vmem>>[vector<16xi32>], vector<16xf32>,
      %gather3A_434 = tpu.vector_load_idx %arg8[%broadcast_in_dim3A_426] : memref<16384xf32, #tpu.memory_space<vmem>>[vector<16xi32>], vector<16xf32>,
      %add3A_435 = arith.constant 1 : i32
      %add3A_436 = vector.broadcast %add3A_435 : i32 to vector<16xi32>
      %add3A_437 = arith.addi %mul3A_261, %add3A_436 : vector<16xi32>
      %sub3A_438 = arith.subf %gather3A_433, %gather3A_434 : vector<16xf32>
      tpu.vector_store_idx %arg11[%broadcast_in_dim3A_421, %add3A_437], %sub3A_438 : memref<8x128xf32, #tpu.memory_space<vmem>>[vector<16xi32>, vector<16xi32>], vector<16xf32>,
      %gather3A_439 = tpu.vector_load_idx %arg9[%get3A_423] : memref<16384xf32, #tpu.memory_space<vmem>>[vector<16xi32>], vector<16xf32>,
      %gather3A_440 = tpu.vector_load_idx %arg9[%broadcast_in_dim3A_426] : memref<16384xf32, #tpu.memory_space<vmem>>[vector<16xi32>], vector<16xf32>,
      %add3A_441 = arith.constant 2 : i32
      %add3A_442 = vector.broadcast %add3A_441 : i32 to vector<16xi32>
      %add3A_443 = arith.addi %mul3A_261, %add3A_442 : vector<16xi32>
      %sub3A_444 = arith.subf %gather3A_439, %gather3A_440 : vector<16xf32>
      tpu.vector_store_idx %arg11[%broadcast_in_dim3A_421, %add3A_443], %sub3A_444 : memref<8x128xf32, #tpu.memory_space<vmem>>[vector<16xi32>, vector<16xi32>], vector<16xf32>,
      %broadcast_in_dim3A_445 = arith.constant 7 : i32
      %broadcast_in_dim3A_446 = vector.broadcast %broadcast_in_dim3A_445 : i32 to vector<16xi32>
      %get3A_447 = arith.constant 112 : index
      %get3A_448 = tpu.vector_load %arg10[%get3A_447] {strides = array<i32>} : memref<128xi32, #tpu.memory_space<vmem>>, vector<16xi32>,
      %add3A_449 = arith.constant 7 : i32
      %add3A_450 = arith.addi %add3A_270, %add3A_449 : i32
      %broadcast_in_dim3A_451 = vector.broadcast %add3A_450 : i32 to vector<16xi32>
      %gather3A_452 = tpu.vector_load_idx %arg7[%get3A_448] : memref<16384xf32, #tpu.memory_space<vmem>>[vector<16xi32>], vector<16xf32>,
      %gather3A_453 = tpu.vector_load_idx %arg7[%broadcast_in_dim3A_451] : memref<16384xf32, #tpu.memory_space<vmem>>[vector<16xi32>], vector<16xf32>,
      %add3A_454 = arith.constant 0 : i32
      %add3A_455 = vector.broadcast %add3A_454 : i32 to vector<16xi32>
      %add3A_456 = arith.addi %mul3A_261, %add3A_455 : vector<16xi32>
      %sub3A_457 = arith.subf %gather3A_452, %gather3A_453 : vector<16xf32>
      tpu.vector_store_idx %arg11[%broadcast_in_dim3A_446, %add3A_456], %sub3A_457 : memref<8x128xf32, #tpu.memory_space<vmem>>[vector<16xi32>, vector<16xi32>], vector<16xf32>,
      %gather3A_458 = tpu.vector_load_idx %arg8[%get3A_448] : memref<16384xf32, #tpu.memory_space<vmem>>[vector<16xi32>], vector<16xf32>,
      %gather3A_459 = tpu.vector_load_idx %arg8[%broadcast_in_dim3A_451] : memref<16384xf32, #tpu.memory_space<vmem>>[vector<16xi32>], vector<16xf32>,
      %add3A_460 = arith.constant 1 : i32
      %add3A_461 = vector.broadcast %add3A_460 : i32 to vector<16xi32>
      %add3A_462 = arith.addi %mul3A_261, %add3A_461 : vector<16xi32>
      %sub3A_463 = arith.subf %gather3A_458, %gather3A_459 : vector<16xf32>
      tpu.vector_store_idx %arg11[%broadcast_in_dim3A_446, %add3A_462], %sub3A_463 : memref<8x128xf32, #tpu.memory_space<vmem>>[vector<16xi32>, vector<16xi32>], vector<16xf32>,
      %gather3A_464 = tpu.vector_load_idx %arg9[%get3A_448] : memref<16384xf32, #tpu.memory_space<vmem>>[vector<16xi32>], vector<16xf32>,
      %gather3A_465 = tpu.vector_load_idx %arg9[%broadcast_in_dim3A_451] : memref<16384xf32, #tpu.memory_space<vmem>>[vector<16xi32>], vector<16xf32>,
      %add3A_466 = arith.constant 2 : i32
      %add3A_467 = vector.broadcast %add3A_466 : i32 to vector<16xi32>
      %add3A_468 = arith.addi %mul3A_261, %add3A_467 : vector<16xi32>
      %sub3A_469 = arith.subf %gather3A_464, %gather3A_465 : vector<16xf32>
      tpu.vector_store_idx %arg11[%broadcast_in_dim3A_446, %add3A_468], %sub3A_469 : memref<8x128xf32, #tpu.memory_space<vmem>>[vector<16xi32>, vector<16xi32>], vector<16xf32>,
      "tpu.region"() ({
        %run_scoped3A = tpu.sem_alloc : memref<!tpu.dma_semaphore, #tpu.memory_space<semaphore_mem>>
        %dma_start3A = arith.constant 0 : i32
        %dma_start3A_470 = tpu.memref_slice %arg6[%add3A_270, %dma_start3A] : memref<16384x128xf32, #tpu.memory_space<hbm>> -> memref<8x128xf32, #tpu.memory_space<hbm>>
        %dma_start3A_471 = arith.constant 0 : i32
        %dma_start3A_472 = tpu.memref_slice %arg6[%add3A_270, %dma_start3A_471] : memref<16384x128xf32, #tpu.memory_space<hbm>> -> memref<8x128xf32, #tpu.memory_space<hbm>>
        tpu.enqueue_dma source(%arg11 : memref<8x128xf32, #tpu.memory_space<vmem>>) target(%dma_start3A_472 : memref<8x128xf32, #tpu.memory_space<hbm>>) target_semaphore(%run_scoped3A : memref<!tpu.dma_semaphore, #tpu.memory_space<semaphore_mem>>)
        %dma_wait3A = arith.constant 0 : i32
        %dma_wait3A_473 = tpu.memref_slice %arg6[%add3A_270, %dma_wait3A] : memref<16384x128xf32, #tpu.memory_space<hbm>> -> memref<8x128xf32, #tpu.memory_space<hbm>>
        %dma_wait3A_474 = arith.constant 0 : i32
        %dma_wait3A_475 = tpu.memref_slice %arg6[%add3A_270, %dma_wait3A_474] : memref<16384x128xf32, #tpu.memory_space<hbm>> -> memref<8x128xf32, #tpu.memory_space<hbm>>
        tpu.wait_dma2 semaphore(%run_scoped3A : memref<!tpu.dma_semaphore, #tpu.memory_space<semaphore_mem>>) src(%arg11 : memref<8x128xf32, #tpu.memory_space<vmem>>) dst(%dma_wait3A_475 : memref<8x128xf32, #tpu.memory_space<hbm>>)
        tpu.yield
      }) : () -> ()
    }
    %scan3A_266 = arith.constant 64 : i32
    return
  }
}

#map = affine_map<(d0, d1) -> (0, 0)>
module attributes {stable_mosaic.version = 14 : i64} {
  func.func @_sc_gather_body(%arg0: i32, %arg1: i32, %arg2: memref<16384x128xf32, #tpu.memory_space<hbm>>, %arg3: memref<2048x128xi32, #tpu.memory_space<hbm>>, %arg4: memref<262144x128xf32, #tpu.memory_space<hbm>>, %arg5: memref<64x128xi32, #tpu.memory_space<vmem>>, %arg6: memref<128x128xf32, #tpu.memory_space<vmem>>, %arg7: memref<128x128xf32, #tpu.memory_space<vmem>>, %arg8: memref<!tpu.dma_semaphore, #tpu.memory_space<semaphore_mem>>, %arg9: memref<!tpu.dma_semaphore, #tpu.memory_space<semaphore_mem>>) attributes {dimension_semantics = [#tpu.dimension_semantics<core_parallel>, #tpu.dimension_semantics<subcore_parallel>], iteration_bounds = array<i64: 2, 16>, scalar_prefetch = 0 : i64, scratch_operands = 5 : i64, tpu.core_type = #tpu.core_type<sc_vector_subcore>, window_params = [{transform_indices = #map}, {transform_indices = #map}, {transform_indices = #map}]} {
    %mul3A = arith.constant 2 : i32
    %mul3A_0 = arith.muli %arg1, %mul3A : i32
    %add3A = arith.addi %mul3A_0, %arg0 : i32
    %mul3A_1 = arith.constant 512 : i32
    %mul3A_2 = arith.muli %add3A, %mul3A_1 : i32
    %mul3A_3 = arith.constant 64 : i32
    %mul3A_4 = arith.muli %add3A, %mul3A_3 : i32
    "tpu.region"() ({
      %run_scoped3A = tpu.sem_alloc : memref<!tpu.dma_semaphore, #tpu.memory_space<semaphore_mem>>
      %dma_start3A_23 = arith.constant 0 : i32
      %dma_start3A_24 = tpu.memref_slice %arg3[%mul3A_4, %dma_start3A_23] : memref<2048x128xi32, #tpu.memory_space<hbm>> -> memref<64x128xi32, #tpu.memory_space<hbm>>
      %dma_start3A_25 = arith.constant 0 : i32
      %dma_start3A_26 = tpu.memref_slice %arg3[%mul3A_4, %dma_start3A_25] : memref<2048x128xi32, #tpu.memory_space<hbm>> -> memref<64x128xi32, #tpu.memory_space<hbm>>
      tpu.enqueue_dma source(%dma_start3A_26 : memref<64x128xi32, #tpu.memory_space<hbm>>) target(%arg5 : memref<64x128xi32, #tpu.memory_space<vmem>>) target_semaphore(%run_scoped3A : memref<!tpu.dma_semaphore, #tpu.memory_space<semaphore_mem>>)
      %dma_wait3A = arith.constant 0 : i32
      %dma_wait3A_27 = tpu.memref_slice %arg3[%mul3A_4, %dma_wait3A] : memref<2048x128xi32, #tpu.memory_space<hbm>> -> memref<64x128xi32, #tpu.memory_space<hbm>>
      %dma_wait3A_28 = arith.constant 0 : i32
      %dma_wait3A_29 = tpu.memref_slice %arg3[%mul3A_4, %dma_wait3A_28] : memref<2048x128xi32, #tpu.memory_space<hbm>> -> memref<64x128xi32, #tpu.memory_space<hbm>>
      tpu.wait_dma2 semaphore(%run_scoped3A : memref<!tpu.dma_semaphore, #tpu.memory_space<semaphore_mem>>) src(%dma_wait3A_29 : memref<64x128xi32, #tpu.memory_space<hbm>>) dst(%arg5 : memref<64x128xi32, #tpu.memory_space<vmem>>)
      tpu.yield
    }) : () -> ()
    %dma_start3A = arith.constant 0 : i32
    %dma_start3A_5 = arith.constant 0 : i32
    %dma_start3A_6 = tpu.memref_slice %arg5[%dma_start3A, %dma_start3A_5] : memref<64x128xi32, #tpu.memory_space<vmem>> -> memref<1x128xi32, #tpu.memory_space<vmem>>
    %dma_start3A_7 = tpu.memref_squeeze %dma_start3A_6 : memref<1x128xi32, #tpu.memory_space<vmem>> -> memref<128xi32, #tpu.memory_space<vmem>>
    %dma_start3A_8 = arith.constant 0 : i32
    %dma_start3A_9 = arith.constant 0 : i32
    %dma_start3A_10 = tpu.memref_slice %arg2[%dma_start3A_8, %dma_start3A_9] : memref<16384x128xf32, #tpu.memory_space<hbm>> -> memref<16384x128xf32, #tpu.memory_space<hbm>>
    tpu.enqueue_indirect_dma source(%dma_start3A_10 : memref<16384x128xf32, #tpu.memory_space<hbm>>) target(%arg6 : memref<128x128xf32, #tpu.memory_space<vmem>>) offsets(%dma_start3A_7 : memref<128xi32, #tpu.memory_space<vmem>>) semaphore(%arg8 : memref<!tpu.dma_semaphore, #tpu.memory_space<semaphore_mem>>)
    %dma_start3A_11 = arith.constant 1 : i32
    %dma_start3A_12 = arith.constant 0 : i32
    %dma_start3A_13 = tpu.memref_slice %arg5[%dma_start3A_11, %dma_start3A_12] : memref<64x128xi32, #tpu.memory_space<vmem>> -> memref<1x128xi32, #tpu.memory_space<vmem>>
    %dma_start3A_14 = tpu.memref_squeeze %dma_start3A_13 : memref<1x128xi32, #tpu.memory_space<vmem>> -> memref<128xi32, #tpu.memory_space<vmem>>
    %dma_start3A_15 = arith.constant 0 : i32
    %dma_start3A_16 = arith.constant 0 : i32
    %dma_start3A_17 = tpu.memref_slice %arg2[%dma_start3A_15, %dma_start3A_16] : memref<16384x128xf32, #tpu.memory_space<hbm>> -> memref<16384x128xf32, #tpu.memory_space<hbm>>
    tpu.enqueue_indirect_dma source(%dma_start3A_17 : memref<16384x128xf32, #tpu.memory_space<hbm>>) target(%arg7 : memref<128x128xf32, #tpu.memory_space<vmem>>) offsets(%dma_start3A_14 : memref<128xi32, #tpu.memory_space<vmem>>) semaphore(%arg9 : memref<!tpu.dma_semaphore, #tpu.memory_space<semaphore_mem>>)
    %scan3A = arith.constant 0 : i32
    %scan3A_18 = arith.constant 0 : i32
    %scan3A_19 = arith.constant 32 : i32
    %scan3A_20 = arith.addi %scan3A_18, %scan3A_19 : i32
    %scan3A_21 = arith.constant 1 : i32
    scf.for %scan3A_23 = %scan3A_18 to %scan3A_20 step %scan3A_21  : i32 {
      %mul3A_24 = arith.constant 2 : i32
      %mul3A_25 = arith.muli %mul3A_24, %scan3A_23 : i32
      %add3A_26 = arith.constant 0 : i32
      %add3A_27 = arith.addi %mul3A_25, %add3A_26 : i32
      %dma_wait3A = arith.constant 0 : i32
      %dma_wait3A_28 = tpu.memref_slice %arg5[%add3A_27, %dma_wait3A] : memref<64x128xi32, #tpu.memory_space<vmem>> -> memref<1x128xi32, #tpu.memory_space<vmem>>
      %dma_wait3A_29 = tpu.memref_squeeze %dma_wait3A_28 : memref<1x128xi32, #tpu.memory_space<vmem>> -> memref<128xi32, #tpu.memory_space<vmem>>
      %dma_wait3A_30 = arith.constant 0 : i32
      %dma_wait3A_31 = arith.constant 0 : i32
      %dma_wait3A_32 = tpu.memref_slice %arg2[%dma_wait3A_30, %dma_wait3A_31] : memref<16384x128xf32, #tpu.memory_space<hbm>> -> memref<16384x128xf32, #tpu.memory_space<hbm>>
      tpu.wait_indirect_dma semaphore(%arg8 : memref<!tpu.dma_semaphore, #tpu.memory_space<semaphore_mem>>) src(%dma_wait3A_32 : memref<16384x128xf32, #tpu.memory_space<hbm>>) dst(%arg6 : memref<128x128xf32, #tpu.memory_space<vmem>>)
      %mul3A_33 = arith.constant 8 : i32
      %mul3A_34 = arith.muli %add3A_27, %mul3A_33 : i32
      %add3A_35 = arith.addi %mul3A_2, %mul3A_34 : i32
      %mul3A_36 = arith.constant 16 : i32
      %mul3A_37 = arith.muli %add3A_35, %mul3A_36 : i32
      "tpu.region"() ({
        %run_scoped3A = tpu.sem_alloc : memref<!tpu.dma_semaphore, #tpu.memory_space<semaphore_mem>>
        %dma_start3A_62 = arith.constant 0 : i32
        %dma_start3A_63 = tpu.memref_slice %arg4[%mul3A_37, %dma_start3A_62] : memref<262144x128xf32, #tpu.memory_space<hbm>> -> memref<128x128xf32, #tpu.memory_space<hbm>>
        %dma_start3A_64 = arith.constant 0 : i32
        %dma_start3A_65 = tpu.memref_slice %arg4[%mul3A_37, %dma_start3A_64] : memref<262144x128xf32, #tpu.memory_space<hbm>> -> memref<128x128xf32, #tpu.memory_space<hbm>>
        tpu.enqueue_dma source(%arg6 : memref<128x128xf32, #tpu.memory_space<vmem>>) target(%dma_start3A_65 : memref<128x128xf32, #tpu.memory_space<hbm>>) target_semaphore(%run_scoped3A : memref<!tpu.dma_semaphore, #tpu.memory_space<semaphore_mem>>)
        %dma_wait3A_66 = arith.constant 0 : i32
        %dma_wait3A_67 = tpu.memref_slice %arg4[%mul3A_37, %dma_wait3A_66] : memref<262144x128xf32, #tpu.memory_space<hbm>> -> memref<128x128xf32, #tpu.memory_space<hbm>>
        %dma_wait3A_68 = arith.constant 0 : i32
        %dma_wait3A_69 = tpu.memref_slice %arg4[%mul3A_37, %dma_wait3A_68] : memref<262144x128xf32, #tpu.memory_space<hbm>> -> memref<128x128xf32, #tpu.memory_space<hbm>>
        tpu.wait_dma2 semaphore(%run_scoped3A : memref<!tpu.dma_semaphore, #tpu.memory_space<semaphore_mem>>) src(%arg6 : memref<128x128xf32, #tpu.memory_space<vmem>>) dst(%dma_wait3A_69 : memref<128x128xf32, #tpu.memory_space<hbm>>)
        tpu.yield
      }) : () -> ()
      %add3A_38 = arith.constant 2 : i32
      %add3A_39 = arith.addi %add3A_27, %add3A_38 : i32
      %lt3A = arith.constant 64 : i32
      %lt3A_40 = arith.cmpi slt, %add3A_39, %lt3A : i32
      %convert_element_type3A = arith.extui %lt3A_40 : i1 to i32
      %cond3A = arith.constant 0 : i32
      %cond3A_41 = arith.cmpi ne, %convert_element_type3A, %cond3A : i32
      scf.if %cond3A_41 {
        %add3A_62 = arith.constant 2 : i32
        %add3A_63 = arith.addi %add3A_27, %add3A_62 : i32
        %dma_start3A_64 = arith.constant 0 : i32
        %dma_start3A_65 = tpu.memref_slice %arg5[%add3A_63, %dma_start3A_64] : memref<64x128xi32, #tpu.memory_space<vmem>> -> memref<1x128xi32, #tpu.memory_space<vmem>>
        %dma_start3A_66 = tpu.memref_squeeze %dma_start3A_65 : memref<1x128xi32, #tpu.memory_space<vmem>> -> memref<128xi32, #tpu.memory_space<vmem>>
        %dma_start3A_67 = arith.constant 0 : i32
        %dma_start3A_68 = arith.constant 0 : i32
        %dma_start3A_69 = tpu.memref_slice %arg2[%dma_start3A_67, %dma_start3A_68] : memref<16384x128xf32, #tpu.memory_space<hbm>> -> memref<16384x128xf32, #tpu.memory_space<hbm>>
        tpu.enqueue_indirect_dma source(%dma_start3A_69 : memref<16384x128xf32, #tpu.memory_space<hbm>>) target(%arg6 : memref<128x128xf32, #tpu.memory_space<vmem>>) offsets(%dma_start3A_66 : memref<128xi32, #tpu.memory_space<vmem>>) semaphore(%arg8 : memref<!tpu.dma_semaphore, #tpu.memory_space<semaphore_mem>>)
      } else {
      }
      %add3A_42 = arith.constant 1 : i32
      %add3A_43 = arith.addi %mul3A_25, %add3A_42 : i32
      %dma_wait3A_44 = arith.constant 0 : i32
      %dma_wait3A_45 = tpu.memref_slice %arg5[%add3A_43, %dma_wait3A_44] : memref<64x128xi32, #tpu.memory_space<vmem>> -> memref<1x128xi32, #tpu.memory_space<vmem>>
      %dma_wait3A_46 = tpu.memref_squeeze %dma_wait3A_45 : memref<1x128xi32, #tpu.memory_space<vmem>> -> memref<128xi32, #tpu.memory_space<vmem>>
      %dma_wait3A_47 = arith.constant 0 : i32
      %dma_wait3A_48 = arith.constant 0 : i32
      %dma_wait3A_49 = tpu.memref_slice %arg2[%dma_wait3A_47, %dma_wait3A_48] : memref<16384x128xf32, #tpu.memory_space<hbm>> -> memref<16384x128xf32, #tpu.memory_space<hbm>>
      tpu.wait_indirect_dma semaphore(%arg9 : memref<!tpu.dma_semaphore, #tpu.memory_space<semaphore_mem>>) src(%dma_wait3A_49 : memref<16384x128xf32, #tpu.memory_space<hbm>>) dst(%arg7 : memref<128x128xf32, #tpu.memory_space<vmem>>)
      %mul3A_50 = arith.constant 8 : i32
      %mul3A_51 = arith.muli %add3A_43, %mul3A_50 : i32
      %add3A_52 = arith.addi %mul3A_2, %mul3A_51 : i32
      %mul3A_53 = arith.constant 16 : i32
      %mul3A_54 = arith.muli %add3A_52, %mul3A_53 : i32
      "tpu.region"() ({
        %run_scoped3A = tpu.sem_alloc : memref<!tpu.dma_semaphore, #tpu.memory_space<semaphore_mem>>
        %dma_start3A_62 = arith.constant 0 : i32
        %dma_start3A_63 = tpu.memref_slice %arg4[%mul3A_54, %dma_start3A_62] : memref<262144x128xf32, #tpu.memory_space<hbm>> -> memref<128x128xf32, #tpu.memory_space<hbm>>
        %dma_start3A_64 = arith.constant 0 : i32
        %dma_start3A_65 = tpu.memref_slice %arg4[%mul3A_54, %dma_start3A_64] : memref<262144x128xf32, #tpu.memory_space<hbm>> -> memref<128x128xf32, #tpu.memory_space<hbm>>
        tpu.enqueue_dma source(%arg7 : memref<128x128xf32, #tpu.memory_space<vmem>>) target(%dma_start3A_65 : memref<128x128xf32, #tpu.memory_space<hbm>>) target_semaphore(%run_scoped3A : memref<!tpu.dma_semaphore, #tpu.memory_space<semaphore_mem>>)
        %dma_wait3A_66 = arith.constant 0 : i32
        %dma_wait3A_67 = tpu.memref_slice %arg4[%mul3A_54, %dma_wait3A_66] : memref<262144x128xf32, #tpu.memory_space<hbm>> -> memref<128x128xf32, #tpu.memory_space<hbm>>
        %dma_wait3A_68 = arith.constant 0 : i32
        %dma_wait3A_69 = tpu.memref_slice %arg4[%mul3A_54, %dma_wait3A_68] : memref<262144x128xf32, #tpu.memory_space<hbm>> -> memref<128x128xf32, #tpu.memory_space<hbm>>
        tpu.wait_dma2 semaphore(%run_scoped3A : memref<!tpu.dma_semaphore, #tpu.memory_space<semaphore_mem>>) src(%arg7 : memref<128x128xf32, #tpu.memory_space<vmem>>) dst(%dma_wait3A_69 : memref<128x128xf32, #tpu.memory_space<hbm>>)
        tpu.yield
      }) : () -> ()
      %add3A_55 = arith.constant 2 : i32
      %add3A_56 = arith.addi %add3A_43, %add3A_55 : i32
      %lt3A_57 = arith.constant 64 : i32
      %lt3A_58 = arith.cmpi slt, %add3A_56, %lt3A_57 : i32
      %convert_element_type3A_59 = arith.extui %lt3A_58 : i1 to i32
      %cond3A_60 = arith.constant 0 : i32
      %cond3A_61 = arith.cmpi ne, %convert_element_type3A_59, %cond3A_60 : i32
      scf.if %cond3A_61 {
        %add3A_62 = arith.constant 2 : i32
        %add3A_63 = arith.addi %add3A_43, %add3A_62 : i32
        %dma_start3A_64 = arith.constant 0 : i32
        %dma_start3A_65 = tpu.memref_slice %arg5[%add3A_63, %dma_start3A_64] : memref<64x128xi32, #tpu.memory_space<vmem>> -> memref<1x128xi32, #tpu.memory_space<vmem>>
        %dma_start3A_66 = tpu.memref_squeeze %dma_start3A_65 : memref<1x128xi32, #tpu.memory_space<vmem>> -> memref<128xi32, #tpu.memory_space<vmem>>
        %dma_start3A_67 = arith.constant 0 : i32
        %dma_start3A_68 = arith.constant 0 : i32
        %dma_start3A_69 = tpu.memref_slice %arg2[%dma_start3A_67, %dma_start3A_68] : memref<16384x128xf32, #tpu.memory_space<hbm>> -> memref<16384x128xf32, #tpu.memory_space<hbm>>
        tpu.enqueue_indirect_dma source(%dma_start3A_69 : memref<16384x128xf32, #tpu.memory_space<hbm>>) target(%arg7 : memref<128x128xf32, #tpu.memory_space<vmem>>) offsets(%dma_start3A_66 : memref<128xi32, #tpu.memory_space<vmem>>) semaphore(%arg9 : memref<!tpu.dma_semaphore, #tpu.memory_space<semaphore_mem>>)
      } else {
      }
    }
    %scan3A_22 = arith.constant 32 : i32
    return
  }
}

#map = affine_map<(d0, d1) -> (0, 0)>
module attributes {stable_mosaic.version = 14 : i64} {
  func.func @_sc_gather_body(%arg0: i32, %arg1: i32, %arg2: memref<16384x128xf32, #tpu.memory_space<hbm>>, %arg3: memref<2048x128xi32, #tpu.memory_space<hbm>>, %arg4: memref<262144x128xf32, #tpu.memory_space<hbm>>, %arg5: memref<64x128xi32, #tpu.memory_space<vmem>>, %arg6: memref<128x128xf32, #tpu.memory_space<vmem>>, %arg7: memref<128x128xf32, #tpu.memory_space<vmem>>, %arg8: memref<!tpu.dma_semaphore, #tpu.memory_space<semaphore_mem>>, %arg9: memref<!tpu.dma_semaphore, #tpu.memory_space<semaphore_mem>>) attributes {dimension_semantics = [#tpu.dimension_semantics<core_parallel>, #tpu.dimension_semantics<subcore_parallel>], iteration_bounds = array<i64: 2, 16>, scalar_prefetch = 0 : i64, scratch_operands = 5 : i64, tpu.core_type = #tpu.core_type<sc_vector_subcore>, window_params = [{transform_indices = #map}, {transform_indices = #map}, {transform_indices = #map}]} {
    %mul3A = arith.constant 2 : i32
    %mul3A_0 = arith.muli %arg1, %mul3A : i32
    %add3A = arith.addi %mul3A_0, %arg0 : i32
    %mul3A_1 = arith.constant 512 : i32
    %mul3A_2 = arith.muli %add3A, %mul3A_1 : i32
    %mul3A_3 = arith.constant 64 : i32
    %mul3A_4 = arith.muli %add3A, %mul3A_3 : i32
    "tpu.region"() ({
      %run_scoped3A = tpu.sem_alloc : memref<!tpu.dma_semaphore, #tpu.memory_space<semaphore_mem>>
      %dma_start3A_23 = arith.constant 0 : i32
      %dma_start3A_24 = tpu.memref_slice %arg3[%mul3A_4, %dma_start3A_23] : memref<2048x128xi32, #tpu.memory_space<hbm>> -> memref<64x128xi32, #tpu.memory_space<hbm>>
      %dma_start3A_25 = arith.constant 0 : i32
      %dma_start3A_26 = tpu.memref_slice %arg3[%mul3A_4, %dma_start3A_25] : memref<2048x128xi32, #tpu.memory_space<hbm>> -> memref<64x128xi32, #tpu.memory_space<hbm>>
      tpu.enqueue_dma source(%dma_start3A_26 : memref<64x128xi32, #tpu.memory_space<hbm>>) target(%arg5 : memref<64x128xi32, #tpu.memory_space<vmem>>) target_semaphore(%run_scoped3A : memref<!tpu.dma_semaphore, #tpu.memory_space<semaphore_mem>>)
      %dma_wait3A = arith.constant 0 : i32
      %dma_wait3A_27 = tpu.memref_slice %arg3[%mul3A_4, %dma_wait3A] : memref<2048x128xi32, #tpu.memory_space<hbm>> -> memref<64x128xi32, #tpu.memory_space<hbm>>
      %dma_wait3A_28 = arith.constant 0 : i32
      %dma_wait3A_29 = tpu.memref_slice %arg3[%mul3A_4, %dma_wait3A_28] : memref<2048x128xi32, #tpu.memory_space<hbm>> -> memref<64x128xi32, #tpu.memory_space<hbm>>
      tpu.wait_dma2 semaphore(%run_scoped3A : memref<!tpu.dma_semaphore, #tpu.memory_space<semaphore_mem>>) src(%dma_wait3A_29 : memref<64x128xi32, #tpu.memory_space<hbm>>) dst(%arg5 : memref<64x128xi32, #tpu.memory_space<vmem>>)
      tpu.yield
    }) : () -> ()
    %dma_start3A = arith.constant 0 : i32
    %dma_start3A_5 = arith.constant 0 : i32
    %dma_start3A_6 = tpu.memref_slice %arg5[%dma_start3A, %dma_start3A_5] : memref<64x128xi32, #tpu.memory_space<vmem>> -> memref<1x128xi32, #tpu.memory_space<vmem>>
    %dma_start3A_7 = tpu.memref_squeeze %dma_start3A_6 : memref<1x128xi32, #tpu.memory_space<vmem>> -> memref<128xi32, #tpu.memory_space<vmem>>
    %dma_start3A_8 = arith.constant 0 : i32
    %dma_start3A_9 = arith.constant 0 : i32
    %dma_start3A_10 = tpu.memref_slice %arg2[%dma_start3A_8, %dma_start3A_9] : memref<16384x128xf32, #tpu.memory_space<hbm>> -> memref<16384x128xf32, #tpu.memory_space<hbm>>
    tpu.enqueue_indirect_dma source(%dma_start3A_10 : memref<16384x128xf32, #tpu.memory_space<hbm>>) target(%arg6 : memref<128x128xf32, #tpu.memory_space<vmem>>) offsets(%dma_start3A_7 : memref<128xi32, #tpu.memory_space<vmem>>) semaphore(%arg8 : memref<!tpu.dma_semaphore, #tpu.memory_space<semaphore_mem>>)
    %dma_start3A_11 = arith.constant 1 : i32
    %dma_start3A_12 = arith.constant 0 : i32
    %dma_start3A_13 = tpu.memref_slice %arg5[%dma_start3A_11, %dma_start3A_12] : memref<64x128xi32, #tpu.memory_space<vmem>> -> memref<1x128xi32, #tpu.memory_space<vmem>>
    %dma_start3A_14 = tpu.memref_squeeze %dma_start3A_13 : memref<1x128xi32, #tpu.memory_space<vmem>> -> memref<128xi32, #tpu.memory_space<vmem>>
    %dma_start3A_15 = arith.constant 0 : i32
    %dma_start3A_16 = arith.constant 0 : i32
    %dma_start3A_17 = tpu.memref_slice %arg2[%dma_start3A_15, %dma_start3A_16] : memref<16384x128xf32, #tpu.memory_space<hbm>> -> memref<16384x128xf32, #tpu.memory_space<hbm>>
    tpu.enqueue_indirect_dma source(%dma_start3A_17 : memref<16384x128xf32, #tpu.memory_space<hbm>>) target(%arg7 : memref<128x128xf32, #tpu.memory_space<vmem>>) offsets(%dma_start3A_14 : memref<128xi32, #tpu.memory_space<vmem>>) semaphore(%arg9 : memref<!tpu.dma_semaphore, #tpu.memory_space<semaphore_mem>>)
    %scan3A = arith.constant 0 : i32
    %scan3A_18 = arith.constant 0 : i32
    %scan3A_19 = arith.constant 32 : i32
    %scan3A_20 = arith.addi %scan3A_18, %scan3A_19 : i32
    %scan3A_21 = arith.constant 1 : i32
    scf.for %scan3A_23 = %scan3A_18 to %scan3A_20 step %scan3A_21  : i32 {
      %mul3A_24 = arith.constant 2 : i32
      %mul3A_25 = arith.muli %mul3A_24, %scan3A_23 : i32
      %add3A_26 = arith.constant 0 : i32
      %add3A_27 = arith.addi %mul3A_25, %add3A_26 : i32
      %dma_wait3A = arith.constant 0 : i32
      %dma_wait3A_28 = tpu.memref_slice %arg5[%add3A_27, %dma_wait3A] : memref<64x128xi32, #tpu.memory_space<vmem>> -> memref<1x128xi32, #tpu.memory_space<vmem>>
      %dma_wait3A_29 = tpu.memref_squeeze %dma_wait3A_28 : memref<1x128xi32, #tpu.memory_space<vmem>> -> memref<128xi32, #tpu.memory_space<vmem>>
      %dma_wait3A_30 = arith.constant 0 : i32
      %dma_wait3A_31 = arith.constant 0 : i32
      %dma_wait3A_32 = tpu.memref_slice %arg2[%dma_wait3A_30, %dma_wait3A_31] : memref<16384x128xf32, #tpu.memory_space<hbm>> -> memref<16384x128xf32, #tpu.memory_space<hbm>>
      tpu.wait_indirect_dma semaphore(%arg8 : memref<!tpu.dma_semaphore, #tpu.memory_space<semaphore_mem>>) src(%dma_wait3A_32 : memref<16384x128xf32, #tpu.memory_space<hbm>>) dst(%arg6 : memref<128x128xf32, #tpu.memory_space<vmem>>)
      %mul3A_33 = arith.constant 8 : i32
      %mul3A_34 = arith.muli %add3A_27, %mul3A_33 : i32
      %add3A_35 = arith.addi %mul3A_2, %mul3A_34 : i32
      %mul3A_36 = arith.constant 16 : i32
      %mul3A_37 = arith.muli %add3A_35, %mul3A_36 : i32
      "tpu.region"() ({
        %run_scoped3A = tpu.sem_alloc : memref<!tpu.dma_semaphore, #tpu.memory_space<semaphore_mem>>
        %dma_start3A_62 = arith.constant 0 : i32
        %dma_start3A_63 = tpu.memref_slice %arg4[%mul3A_37, %dma_start3A_62] : memref<262144x128xf32, #tpu.memory_space<hbm>> -> memref<128x128xf32, #tpu.memory_space<hbm>>
        %dma_start3A_64 = arith.constant 0 : i32
        %dma_start3A_65 = tpu.memref_slice %arg4[%mul3A_37, %dma_start3A_64] : memref<262144x128xf32, #tpu.memory_space<hbm>> -> memref<128x128xf32, #tpu.memory_space<hbm>>
        tpu.enqueue_dma source(%arg6 : memref<128x128xf32, #tpu.memory_space<vmem>>) target(%dma_start3A_65 : memref<128x128xf32, #tpu.memory_space<hbm>>) target_semaphore(%run_scoped3A : memref<!tpu.dma_semaphore, #tpu.memory_space<semaphore_mem>>)
        %dma_wait3A_66 = arith.constant 0 : i32
        %dma_wait3A_67 = tpu.memref_slice %arg4[%mul3A_37, %dma_wait3A_66] : memref<262144x128xf32, #tpu.memory_space<hbm>> -> memref<128x128xf32, #tpu.memory_space<hbm>>
        %dma_wait3A_68 = arith.constant 0 : i32
        %dma_wait3A_69 = tpu.memref_slice %arg4[%mul3A_37, %dma_wait3A_68] : memref<262144x128xf32, #tpu.memory_space<hbm>> -> memref<128x128xf32, #tpu.memory_space<hbm>>
        tpu.wait_dma2 semaphore(%run_scoped3A : memref<!tpu.dma_semaphore, #tpu.memory_space<semaphore_mem>>) src(%arg6 : memref<128x128xf32, #tpu.memory_space<vmem>>) dst(%dma_wait3A_69 : memref<128x128xf32, #tpu.memory_space<hbm>>)
        tpu.yield
      }) : () -> ()
      %add3A_38 = arith.constant 2 : i32
      %add3A_39 = arith.addi %add3A_27, %add3A_38 : i32
      %lt3A = arith.constant 64 : i32
      %lt3A_40 = arith.cmpi slt, %add3A_39, %lt3A : i32
      %convert_element_type3A = arith.extui %lt3A_40 : i1 to i32
      %cond3A = arith.constant 0 : i32
      %cond3A_41 = arith.cmpi ne, %convert_element_type3A, %cond3A : i32
      scf.if %cond3A_41 {
        %add3A_62 = arith.constant 2 : i32
        %add3A_63 = arith.addi %add3A_27, %add3A_62 : i32
        %dma_start3A_64 = arith.constant 0 : i32
        %dma_start3A_65 = tpu.memref_slice %arg5[%add3A_63, %dma_start3A_64] : memref<64x128xi32, #tpu.memory_space<vmem>> -> memref<1x128xi32, #tpu.memory_space<vmem>>
        %dma_start3A_66 = tpu.memref_squeeze %dma_start3A_65 : memref<1x128xi32, #tpu.memory_space<vmem>> -> memref<128xi32, #tpu.memory_space<vmem>>
        %dma_start3A_67 = arith.constant 0 : i32
        %dma_start3A_68 = arith.constant 0 : i32
        %dma_start3A_69 = tpu.memref_slice %arg2[%dma_start3A_67, %dma_start3A_68] : memref<16384x128xf32, #tpu.memory_space<hbm>> -> memref<16384x128xf32, #tpu.memory_space<hbm>>
        tpu.enqueue_indirect_dma source(%dma_start3A_69 : memref<16384x128xf32, #tpu.memory_space<hbm>>) target(%arg6 : memref<128x128xf32, #tpu.memory_space<vmem>>) offsets(%dma_start3A_66 : memref<128xi32, #tpu.memory_space<vmem>>) semaphore(%arg8 : memref<!tpu.dma_semaphore, #tpu.memory_space<semaphore_mem>>)
      } else {
      }
      %add3A_42 = arith.constant 1 : i32
      %add3A_43 = arith.addi %mul3A_25, %add3A_42 : i32
      %dma_wait3A_44 = arith.constant 0 : i32
      %dma_wait3A_45 = tpu.memref_slice %arg5[%add3A_43, %dma_wait3A_44] : memref<64x128xi32, #tpu.memory_space<vmem>> -> memref<1x128xi32, #tpu.memory_space<vmem>>
      %dma_wait3A_46 = tpu.memref_squeeze %dma_wait3A_45 : memref<1x128xi32, #tpu.memory_space<vmem>> -> memref<128xi32, #tpu.memory_space<vmem>>
      %dma_wait3A_47 = arith.constant 0 : i32
      %dma_wait3A_48 = arith.constant 0 : i32
      %dma_wait3A_49 = tpu.memref_slice %arg2[%dma_wait3A_47, %dma_wait3A_48] : memref<16384x128xf32, #tpu.memory_space<hbm>> -> memref<16384x128xf32, #tpu.memory_space<hbm>>
      tpu.wait_indirect_dma semaphore(%arg9 : memref<!tpu.dma_semaphore, #tpu.memory_space<semaphore_mem>>) src(%dma_wait3A_49 : memref<16384x128xf32, #tpu.memory_space<hbm>>) dst(%arg7 : memref<128x128xf32, #tpu.memory_space<vmem>>)
      %mul3A_50 = arith.constant 8 : i32
      %mul3A_51 = arith.muli %add3A_43, %mul3A_50 : i32
      %add3A_52 = arith.addi %mul3A_2, %mul3A_51 : i32
      %mul3A_53 = arith.constant 16 : i32
      %mul3A_54 = arith.muli %add3A_52, %mul3A_53 : i32
      "tpu.region"() ({
        %run_scoped3A = tpu.sem_alloc : memref<!tpu.dma_semaphore, #tpu.memory_space<semaphore_mem>>
        %dma_start3A_62 = arith.constant 0 : i32
        %dma_start3A_63 = tpu.memref_slice %arg4[%mul3A_54, %dma_start3A_62] : memref<262144x128xf32, #tpu.memory_space<hbm>> -> memref<128x128xf32, #tpu.memory_space<hbm>>
        %dma_start3A_64 = arith.constant 0 : i32
        %dma_start3A_65 = tpu.memref_slice %arg4[%mul3A_54, %dma_start3A_64] : memref<262144x128xf32, #tpu.memory_space<hbm>> -> memref<128x128xf32, #tpu.memory_space<hbm>>
        tpu.enqueue_dma source(%arg7 : memref<128x128xf32, #tpu.memory_space<vmem>>) target(%dma_start3A_65 : memref<128x128xf32, #tpu.memory_space<hbm>>) target_semaphore(%run_scoped3A : memref<!tpu.dma_semaphore, #tpu.memory_space<semaphore_mem>>)
        %dma_wait3A_66 = arith.constant 0 : i32
        %dma_wait3A_67 = tpu.memref_slice %arg4[%mul3A_54, %dma_wait3A_66] : memref<262144x128xf32, #tpu.memory_space<hbm>> -> memref<128x128xf32, #tpu.memory_space<hbm>>
        %dma_wait3A_68 = arith.constant 0 : i32
        %dma_wait3A_69 = tpu.memref_slice %arg4[%mul3A_54, %dma_wait3A_68] : memref<262144x128xf32, #tpu.memory_space<hbm>> -> memref<128x128xf32, #tpu.memory_space<hbm>>
        tpu.wait_dma2 semaphore(%run_scoped3A : memref<!tpu.dma_semaphore, #tpu.memory_space<semaphore_mem>>) src(%arg7 : memref<128x128xf32, #tpu.memory_space<vmem>>) dst(%dma_wait3A_69 : memref<128x128xf32, #tpu.memory_space<hbm>>)
        tpu.yield
      }) : () -> ()
      %add3A_55 = arith.constant 2 : i32
      %add3A_56 = arith.addi %add3A_43, %add3A_55 : i32
      %lt3A_57 = arith.constant 64 : i32
      %lt3A_58 = arith.cmpi slt, %add3A_56, %lt3A_57 : i32
      %convert_element_type3A_59 = arith.extui %lt3A_58 : i1 to i32
      %cond3A_60 = arith.constant 0 : i32
      %cond3A_61 = arith.cmpi ne, %convert_element_type3A_59, %cond3A_60 : i32
      scf.if %cond3A_61 {
        %add3A_62 = arith.constant 2 : i32
        %add3A_63 = arith.addi %add3A_43, %add3A_62 : i32
        %dma_start3A_64 = arith.constant 0 : i32
        %dma_start3A_65 = tpu.memref_slice %arg5[%add3A_63, %dma_start3A_64] : memref<64x128xi32, #tpu.memory_space<vmem>> -> memref<1x128xi32, #tpu.memory_space<vmem>>
        %dma_start3A_66 = tpu.memref_squeeze %dma_start3A_65 : memref<1x128xi32, #tpu.memory_space<vmem>> -> memref<128xi32, #tpu.memory_space<vmem>>
        %dma_start3A_67 = arith.constant 0 : i32
        %dma_start3A_68 = arith.constant 0 : i32
        %dma_start3A_69 = tpu.memref_slice %arg2[%dma_start3A_67, %dma_start3A_68] : memref<16384x128xf32, #tpu.memory_space<hbm>> -> memref<16384x128xf32, #tpu.memory_space<hbm>>
        tpu.enqueue_indirect_dma source(%dma_start3A_69 : memref<16384x128xf32, #tpu.memory_space<hbm>>) target(%arg7 : memref<128x128xf32, #tpu.memory_space<vmem>>) offsets(%dma_start3A_66 : memref<128xi32, #tpu.memory_space<vmem>>) semaphore(%arg9 : memref<!tpu.dma_semaphore, #tpu.memory_space<semaphore_mem>>)
      } else {
      }
    }
    %scan3A_22 = arith.constant 32 : i32
    return
  }
}

#map = affine_map<(d0, d1) -> (0, 0)>
module attributes {stable_mosaic.version = 14 : i64} {
  func.func @_sc_gather_body(%arg0: i32, %arg1: i32, %arg2: memref<16384x128xf32, #tpu.memory_space<hbm>>, %arg3: memref<2048x128xi32, #tpu.memory_space<hbm>>, %arg4: memref<262144x128xf32, #tpu.memory_space<hbm>>, %arg5: memref<64x128xi32, #tpu.memory_space<vmem>>, %arg6: memref<128x128xf32, #tpu.memory_space<vmem>>, %arg7: memref<128x128xf32, #tpu.memory_space<vmem>>, %arg8: memref<!tpu.dma_semaphore, #tpu.memory_space<semaphore_mem>>, %arg9: memref<!tpu.dma_semaphore, #tpu.memory_space<semaphore_mem>>) attributes {dimension_semantics = [#tpu.dimension_semantics<core_parallel>, #tpu.dimension_semantics<subcore_parallel>], iteration_bounds = array<i64: 2, 16>, scalar_prefetch = 0 : i64, scratch_operands = 5 : i64, tpu.core_type = #tpu.core_type<sc_vector_subcore>, window_params = [{transform_indices = #map}, {transform_indices = #map}, {transform_indices = #map}]} {
    %mul3A = arith.constant 2 : i32
    %mul3A_0 = arith.muli %arg1, %mul3A : i32
    %add3A = arith.addi %mul3A_0, %arg0 : i32
    %mul3A_1 = arith.constant 512 : i32
    %mul3A_2 = arith.muli %add3A, %mul3A_1 : i32
    %mul3A_3 = arith.constant 64 : i32
    %mul3A_4 = arith.muli %add3A, %mul3A_3 : i32
    "tpu.region"() ({
      %run_scoped3A = tpu.sem_alloc : memref<!tpu.dma_semaphore, #tpu.memory_space<semaphore_mem>>
      %dma_start3A_23 = arith.constant 0 : i32
      %dma_start3A_24 = tpu.memref_slice %arg3[%mul3A_4, %dma_start3A_23] : memref<2048x128xi32, #tpu.memory_space<hbm>> -> memref<64x128xi32, #tpu.memory_space<hbm>>
      %dma_start3A_25 = arith.constant 0 : i32
      %dma_start3A_26 = tpu.memref_slice %arg3[%mul3A_4, %dma_start3A_25] : memref<2048x128xi32, #tpu.memory_space<hbm>> -> memref<64x128xi32, #tpu.memory_space<hbm>>
      tpu.enqueue_dma source(%dma_start3A_26 : memref<64x128xi32, #tpu.memory_space<hbm>>) target(%arg5 : memref<64x128xi32, #tpu.memory_space<vmem>>) target_semaphore(%run_scoped3A : memref<!tpu.dma_semaphore, #tpu.memory_space<semaphore_mem>>)
      %dma_wait3A = arith.constant 0 : i32
      %dma_wait3A_27 = tpu.memref_slice %arg3[%mul3A_4, %dma_wait3A] : memref<2048x128xi32, #tpu.memory_space<hbm>> -> memref<64x128xi32, #tpu.memory_space<hbm>>
      %dma_wait3A_28 = arith.constant 0 : i32
      %dma_wait3A_29 = tpu.memref_slice %arg3[%mul3A_4, %dma_wait3A_28] : memref<2048x128xi32, #tpu.memory_space<hbm>> -> memref<64x128xi32, #tpu.memory_space<hbm>>
      tpu.wait_dma2 semaphore(%run_scoped3A : memref<!tpu.dma_semaphore, #tpu.memory_space<semaphore_mem>>) src(%dma_wait3A_29 : memref<64x128xi32, #tpu.memory_space<hbm>>) dst(%arg5 : memref<64x128xi32, #tpu.memory_space<vmem>>)
      tpu.yield
    }) : () -> ()
    %dma_start3A = arith.constant 0 : i32
    %dma_start3A_5 = arith.constant 0 : i32
    %dma_start3A_6 = tpu.memref_slice %arg5[%dma_start3A, %dma_start3A_5] : memref<64x128xi32, #tpu.memory_space<vmem>> -> memref<1x128xi32, #tpu.memory_space<vmem>>
    %dma_start3A_7 = tpu.memref_squeeze %dma_start3A_6 : memref<1x128xi32, #tpu.memory_space<vmem>> -> memref<128xi32, #tpu.memory_space<vmem>>
    %dma_start3A_8 = arith.constant 0 : i32
    %dma_start3A_9 = arith.constant 0 : i32
    %dma_start3A_10 = tpu.memref_slice %arg2[%dma_start3A_8, %dma_start3A_9] : memref<16384x128xf32, #tpu.memory_space<hbm>> -> memref<16384x128xf32, #tpu.memory_space<hbm>>
    tpu.enqueue_indirect_dma source(%dma_start3A_10 : memref<16384x128xf32, #tpu.memory_space<hbm>>) target(%arg6 : memref<128x128xf32, #tpu.memory_space<vmem>>) offsets(%dma_start3A_7 : memref<128xi32, #tpu.memory_space<vmem>>) semaphore(%arg8 : memref<!tpu.dma_semaphore, #tpu.memory_space<semaphore_mem>>)
    %dma_start3A_11 = arith.constant 1 : i32
    %dma_start3A_12 = arith.constant 0 : i32
    %dma_start3A_13 = tpu.memref_slice %arg5[%dma_start3A_11, %dma_start3A_12] : memref<64x128xi32, #tpu.memory_space<vmem>> -> memref<1x128xi32, #tpu.memory_space<vmem>>
    %dma_start3A_14 = tpu.memref_squeeze %dma_start3A_13 : memref<1x128xi32, #tpu.memory_space<vmem>> -> memref<128xi32, #tpu.memory_space<vmem>>
    %dma_start3A_15 = arith.constant 0 : i32
    %dma_start3A_16 = arith.constant 0 : i32
    %dma_start3A_17 = tpu.memref_slice %arg2[%dma_start3A_15, %dma_start3A_16] : memref<16384x128xf32, #tpu.memory_space<hbm>> -> memref<16384x128xf32, #tpu.memory_space<hbm>>
    tpu.enqueue_indirect_dma source(%dma_start3A_17 : memref<16384x128xf32, #tpu.memory_space<hbm>>) target(%arg7 : memref<128x128xf32, #tpu.memory_space<vmem>>) offsets(%dma_start3A_14 : memref<128xi32, #tpu.memory_space<vmem>>) semaphore(%arg9 : memref<!tpu.dma_semaphore, #tpu.memory_space<semaphore_mem>>)
    %scan3A = arith.constant 0 : i32
    %scan3A_18 = arith.constant 0 : i32
    %scan3A_19 = arith.constant 32 : i32
    %scan3A_20 = arith.addi %scan3A_18, %scan3A_19 : i32
    %scan3A_21 = arith.constant 1 : i32
    scf.for %scan3A_23 = %scan3A_18 to %scan3A_20 step %scan3A_21  : i32 {
      %mul3A_24 = arith.constant 2 : i32
      %mul3A_25 = arith.muli %mul3A_24, %scan3A_23 : i32
      %add3A_26 = arith.constant 0 : i32
      %add3A_27 = arith.addi %mul3A_25, %add3A_26 : i32
      %dma_wait3A = arith.constant 0 : i32
      %dma_wait3A_28 = tpu.memref_slice %arg5[%add3A_27, %dma_wait3A] : memref<64x128xi32, #tpu.memory_space<vmem>> -> memref<1x128xi32, #tpu.memory_space<vmem>>
      %dma_wait3A_29 = tpu.memref_squeeze %dma_wait3A_28 : memref<1x128xi32, #tpu.memory_space<vmem>> -> memref<128xi32, #tpu.memory_space<vmem>>
      %dma_wait3A_30 = arith.constant 0 : i32
      %dma_wait3A_31 = arith.constant 0 : i32
      %dma_wait3A_32 = tpu.memref_slice %arg2[%dma_wait3A_30, %dma_wait3A_31] : memref<16384x128xf32, #tpu.memory_space<hbm>> -> memref<16384x128xf32, #tpu.memory_space<hbm>>
      tpu.wait_indirect_dma semaphore(%arg8 : memref<!tpu.dma_semaphore, #tpu.memory_space<semaphore_mem>>) src(%dma_wait3A_32 : memref<16384x128xf32, #tpu.memory_space<hbm>>) dst(%arg6 : memref<128x128xf32, #tpu.memory_space<vmem>>)
      %mul3A_33 = arith.constant 8 : i32
      %mul3A_34 = arith.muli %add3A_27, %mul3A_33 : i32
      %add3A_35 = arith.addi %mul3A_2, %mul3A_34 : i32
      %mul3A_36 = arith.constant 16 : i32
      %mul3A_37 = arith.muli %add3A_35, %mul3A_36 : i32
      "tpu.region"() ({
        %run_scoped3A = tpu.sem_alloc : memref<!tpu.dma_semaphore, #tpu.memory_space<semaphore_mem>>
        %dma_start3A_62 = arith.constant 0 : i32
        %dma_start3A_63 = tpu.memref_slice %arg4[%mul3A_37, %dma_start3A_62] : memref<262144x128xf32, #tpu.memory_space<hbm>> -> memref<128x128xf32, #tpu.memory_space<hbm>>
        %dma_start3A_64 = arith.constant 0 : i32
        %dma_start3A_65 = tpu.memref_slice %arg4[%mul3A_37, %dma_start3A_64] : memref<262144x128xf32, #tpu.memory_space<hbm>> -> memref<128x128xf32, #tpu.memory_space<hbm>>
        tpu.enqueue_dma source(%arg6 : memref<128x128xf32, #tpu.memory_space<vmem>>) target(%dma_start3A_65 : memref<128x128xf32, #tpu.memory_space<hbm>>) target_semaphore(%run_scoped3A : memref<!tpu.dma_semaphore, #tpu.memory_space<semaphore_mem>>)
        %dma_wait3A_66 = arith.constant 0 : i32
        %dma_wait3A_67 = tpu.memref_slice %arg4[%mul3A_37, %dma_wait3A_66] : memref<262144x128xf32, #tpu.memory_space<hbm>> -> memref<128x128xf32, #tpu.memory_space<hbm>>
        %dma_wait3A_68 = arith.constant 0 : i32
        %dma_wait3A_69 = tpu.memref_slice %arg4[%mul3A_37, %dma_wait3A_68] : memref<262144x128xf32, #tpu.memory_space<hbm>> -> memref<128x128xf32, #tpu.memory_space<hbm>>
        tpu.wait_dma2 semaphore(%run_scoped3A : memref<!tpu.dma_semaphore, #tpu.memory_space<semaphore_mem>>) src(%arg6 : memref<128x128xf32, #tpu.memory_space<vmem>>) dst(%dma_wait3A_69 : memref<128x128xf32, #tpu.memory_space<hbm>>)
        tpu.yield
      }) : () -> ()
      %add3A_38 = arith.constant 2 : i32
      %add3A_39 = arith.addi %add3A_27, %add3A_38 : i32
      %lt3A = arith.constant 64 : i32
      %lt3A_40 = arith.cmpi slt, %add3A_39, %lt3A : i32
      %convert_element_type3A = arith.extui %lt3A_40 : i1 to i32
      %cond3A = arith.constant 0 : i32
      %cond3A_41 = arith.cmpi ne, %convert_element_type3A, %cond3A : i32
      scf.if %cond3A_41 {
        %add3A_62 = arith.constant 2 : i32
        %add3A_63 = arith.addi %add3A_27, %add3A_62 : i32
        %dma_start3A_64 = arith.constant 0 : i32
        %dma_start3A_65 = tpu.memref_slice %arg5[%add3A_63, %dma_start3A_64] : memref<64x128xi32, #tpu.memory_space<vmem>> -> memref<1x128xi32, #tpu.memory_space<vmem>>
        %dma_start3A_66 = tpu.memref_squeeze %dma_start3A_65 : memref<1x128xi32, #tpu.memory_space<vmem>> -> memref<128xi32, #tpu.memory_space<vmem>>
        %dma_start3A_67 = arith.constant 0 : i32
        %dma_start3A_68 = arith.constant 0 : i32
        %dma_start3A_69 = tpu.memref_slice %arg2[%dma_start3A_67, %dma_start3A_68] : memref<16384x128xf32, #tpu.memory_space<hbm>> -> memref<16384x128xf32, #tpu.memory_space<hbm>>
        tpu.enqueue_indirect_dma source(%dma_start3A_69 : memref<16384x128xf32, #tpu.memory_space<hbm>>) target(%arg6 : memref<128x128xf32, #tpu.memory_space<vmem>>) offsets(%dma_start3A_66 : memref<128xi32, #tpu.memory_space<vmem>>) semaphore(%arg8 : memref<!tpu.dma_semaphore, #tpu.memory_space<semaphore_mem>>)
      } else {
      }
      %add3A_42 = arith.constant 1 : i32
      %add3A_43 = arith.addi %mul3A_25, %add3A_42 : i32
      %dma_wait3A_44 = arith.constant 0 : i32
      %dma_wait3A_45 = tpu.memref_slice %arg5[%add3A_43, %dma_wait3A_44] : memref<64x128xi32, #tpu.memory_space<vmem>> -> memref<1x128xi32, #tpu.memory_space<vmem>>
      %dma_wait3A_46 = tpu.memref_squeeze %dma_wait3A_45 : memref<1x128xi32, #tpu.memory_space<vmem>> -> memref<128xi32, #tpu.memory_space<vmem>>
      %dma_wait3A_47 = arith.constant 0 : i32
      %dma_wait3A_48 = arith.constant 0 : i32
      %dma_wait3A_49 = tpu.memref_slice %arg2[%dma_wait3A_47, %dma_wait3A_48] : memref<16384x128xf32, #tpu.memory_space<hbm>> -> memref<16384x128xf32, #tpu.memory_space<hbm>>
      tpu.wait_indirect_dma semaphore(%arg9 : memref<!tpu.dma_semaphore, #tpu.memory_space<semaphore_mem>>) src(%dma_wait3A_49 : memref<16384x128xf32, #tpu.memory_space<hbm>>) dst(%arg7 : memref<128x128xf32, #tpu.memory_space<vmem>>)
      %mul3A_50 = arith.constant 8 : i32
      %mul3A_51 = arith.muli %add3A_43, %mul3A_50 : i32
      %add3A_52 = arith.addi %mul3A_2, %mul3A_51 : i32
      %mul3A_53 = arith.constant 16 : i32
      %mul3A_54 = arith.muli %add3A_52, %mul3A_53 : i32
      "tpu.region"() ({
        %run_scoped3A = tpu.sem_alloc : memref<!tpu.dma_semaphore, #tpu.memory_space<semaphore_mem>>
        %dma_start3A_62 = arith.constant 0 : i32
        %dma_start3A_63 = tpu.memref_slice %arg4[%mul3A_54, %dma_start3A_62] : memref<262144x128xf32, #tpu.memory_space<hbm>> -> memref<128x128xf32, #tpu.memory_space<hbm>>
        %dma_start3A_64 = arith.constant 0 : i32
        %dma_start3A_65 = tpu.memref_slice %arg4[%mul3A_54, %dma_start3A_64] : memref<262144x128xf32, #tpu.memory_space<hbm>> -> memref<128x128xf32, #tpu.memory_space<hbm>>
        tpu.enqueue_dma source(%arg7 : memref<128x128xf32, #tpu.memory_space<vmem>>) target(%dma_start3A_65 : memref<128x128xf32, #tpu.memory_space<hbm>>) target_semaphore(%run_scoped3A : memref<!tpu.dma_semaphore, #tpu.memory_space<semaphore_mem>>)
        %dma_wait3A_66 = arith.constant 0 : i32
        %dma_wait3A_67 = tpu.memref_slice %arg4[%mul3A_54, %dma_wait3A_66] : memref<262144x128xf32, #tpu.memory_space<hbm>> -> memref<128x128xf32, #tpu.memory_space<hbm>>
        %dma_wait3A_68 = arith.constant 0 : i32
        %dma_wait3A_69 = tpu.memref_slice %arg4[%mul3A_54, %dma_wait3A_68] : memref<262144x128xf32, #tpu.memory_space<hbm>> -> memref<128x128xf32, #tpu.memory_space<hbm>>
        tpu.wait_dma2 semaphore(%run_scoped3A : memref<!tpu.dma_semaphore, #tpu.memory_space<semaphore_mem>>) src(%arg7 : memref<128x128xf32, #tpu.memory_space<vmem>>) dst(%dma_wait3A_69 : memref<128x128xf32, #tpu.memory_space<hbm>>)
        tpu.yield
      }) : () -> ()
      %add3A_55 = arith.constant 2 : i32
      %add3A_56 = arith.addi %add3A_43, %add3A_55 : i32
      %lt3A_57 = arith.constant 64 : i32
      %lt3A_58 = arith.cmpi slt, %add3A_56, %lt3A_57 : i32
      %convert_element_type3A_59 = arith.extui %lt3A_58 : i1 to i32
      %cond3A_60 = arith.constant 0 : i32
      %cond3A_61 = arith.cmpi ne, %convert_element_type3A_59, %cond3A_60 : i32
      scf.if %cond3A_61 {
        %add3A_62 = arith.constant 2 : i32
        %add3A_63 = arith.addi %add3A_43, %add3A_62 : i32
        %dma_start3A_64 = arith.constant 0 : i32
        %dma_start3A_65 = tpu.memref_slice %arg5[%add3A_63, %dma_start3A_64] : memref<64x128xi32, #tpu.memory_space<vmem>> -> memref<1x128xi32, #tpu.memory_space<vmem>>
        %dma_start3A_66 = tpu.memref_squeeze %dma_start3A_65 : memref<1x128xi32, #tpu.memory_space<vmem>> -> memref<128xi32, #tpu.memory_space<vmem>>
        %dma_start3A_67 = arith.constant 0 : i32
        %dma_start3A_68 = arith.constant 0 : i32
        %dma_start3A_69 = tpu.memref_slice %arg2[%dma_start3A_67, %dma_start3A_68] : memref<16384x128xf32, #tpu.memory_space<hbm>> -> memref<16384x128xf32, #tpu.memory_space<hbm>>
        tpu.enqueue_indirect_dma source(%dma_start3A_69 : memref<16384x128xf32, #tpu.memory_space<hbm>>) target(%arg7 : memref<128x128xf32, #tpu.memory_space<vmem>>) offsets(%dma_start3A_66 : memref<128xi32, #tpu.memory_space<vmem>>) semaphore(%arg9 : memref<!tpu.dma_semaphore, #tpu.memory_space<semaphore_mem>>)
      } else {
      }
    }
    %scan3A_22 = arith.constant 32 : i32
    return
  }
}

module attributes {stable_mosaic.version = 14 : i64} {
  func.func @_knn_body(%arg0: i32, %arg1: i32, %arg2: memref<1x512x3xf32, #tpu.memory_space<vmem>>, %arg3: memref<1x3x4096xf32, #tpu.memory_space<vmem>>, %arg4: memref<1x512x16xi32, #tpu.memory_space<vmem>>) attributes {dimension_semantics = [#tpu.dimension_semantics<arbitrary>, #tpu.dimension_semantics<arbitrary>], iteration_bounds = array<i64: 4, 8>, scalar_prefetch = 0 : i64, scratch_operands = 0 : i64, tpu.core_type = #tpu.core_type<tc>, window_params = [{transform_indices = @transform_0, window_bounds = array<i64: 1, 512, 3>}, {transform_indices = @transform_1, window_bounds = array<i64: 1, 3, 4096>}, {transform_indices = @transform_2, window_bounds = array<i64: 1, 512, 16>}]} {
    %get3A = arith.constant 0 : index
    %get3A_0 = arith.constant 0 : index
    %get3A_1 = arith.constant 0 : index
    %get3A_2 = vector.load %arg2[%get3A, %get3A_0, %get3A_1] : memref<1x512x3xf32, #tpu.memory_space<vmem>>, vector<1x512x3xf32>
    %get3A_3 = vector.shape_cast %get3A_2 : vector<1x512x3xf32> to vector<512x3xf32>
    %get3A_4 = arith.constant 0 : index
    %get3A_5 = arith.constant 0 : index
    %get3A_6 = arith.constant 0 : index
    %get3A_7 = vector.load %arg3[%get3A_4, %get3A_5, %get3A_6] : memref<1x3x4096xf32, #tpu.memory_space<vmem>>, vector<1x3x4096xf32>
    %get3A_8 = vector.shape_cast %get3A_7 : vector<1x3x4096xf32> to vector<3x4096xf32>
    %slice3A = vector.extract_strided_slice %get3A_3 {offsets = [0, 0], sizes = [512, 1], strides = [1, 1]} : vector<512x3xf32> to vector<512x1xf32>
    %slice3A_9 = vector.extract_strided_slice %get3A_3 {offsets = [0, 0], sizes = [512, 1], strides = [1, 1]} : vector<512x3xf32> to vector<512x1xf32>
    %mul3A = arith.mulf %slice3A, %slice3A_9 : vector<512x1xf32>
    %slice3A_10 = vector.extract_strided_slice %get3A_3 {offsets = [0, 2], sizes = [512, 1], strides = [1, 1]} : vector<512x3xf32> to vector<512x1xf32>
    %slice3A_11 = vector.extract_strided_slice %get3A_3 {offsets = [0, 2], sizes = [512, 1], strides = [1, 1]} : vector<512x3xf32> to vector<512x1xf32>
    %mul3A_12 = arith.mulf %slice3A_10, %slice3A_11 : vector<512x1xf32>
    %add3A = arith.addf %mul3A, %mul3A_12 : vector<512x1xf32>
    %slice3A_13 = vector.extract_strided_slice %get3A_3 {offsets = [0, 1], sizes = [512, 1], strides = [1, 1]} : vector<512x3xf32> to vector<512x1xf32>
    %slice3A_14 = vector.extract_strided_slice %get3A_3 {offsets = [0, 1], sizes = [512, 1], strides = [1, 1]} : vector<512x3xf32> to vector<512x1xf32>
    %mul3A_15 = arith.mulf %slice3A_13, %slice3A_14 : vector<512x1xf32>
    %add3A_16 = arith.addf %add3A, %mul3A_15 : vector<512x1xf32>
    %slice3A_17 = vector.extract_strided_slice %get3A_8 {offsets = [0, 0], sizes = [1, 4096], strides = [1, 1]} : vector<3x4096xf32> to vector<1x4096xf32>
    %slice3A_18 = vector.extract_strided_slice %get3A_8 {offsets = [0, 0], sizes = [1, 4096], strides = [1, 1]} : vector<3x4096xf32> to vector<1x4096xf32>
    %mul3A_19 = arith.mulf %slice3A_17, %slice3A_18 : vector<1x4096xf32>
    %slice3A_20 = vector.extract_strided_slice %get3A_8 {offsets = [2, 0], sizes = [1, 4096], strides = [1, 1]} : vector<3x4096xf32> to vector<1x4096xf32>
    %slice3A_21 = vector.extract_strided_slice %get3A_8 {offsets = [2, 0], sizes = [1, 4096], strides = [1, 1]} : vector<3x4096xf32> to vector<1x4096xf32>
    %mul3A_22 = arith.mulf %slice3A_20, %slice3A_21 : vector<1x4096xf32>
    %add3A_23 = arith.addf %mul3A_19, %mul3A_22 : vector<1x4096xf32>
    %slice3A_24 = vector.extract_strided_slice %get3A_8 {offsets = [1, 0], sizes = [1, 4096], strides = [1, 1]} : vector<3x4096xf32> to vector<1x4096xf32>
    %slice3A_25 = vector.extract_strided_slice %get3A_8 {offsets = [1, 0], sizes = [1, 4096], strides = [1, 1]} : vector<3x4096xf32> to vector<1x4096xf32>
    %mul3A_26 = arith.mulf %slice3A_24, %slice3A_25 : vector<1x4096xf32>
    %add3A_27 = arith.addf %add3A_23, %mul3A_26 : vector<1x4096xf32>
    %add3A_28 = vector.broadcast %add3A_16 : vector<512x1xf32> to vector<512x4096xf32>
    %add3A_29 = vector.broadcast %add3A_27 : vector<1x4096xf32> to vector<512x4096xf32>
    %add3A_30 = arith.addf %add3A_28, %add3A_29 : vector<512x4096xf32>
    %dot_general3A = arith.constant dense<0.000000e+00> : vector<512x4096xf32>
    %dot_general3A_31 = tpu.matmul %get3A_3, %get3A_8, %dot_general3A {dimension_numbers = #tpu.dot_dimension_numbers<[1], [0], [0], [1], [0, 0, 1, 1], [], []>, transpose_lhs_hint = false} : vector<512x3xf32>, vector<3x4096xf32>, vector<512x4096xf32> -> vector<512x4096xf32>
    %mul3A_32 = arith.constant 2.000000e+00 : f32
    %mul3A_33 = vector.broadcast %mul3A_32 : f32 to vector<512x4096xf32>
    %mul3A_34 = arith.mulf %mul3A_33, %dot_general3A_31 : vector<512x4096xf32>
    %sub3A = arith.subf %add3A_30, %mul3A_34 : vector<512x4096xf32>
    %iota3A = tpu.iota {dimensions = array<i32: 1>} : vector<512x4096xi32>
    %iota3A_35 = tpu.iota {dimensions = array<i32: 1>} : vector<512x16xi32>
    %broadcast_in_dim3A = arith.constant 0 : i32
    %broadcast_in_dim3A_36 = vector.broadcast %broadcast_in_dim3A : i32 to vector<512x16xi32>
    %reduce_min3A = arith.constant dense<0x7F800000> : vector<512xf32>
    %reduce_min3A_37 = vector.multi_reduction <minimumf>, %sub3A, %reduce_min3A [1] : vector<512x4096xf32> to vector<512xf32>
    %broadcast_in_dim3A_38 = vector.shape_cast %reduce_min3A_37 : vector<512xf32> to vector<512x1xf32>
    %eq3A = vector.broadcast %broadcast_in_dim3A_38 : vector<512x1xf32> to vector<512x4096xf32>
    %eq3A_39 = arith.cmpf oeq, %sub3A, %eq3A : vector<512x4096xf32>
    %jit3A = arith.constant 1073741824 : i32
    %broadcast_in_dim3A_40 = vector.broadcast %jit3A : i32 to vector<512x4096xi32>
    %select_n3A = arith.select %eq3A_39, %iota3A, %broadcast_in_dim3A_40 : vector<512x4096xi1>, vector<512x4096xi32>
    %reduce_min3A_41 = arith.constant dense<2147483647> : vector<512xi32>
    %reduce_min3A_42 = vector.multi_reduction <minsi>, %select_n3A, %reduce_min3A_41 [1] : vector<512x4096xi32> to vector<512xi32>
    %broadcast_in_dim3A_43 = vector.shape_cast %reduce_min3A_42 : vector<512xi32> to vector<512x1xi32>
    %eq3A_44 = arith.constant 0 : i32
    %eq3A_45 = vector.broadcast %eq3A_44 : i32 to vector<512x16xi32>
    %eq3A_46 = arith.cmpi eq, %iota3A_35, %eq3A_45 : vector<512x16xi32>
    %broadcast_in_dim3A_47 = vector.shape_cast %broadcast_in_dim3A_43 : vector<512x1xi32> to vector<512x1xi32>
    %broadcast_in_dim3A_48 = vector.broadcast %broadcast_in_dim3A_47 : vector<512x1xi32> to vector<512x16xi32>
    %select_n3A_49 = arith.select %eq3A_46, %broadcast_in_dim3A_48, %broadcast_in_dim3A_36 : vector<512x16xi1>, vector<512x16xi32>
    %eq3A_50 = vector.broadcast %broadcast_in_dim3A_43 : vector<512x1xi32> to vector<512x4096xi32>
    %eq3A_51 = arith.cmpi eq, %iota3A, %eq3A_50 : vector<512x4096xi32>
    %jit3A_52 = arith.constant 0x7F800000 : f32
    %broadcast_in_dim3A_53 = vector.broadcast %jit3A_52 : f32 to vector<512x4096xf32>
    %select_n3A_54 = arith.select %eq3A_51, %broadcast_in_dim3A_53, %sub3A : vector<512x4096xi1>, vector<512x4096xf32>
    %reduce_min3A_55 = arith.constant dense<0x7F800000> : vector<512xf32>
    %reduce_min3A_56 = vector.multi_reduction <minimumf>, %select_n3A_54, %reduce_min3A_55 [1] : vector<512x4096xf32> to vector<512xf32>
    %broadcast_in_dim3A_57 = vector.shape_cast %reduce_min3A_56 : vector<512xf32> to vector<512x1xf32>
    %eq3A_58 = vector.broadcast %broadcast_in_dim3A_57 : vector<512x1xf32> to vector<512x4096xf32>
    %eq3A_59 = arith.cmpf oeq, %select_n3A_54, %eq3A_58 : vector<512x4096xf32>
    %jit3A_60 = arith.constant 1073741824 : i32
    %broadcast_in_dim3A_61 = vector.broadcast %jit3A_60 : i32 to vector<512x4096xi32>
    %select_n3A_62 = arith.select %eq3A_59, %iota3A, %broadcast_in_dim3A_61 : vector<512x4096xi1>, vector<512x4096xi32>
    %reduce_min3A_63 = arith.constant dense<2147483647> : vector<512xi32>
    %reduce_min3A_64 = vector.multi_reduction <minsi>, %select_n3A_62, %reduce_min3A_63 [1] : vector<512x4096xi32> to vector<512xi32>
    %broadcast_in_dim3A_65 = vector.shape_cast %reduce_min3A_64 : vector<512xi32> to vector<512x1xi32>
    %eq3A_66 = arith.constant 1 : i32
    %eq3A_67 = vector.broadcast %eq3A_66 : i32 to vector<512x16xi32>
    %eq3A_68 = arith.cmpi eq, %iota3A_35, %eq3A_67 : vector<512x16xi32>
    %broadcast_in_dim3A_69 = vector.shape_cast %broadcast_in_dim3A_65 : vector<512x1xi32> to vector<512x1xi32>
    %broadcast_in_dim3A_70 = vector.broadcast %broadcast_in_dim3A_69 : vector<512x1xi32> to vector<512x16xi32>
    %select_n3A_71 = arith.select %eq3A_68, %broadcast_in_dim3A_70, %select_n3A_49 : vector<512x16xi1>, vector<512x16xi32>
    %eq3A_72 = vector.broadcast %broadcast_in_dim3A_65 : vector<512x1xi32> to vector<512x4096xi32>
    %eq3A_73 = arith.cmpi eq, %iota3A, %eq3A_72 : vector<512x4096xi32>
    %jit3A_74 = arith.constant 0x7F800000 : f32
    %broadcast_in_dim3A_75 = vector.broadcast %jit3A_74 : f32 to vector<512x4096xf32>
    %select_n3A_76 = arith.select %eq3A_73, %broadcast_in_dim3A_75, %select_n3A_54 : vector<512x4096xi1>, vector<512x4096xf32>
    %reduce_min3A_77 = arith.constant dense<0x7F800000> : vector<512xf32>
    %reduce_min3A_78 = vector.multi_reduction <minimumf>, %select_n3A_76, %reduce_min3A_77 [1] : vector<512x4096xf32> to vector<512xf32>
    %broadcast_in_dim3A_79 = vector.shape_cast %reduce_min3A_78 : vector<512xf32> to vector<512x1xf32>
    %eq3A_80 = vector.broadcast %broadcast_in_dim3A_79 : vector<512x1xf32> to vector<512x4096xf32>
    %eq3A_81 = arith.cmpf oeq, %select_n3A_76, %eq3A_80 : vector<512x4096xf32>
    %jit3A_82 = arith.constant 1073741824 : i32
    %broadcast_in_dim3A_83 = vector.broadcast %jit3A_82 : i32 to vector<512x4096xi32>
    %select_n3A_84 = arith.select %eq3A_81, %iota3A, %broadcast_in_dim3A_83 : vector<512x4096xi1>, vector<512x4096xi32>
    %reduce_min3A_85 = arith.constant dense<2147483647> : vector<512xi32>
    %reduce_min3A_86 = vector.multi_reduction <minsi>, %select_n3A_84, %reduce_min3A_85 [1] : vector<512x4096xi32> to vector<512xi32>
    %broadcast_in_dim3A_87 = vector.shape_cast %reduce_min3A_86 : vector<512xi32> to vector<512x1xi32>
    %eq3A_88 = arith.constant 2 : i32
    %eq3A_89 = vector.broadcast %eq3A_88 : i32 to vector<512x16xi32>
    %eq3A_90 = arith.cmpi eq, %iota3A_35, %eq3A_89 : vector<512x16xi32>
    %broadcast_in_dim3A_91 = vector.shape_cast %broadcast_in_dim3A_87 : vector<512x1xi32> to vector<512x1xi32>
    %broadcast_in_dim3A_92 = vector.broadcast %broadcast_in_dim3A_91 : vector<512x1xi32> to vector<512x16xi32>
    %select_n3A_93 = arith.select %eq3A_90, %broadcast_in_dim3A_92, %select_n3A_71 : vector<512x16xi1>, vector<512x16xi32>
    %eq3A_94 = vector.broadcast %broadcast_in_dim3A_87 : vector<512x1xi32> to vector<512x4096xi32>
    %eq3A_95 = arith.cmpi eq, %iota3A, %eq3A_94 : vector<512x4096xi32>
    %jit3A_96 = arith.constant 0x7F800000 : f32
    %broadcast_in_dim3A_97 = vector.broadcast %jit3A_96 : f32 to vector<512x4096xf32>
    %select_n3A_98 = arith.select %eq3A_95, %broadcast_in_dim3A_97, %select_n3A_76 : vector<512x4096xi1>, vector<512x4096xf32>
    %reduce_min3A_99 = arith.constant dense<0x7F800000> : vector<512xf32>
    %reduce_min3A_100 = vector.multi_reduction <minimumf>, %select_n3A_98, %reduce_min3A_99 [1] : vector<512x4096xf32> to vector<512xf32>
    %broadcast_in_dim3A_101 = vector.shape_cast %reduce_min3A_100 : vector<512xf32> to vector<512x1xf32>
    %eq3A_102 = vector.broadcast %broadcast_in_dim3A_101 : vector<512x1xf32> to vector<512x4096xf32>
    %eq3A_103 = arith.cmpf oeq, %select_n3A_98, %eq3A_102 : vector<512x4096xf32>
    %jit3A_104 = arith.constant 1073741824 : i32
    %broadcast_in_dim3A_105 = vector.broadcast %jit3A_104 : i32 to vector<512x4096xi32>
    %select_n3A_106 = arith.select %eq3A_103, %iota3A, %broadcast_in_dim3A_105 : vector<512x4096xi1>, vector<512x4096xi32>
    %reduce_min3A_107 = arith.constant dense<2147483647> : vector<512xi32>
    %reduce_min3A_108 = vector.multi_reduction <minsi>, %select_n3A_106, %reduce_min3A_107 [1] : vector<512x4096xi32> to vector<512xi32>
    %broadcast_in_dim3A_109 = vector.shape_cast %reduce_min3A_108 : vector<512xi32> to vector<512x1xi32>
    %eq3A_110 = arith.constant 3 : i32
    %eq3A_111 = vector.broadcast %eq3A_110 : i32 to vector<512x16xi32>
    %eq3A_112 = arith.cmpi eq, %iota3A_35, %eq3A_111 : vector<512x16xi32>
    %broadcast_in_dim3A_113 = vector.shape_cast %broadcast_in_dim3A_109 : vector<512x1xi32> to vector<512x1xi32>
    %broadcast_in_dim3A_114 = vector.broadcast %broadcast_in_dim3A_113 : vector<512x1xi32> to vector<512x16xi32>
    %select_n3A_115 = arith.select %eq3A_112, %broadcast_in_dim3A_114, %select_n3A_93 : vector<512x16xi1>, vector<512x16xi32>
    %eq3A_116 = vector.broadcast %broadcast_in_dim3A_109 : vector<512x1xi32> to vector<512x4096xi32>
    %eq3A_117 = arith.cmpi eq, %iota3A, %eq3A_116 : vector<512x4096xi32>
    %jit3A_118 = arith.constant 0x7F800000 : f32
    %broadcast_in_dim3A_119 = vector.broadcast %jit3A_118 : f32 to vector<512x4096xf32>
    %select_n3A_120 = arith.select %eq3A_117, %broadcast_in_dim3A_119, %select_n3A_98 : vector<512x4096xi1>, vector<512x4096xf32>
    %reduce_min3A_121 = arith.constant dense<0x7F800000> : vector<512xf32>
    %reduce_min3A_122 = vector.multi_reduction <minimumf>, %select_n3A_120, %reduce_min3A_121 [1] : vector<512x4096xf32> to vector<512xf32>
    %broadcast_in_dim3A_123 = vector.shape_cast %reduce_min3A_122 : vector<512xf32> to vector<512x1xf32>
    %eq3A_124 = vector.broadcast %broadcast_in_dim3A_123 : vector<512x1xf32> to vector<512x4096xf32>
    %eq3A_125 = arith.cmpf oeq, %select_n3A_120, %eq3A_124 : vector<512x4096xf32>
    %jit3A_126 = arith.constant 1073741824 : i32
    %broadcast_in_dim3A_127 = vector.broadcast %jit3A_126 : i32 to vector<512x4096xi32>
    %select_n3A_128 = arith.select %eq3A_125, %iota3A, %broadcast_in_dim3A_127 : vector<512x4096xi1>, vector<512x4096xi32>
    %reduce_min3A_129 = arith.constant dense<2147483647> : vector<512xi32>
    %reduce_min3A_130 = vector.multi_reduction <minsi>, %select_n3A_128, %reduce_min3A_129 [1] : vector<512x4096xi32> to vector<512xi32>
    %broadcast_in_dim3A_131 = vector.shape_cast %reduce_min3A_130 : vector<512xi32> to vector<512x1xi32>
    %eq3A_132 = arith.constant 4 : i32
    %eq3A_133 = vector.broadcast %eq3A_132 : i32 to vector<512x16xi32>
    %eq3A_134 = arith.cmpi eq, %iota3A_35, %eq3A_133 : vector<512x16xi32>
    %broadcast_in_dim3A_135 = vector.shape_cast %broadcast_in_dim3A_131 : vector<512x1xi32> to vector<512x1xi32>
    %broadcast_in_dim3A_136 = vector.broadcast %broadcast_in_dim3A_135 : vector<512x1xi32> to vector<512x16xi32>
    %select_n3A_137 = arith.select %eq3A_134, %broadcast_in_dim3A_136, %select_n3A_115 : vector<512x16xi1>, vector<512x16xi32>
    %eq3A_138 = vector.broadcast %broadcast_in_dim3A_131 : vector<512x1xi32> to vector<512x4096xi32>
    %eq3A_139 = arith.cmpi eq, %iota3A, %eq3A_138 : vector<512x4096xi32>
    %jit3A_140 = arith.constant 0x7F800000 : f32
    %broadcast_in_dim3A_141 = vector.broadcast %jit3A_140 : f32 to vector<512x4096xf32>
    %select_n3A_142 = arith.select %eq3A_139, %broadcast_in_dim3A_141, %select_n3A_120 : vector<512x4096xi1>, vector<512x4096xf32>
    %reduce_min3A_143 = arith.constant dense<0x7F800000> : vector<512xf32>
    %reduce_min3A_144 = vector.multi_reduction <minimumf>, %select_n3A_142, %reduce_min3A_143 [1] : vector<512x4096xf32> to vector<512xf32>
    %broadcast_in_dim3A_145 = vector.shape_cast %reduce_min3A_144 : vector<512xf32> to vector<512x1xf32>
    %eq3A_146 = vector.broadcast %broadcast_in_dim3A_145 : vector<512x1xf32> to vector<512x4096xf32>
    %eq3A_147 = arith.cmpf oeq, %select_n3A_142, %eq3A_146 : vector<512x4096xf32>
    %jit3A_148 = arith.constant 1073741824 : i32
    %broadcast_in_dim3A_149 = vector.broadcast %jit3A_148 : i32 to vector<512x4096xi32>
    %select_n3A_150 = arith.select %eq3A_147, %iota3A, %broadcast_in_dim3A_149 : vector<512x4096xi1>, vector<512x4096xi32>
    %reduce_min3A_151 = arith.constant dense<2147483647> : vector<512xi32>
    %reduce_min3A_152 = vector.multi_reduction <minsi>, %select_n3A_150, %reduce_min3A_151 [1] : vector<512x4096xi32> to vector<512xi32>
    %broadcast_in_dim3A_153 = vector.shape_cast %reduce_min3A_152 : vector<512xi32> to vector<512x1xi32>
    %eq3A_154 = arith.constant 5 : i32
    %eq3A_155 = vector.broadcast %eq3A_154 : i32 to vector<512x16xi32>
    %eq3A_156 = arith.cmpi eq, %iota3A_35, %eq3A_155 : vector<512x16xi32>
    %broadcast_in_dim3A_157 = vector.shape_cast %broadcast_in_dim3A_153 : vector<512x1xi32> to vector<512x1xi32>
    %broadcast_in_dim3A_158 = vector.broadcast %broadcast_in_dim3A_157 : vector<512x1xi32> to vector<512x16xi32>
    %select_n3A_159 = arith.select %eq3A_156, %broadcast_in_dim3A_158, %select_n3A_137 : vector<512x16xi1>, vector<512x16xi32>
    %eq3A_160 = vector.broadcast %broadcast_in_dim3A_153 : vector<512x1xi32> to vector<512x4096xi32>
    %eq3A_161 = arith.cmpi eq, %iota3A, %eq3A_160 : vector<512x4096xi32>
    %jit3A_162 = arith.constant 0x7F800000 : f32
    %broadcast_in_dim3A_163 = vector.broadcast %jit3A_162 : f32 to vector<512x4096xf32>
    %select_n3A_164 = arith.select %eq3A_161, %broadcast_in_dim3A_163, %select_n3A_142 : vector<512x4096xi1>, vector<512x4096xf32>
    %reduce_min3A_165 = arith.constant dense<0x7F800000> : vector<512xf32>
    %reduce_min3A_166 = vector.multi_reduction <minimumf>, %select_n3A_164, %reduce_min3A_165 [1] : vector<512x4096xf32> to vector<512xf32>
    %broadcast_in_dim3A_167 = vector.shape_cast %reduce_min3A_166 : vector<512xf32> to vector<512x1xf32>
    %eq3A_168 = vector.broadcast %broadcast_in_dim3A_167 : vector<512x1xf32> to vector<512x4096xf32>
    %eq3A_169 = arith.cmpf oeq, %select_n3A_164, %eq3A_168 : vector<512x4096xf32>
    %jit3A_170 = arith.constant 1073741824 : i32
    %broadcast_in_dim3A_171 = vector.broadcast %jit3A_170 : i32 to vector<512x4096xi32>
    %select_n3A_172 = arith.select %eq3A_169, %iota3A, %broadcast_in_dim3A_171 : vector<512x4096xi1>, vector<512x4096xi32>
    %reduce_min3A_173 = arith.constant dense<2147483647> : vector<512xi32>
    %reduce_min3A_174 = vector.multi_reduction <minsi>, %select_n3A_172, %reduce_min3A_173 [1] : vector<512x4096xi32> to vector<512xi32>
    %broadcast_in_dim3A_175 = vector.shape_cast %reduce_min3A_174 : vector<512xi32> to vector<512x1xi32>
    %eq3A_176 = arith.constant 6 : i32
    %eq3A_177 = vector.broadcast %eq3A_176 : i32 to vector<512x16xi32>
    %eq3A_178 = arith.cmpi eq, %iota3A_35, %eq3A_177 : vector<512x16xi32>
    %broadcast_in_dim3A_179 = vector.shape_cast %broadcast_in_dim3A_175 : vector<512x1xi32> to vector<512x1xi32>
    %broadcast_in_dim3A_180 = vector.broadcast %broadcast_in_dim3A_179 : vector<512x1xi32> to vector<512x16xi32>
    %select_n3A_181 = arith.select %eq3A_178, %broadcast_in_dim3A_180, %select_n3A_159 : vector<512x16xi1>, vector<512x16xi32>
    %eq3A_182 = vector.broadcast %broadcast_in_dim3A_175 : vector<512x1xi32> to vector<512x4096xi32>
    %eq3A_183 = arith.cmpi eq, %iota3A, %eq3A_182 : vector<512x4096xi32>
    %jit3A_184 = arith.constant 0x7F800000 : f32
    %broadcast_in_dim3A_185 = vector.broadcast %jit3A_184 : f32 to vector<512x4096xf32>
    %select_n3A_186 = arith.select %eq3A_183, %broadcast_in_dim3A_185, %select_n3A_164 : vector<512x4096xi1>, vector<512x4096xf32>
    %reduce_min3A_187 = arith.constant dense<0x7F800000> : vector<512xf32>
    %reduce_min3A_188 = vector.multi_reduction <minimumf>, %select_n3A_186, %reduce_min3A_187 [1] : vector<512x4096xf32> to vector<512xf32>
    %broadcast_in_dim3A_189 = vector.shape_cast %reduce_min3A_188 : vector<512xf32> to vector<512x1xf32>
    %eq3A_190 = vector.broadcast %broadcast_in_dim3A_189 : vector<512x1xf32> to vector<512x4096xf32>
    %eq3A_191 = arith.cmpf oeq, %select_n3A_186, %eq3A_190 : vector<512x4096xf32>
    %jit3A_192 = arith.constant 1073741824 : i32
    %broadcast_in_dim3A_193 = vector.broadcast %jit3A_192 : i32 to vector<512x4096xi32>
    %select_n3A_194 = arith.select %eq3A_191, %iota3A, %broadcast_in_dim3A_193 : vector<512x4096xi1>, vector<512x4096xi32>
    %reduce_min3A_195 = arith.constant dense<2147483647> : vector<512xi32>
    %reduce_min3A_196 = vector.multi_reduction <minsi>, %select_n3A_194, %reduce_min3A_195 [1] : vector<512x4096xi32> to vector<512xi32>
    %broadcast_in_dim3A_197 = vector.shape_cast %reduce_min3A_196 : vector<512xi32> to vector<512x1xi32>
    %eq3A_198 = arith.constant 7 : i32
    %eq3A_199 = vector.broadcast %eq3A_198 : i32 to vector<512x16xi32>
    %eq3A_200 = arith.cmpi eq, %iota3A_35, %eq3A_199 : vector<512x16xi32>
    %broadcast_in_dim3A_201 = vector.shape_cast %broadcast_in_dim3A_197 : vector<512x1xi32> to vector<512x1xi32>
    %broadcast_in_dim3A_202 = vector.broadcast %broadcast_in_dim3A_201 : vector<512x1xi32> to vector<512x16xi32>
    %select_n3A_203 = arith.select %eq3A_200, %broadcast_in_dim3A_202, %select_n3A_181 : vector<512x16xi1>, vector<512x16xi32>
    %eq3A_204 = vector.broadcast %broadcast_in_dim3A_197 : vector<512x1xi32> to vector<512x4096xi32>
    %eq3A_205 = arith.cmpi eq, %iota3A, %eq3A_204 : vector<512x4096xi32>
    %jit3A_206 = arith.constant 0x7F800000 : f32
    %broadcast_in_dim3A_207 = vector.broadcast %jit3A_206 : f32 to vector<512x4096xf32>
    %select_n3A_208 = arith.select %eq3A_205, %broadcast_in_dim3A_207, %select_n3A_186 : vector<512x4096xi1>, vector<512x4096xf32>
    %reduce_min3A_209 = arith.constant dense<0x7F800000> : vector<512xf32>
    %reduce_min3A_210 = vector.multi_reduction <minimumf>, %select_n3A_208, %reduce_min3A_209 [1] : vector<512x4096xf32> to vector<512xf32>
    %broadcast_in_dim3A_211 = vector.shape_cast %reduce_min3A_210 : vector<512xf32> to vector<512x1xf32>
    %eq3A_212 = vector.broadcast %broadcast_in_dim3A_211 : vector<512x1xf32> to vector<512x4096xf32>
    %eq3A_213 = arith.cmpf oeq, %select_n3A_208, %eq3A_212 : vector<512x4096xf32>
    %jit3A_214 = arith.constant 1073741824 : i32
    %broadcast_in_dim3A_215 = vector.broadcast %jit3A_214 : i32 to vector<512x4096xi32>
    %select_n3A_216 = arith.select %eq3A_213, %iota3A, %broadcast_in_dim3A_215 : vector<512x4096xi1>, vector<512x4096xi32>
    %reduce_min3A_217 = arith.constant dense<2147483647> : vector<512xi32>
    %reduce_min3A_218 = vector.multi_reduction <minsi>, %select_n3A_216, %reduce_min3A_217 [1] : vector<512x4096xi32> to vector<512xi32>
    %broadcast_in_dim3A_219 = vector.shape_cast %reduce_min3A_218 : vector<512xi32> to vector<512x1xi32>
    %eq3A_220 = arith.constant 8 : i32
    %eq3A_221 = vector.broadcast %eq3A_220 : i32 to vector<512x16xi32>
    %eq3A_222 = arith.cmpi eq, %iota3A_35, %eq3A_221 : vector<512x16xi32>
    %broadcast_in_dim3A_223 = vector.shape_cast %broadcast_in_dim3A_219 : vector<512x1xi32> to vector<512x1xi32>
    %broadcast_in_dim3A_224 = vector.broadcast %broadcast_in_dim3A_223 : vector<512x1xi32> to vector<512x16xi32>
    %select_n3A_225 = arith.select %eq3A_222, %broadcast_in_dim3A_224, %select_n3A_203 : vector<512x16xi1>, vector<512x16xi32>
    %eq3A_226 = vector.broadcast %broadcast_in_dim3A_219 : vector<512x1xi32> to vector<512x4096xi32>
    %eq3A_227 = arith.cmpi eq, %iota3A, %eq3A_226 : vector<512x4096xi32>
    %jit3A_228 = arith.constant 0x7F800000 : f32
    %broadcast_in_dim3A_229 = vector.broadcast %jit3A_228 : f32 to vector<512x4096xf32>
    %select_n3A_230 = arith.select %eq3A_227, %broadcast_in_dim3A_229, %select_n3A_208 : vector<512x4096xi1>, vector<512x4096xf32>
    %reduce_min3A_231 = arith.constant dense<0x7F800000> : vector<512xf32>
    %reduce_min3A_232 = vector.multi_reduction <minimumf>, %select_n3A_230, %reduce_min3A_231 [1] : vector<512x4096xf32> to vector<512xf32>
    %broadcast_in_dim3A_233 = vector.shape_cast %reduce_min3A_232 : vector<512xf32> to vector<512x1xf32>
    %eq3A_234 = vector.broadcast %broadcast_in_dim3A_233 : vector<512x1xf32> to vector<512x4096xf32>
    %eq3A_235 = arith.cmpf oeq, %select_n3A_230, %eq3A_234 : vector<512x4096xf32>
    %jit3A_236 = arith.constant 1073741824 : i32
    %broadcast_in_dim3A_237 = vector.broadcast %jit3A_236 : i32 to vector<512x4096xi32>
    %select_n3A_238 = arith.select %eq3A_235, %iota3A, %broadcast_in_dim3A_237 : vector<512x4096xi1>, vector<512x4096xi32>
    %reduce_min3A_239 = arith.constant dense<2147483647> : vector<512xi32>
    %reduce_min3A_240 = vector.multi_reduction <minsi>, %select_n3A_238, %reduce_min3A_239 [1] : vector<512x4096xi32> to vector<512xi32>
    %broadcast_in_dim3A_241 = vector.shape_cast %reduce_min3A_240 : vector<512xi32> to vector<512x1xi32>
    %eq3A_242 = arith.constant 9 : i32
    %eq3A_243 = vector.broadcast %eq3A_242 : i32 to vector<512x16xi32>
    %eq3A_244 = arith.cmpi eq, %iota3A_35, %eq3A_243 : vector<512x16xi32>
    %broadcast_in_dim3A_245 = vector.shape_cast %broadcast_in_dim3A_241 : vector<512x1xi32> to vector<512x1xi32>
    %broadcast_in_dim3A_246 = vector.broadcast %broadcast_in_dim3A_245 : vector<512x1xi32> to vector<512x16xi32>
    %select_n3A_247 = arith.select %eq3A_244, %broadcast_in_dim3A_246, %select_n3A_225 : vector<512x16xi1>, vector<512x16xi32>
    %eq3A_248 = vector.broadcast %broadcast_in_dim3A_241 : vector<512x1xi32> to vector<512x4096xi32>
    %eq3A_249 = arith.cmpi eq, %iota3A, %eq3A_248 : vector<512x4096xi32>
    %jit3A_250 = arith.constant 0x7F800000 : f32
    %broadcast_in_dim3A_251 = vector.broadcast %jit3A_250 : f32 to vector<512x4096xf32>
    %select_n3A_252 = arith.select %eq3A_249, %broadcast_in_dim3A_251, %select_n3A_230 : vector<512x4096xi1>, vector<512x4096xf32>
    %reduce_min3A_253 = arith.constant dense<0x7F800000> : vector<512xf32>
    %reduce_min3A_254 = vector.multi_reduction <minimumf>, %select_n3A_252, %reduce_min3A_253 [1] : vector<512x4096xf32> to vector<512xf32>
    %broadcast_in_dim3A_255 = vector.shape_cast %reduce_min3A_254 : vector<512xf32> to vector<512x1xf32>
    %eq3A_256 = vector.broadcast %broadcast_in_dim3A_255 : vector<512x1xf32> to vector<512x4096xf32>
    %eq3A_257 = arith.cmpf oeq, %select_n3A_252, %eq3A_256 : vector<512x4096xf32>
    %jit3A_258 = arith.constant 1073741824 : i32
    %broadcast_in_dim3A_259 = vector.broadcast %jit3A_258 : i32 to vector<512x4096xi32>
    %select_n3A_260 = arith.select %eq3A_257, %iota3A, %broadcast_in_dim3A_259 : vector<512x4096xi1>, vector<512x4096xi32>
    %reduce_min3A_261 = arith.constant dense<2147483647> : vector<512xi32>
    %reduce_min3A_262 = vector.multi_reduction <minsi>, %select_n3A_260, %reduce_min3A_261 [1] : vector<512x4096xi32> to vector<512xi32>
    %broadcast_in_dim3A_263 = vector.shape_cast %reduce_min3A_262 : vector<512xi32> to vector<512x1xi32>
    %eq3A_264 = arith.constant 10 : i32
    %eq3A_265 = vector.broadcast %eq3A_264 : i32 to vector<512x16xi32>
    %eq3A_266 = arith.cmpi eq, %iota3A_35, %eq3A_265 : vector<512x16xi32>
    %broadcast_in_dim3A_267 = vector.shape_cast %broadcast_in_dim3A_263 : vector<512x1xi32> to vector<512x1xi32>
    %broadcast_in_dim3A_268 = vector.broadcast %broadcast_in_dim3A_267 : vector<512x1xi32> to vector<512x16xi32>
    %select_n3A_269 = arith.select %eq3A_266, %broadcast_in_dim3A_268, %select_n3A_247 : vector<512x16xi1>, vector<512x16xi32>
    %eq3A_270 = vector.broadcast %broadcast_in_dim3A_263 : vector<512x1xi32> to vector<512x4096xi32>
    %eq3A_271 = arith.cmpi eq, %iota3A, %eq3A_270 : vector<512x4096xi32>
    %jit3A_272 = arith.constant 0x7F800000 : f32
    %broadcast_in_dim3A_273 = vector.broadcast %jit3A_272 : f32 to vector<512x4096xf32>
    %select_n3A_274 = arith.select %eq3A_271, %broadcast_in_dim3A_273, %select_n3A_252 : vector<512x4096xi1>, vector<512x4096xf32>
    %reduce_min3A_275 = arith.constant dense<0x7F800000> : vector<512xf32>
    %reduce_min3A_276 = vector.multi_reduction <minimumf>, %select_n3A_274, %reduce_min3A_275 [1] : vector<512x4096xf32> to vector<512xf32>
    %broadcast_in_dim3A_277 = vector.shape_cast %reduce_min3A_276 : vector<512xf32> to vector<512x1xf32>
    %eq3A_278 = vector.broadcast %broadcast_in_dim3A_277 : vector<512x1xf32> to vector<512x4096xf32>
    %eq3A_279 = arith.cmpf oeq, %select_n3A_274, %eq3A_278 : vector<512x4096xf32>
    %jit3A_280 = arith.constant 1073741824 : i32
    %broadcast_in_dim3A_281 = vector.broadcast %jit3A_280 : i32 to vector<512x4096xi32>
    %select_n3A_282 = arith.select %eq3A_279, %iota3A, %broadcast_in_dim3A_281 : vector<512x4096xi1>, vector<512x4096xi32>
    %reduce_min3A_283 = arith.constant dense<2147483647> : vector<512xi32>
    %reduce_min3A_284 = vector.multi_reduction <minsi>, %select_n3A_282, %reduce_min3A_283 [1] : vector<512x4096xi32> to vector<512xi32>
    %broadcast_in_dim3A_285 = vector.shape_cast %reduce_min3A_284 : vector<512xi32> to vector<512x1xi32>
    %eq3A_286 = arith.constant 11 : i32
    %eq3A_287 = vector.broadcast %eq3A_286 : i32 to vector<512x16xi32>
    %eq3A_288 = arith.cmpi eq, %iota3A_35, %eq3A_287 : vector<512x16xi32>
    %broadcast_in_dim3A_289 = vector.shape_cast %broadcast_in_dim3A_285 : vector<512x1xi32> to vector<512x1xi32>
    %broadcast_in_dim3A_290 = vector.broadcast %broadcast_in_dim3A_289 : vector<512x1xi32> to vector<512x16xi32>
    %select_n3A_291 = arith.select %eq3A_288, %broadcast_in_dim3A_290, %select_n3A_269 : vector<512x16xi1>, vector<512x16xi32>
    %eq3A_292 = vector.broadcast %broadcast_in_dim3A_285 : vector<512x1xi32> to vector<512x4096xi32>
    %eq3A_293 = arith.cmpi eq, %iota3A, %eq3A_292 : vector<512x4096xi32>
    %jit3A_294 = arith.constant 0x7F800000 : f32
    %broadcast_in_dim3A_295 = vector.broadcast %jit3A_294 : f32 to vector<512x4096xf32>
    %select_n3A_296 = arith.select %eq3A_293, %broadcast_in_dim3A_295, %select_n3A_274 : vector<512x4096xi1>, vector<512x4096xf32>
    %reduce_min3A_297 = arith.constant dense<0x7F800000> : vector<512xf32>
    %reduce_min3A_298 = vector.multi_reduction <minimumf>, %select_n3A_296, %reduce_min3A_297 [1] : vector<512x4096xf32> to vector<512xf32>
    %broadcast_in_dim3A_299 = vector.shape_cast %reduce_min3A_298 : vector<512xf32> to vector<512x1xf32>
    %eq3A_300 = vector.broadcast %broadcast_in_dim3A_299 : vector<512x1xf32> to vector<512x4096xf32>
    %eq3A_301 = arith.cmpf oeq, %select_n3A_296, %eq3A_300 : vector<512x4096xf32>
    %jit3A_302 = arith.constant 1073741824 : i32
    %broadcast_in_dim3A_303 = vector.broadcast %jit3A_302 : i32 to vector<512x4096xi32>
    %select_n3A_304 = arith.select %eq3A_301, %iota3A, %broadcast_in_dim3A_303 : vector<512x4096xi1>, vector<512x4096xi32>
    %reduce_min3A_305 = arith.constant dense<2147483647> : vector<512xi32>
    %reduce_min3A_306 = vector.multi_reduction <minsi>, %select_n3A_304, %reduce_min3A_305 [1] : vector<512x4096xi32> to vector<512xi32>
    %broadcast_in_dim3A_307 = vector.shape_cast %reduce_min3A_306 : vector<512xi32> to vector<512x1xi32>
    %eq3A_308 = arith.constant 12 : i32
    %eq3A_309 = vector.broadcast %eq3A_308 : i32 to vector<512x16xi32>
    %eq3A_310 = arith.cmpi eq, %iota3A_35, %eq3A_309 : vector<512x16xi32>
    %broadcast_in_dim3A_311 = vector.shape_cast %broadcast_in_dim3A_307 : vector<512x1xi32> to vector<512x1xi32>
    %broadcast_in_dim3A_312 = vector.broadcast %broadcast_in_dim3A_311 : vector<512x1xi32> to vector<512x16xi32>
    %select_n3A_313 = arith.select %eq3A_310, %broadcast_in_dim3A_312, %select_n3A_291 : vector<512x16xi1>, vector<512x16xi32>
    %eq3A_314 = vector.broadcast %broadcast_in_dim3A_307 : vector<512x1xi32> to vector<512x4096xi32>
    %eq3A_315 = arith.cmpi eq, %iota3A, %eq3A_314 : vector<512x4096xi32>
    %jit3A_316 = arith.constant 0x7F800000 : f32
    %broadcast_in_dim3A_317 = vector.broadcast %jit3A_316 : f32 to vector<512x4096xf32>
    %select_n3A_318 = arith.select %eq3A_315, %broadcast_in_dim3A_317, %select_n3A_296 : vector<512x4096xi1>, vector<512x4096xf32>
    %reduce_min3A_319 = arith.constant dense<0x7F800000> : vector<512xf32>
    %reduce_min3A_320 = vector.multi_reduction <minimumf>, %select_n3A_318, %reduce_min3A_319 [1] : vector<512x4096xf32> to vector<512xf32>
    %broadcast_in_dim3A_321 = vector.shape_cast %reduce_min3A_320 : vector<512xf32> to vector<512x1xf32>
    %eq3A_322 = vector.broadcast %broadcast_in_dim3A_321 : vector<512x1xf32> to vector<512x4096xf32>
    %eq3A_323 = arith.cmpf oeq, %select_n3A_318, %eq3A_322 : vector<512x4096xf32>
    %jit3A_324 = arith.constant 1073741824 : i32
    %broadcast_in_dim3A_325 = vector.broadcast %jit3A_324 : i32 to vector<512x4096xi32>
    %select_n3A_326 = arith.select %eq3A_323, %iota3A, %broadcast_in_dim3A_325 : vector<512x4096xi1>, vector<512x4096xi32>
    %reduce_min3A_327 = arith.constant dense<2147483647> : vector<512xi32>
    %reduce_min3A_328 = vector.multi_reduction <minsi>, %select_n3A_326, %reduce_min3A_327 [1] : vector<512x4096xi32> to vector<512xi32>
    %broadcast_in_dim3A_329 = vector.shape_cast %reduce_min3A_328 : vector<512xi32> to vector<512x1xi32>
    %eq3A_330 = arith.constant 13 : i32
    %eq3A_331 = vector.broadcast %eq3A_330 : i32 to vector<512x16xi32>
    %eq3A_332 = arith.cmpi eq, %iota3A_35, %eq3A_331 : vector<512x16xi32>
    %broadcast_in_dim3A_333 = vector.shape_cast %broadcast_in_dim3A_329 : vector<512x1xi32> to vector<512x1xi32>
    %broadcast_in_dim3A_334 = vector.broadcast %broadcast_in_dim3A_333 : vector<512x1xi32> to vector<512x16xi32>
    %select_n3A_335 = arith.select %eq3A_332, %broadcast_in_dim3A_334, %select_n3A_313 : vector<512x16xi1>, vector<512x16xi32>
    %eq3A_336 = vector.broadcast %broadcast_in_dim3A_329 : vector<512x1xi32> to vector<512x4096xi32>
    %eq3A_337 = arith.cmpi eq, %iota3A, %eq3A_336 : vector<512x4096xi32>
    %jit3A_338 = arith.constant 0x7F800000 : f32
    %broadcast_in_dim3A_339 = vector.broadcast %jit3A_338 : f32 to vector<512x4096xf32>
    %select_n3A_340 = arith.select %eq3A_337, %broadcast_in_dim3A_339, %select_n3A_318 : vector<512x4096xi1>, vector<512x4096xf32>
    %reduce_min3A_341 = arith.constant dense<0x7F800000> : vector<512xf32>
    %reduce_min3A_342 = vector.multi_reduction <minimumf>, %select_n3A_340, %reduce_min3A_341 [1] : vector<512x4096xf32> to vector<512xf32>
    %broadcast_in_dim3A_343 = vector.shape_cast %reduce_min3A_342 : vector<512xf32> to vector<512x1xf32>
    %eq3A_344 = vector.broadcast %broadcast_in_dim3A_343 : vector<512x1xf32> to vector<512x4096xf32>
    %eq3A_345 = arith.cmpf oeq, %select_n3A_340, %eq3A_344 : vector<512x4096xf32>
    %jit3A_346 = arith.constant 1073741824 : i32
    %broadcast_in_dim3A_347 = vector.broadcast %jit3A_346 : i32 to vector<512x4096xi32>
    %select_n3A_348 = arith.select %eq3A_345, %iota3A, %broadcast_in_dim3A_347 : vector<512x4096xi1>, vector<512x4096xi32>
    %reduce_min3A_349 = arith.constant dense<2147483647> : vector<512xi32>
    %reduce_min3A_350 = vector.multi_reduction <minsi>, %select_n3A_348, %reduce_min3A_349 [1] : vector<512x4096xi32> to vector<512xi32>
    %broadcast_in_dim3A_351 = vector.shape_cast %reduce_min3A_350 : vector<512xi32> to vector<512x1xi32>
    %eq3A_352 = arith.constant 14 : i32
    %eq3A_353 = vector.broadcast %eq3A_352 : i32 to vector<512x16xi32>
    %eq3A_354 = arith.cmpi eq, %iota3A_35, %eq3A_353 : vector<512x16xi32>
    %broadcast_in_dim3A_355 = vector.shape_cast %broadcast_in_dim3A_351 : vector<512x1xi32> to vector<512x1xi32>
    %broadcast_in_dim3A_356 = vector.broadcast %broadcast_in_dim3A_355 : vector<512x1xi32> to vector<512x16xi32>
    %select_n3A_357 = arith.select %eq3A_354, %broadcast_in_dim3A_356, %select_n3A_335 : vector<512x16xi1>, vector<512x16xi32>
    %eq3A_358 = vector.broadcast %broadcast_in_dim3A_351 : vector<512x1xi32> to vector<512x4096xi32>
    %eq3A_359 = arith.cmpi eq, %iota3A, %eq3A_358 : vector<512x4096xi32>
    %jit3A_360 = arith.constant 0x7F800000 : f32
    %broadcast_in_dim3A_361 = vector.broadcast %jit3A_360 : f32 to vector<512x4096xf32>
    %select_n3A_362 = arith.select %eq3A_359, %broadcast_in_dim3A_361, %select_n3A_340 : vector<512x4096xi1>, vector<512x4096xf32>
    %reduce_min3A_363 = arith.constant dense<0x7F800000> : vector<512xf32>
    %reduce_min3A_364 = vector.multi_reduction <minimumf>, %select_n3A_362, %reduce_min3A_363 [1] : vector<512x4096xf32> to vector<512xf32>
    %broadcast_in_dim3A_365 = vector.shape_cast %reduce_min3A_364 : vector<512xf32> to vector<512x1xf32>
    %eq3A_366 = vector.broadcast %broadcast_in_dim3A_365 : vector<512x1xf32> to vector<512x4096xf32>
    %eq3A_367 = arith.cmpf oeq, %select_n3A_362, %eq3A_366 : vector<512x4096xf32>
    %jit3A_368 = arith.constant 1073741824 : i32
    %broadcast_in_dim3A_369 = vector.broadcast %jit3A_368 : i32 to vector<512x4096xi32>
    %select_n3A_370 = arith.select %eq3A_367, %iota3A, %broadcast_in_dim3A_369 : vector<512x4096xi1>, vector<512x4096xi32>
    %reduce_min3A_371 = arith.constant dense<2147483647> : vector<512xi32>
    %reduce_min3A_372 = vector.multi_reduction <minsi>, %select_n3A_370, %reduce_min3A_371 [1] : vector<512x4096xi32> to vector<512xi32>
    %broadcast_in_dim3A_373 = vector.shape_cast %reduce_min3A_372 : vector<512xi32> to vector<512x1xi32>
    %eq3A_374 = arith.constant 15 : i32
    %eq3A_375 = vector.broadcast %eq3A_374 : i32 to vector<512x16xi32>
    %eq3A_376 = arith.cmpi eq, %iota3A_35, %eq3A_375 : vector<512x16xi32>
    %broadcast_in_dim3A_377 = vector.shape_cast %broadcast_in_dim3A_373 : vector<512x1xi32> to vector<512x1xi32>
    %broadcast_in_dim3A_378 = vector.broadcast %broadcast_in_dim3A_377 : vector<512x1xi32> to vector<512x16xi32>
    %select_n3A_379 = arith.select %eq3A_376, %broadcast_in_dim3A_378, %select_n3A_357 : vector<512x16xi1>, vector<512x16xi32>
    %mul3A_380 = arith.constant 4096 : i32
    %mul3A_381 = arith.muli %arg0, %mul3A_380 : i32
    %add3A_382 = vector.broadcast %mul3A_381 : i32 to vector<512x16xi32>
    %add3A_383 = arith.addi %select_n3A_379, %add3A_382 : vector<512x16xi32>
    %swap3A = arith.constant 0 : index
    %swap3A_384 = arith.constant 0 : index
    %swap3A_385 = arith.constant 0 : index
    %swap3A_386 = vector.load %arg4[%swap3A, %swap3A_384, %swap3A_385] : memref<1x512x16xi32, #tpu.memory_space<vmem>>, vector<1x512x16xi32>
    %swap3A_387 = vector.shape_cast %swap3A_386 : vector<1x512x16xi32> to vector<512x16xi32>
    %swap3A_388 = vector.shape_cast %add3A_383 : vector<512x16xi32> to vector<1x512x16xi32>
    tpu.vector_store %arg4[%swap3A, %swap3A_384, %swap3A_385], %swap3A_388 {strides = array<i32>} : memref<1x512x16xi32, #tpu.memory_space<vmem>>, vector<1x512x16xi32>,
    return
  }
  func.func @transform_0(%arg0: i32, %arg1: i32) -> (i32, i32, i32) {
    %c0_i32 = arith.constant 0 : i32
    %c0_i32_0 = arith.constant 0 : i32
    return %arg0, %arg1, %c0_i32 : i32, i32, i32
  }
  func.func @transform_1(%arg0: i32, %arg1: i32) -> (i32, i32, i32) {
    %c0_i32 = arith.constant 0 : i32
    %c0_i32_0 = arith.constant 0 : i32
    %c0_i32_1 = arith.constant 0 : i32
    return %arg0, %c0_i32, %c0_i32_0 : i32, i32, i32
  }
  func.func @transform_2(%arg0: i32, %arg1: i32) -> (i32, i32, i32) {
    %c0_i32 = arith.constant 0 : i32
    %c0_i32_0 = arith.constant 0 : i32
    return %arg0, %arg1, %c0_i32 : i32, i32, i32
  }
}

module attributes {stable_mosaic.version = 14 : i64} {
  func.func @_stem_body(%arg0: i32, %arg1: memref<2048x3xf32, #tpu.memory_space<vmem>>, %arg2: memref<3x128xf32, #tpu.memory_space<vmem>>, %arg3: memref<1x128xf32, #tpu.memory_space<vmem>>, %arg4: memref<1x128xf32, #tpu.memory_space<vmem>>, %arg5: memref<128x128xf32, #tpu.memory_space<vmem>>, %arg6: memref<1x128xf32, #tpu.memory_space<vmem>>, %arg7: memref<1x128xf32, #tpu.memory_space<vmem>>, %arg8: memref<2048x128xf32, #tpu.memory_space<vmem>>) attributes {dimension_semantics = [#tpu.dimension_semantics<arbitrary>], iteration_bounds = array<i64: 8>, scalar_prefetch = 0 : i64, scratch_operands = 0 : i64, tpu.core_type = #tpu.core_type<tc>, window_params = [{transform_indices = @transform_0, window_bounds = array<i64: 2048, 3>}, {pipeline_mode = #tpu.pipeline_mode<synchronous>, transform_indices = @transform_1, window_bounds = array<i64: 3, 128>}, {pipeline_mode = #tpu.pipeline_mode<synchronous>, transform_indices = @transform_2, window_bounds = array<i64: 1, 128>}, {pipeline_mode = #tpu.pipeline_mode<synchronous>, transform_indices = @transform_3, window_bounds = array<i64: 1, 128>}, {pipeline_mode = #tpu.pipeline_mode<synchronous>, transform_indices = @transform_4, window_bounds = array<i64: 128, 128>}, {pipeline_mode = #tpu.pipeline_mode<synchronous>, transform_indices = @transform_5, window_bounds = array<i64: 1, 128>}, {pipeline_mode = #tpu.pipeline_mode<synchronous>, transform_indices = @transform_6, window_bounds = array<i64: 1, 128>}, {transform_indices = @transform_7, window_bounds = array<i64: 2048, 128>}]} {
    %get3A = arith.constant 0 : index
    %get3A_0 = arith.constant 0 : index
    %get3A_1 = vector.load %arg1[%get3A, %get3A_0] : memref<2048x3xf32, #tpu.memory_space<vmem>>, vector<2048x3xf32>
    %get3A_2 = arith.constant 0 : index
    %get3A_3 = arith.constant 0 : index
    %get3A_4 = vector.load %arg2[%get3A_2, %get3A_3] : memref<3x128xf32, #tpu.memory_space<vmem>>, vector<3x128xf32>
    %dot_general3A = arith.constant dense<0.000000e+00> : vector<2048x128xf32>
    %dot_general3A_5 = tpu.matmul %get3A_1, %get3A_4, %dot_general3A {dimension_numbers = #tpu.dot_dimension_numbers<[1], [0], [0], [1], [0, 0, 1, 1], [], []>, transpose_lhs_hint = false} : vector<2048x3xf32>, vector<3x128xf32>, vector<2048x128xf32> -> vector<2048x128xf32>
    %get3A_6 = arith.constant 0 : index
    %get3A_7 = arith.constant 0 : index
    %get3A_8 = vector.load %arg3[%get3A_6, %get3A_7] : memref<1x128xf32, #tpu.memory_space<vmem>>, vector<1x128xf32>
    %get3A_9 = arith.constant 0 : index
    %get3A_10 = arith.constant 0 : index
    %get3A_11 = vector.load %arg4[%get3A_9, %get3A_10] : memref<1x128xf32, #tpu.memory_space<vmem>>, vector<1x128xf32>
    %reduce_sum3A = arith.constant dense<0.000000e+00> : vector<2048xf32>
    %reduce_sum3A_12 = vector.multi_reduction <add>, %dot_general3A_5, %reduce_sum3A [1] : vector<2048x128xf32> to vector<2048xf32>
    %broadcast_in_dim3A = vector.shape_cast %reduce_sum3A_12 : vector<2048xf32> to vector<2048x1xf32>
    %div3A = arith.constant 1.280000e+02 : f32
    %div3A_13 = vector.broadcast %div3A : f32 to vector<2048x1xf32>
    %div3A_14 = arith.divf %broadcast_in_dim3A, %div3A_13 : vector<2048x1xf32>
    %sub3A = vector.broadcast %div3A_14 : vector<2048x1xf32> to vector<2048x128xf32>
    %sub3A_15 = arith.subf %dot_general3A_5, %sub3A : vector<2048x128xf32>
    %sub3A_16 = vector.broadcast %div3A_14 : vector<2048x1xf32> to vector<2048x128xf32>
    %sub3A_17 = arith.subf %dot_general3A_5, %sub3A_16 : vector<2048x128xf32>
    %mul3A = arith.mulf %sub3A_15, %sub3A_17 : vector<2048x128xf32>
    %reduce_sum3A_18 = arith.constant dense<0.000000e+00> : vector<2048xf32>
    %reduce_sum3A_19 = vector.multi_reduction <add>, %mul3A, %reduce_sum3A_18 [1] : vector<2048x128xf32> to vector<2048xf32>
    %broadcast_in_dim3A_20 = vector.shape_cast %reduce_sum3A_19 : vector<2048xf32> to vector<2048x1xf32>
    %div3A_21 = arith.constant 1.280000e+02 : f32
    %div3A_22 = vector.broadcast %div3A_21 : f32 to vector<2048x1xf32>
    %div3A_23 = arith.divf %broadcast_in_dim3A_20, %div3A_22 : vector<2048x1xf32>
    %sub3A_24 = vector.broadcast %div3A_14 : vector<2048x1xf32> to vector<2048x128xf32>
    %sub3A_25 = arith.subf %dot_general3A_5, %sub3A_24 : vector<2048x128xf32>
    %add3A = arith.constant 9.99999974E-6 : f32
    %add3A_26 = vector.broadcast %add3A : f32 to vector<2048x1xf32>
    %add3A_27 = arith.addf %div3A_23, %add3A_26 : vector<2048x1xf32>
    %sqrt3A = math.sqrt %add3A_27 : vector<2048x1xf32>
    %div3A_28 = vector.broadcast %sqrt3A : vector<2048x1xf32> to vector<2048x128xf32>
    %div3A_29 = arith.divf %sub3A_25, %div3A_28 : vector<2048x128xf32>
    %mul3A_30 = vector.broadcast %get3A_8 : vector<1x128xf32> to vector<2048x128xf32>
    %mul3A_31 = arith.mulf %div3A_29, %mul3A_30 : vector<2048x128xf32>
    %add3A_32 = vector.broadcast %get3A_11 : vector<1x128xf32> to vector<2048x128xf32>
    %add3A_33 = arith.addf %mul3A_31, %add3A_32 : vector<2048x128xf32>
    %max3A = arith.constant 0.000000e+00 : f32
    %max3A_34 = vector.broadcast %max3A : f32 to vector<2048x128xf32>
    %max3A_35 = arith.maximumf %add3A_33, %max3A_34 : vector<2048x128xf32>
    %get3A_36 = arith.constant 0 : index
    %get3A_37 = arith.constant 0 : index
    %get3A_38 = vector.load %arg5[%get3A_36, %get3A_37] : memref<128x128xf32, #tpu.memory_space<vmem>>, vector<128x128xf32>
    %dot_general3A_39 = arith.constant dense<0.000000e+00> : vector<2048x128xf32>
    %dot_general3A_40 = tpu.matmul %max3A_35, %get3A_38, %dot_general3A_39 {dimension_numbers = #tpu.dot_dimension_numbers<[1], [0], [0], [1], [0, 0, 1, 1], [], []>, transpose_lhs_hint = false} : vector<2048x128xf32>, vector<128x128xf32>, vector<2048x128xf32> -> vector<2048x128xf32>
    %get3A_41 = arith.constant 0 : index
    %get3A_42 = arith.constant 0 : index
    %get3A_43 = vector.load %arg6[%get3A_41, %get3A_42] : memref<1x128xf32, #tpu.memory_space<vmem>>, vector<1x128xf32>
    %get3A_44 = arith.constant 0 : index
    %get3A_45 = arith.constant 0 : index
    %get3A_46 = vector.load %arg7[%get3A_44, %get3A_45] : memref<1x128xf32, #tpu.memory_space<vmem>>, vector<1x128xf32>
    %reduce_sum3A_47 = arith.constant dense<0.000000e+00> : vector<2048xf32>
    %reduce_sum3A_48 = vector.multi_reduction <add>, %dot_general3A_40, %reduce_sum3A_47 [1] : vector<2048x128xf32> to vector<2048xf32>
    %broadcast_in_dim3A_49 = vector.shape_cast %reduce_sum3A_48 : vector<2048xf32> to vector<2048x1xf32>
    %div3A_50 = arith.constant 1.280000e+02 : f32
    %div3A_51 = vector.broadcast %div3A_50 : f32 to vector<2048x1xf32>
    %div3A_52 = arith.divf %broadcast_in_dim3A_49, %div3A_51 : vector<2048x1xf32>
    %sub3A_53 = vector.broadcast %div3A_52 : vector<2048x1xf32> to vector<2048x128xf32>
    %sub3A_54 = arith.subf %dot_general3A_40, %sub3A_53 : vector<2048x128xf32>
    %sub3A_55 = vector.broadcast %div3A_52 : vector<2048x1xf32> to vector<2048x128xf32>
    %sub3A_56 = arith.subf %dot_general3A_40, %sub3A_55 : vector<2048x128xf32>
    %mul3A_57 = arith.mulf %sub3A_54, %sub3A_56 : vector<2048x128xf32>
    %reduce_sum3A_58 = arith.constant dense<0.000000e+00> : vector<2048xf32>
    %reduce_sum3A_59 = vector.multi_reduction <add>, %mul3A_57, %reduce_sum3A_58 [1] : vector<2048x128xf32> to vector<2048xf32>
    %broadcast_in_dim3A_60 = vector.shape_cast %reduce_sum3A_59 : vector<2048xf32> to vector<2048x1xf32>
    %div3A_61 = arith.constant 1.280000e+02 : f32
    %div3A_62 = vector.broadcast %div3A_61 : f32 to vector<2048x1xf32>
    %div3A_63 = arith.divf %broadcast_in_dim3A_60, %div3A_62 : vector<2048x1xf32>
    %sub3A_64 = vector.broadcast %div3A_52 : vector<2048x1xf32> to vector<2048x128xf32>
    %sub3A_65 = arith.subf %dot_general3A_40, %sub3A_64 : vector<2048x128xf32>
    %add3A_66 = arith.constant 9.99999974E-6 : f32
    %add3A_67 = vector.broadcast %add3A_66 : f32 to vector<2048x1xf32>
    %add3A_68 = arith.addf %div3A_63, %add3A_67 : vector<2048x1xf32>
    %sqrt3A_69 = math.sqrt %add3A_68 : vector<2048x1xf32>
    %div3A_70 = vector.broadcast %sqrt3A_69 : vector<2048x1xf32> to vector<2048x128xf32>
    %div3A_71 = arith.divf %sub3A_65, %div3A_70 : vector<2048x128xf32>
    %mul3A_72 = vector.broadcast %get3A_43 : vector<1x128xf32> to vector<2048x128xf32>
    %mul3A_73 = arith.mulf %div3A_71, %mul3A_72 : vector<2048x128xf32>
    %add3A_74 = vector.broadcast %get3A_46 : vector<1x128xf32> to vector<2048x128xf32>
    %add3A_75 = arith.addf %mul3A_73, %add3A_74 : vector<2048x128xf32>
    %max3A_76 = arith.constant 0.000000e+00 : f32
    %max3A_77 = vector.broadcast %max3A_76 : f32 to vector<2048x128xf32>
    %max3A_78 = arith.maximumf %add3A_75, %max3A_77 : vector<2048x128xf32>
    %swap3A = arith.constant 0 : index
    %swap3A_79 = arith.constant 0 : index
    %swap3A_80 = vector.load %arg8[%swap3A, %swap3A_79] : memref<2048x128xf32, #tpu.memory_space<vmem>>, vector<2048x128xf32>
    tpu.vector_store %arg8[%swap3A, %swap3A_79], %max3A_78 {strides = array<i32>} : memref<2048x128xf32, #tpu.memory_space<vmem>>, vector<2048x128xf32>,
    return
  }
  func.func @transform_0(%arg0: i32) -> (i32, i32) {
    %c0_i32 = arith.constant 0 : i32
    %c0_i32_0 = arith.constant 0 : i32
    return %arg0, %c0_i32 : i32, i32
  }
  func.func @transform_1(%arg0: i32) -> (i32, i32) {
    %c0_i32 = arith.constant 0 : i32
    %c0_i32_0 = arith.constant 0 : i32
    %c0_i32_1 = arith.constant 0 : i32
    return %c0_i32, %c0_i32_0 : i32, i32
  }
  func.func @transform_2(%arg0: i32) -> (i32, i32) {
    %c0_i32 = arith.constant 0 : i32
    %c0_i32_0 = arith.constant 0 : i32
    %c0_i32_1 = arith.constant 0 : i32
    return %c0_i32, %c0_i32_0 : i32, i32
  }
  func.func @transform_3(%arg0: i32) -> (i32, i32) {
    %c0_i32 = arith.constant 0 : i32
    %c0_i32_0 = arith.constant 0 : i32
    %c0_i32_1 = arith.constant 0 : i32
    return %c0_i32, %c0_i32_0 : i32, i32
  }
  func.func @transform_4(%arg0: i32) -> (i32, i32) {
    %c0_i32 = arith.constant 0 : i32
    %c0_i32_0 = arith.constant 0 : i32
    %c0_i32_1 = arith.constant 0 : i32
    return %c0_i32, %c0_i32_0 : i32, i32
  }
  func.func @transform_5(%arg0: i32) -> (i32, i32) {
    %c0_i32 = arith.constant 0 : i32
    %c0_i32_0 = arith.constant 0 : i32
    %c0_i32_1 = arith.constant 0 : i32
    return %c0_i32, %c0_i32_0 : i32, i32
  }
  func.func @transform_6(%arg0: i32) -> (i32, i32) {
    %c0_i32 = arith.constant 0 : i32
    %c0_i32_0 = arith.constant 0 : i32
    %c0_i32_1 = arith.constant 0 : i32
    return %c0_i32, %c0_i32_0 : i32, i32
  }
  func.func @transform_7(%arg0: i32) -> (i32, i32) {
    %c0_i32 = arith.constant 0 : i32
    %c0_i32_0 = arith.constant 0 : i32
    return %arg0, %c0_i32 : i32, i32
  }
}

module attributes {stable_mosaic.version = 14 : i64} {
  func.func @_blk_mid_body(%arg0: i32, %arg1: memref<8192x128xf32, #tpu.memory_space<vmem>>, %arg2: memref<512x128xf32, #tpu.memory_space<vmem>>, %arg3: memref<512x128xf32, #tpu.memory_space<vmem>>, %arg4: memref<136x128xf32, #tpu.memory_space<vmem>>, %arg5: memref<1x128xf32, #tpu.memory_space<vmem>>, %arg6: memref<1x128xf32, #tpu.memory_space<vmem>>, %arg7: memref<1x128xf32, #tpu.memory_space<vmem>>, %arg8: memref<1x128xf32, #tpu.memory_space<vmem>>, %arg9: memref<128x256xf32, #tpu.memory_space<vmem>>, %arg10: memref<256x128xf32, #tpu.memory_space<vmem>>, %arg11: memref<1x128xf32, #tpu.memory_space<vmem>>, %arg12: memref<1x128xf32, #tpu.memory_space<vmem>>, %arg13: memref<512x128xf32, #tpu.memory_space<vmem>>) attributes {dimension_semantics = [#tpu.dimension_semantics<arbitrary>], iteration_bounds = array<i64: 32>, scalar_prefetch = 0 : i64, scratch_operands = 0 : i64, tpu.core_type = #tpu.core_type<tc>, window_params = [{transform_indices = @transform_0, window_bounds = array<i64: 8192, 128>}, {transform_indices = @transform_1, window_bounds = array<i64: 512, 128>}, {transform_indices = @transform_2, window_bounds = array<i64: 512, 128>}, {pipeline_mode = #tpu.pipeline_mode<synchronous>, transform_indices = @transform_3, window_bounds = array<i64: 136, 128>}, {pipeline_mode = #tpu.pipeline_mode<synchronous>, transform_indices = @transform_4, window_bounds = array<i64: 1, 128>}, {pipeline_mode = #tpu.pipeline_mode<synchronous>, transform_indices = @transform_5, window_bounds = array<i64: 1, 128>}, {pipeline_mode = #tpu.pipeline_mode<synchronous>, transform_indices = @transform_6, window_bounds = array<i64: 1, 128>}, {pipeline_mode = #tpu.pipeline_mode<synchronous>, transform_indices = @transform_7, window_bounds = array<i64: 1, 128>}, {pipeline_mode = #tpu.pipeline_mode<synchronous>, transform_indices = @transform_8, window_bounds = array<i64: 128, 256>}, {pipeline_mode = #tpu.pipeline_mode<synchronous>, transform_indices = @transform_9, window_bounds = array<i64: 256, 128>}, {pipeline_mode = #tpu.pipeline_mode<synchronous>, transform_indices = @transform_10, window_bounds = array<i64: 1, 128>}, {pipeline_mode = #tpu.pipeline_mode<synchronous>, transform_indices = @transform_11, window_bounds = array<i64: 1, 128>}, {transform_indices = @transform_12, window_bounds = array<i64: 512, 128>}]} {
    %get3A = arith.constant 0 : index
    %get3A_0 = arith.constant 0 : index
    %get3A_1 = vector.load %arg2[%get3A, %get3A_0] : memref<512x128xf32, #tpu.memory_space<vmem>>, vector<512x128xf32>
    %get3A_2 = arith.constant 0 : index
    %get3A_3 = arith.constant 0 : index
    %get3A_4 = vector.load %arg1[%get3A_2, %get3A_3] : memref<8192x128xf32, #tpu.memory_space<vmem>>, vector<8192x128xf32>
    %reshape3A = vector.shape_cast %get3A_4 : vector<8192x128xf32> to vector<512x16x128xf32>
    %broadcast_in_dim3A = vector.shape_cast %get3A_1 : vector<512x128xf32> to vector<512x1x128xf32>
    %sub3A = vector.broadcast %broadcast_in_dim3A : vector<512x1x128xf32> to vector<512x16x128xf32>
    %sub3A_5 = arith.subf %reshape3A, %sub3A : vector<512x16x128xf32>
    %get3A_6 = arith.constant 0 : index
    %get3A_7 = arith.constant 0 : index
    %get3A_8 = vector.load %arg3[%get3A_6, %get3A_7] : memref<512x128xf32, #tpu.memory_space<vmem>>, vector<512x128xf32>
    %reshape3A_9 = vector.shape_cast %get3A_8 : vector<512x128xf32> to vector<512x16x8xf32>
    %concatenate3A = tpu.concatenate %sub3A_5, %reshape3A_9 in 2 : vector<512x16x128xf32>, vector<512x16x8xf32> -> vector<512x16x136xf32>
    %reshape3A_10 = vector.shape_cast %concatenate3A : vector<512x16x136xf32> to vector<8192x136xf32>
    %get3A_11 = arith.constant 0 : index
    %get3A_12 = arith.constant 0 : index
    %get3A_13 = vector.load %arg4[%get3A_11, %get3A_12] : memref<136x128xf32, #tpu.memory_space<vmem>>, vector<136x128xf32>
    %dot_general3A = arith.constant dense<0.000000e+00> : vector<8192x128xf32>
    %dot_general3A_14 = tpu.matmul %reshape3A_10, %get3A_13, %dot_general3A {dimension_numbers = #tpu.dot_dimension_numbers<[1], [0], [0], [1], [0, 0, 1, 1], [], []>, transpose_lhs_hint = false} : vector<8192x136xf32>, vector<136x128xf32>, vector<8192x128xf32> -> vector<8192x128xf32>
    %get3A_15 = arith.constant 0 : index
    %get3A_16 = arith.constant 0 : index
    %get3A_17 = vector.load %arg5[%get3A_15, %get3A_16] : memref<1x128xf32, #tpu.memory_space<vmem>>, vector<1x128xf32>
    %get3A_18 = arith.constant 0 : index
    %get3A_19 = arith.constant 0 : index
    %get3A_20 = vector.load %arg6[%get3A_18, %get3A_19] : memref<1x128xf32, #tpu.memory_space<vmem>>, vector<1x128xf32>
    %reduce_sum3A = arith.constant dense<0.000000e+00> : vector<8192xf32>
    %reduce_sum3A_21 = vector.multi_reduction <add>, %dot_general3A_14, %reduce_sum3A [1] : vector<8192x128xf32> to vector<8192xf32>
    %broadcast_in_dim3A_22 = vector.shape_cast %reduce_sum3A_21 : vector<8192xf32> to vector<8192x1xf32>
    %div3A = arith.constant 1.280000e+02 : f32
    %div3A_23 = vector.broadcast %div3A : f32 to vector<8192x1xf32>
    %div3A_24 = arith.divf %broadcast_in_dim3A_22, %div3A_23 : vector<8192x1xf32>
    %sub3A_25 = vector.broadcast %div3A_24 : vector<8192x1xf32> to vector<8192x128xf32>
    %sub3A_26 = arith.subf %dot_general3A_14, %sub3A_25 : vector<8192x128xf32>
    %sub3A_27 = vector.broadcast %div3A_24 : vector<8192x1xf32> to vector<8192x128xf32>
    %sub3A_28 = arith.subf %dot_general3A_14, %sub3A_27 : vector<8192x128xf32>
    %mul3A = arith.mulf %sub3A_26, %sub3A_28 : vector<8192x128xf32>
    %reduce_sum3A_29 = arith.constant dense<0.000000e+00> : vector<8192xf32>
    %reduce_sum3A_30 = vector.multi_reduction <add>, %mul3A, %reduce_sum3A_29 [1] : vector<8192x128xf32> to vector<8192xf32>
    %broadcast_in_dim3A_31 = vector.shape_cast %reduce_sum3A_30 : vector<8192xf32> to vector<8192x1xf32>
    %div3A_32 = arith.constant 1.280000e+02 : f32
    %div3A_33 = vector.broadcast %div3A_32 : f32 to vector<8192x1xf32>
    %div3A_34 = arith.divf %broadcast_in_dim3A_31, %div3A_33 : vector<8192x1xf32>
    %sub3A_35 = vector.broadcast %div3A_24 : vector<8192x1xf32> to vector<8192x128xf32>
    %sub3A_36 = arith.subf %dot_general3A_14, %sub3A_35 : vector<8192x128xf32>
    %add3A = arith.constant 9.99999974E-6 : f32
    %add3A_37 = vector.broadcast %add3A : f32 to vector<8192x1xf32>
    %add3A_38 = arith.addf %div3A_34, %add3A_37 : vector<8192x1xf32>
    %sqrt3A = math.sqrt %add3A_38 : vector<8192x1xf32>
    %div3A_39 = vector.broadcast %sqrt3A : vector<8192x1xf32> to vector<8192x128xf32>
    %div3A_40 = arith.divf %sub3A_36, %div3A_39 : vector<8192x128xf32>
    %mul3A_41 = vector.broadcast %get3A_17 : vector<1x128xf32> to vector<8192x128xf32>
    %mul3A_42 = arith.mulf %div3A_40, %mul3A_41 : vector<8192x128xf32>
    %add3A_43 = vector.broadcast %get3A_20 : vector<1x128xf32> to vector<8192x128xf32>
    %add3A_44 = arith.addf %mul3A_42, %add3A_43 : vector<8192x128xf32>
    %max3A = arith.constant 0.000000e+00 : f32
    %max3A_45 = vector.broadcast %max3A : f32 to vector<8192x128xf32>
    %max3A_46 = arith.maximumf %add3A_44, %max3A_45 : vector<8192x128xf32>
    %reshape3A_47 = vector.shape_cast %max3A_46 : vector<8192x128xf32> to vector<512x16x128xf32>
    %reduce_max3A = arith.constant dense<0xFF800000> : vector<512x128xf32>
    %reduce_max3A_48 = vector.multi_reduction <maximumf>, %reshape3A_47, %reduce_max3A [1] : vector<512x16x128xf32> to vector<512x128xf32>
    %add3A_49 = arith.addf %get3A_1, %reduce_max3A_48 : vector<512x128xf32>
    %get3A_50 = arith.constant 0 : index
    %get3A_51 = arith.constant 0 : index
    %get3A_52 = vector.load %arg7[%get3A_50, %get3A_51] : memref<1x128xf32, #tpu.memory_space<vmem>>, vector<1x128xf32>
    %get3A_53 = arith.constant 0 : index
    %get3A_54 = arith.constant 0 : index
    %get3A_55 = vector.load %arg8[%get3A_53, %get3A_54] : memref<1x128xf32, #tpu.memory_space<vmem>>, vector<1x128xf32>
    %reduce_sum3A_56 = arith.constant dense<0.000000e+00> : vector<512xf32>
    %reduce_sum3A_57 = vector.multi_reduction <add>, %add3A_49, %reduce_sum3A_56 [1] : vector<512x128xf32> to vector<512xf32>
    %broadcast_in_dim3A_58 = vector.shape_cast %reduce_sum3A_57 : vector<512xf32> to vector<512x1xf32>
    %div3A_59 = arith.constant 1.280000e+02 : f32
    %div3A_60 = vector.broadcast %div3A_59 : f32 to vector<512x1xf32>
    %div3A_61 = arith.divf %broadcast_in_dim3A_58, %div3A_60 : vector<512x1xf32>
    %sub3A_62 = vector.broadcast %div3A_61 : vector<512x1xf32> to vector<512x128xf32>
    %sub3A_63 = arith.subf %add3A_49, %sub3A_62 : vector<512x128xf32>
    %sub3A_64 = vector.broadcast %div3A_61 : vector<512x1xf32> to vector<512x128xf32>
    %sub3A_65 = arith.subf %add3A_49, %sub3A_64 : vector<512x128xf32>
    %mul3A_66 = arith.mulf %sub3A_63, %sub3A_65 : vector<512x128xf32>
    %reduce_sum3A_67 = arith.constant dense<0.000000e+00> : vector<512xf32>
    %reduce_sum3A_68 = vector.multi_reduction <add>, %mul3A_66, %reduce_sum3A_67 [1] : vector<512x128xf32> to vector<512xf32>
    %broadcast_in_dim3A_69 = vector.shape_cast %reduce_sum3A_68 : vector<512xf32> to vector<512x1xf32>
    %div3A_70 = arith.constant 1.280000e+02 : f32
    %div3A_71 = vector.broadcast %div3A_70 : f32 to vector<512x1xf32>
    %div3A_72 = arith.divf %broadcast_in_dim3A_69, %div3A_71 : vector<512x1xf32>
    %sub3A_73 = vector.broadcast %div3A_61 : vector<512x1xf32> to vector<512x128xf32>
    %sub3A_74 = arith.subf %add3A_49, %sub3A_73 : vector<512x128xf32>
    %add3A_75 = arith.constant 9.99999974E-6 : f32
    %add3A_76 = vector.broadcast %add3A_75 : f32 to vector<512x1xf32>
    %add3A_77 = arith.addf %div3A_72, %add3A_76 : vector<512x1xf32>
    %sqrt3A_78 = math.sqrt %add3A_77 : vector<512x1xf32>
    %div3A_79 = vector.broadcast %sqrt3A_78 : vector<512x1xf32> to vector<512x128xf32>
    %div3A_80 = arith.divf %sub3A_74, %div3A_79 : vector<512x128xf32>
    %mul3A_81 = vector.broadcast %get3A_52 : vector<1x128xf32> to vector<512x128xf32>
    %mul3A_82 = arith.mulf %div3A_80, %mul3A_81 : vector<512x128xf32>
    %add3A_83 = vector.broadcast %get3A_55 : vector<1x128xf32> to vector<512x128xf32>
    %add3A_84 = arith.addf %mul3A_82, %add3A_83 : vector<512x128xf32>
    %get3A_85 = arith.constant 0 : index
    %get3A_86 = arith.constant 0 : index
    %get3A_87 = vector.load %arg9[%get3A_85, %get3A_86] : memref<128x256xf32, #tpu.memory_space<vmem>>, vector<128x256xf32>
    %dot_general3A_88 = arith.constant dense<0.000000e+00> : vector<512x256xf32>
    %dot_general3A_89 = tpu.matmul %add3A_84, %get3A_87, %dot_general3A_88 {dimension_numbers = #tpu.dot_dimension_numbers<[1], [0], [0], [1], [0, 0, 1, 1], [], []>, transpose_lhs_hint = false} : vector<512x128xf32>, vector<128x256xf32>, vector<512x256xf32> -> vector<512x256xf32>
    %max3A_90 = arith.constant 0.000000e+00 : f32
    %max3A_91 = vector.broadcast %max3A_90 : f32 to vector<512x256xf32>
    %max3A_92 = arith.maximumf %dot_general3A_89, %max3A_91 : vector<512x256xf32>
    %get3A_93 = arith.constant 0 : index
    %get3A_94 = arith.constant 0 : index
    %get3A_95 = vector.load %arg10[%get3A_93, %get3A_94] : memref<256x128xf32, #tpu.memory_space<vmem>>, vector<256x128xf32>
    %dot_general3A_96 = arith.constant dense<0.000000e+00> : vector<512x128xf32>
    %dot_general3A_97 = tpu.matmul %max3A_92, %get3A_95, %dot_general3A_96 {dimension_numbers = #tpu.dot_dimension_numbers<[1], [0], [0], [1], [0, 0, 1, 1], [], []>, transpose_lhs_hint = false} : vector<512x256xf32>, vector<256x128xf32>, vector<512x128xf32> -> vector<512x128xf32>
    %add3A_98 = arith.addf %add3A_84, %dot_general3A_97 : vector<512x128xf32>
    %get3A_99 = arith.constant 0 : index
    %get3A_100 = arith.constant 0 : index
    %get3A_101 = vector.load %arg11[%get3A_99, %get3A_100] : memref<1x128xf32, #tpu.memory_space<vmem>>, vector<1x128xf32>
    %get3A_102 = arith.constant 0 : index
    %get3A_103 = arith.constant 0 : index
    %get3A_104 = vector.load %arg12[%get3A_102, %get3A_103] : memref<1x128xf32, #tpu.memory_space<vmem>>, vector<1x128xf32>
    %reduce_sum3A_105 = arith.constant dense<0.000000e+00> : vector<512xf32>
    %reduce_sum3A_106 = vector.multi_reduction <add>, %add3A_98, %reduce_sum3A_105 [1] : vector<512x128xf32> to vector<512xf32>
    %broadcast_in_dim3A_107 = vector.shape_cast %reduce_sum3A_106 : vector<512xf32> to vector<512x1xf32>
    %div3A_108 = arith.constant 1.280000e+02 : f32
    %div3A_109 = vector.broadcast %div3A_108 : f32 to vector<512x1xf32>
    %div3A_110 = arith.divf %broadcast_in_dim3A_107, %div3A_109 : vector<512x1xf32>
    %sub3A_111 = vector.broadcast %div3A_110 : vector<512x1xf32> to vector<512x128xf32>
    %sub3A_112 = arith.subf %add3A_98, %sub3A_111 : vector<512x128xf32>
    %sub3A_113 = vector.broadcast %div3A_110 : vector<512x1xf32> to vector<512x128xf32>
    %sub3A_114 = arith.subf %add3A_98, %sub3A_113 : vector<512x128xf32>
    %mul3A_115 = arith.mulf %sub3A_112, %sub3A_114 : vector<512x128xf32>
    %reduce_sum3A_116 = arith.constant dense<0.000000e+00> : vector<512xf32>
    %reduce_sum3A_117 = vector.multi_reduction <add>, %mul3A_115, %reduce_sum3A_116 [1] : vector<512x128xf32> to vector<512xf32>
    %broadcast_in_dim3A_118 = vector.shape_cast %reduce_sum3A_117 : vector<512xf32> to vector<512x1xf32>
    %div3A_119 = arith.constant 1.280000e+02 : f32
    %div3A_120 = vector.broadcast %div3A_119 : f32 to vector<512x1xf32>
    %div3A_121 = arith.divf %broadcast_in_dim3A_118, %div3A_120 : vector<512x1xf32>
    %sub3A_122 = vector.broadcast %div3A_110 : vector<512x1xf32> to vector<512x128xf32>
    %sub3A_123 = arith.subf %add3A_98, %sub3A_122 : vector<512x128xf32>
    %add3A_124 = arith.constant 9.99999974E-6 : f32
    %add3A_125 = vector.broadcast %add3A_124 : f32 to vector<512x1xf32>
    %add3A_126 = arith.addf %div3A_121, %add3A_125 : vector<512x1xf32>
    %sqrt3A_127 = math.sqrt %add3A_126 : vector<512x1xf32>
    %div3A_128 = vector.broadcast %sqrt3A_127 : vector<512x1xf32> to vector<512x128xf32>
    %div3A_129 = arith.divf %sub3A_123, %div3A_128 : vector<512x128xf32>
    %mul3A_130 = vector.broadcast %get3A_101 : vector<1x128xf32> to vector<512x128xf32>
    %mul3A_131 = arith.mulf %div3A_129, %mul3A_130 : vector<512x128xf32>
    %add3A_132 = vector.broadcast %get3A_104 : vector<1x128xf32> to vector<512x128xf32>
    %add3A_133 = arith.addf %mul3A_131, %add3A_132 : vector<512x128xf32>
    %swap3A = arith.constant 0 : index
    %swap3A_134 = arith.constant 0 : index
    %swap3A_135 = vector.load %arg13[%swap3A, %swap3A_134] : memref<512x128xf32, #tpu.memory_space<vmem>>, vector<512x128xf32>
    tpu.vector_store %arg13[%swap3A, %swap3A_134], %add3A_133 {strides = array<i32>} : memref<512x128xf32, #tpu.memory_space<vmem>>, vector<512x128xf32>,
    return
  }
  func.func @transform_0(%arg0: i32) -> (i32, i32) {
    %c0_i32 = arith.constant 0 : i32
    %c0_i32_0 = arith.constant 0 : i32
    return %arg0, %c0_i32 : i32, i32
  }
  func.func @transform_1(%arg0: i32) -> (i32, i32) {
    %c0_i32 = arith.constant 0 : i32
    %c0_i32_0 = arith.constant 0 : i32
    return %arg0, %c0_i32 : i32, i32
  }
  func.func @transform_2(%arg0: i32) -> (i32, i32) {
    %c0_i32 = arith.constant 0 : i32
    %c0_i32_0 = arith.constant 0 : i32
    return %arg0, %c0_i32 : i32, i32
  }
  func.func @transform_3(%arg0: i32) -> (i32, i32) {
    %c0_i32 = arith.constant 0 : i32
    %c0_i32_0 = arith.constant 0 : i32
    %c0_i32_1 = arith.constant 0 : i32
    return %c0_i32, %c0_i32_0 : i32, i32
  }
  func.func @transform_4(%arg0: i32) -> (i32, i32) {
    %c0_i32 = arith.constant 0 : i32
    %c0_i32_0 = arith.constant 0 : i32
    %c0_i32_1 = arith.constant 0 : i32
    return %c0_i32, %c0_i32_0 : i32, i32
  }
  func.func @transform_5(%arg0: i32) -> (i32, i32) {
    %c0_i32 = arith.constant 0 : i32
    %c0_i32_0 = arith.constant 0 : i32
    %c0_i32_1 = arith.constant 0 : i32
    return %c0_i32, %c0_i32_0 : i32, i32
  }
  func.func @transform_6(%arg0: i32) -> (i32, i32) {
    %c0_i32 = arith.constant 0 : i32
    %c0_i32_0 = arith.constant 0 : i32
    %c0_i32_1 = arith.constant 0 : i32
    return %c0_i32, %c0_i32_0 : i32, i32
  }
  func.func @transform_7(%arg0: i32) -> (i32, i32) {
    %c0_i32 = arith.constant 0 : i32
    %c0_i32_0 = arith.constant 0 : i32
    %c0_i32_1 = arith.constant 0 : i32
    return %c0_i32, %c0_i32_0 : i32, i32
  }
  func.func @transform_8(%arg0: i32) -> (i32, i32) {
    %c0_i32 = arith.constant 0 : i32
    %c0_i32_0 = arith.constant 0 : i32
    %c0_i32_1 = arith.constant 0 : i32
    return %c0_i32, %c0_i32_0 : i32, i32
  }
  func.func @transform_9(%arg0: i32) -> (i32, i32) {
    %c0_i32 = arith.constant 0 : i32
    %c0_i32_0 = arith.constant 0 : i32
    %c0_i32_1 = arith.constant 0 : i32
    return %c0_i32, %c0_i32_0 : i32, i32
  }
  func.func @transform_10(%arg0: i32) -> (i32, i32) {
    %c0_i32 = arith.constant 0 : i32
    %c0_i32_0 = arith.constant 0 : i32
    %c0_i32_1 = arith.constant 0 : i32
    return %c0_i32, %c0_i32_0 : i32, i32
  }
  func.func @transform_11(%arg0: i32) -> (i32, i32) {
    %c0_i32 = arith.constant 0 : i32
    %c0_i32_0 = arith.constant 0 : i32
    %c0_i32_1 = arith.constant 0 : i32
    return %c0_i32, %c0_i32_0 : i32, i32
  }
  func.func @transform_12(%arg0: i32) -> (i32, i32) {
    %c0_i32 = arith.constant 0 : i32
    %c0_i32_0 = arith.constant 0 : i32
    return %arg0, %c0_i32 : i32, i32
  }
}

module attributes {stable_mosaic.version = 14 : i64} {
  func.func @_blk_last_body(%arg0: i32, %arg1: memref<8192x128xf32, #tpu.memory_space<vmem>>, %arg2: memref<512x128xf32, #tpu.memory_space<vmem>>, %arg3: memref<512x128xf32, #tpu.memory_space<vmem>>, %arg4: memref<136x128xf32, #tpu.memory_space<vmem>>, %arg5: memref<1x128xf32, #tpu.memory_space<vmem>>, %arg6: memref<1x128xf32, #tpu.memory_space<vmem>>, %arg7: memref<1x128xf32, #tpu.memory_space<vmem>>, %arg8: memref<1x128xf32, #tpu.memory_space<vmem>>, %arg9: memref<128x256xf32, #tpu.memory_space<vmem>>, %arg10: memref<256x128xf32, #tpu.memory_space<vmem>>, %arg11: memref<1x128xf32, #tpu.memory_space<vmem>>, %arg12: memref<1x128xf32, #tpu.memory_space<vmem>>, %arg13: memref<1x128xf32, #tpu.memory_space<vmem>>, %arg14: memref<1x128xf32, #tpu.memory_space<vmem>>, %arg15: memref<512x128xf32, #tpu.memory_space<vmem>>) attributes {dimension_semantics = [#tpu.dimension_semantics<arbitrary>], iteration_bounds = array<i64: 32>, scalar_prefetch = 0 : i64, scratch_operands = 0 : i64, tpu.core_type = #tpu.core_type<tc>, window_params = [{transform_indices = @transform_0, window_bounds = array<i64: 8192, 128>}, {transform_indices = @transform_1, window_bounds = array<i64: 512, 128>}, {transform_indices = @transform_2, window_bounds = array<i64: 512, 128>}, {pipeline_mode = #tpu.pipeline_mode<synchronous>, transform_indices = @transform_3, window_bounds = array<i64: 136, 128>}, {pipeline_mode = #tpu.pipeline_mode<synchronous>, transform_indices = @transform_4, window_bounds = array<i64: 1, 128>}, {pipeline_mode = #tpu.pipeline_mode<synchronous>, transform_indices = @transform_5, window_bounds = array<i64: 1, 128>}, {pipeline_mode = #tpu.pipeline_mode<synchronous>, transform_indices = @transform_6, window_bounds = array<i64: 1, 128>}, {pipeline_mode = #tpu.pipeline_mode<synchronous>, transform_indices = @transform_7, window_bounds = array<i64: 1, 128>}, {pipeline_mode = #tpu.pipeline_mode<synchronous>, transform_indices = @transform_8, window_bounds = array<i64: 128, 256>}, {pipeline_mode = #tpu.pipeline_mode<synchronous>, transform_indices = @transform_9, window_bounds = array<i64: 256, 128>}, {pipeline_mode = #tpu.pipeline_mode<synchronous>, transform_indices = @transform_10, window_bounds = array<i64: 1, 128>}, {pipeline_mode = #tpu.pipeline_mode<synchronous>, transform_indices = @transform_11, window_bounds = array<i64: 1, 128>}, {pipeline_mode = #tpu.pipeline_mode<synchronous>, transform_indices = @transform_12, window_bounds = array<i64: 1, 128>}, {pipeline_mode = #tpu.pipeline_mode<synchronous>, transform_indices = @transform_13, window_bounds = array<i64: 1, 128>}, {transform_indices = @transform_14, window_bounds = array<i64: 512, 128>}]} {
    %get3A = arith.constant 0 : index
    %get3A_0 = arith.constant 0 : index
    %get3A_1 = vector.load %arg2[%get3A, %get3A_0] : memref<512x128xf32, #tpu.memory_space<vmem>>, vector<512x128xf32>
    %get3A_2 = arith.constant 0 : index
    %get3A_3 = arith.constant 0 : index
    %get3A_4 = vector.load %arg1[%get3A_2, %get3A_3] : memref<8192x128xf32, #tpu.memory_space<vmem>>, vector<8192x128xf32>
    %reshape3A = vector.shape_cast %get3A_4 : vector<8192x128xf32> to vector<512x16x128xf32>
    %broadcast_in_dim3A = vector.shape_cast %get3A_1 : vector<512x128xf32> to vector<512x1x128xf32>
    %sub3A = vector.broadcast %broadcast_in_dim3A : vector<512x1x128xf32> to vector<512x16x128xf32>
    %sub3A_5 = arith.subf %reshape3A, %sub3A : vector<512x16x128xf32>
    %get3A_6 = arith.constant 0 : index
    %get3A_7 = arith.constant 0 : index
    %get3A_8 = vector.load %arg3[%get3A_6, %get3A_7] : memref<512x128xf32, #tpu.memory_space<vmem>>, vector<512x128xf32>
    %reshape3A_9 = vector.shape_cast %get3A_8 : vector<512x128xf32> to vector<512x16x8xf32>
    %concatenate3A = tpu.concatenate %sub3A_5, %reshape3A_9 in 2 : vector<512x16x128xf32>, vector<512x16x8xf32> -> vector<512x16x136xf32>
    %reshape3A_10 = vector.shape_cast %concatenate3A : vector<512x16x136xf32> to vector<8192x136xf32>
    %get3A_11 = arith.constant 0 : index
    %get3A_12 = arith.constant 0 : index
    %get3A_13 = vector.load %arg4[%get3A_11, %get3A_12] : memref<136x128xf32, #tpu.memory_space<vmem>>, vector<136x128xf32>
    %dot_general3A = arith.constant dense<0.000000e+00> : vector<8192x128xf32>
    %dot_general3A_14 = tpu.matmul %reshape3A_10, %get3A_13, %dot_general3A {dimension_numbers = #tpu.dot_dimension_numbers<[1], [0], [0], [1], [0, 0, 1, 1], [], []>, transpose_lhs_hint = false} : vector<8192x136xf32>, vector<136x128xf32>, vector<8192x128xf32> -> vector<8192x128xf32>
    %get3A_15 = arith.constant 0 : index
    %get3A_16 = arith.constant 0 : index
    %get3A_17 = vector.load %arg5[%get3A_15, %get3A_16] : memref<1x128xf32, #tpu.memory_space<vmem>>, vector<1x128xf32>
    %get3A_18 = arith.constant 0 : index
    %get3A_19 = arith.constant 0 : index
    %get3A_20 = vector.load %arg6[%get3A_18, %get3A_19] : memref<1x128xf32, #tpu.memory_space<vmem>>, vector<1x128xf32>
    %reduce_sum3A = arith.constant dense<0.000000e+00> : vector<8192xf32>
    %reduce_sum3A_21 = vector.multi_reduction <add>, %dot_general3A_14, %reduce_sum3A [1] : vector<8192x128xf32> to vector<8192xf32>
    %broadcast_in_dim3A_22 = vector.shape_cast %reduce_sum3A_21 : vector<8192xf32> to vector<8192x1xf32>
    %div3A = arith.constant 1.280000e+02 : f32
    %div3A_23 = vector.broadcast %div3A : f32 to vector<8192x1xf32>
    %div3A_24 = arith.divf %broadcast_in_dim3A_22, %div3A_23 : vector<8192x1xf32>
    %sub3A_25 = vector.broadcast %div3A_24 : vector<8192x1xf32> to vector<8192x128xf32>
    %sub3A_26 = arith.subf %dot_general3A_14, %sub3A_25 : vector<8192x128xf32>
    %sub3A_27 = vector.broadcast %div3A_24 : vector<8192x1xf32> to vector<8192x128xf32>
    %sub3A_28 = arith.subf %dot_general3A_14, %sub3A_27 : vector<8192x128xf32>
    %mul3A = arith.mulf %sub3A_26, %sub3A_28 : vector<8192x128xf32>
    %reduce_sum3A_29 = arith.constant dense<0.000000e+00> : vector<8192xf32>
    %reduce_sum3A_30 = vector.multi_reduction <add>, %mul3A, %reduce_sum3A_29 [1] : vector<8192x128xf32> to vector<8192xf32>
    %broadcast_in_dim3A_31 = vector.shape_cast %reduce_sum3A_30 : vector<8192xf32> to vector<8192x1xf32>
    %div3A_32 = arith.constant 1.280000e+02 : f32
    %div3A_33 = vector.broadcast %div3A_32 : f32 to vector<8192x1xf32>
    %div3A_34 = arith.divf %broadcast_in_dim3A_31, %div3A_33 : vector<8192x1xf32>
    %sub3A_35 = vector.broadcast %div3A_24 : vector<8192x1xf32> to vector<8192x128xf32>
    %sub3A_36 = arith.subf %dot_general3A_14, %sub3A_35 : vector<8192x128xf32>
    %add3A = arith.constant 9.99999974E-6 : f32
    %add3A_37 = vector.broadcast %add3A : f32 to vector<8192x1xf32>
    %add3A_38 = arith.addf %div3A_34, %add3A_37 : vector<8192x1xf32>
    %sqrt3A = math.sqrt %add3A_38 : vector<8192x1xf32>
    %div3A_39 = vector.broadcast %sqrt3A : vector<8192x1xf32> to vector<8192x128xf32>
    %div3A_40 = arith.divf %sub3A_36, %div3A_39 : vector<8192x128xf32>
    %mul3A_41 = vector.broadcast %get3A_17 : vector<1x128xf32> to vector<8192x128xf32>
    %mul3A_42 = arith.mulf %div3A_40, %mul3A_41 : vector<8192x128xf32>
    %add3A_43 = vector.broadcast %get3A_20 : vector<1x128xf32> to vector<8192x128xf32>
    %add3A_44 = arith.addf %mul3A_42, %add3A_43 : vector<8192x128xf32>
    %max3A = arith.constant 0.000000e+00 : f32
    %max3A_45 = vector.broadcast %max3A : f32 to vector<8192x128xf32>
    %max3A_46 = arith.maximumf %add3A_44, %max3A_45 : vector<8192x128xf32>
    %reshape3A_47 = vector.shape_cast %max3A_46 : vector<8192x128xf32> to vector<512x16x128xf32>
    %reduce_max3A = arith.constant dense<0xFF800000> : vector<512x128xf32>
    %reduce_max3A_48 = vector.multi_reduction <maximumf>, %reshape3A_47, %reduce_max3A [1] : vector<512x16x128xf32> to vector<512x128xf32>
    %add3A_49 = arith.addf %get3A_1, %reduce_max3A_48 : vector<512x128xf32>
    %get3A_50 = arith.constant 0 : index
    %get3A_51 = arith.constant 0 : index
    %get3A_52 = vector.load %arg7[%get3A_50, %get3A_51] : memref<1x128xf32, #tpu.memory_space<vmem>>, vector<1x128xf32>
    %get3A_53 = arith.constant 0 : index
    %get3A_54 = arith.constant 0 : index
    %get3A_55 = vector.load %arg8[%get3A_53, %get3A_54] : memref<1x128xf32, #tpu.memory_space<vmem>>, vector<1x128xf32>
    %reduce_sum3A_56 = arith.constant dense<0.000000e+00> : vector<512xf32>
    %reduce_sum3A_57 = vector.multi_reduction <add>, %add3A_49, %reduce_sum3A_56 [1] : vector<512x128xf32> to vector<512xf32>
    %broadcast_in_dim3A_58 = vector.shape_cast %reduce_sum3A_57 : vector<512xf32> to vector<512x1xf32>
    %div3A_59 = arith.constant 1.280000e+02 : f32
    %div3A_60 = vector.broadcast %div3A_59 : f32 to vector<512x1xf32>
    %div3A_61 = arith.divf %broadcast_in_dim3A_58, %div3A_60 : vector<512x1xf32>
    %sub3A_62 = vector.broadcast %div3A_61 : vector<512x1xf32> to vector<512x128xf32>
    %sub3A_63 = arith.subf %add3A_49, %sub3A_62 : vector<512x128xf32>
    %sub3A_64 = vector.broadcast %div3A_61 : vector<512x1xf32> to vector<512x128xf32>
    %sub3A_65 = arith.subf %add3A_49, %sub3A_64 : vector<512x128xf32>
    %mul3A_66 = arith.mulf %sub3A_63, %sub3A_65 : vector<512x128xf32>
    %reduce_sum3A_67 = arith.constant dense<0.000000e+00> : vector<512xf32>
    %reduce_sum3A_68 = vector.multi_reduction <add>, %mul3A_66, %reduce_sum3A_67 [1] : vector<512x128xf32> to vector<512xf32>
    %broadcast_in_dim3A_69 = vector.shape_cast %reduce_sum3A_68 : vector<512xf32> to vector<512x1xf32>
    %div3A_70 = arith.constant 1.280000e+02 : f32
    %div3A_71 = vector.broadcast %div3A_70 : f32 to vector<512x1xf32>
    %div3A_72 = arith.divf %broadcast_in_dim3A_69, %div3A_71 : vector<512x1xf32>
    %sub3A_73 = vector.broadcast %div3A_61 : vector<512x1xf32> to vector<512x128xf32>
    %sub3A_74 = arith.subf %add3A_49, %sub3A_73 : vector<512x128xf32>
    %add3A_75 = arith.constant 9.99999974E-6 : f32
    %add3A_76 = vector.broadcast %add3A_75 : f32 to vector<512x1xf32>
    %add3A_77 = arith.addf %div3A_72, %add3A_76 : vector<512x1xf32>
    %sqrt3A_78 = math.sqrt %add3A_77 : vector<512x1xf32>
    %div3A_79 = vector.broadcast %sqrt3A_78 : vector<512x1xf32> to vector<512x128xf32>
    %div3A_80 = arith.divf %sub3A_74, %div3A_79 : vector<512x128xf32>
    %mul3A_81 = vector.broadcast %get3A_52 : vector<1x128xf32> to vector<512x128xf32>
    %mul3A_82 = arith.mulf %div3A_80, %mul3A_81 : vector<512x128xf32>
    %add3A_83 = vector.broadcast %get3A_55 : vector<1x128xf32> to vector<512x128xf32>
    %add3A_84 = arith.addf %mul3A_82, %add3A_83 : vector<512x128xf32>
    %get3A_85 = arith.constant 0 : index
    %get3A_86 = arith.constant 0 : index
    %get3A_87 = vector.load %arg9[%get3A_85, %get3A_86] : memref<128x256xf32, #tpu.memory_space<vmem>>, vector<128x256xf32>
    %dot_general3A_88 = arith.constant dense<0.000000e+00> : vector<512x256xf32>
    %dot_general3A_89 = tpu.matmul %add3A_84, %get3A_87, %dot_general3A_88 {dimension_numbers = #tpu.dot_dimension_numbers<[1], [0], [0], [1], [0, 0, 1, 1], [], []>, transpose_lhs_hint = false} : vector<512x128xf32>, vector<128x256xf32>, vector<512x256xf32> -> vector<512x256xf32>
    %max3A_90 = arith.constant 0.000000e+00 : f32
    %max3A_91 = vector.broadcast %max3A_90 : f32 to vector<512x256xf32>
    %max3A_92 = arith.maximumf %dot_general3A_89, %max3A_91 : vector<512x256xf32>
    %get3A_93 = arith.constant 0 : index
    %get3A_94 = arith.constant 0 : index
    %get3A_95 = vector.load %arg10[%get3A_93, %get3A_94] : memref<256x128xf32, #tpu.memory_space<vmem>>, vector<256x128xf32>
    %dot_general3A_96 = arith.constant dense<0.000000e+00> : vector<512x128xf32>
    %dot_general3A_97 = tpu.matmul %max3A_92, %get3A_95, %dot_general3A_96 {dimension_numbers = #tpu.dot_dimension_numbers<[1], [0], [0], [1], [0, 0, 1, 1], [], []>, transpose_lhs_hint = false} : vector<512x256xf32>, vector<256x128xf32>, vector<512x128xf32> -> vector<512x128xf32>
    %add3A_98 = arith.addf %add3A_84, %dot_general3A_97 : vector<512x128xf32>
    %get3A_99 = arith.constant 0 : index
    %get3A_100 = arith.constant 0 : index
    %get3A_101 = vector.load %arg11[%get3A_99, %get3A_100] : memref<1x128xf32, #tpu.memory_space<vmem>>, vector<1x128xf32>
    %get3A_102 = arith.constant 0 : index
    %get3A_103 = arith.constant 0 : index
    %get3A_104 = vector.load %arg12[%get3A_102, %get3A_103] : memref<1x128xf32, #tpu.memory_space<vmem>>, vector<1x128xf32>
    %reduce_sum3A_105 = arith.constant dense<0.000000e+00> : vector<512xf32>
    %reduce_sum3A_106 = vector.multi_reduction <add>, %add3A_98, %reduce_sum3A_105 [1] : vector<512x128xf32> to vector<512xf32>
    %broadcast_in_dim3A_107 = vector.shape_cast %reduce_sum3A_106 : vector<512xf32> to vector<512x1xf32>
    %div3A_108 = arith.constant 1.280000e+02 : f32
    %div3A_109 = vector.broadcast %div3A_108 : f32 to vector<512x1xf32>
    %div3A_110 = arith.divf %broadcast_in_dim3A_107, %div3A_109 : vector<512x1xf32>
    %sub3A_111 = vector.broadcast %div3A_110 : vector<512x1xf32> to vector<512x128xf32>
    %sub3A_112 = arith.subf %add3A_98, %sub3A_111 : vector<512x128xf32>
    %sub3A_113 = vector.broadcast %div3A_110 : vector<512x1xf32> to vector<512x128xf32>
    %sub3A_114 = arith.subf %add3A_98, %sub3A_113 : vector<512x128xf32>
    %mul3A_115 = arith.mulf %sub3A_112, %sub3A_114 : vector<512x128xf32>
    %reduce_sum3A_116 = arith.constant dense<0.000000e+00> : vector<512xf32>
    %reduce_sum3A_117 = vector.multi_reduction <add>, %mul3A_115, %reduce_sum3A_116 [1] : vector<512x128xf32> to vector<512xf32>
    %broadcast_in_dim3A_118 = vector.shape_cast %reduce_sum3A_117 : vector<512xf32> to vector<512x1xf32>
    %div3A_119 = arith.constant 1.280000e+02 : f32
    %div3A_120 = vector.broadcast %div3A_119 : f32 to vector<512x1xf32>
    %div3A_121 = arith.divf %broadcast_in_dim3A_118, %div3A_120 : vector<512x1xf32>
    %sub3A_122 = vector.broadcast %div3A_110 : vector<512x1xf32> to vector<512x128xf32>
    %sub3A_123 = arith.subf %add3A_98, %sub3A_122 : vector<512x128xf32>
    %add3A_124 = arith.constant 9.99999974E-6 : f32
    %add3A_125 = vector.broadcast %add3A_124 : f32 to vector<512x1xf32>
    %add3A_126 = arith.addf %div3A_121, %add3A_125 : vector<512x1xf32>
    %sqrt3A_127 = math.sqrt %add3A_126 : vector<512x1xf32>
    %div3A_128 = vector.broadcast %sqrt3A_127 : vector<512x1xf32> to vector<512x128xf32>
    %div3A_129 = arith.divf %sub3A_123, %div3A_128 : vector<512x128xf32>
    %mul3A_130 = vector.broadcast %get3A_101 : vector<1x128xf32> to vector<512x128xf32>
    %mul3A_131 = arith.mulf %div3A_129, %mul3A_130 : vector<512x128xf32>
    %add3A_132 = vector.broadcast %get3A_104 : vector<1x128xf32> to vector<512x128xf32>
    %add3A_133 = arith.addf %mul3A_131, %add3A_132 : vector<512x128xf32>
    %get3A_134 = arith.constant 0 : index
    %get3A_135 = arith.constant 0 : index
    %get3A_136 = vector.load %arg13[%get3A_134, %get3A_135] : memref<1x128xf32, #tpu.memory_space<vmem>>, vector<1x128xf32>
    %get3A_137 = arith.constant 0 : index
    %get3A_138 = arith.constant 0 : index
    %get3A_139 = vector.load %arg14[%get3A_137, %get3A_138] : memref<1x128xf32, #tpu.memory_space<vmem>>, vector<1x128xf32>
    %reduce_sum3A_140 = arith.constant dense<0.000000e+00> : vector<512xf32>
    %reduce_sum3A_141 = vector.multi_reduction <add>, %add3A_133, %reduce_sum3A_140 [1] : vector<512x128xf32> to vector<512xf32>
    %broadcast_in_dim3A_142 = vector.shape_cast %reduce_sum3A_141 : vector<512xf32> to vector<512x1xf32>
    %div3A_143 = arith.constant 1.280000e+02 : f32
    %div3A_144 = vector.broadcast %div3A_143 : f32 to vector<512x1xf32>
    %div3A_145 = arith.divf %broadcast_in_dim3A_142, %div3A_144 : vector<512x1xf32>
    %sub3A_146 = vector.broadcast %div3A_145 : vector<512x1xf32> to vector<512x128xf32>
    %sub3A_147 = arith.subf %add3A_133, %sub3A_146 : vector<512x128xf32>
    %sub3A_148 = vector.broadcast %div3A_145 : vector<512x1xf32> to vector<512x128xf32>
    %sub3A_149 = arith.subf %add3A_133, %sub3A_148 : vector<512x128xf32>
    %mul3A_150 = arith.mulf %sub3A_147, %sub3A_149 : vector<512x128xf32>
    %reduce_sum3A_151 = arith.constant dense<0.000000e+00> : vector<512xf32>
    %reduce_sum3A_152 = vector.multi_reduction <add>, %mul3A_150, %reduce_sum3A_151 [1] : vector<512x128xf32> to vector<512xf32>
    %broadcast_in_dim3A_153 = vector.shape_cast %reduce_sum3A_152 : vector<512xf32> to vector<512x1xf32>
    %div3A_154 = arith.constant 1.280000e+02 : f32
    %div3A_155 = vector.broadcast %div3A_154 : f32 to vector<512x1xf32>
    %div3A_156 = arith.divf %broadcast_in_dim3A_153, %div3A_155 : vector<512x1xf32>
    %sub3A_157 = vector.broadcast %div3A_145 : vector<512x1xf32> to vector<512x128xf32>
    %sub3A_158 = arith.subf %add3A_133, %sub3A_157 : vector<512x128xf32>
    %add3A_159 = arith.constant 9.99999974E-6 : f32
    %add3A_160 = vector.broadcast %add3A_159 : f32 to vector<512x1xf32>
    %add3A_161 = arith.addf %div3A_156, %add3A_160 : vector<512x1xf32>
    %sqrt3A_162 = math.sqrt %add3A_161 : vector<512x1xf32>
    %div3A_163 = vector.broadcast %sqrt3A_162 : vector<512x1xf32> to vector<512x128xf32>
    %div3A_164 = arith.divf %sub3A_158, %div3A_163 : vector<512x128xf32>
    %mul3A_165 = vector.broadcast %get3A_136 : vector<1x128xf32> to vector<512x128xf32>
    %mul3A_166 = arith.mulf %div3A_164, %mul3A_165 : vector<512x128xf32>
    %add3A_167 = vector.broadcast %get3A_139 : vector<1x128xf32> to vector<512x128xf32>
    %add3A_168 = arith.addf %mul3A_166, %add3A_167 : vector<512x128xf32>
    %swap3A = arith.constant 0 : index
    %swap3A_169 = arith.constant 0 : index
    %swap3A_170 = vector.load %arg15[%swap3A, %swap3A_169] : memref<512x128xf32, #tpu.memory_space<vmem>>, vector<512x128xf32>
    tpu.vector_store %arg15[%swap3A, %swap3A_169], %add3A_168 {strides = array<i32>} : memref<512x128xf32, #tpu.memory_space<vmem>>, vector<512x128xf32>,
    return
  }
  func.func @transform_0(%arg0: i32) -> (i32, i32) {
    %c0_i32 = arith.constant 0 : i32
    %c0_i32_0 = arith.constant 0 : i32
    return %arg0, %c0_i32 : i32, i32
  }
  func.func @transform_1(%arg0: i32) -> (i32, i32) {
    %c0_i32 = arith.constant 0 : i32
    %c0_i32_0 = arith.constant 0 : i32
    return %arg0, %c0_i32 : i32, i32
  }
  func.func @transform_2(%arg0: i32) -> (i32, i32) {
    %c0_i32 = arith.constant 0 : i32
    %c0_i32_0 = arith.constant 0 : i32
    return %arg0, %c0_i32 : i32, i32
  }
  func.func @transform_3(%arg0: i32) -> (i32, i32) {
    %c0_i32 = arith.constant 0 : i32
    %c0_i32_0 = arith.constant 0 : i32
    %c0_i32_1 = arith.constant 0 : i32
    return %c0_i32, %c0_i32_0 : i32, i32
  }
  func.func @transform_4(%arg0: i32) -> (i32, i32) {
    %c0_i32 = arith.constant 0 : i32
    %c0_i32_0 = arith.constant 0 : i32
    %c0_i32_1 = arith.constant 0 : i32
    return %c0_i32, %c0_i32_0 : i32, i32
  }
  func.func @transform_5(%arg0: i32) -> (i32, i32) {
    %c0_i32 = arith.constant 0 : i32
    %c0_i32_0 = arith.constant 0 : i32
    %c0_i32_1 = arith.constant 0 : i32
    return %c0_i32, %c0_i32_0 : i32, i32
  }
  func.func @transform_6(%arg0: i32) -> (i32, i32) {
    %c0_i32 = arith.constant 0 : i32
    %c0_i32_0 = arith.constant 0 : i32
    %c0_i32_1 = arith.constant 0 : i32
    return %c0_i32, %c0_i32_0 : i32, i32
  }
  func.func @transform_7(%arg0: i32) -> (i32, i32) {
    %c0_i32 = arith.constant 0 : i32
    %c0_i32_0 = arith.constant 0 : i32
    %c0_i32_1 = arith.constant 0 : i32
    return %c0_i32, %c0_i32_0 : i32, i32
  }
  func.func @transform_8(%arg0: i32) -> (i32, i32) {
    %c0_i32 = arith.constant 0 : i32
    %c0_i32_0 = arith.constant 0 : i32
    %c0_i32_1 = arith.constant 0 : i32
    return %c0_i32, %c0_i32_0 : i32, i32
  }
  func.func @transform_9(%arg0: i32) -> (i32, i32) {
    %c0_i32 = arith.constant 0 : i32
    %c0_i32_0 = arith.constant 0 : i32
    %c0_i32_1 = arith.constant 0 : i32
    return %c0_i32, %c0_i32_0 : i32, i32
  }
  func.func @transform_10(%arg0: i32) -> (i32, i32) {
    %c0_i32 = arith.constant 0 : i32
    %c0_i32_0 = arith.constant 0 : i32
    %c0_i32_1 = arith.constant 0 : i32
    return %c0_i32, %c0_i32_0 : i32, i32
  }
  func.func @transform_11(%arg0: i32) -> (i32, i32) {
    %c0_i32 = arith.constant 0 : i32
    %c0_i32_0 = arith.constant 0 : i32
    %c0_i32_1 = arith.constant 0 : i32
    return %c0_i32, %c0_i32_0 : i32, i32
  }
  func.func @transform_12(%arg0: i32) -> (i32, i32) {
    %c0_i32 = arith.constant 0 : i32
    %c0_i32_0 = arith.constant 0 : i32
    %c0_i32_1 = arith.constant 0 : i32
    return %c0_i32, %c0_i32_0 : i32, i32
  }
  func.func @transform_13(%arg0: i32) -> (i32, i32) {
    %c0_i32 = arith.constant 0 : i32
    %c0_i32_0 = arith.constant 0 : i32
    %c0_i32_1 = arith.constant 0 : i32
    return %c0_i32, %c0_i32_0 : i32, i32
  }
  func.func @transform_14(%arg0: i32) -> (i32, i32) {
    %c0_i32 = arith.constant 0 : i32
    %c0_i32_0 = arith.constant 0 : i32
    return %arg0, %c0_i32 : i32, i32
  }
}

module attributes {stable_mosaic.version = 14 : i64} {
  func.func @_gmax_body(%arg0: memref<16384x128xf32, #tpu.memory_space<vmem>>, %arg1: memref<4x128xf32, #tpu.memory_space<vmem>>) attributes {dimension_semantics = [], scalar_prefetch = 0 : i64, scratch_operands = 0 : i64, tpu.core_type = #tpu.core_type<tc>} {
    %get3A = arith.constant 0 : index
    %get3A_0 = arith.constant 0 : index
    %get3A_1 = vector.load %arg0[%get3A, %get3A_0] : memref<16384x128xf32, #tpu.memory_space<vmem>>, vector<16384x128xf32>
    %reshape3A = vector.shape_cast %get3A_1 : vector<16384x128xf32> to vector<4x4096x128xf32>
    %reduce_max3A = arith.constant dense<0xFF800000> : vector<4x128xf32>
    %reduce_max3A_2 = vector.multi_reduction <maximumf>, %reshape3A, %reduce_max3A [1] : vector<4x4096x128xf32> to vector<4x128xf32>
    %swap3A = arith.constant 0 : index
    %swap3A_3 = arith.constant 0 : index
    %swap3A_4 = vector.load %arg1[%swap3A, %swap3A_3] : memref<4x128xf32, #tpu.memory_space<vmem>>, vector<4x128xf32>
    tpu.vector_store %arg1[%swap3A, %swap3A_3], %reduce_max3A_2 {strides = array<i32>} : memref<4x128xf32, #tpu.memory_space<vmem>>, vector<4x128xf32>,
    return
  }
}

module attributes {stable_mosaic.version = 14 : i64} {
  func.func @_head_body(%arg0: i32, %arg1: i32, %arg2: memref<2048x128xf32, #tpu.memory_space<vmem>>, %arg3: memref<2048x128xf32, #tpu.memory_space<vmem>>, %arg4: memref<4x128xf32, #tpu.memory_space<vmem>>, %arg5: memref<128x128xf32, #tpu.memory_space<vmem>>, %arg6: memref<128x128xf32, #tpu.memory_space<vmem>>, %arg7: memref<128x128xf32, #tpu.memory_space<vmem>>, %arg8: memref<1x128xf32, #tpu.memory_space<vmem>>, %arg9: memref<1x128xf32, #tpu.memory_space<vmem>>, %arg10: memref<128x64xf32, #tpu.memory_space<vmem>>, %arg11: memref<1x64xf32, #tpu.memory_space<vmem>>, %arg12: memref<1x64xf32, #tpu.memory_space<vmem>>, %arg13: memref<64x13xf32, #tpu.memory_space<vmem>>, %arg14: memref<1x13xf32, #tpu.memory_space<vmem>>, %arg15: memref<2048x13xf32, #tpu.memory_space<vmem>>) attributes {dimension_semantics = [#tpu.dimension_semantics<arbitrary>, #tpu.dimension_semantics<arbitrary>], iteration_bounds = array<i64: 4, 2>, scalar_prefetch = 0 : i64, scratch_operands = 0 : i64, tpu.core_type = #tpu.core_type<tc>, window_params = [{transform_indices = @transform_0, window_bounds = array<i64: 2048, 128>}, {transform_indices = @transform_1, window_bounds = array<i64: 2048, 128>}, {pipeline_mode = #tpu.pipeline_mode<synchronous>, transform_indices = @transform_2, window_bounds = array<i64: 4, 128>}, {pipeline_mode = #tpu.pipeline_mode<synchronous>, transform_indices = @transform_3, window_bounds = array<i64: 128, 128>}, {pipeline_mode = #tpu.pipeline_mode<synchronous>, transform_indices = @transform_4, window_bounds = array<i64: 128, 128>}, {pipeline_mode = #tpu.pipeline_mode<synchronous>, transform_indices = @transform_5, window_bounds = array<i64: 128, 128>}, {pipeline_mode = #tpu.pipeline_mode<synchronous>, transform_indices = @transform_6, window_bounds = array<i64: 1, 128>}, {pipeline_mode = #tpu.pipeline_mode<synchronous>, transform_indices = @transform_7, window_bounds = array<i64: 1, 128>}, {pipeline_mode = #tpu.pipeline_mode<synchronous>, transform_indices = @transform_8, window_bounds = array<i64: 128, 64>}, {pipeline_mode = #tpu.pipeline_mode<synchronous>, transform_indices = @transform_9, window_bounds = array<i64: 1, 64>}, {pipeline_mode = #tpu.pipeline_mode<synchronous>, transform_indices = @transform_10, window_bounds = array<i64: 1, 64>}, {pipeline_mode = #tpu.pipeline_mode<synchronous>, transform_indices = @transform_11, window_bounds = array<i64: 64, 13>}, {pipeline_mode = #tpu.pipeline_mode<synchronous>, transform_indices = @transform_12, window_bounds = array<i64: 1, 13>}, {transform_indices = @transform_13, window_bounds = array<i64: 2048, 13>}]} {
    %get3A = arith.index_cast %arg0 : i32 to index
    %get3A_0 = arith.constant 0 : index
    %get3A_1 = vector.load %arg4[%get3A, %get3A_0] : memref<4x128xf32, #tpu.memory_space<vmem>>, vector<1x128xf32>
    %get3A_2 = arith.constant 0 : index
    %get3A_3 = arith.constant 0 : index
    %get3A_4 = vector.load %arg2[%get3A_2, %get3A_3] : memref<2048x128xf32, #tpu.memory_space<vmem>>, vector<2048x128xf32>
    %get3A_5 = arith.constant 0 : index
    %get3A_6 = arith.constant 0 : index
    %get3A_7 = vector.load %arg5[%get3A_5, %get3A_6] : memref<128x128xf32, #tpu.memory_space<vmem>>, vector<128x128xf32>
    %dot_general3A = arith.constant dense<0.000000e+00> : vector<2048x128xf32>
    %dot_general3A_8 = tpu.matmul %get3A_4, %get3A_7, %dot_general3A {dimension_numbers = #tpu.dot_dimension_numbers<[1], [0], [0], [1], [0, 0, 1, 1], [], []>, transpose_lhs_hint = false} : vector<2048x128xf32>, vector<128x128xf32>, vector<2048x128xf32> -> vector<2048x128xf32>
    %get3A_9 = arith.constant 0 : index
    %get3A_10 = arith.constant 0 : index
    %get3A_11 = vector.load %arg3[%get3A_9, %get3A_10] : memref<2048x128xf32, #tpu.memory_space<vmem>>, vector<2048x128xf32>
    %get3A_12 = arith.constant 0 : index
    %get3A_13 = arith.constant 0 : index
    %get3A_14 = vector.load %arg6[%get3A_12, %get3A_13] : memref<128x128xf32, #tpu.memory_space<vmem>>, vector<128x128xf32>
    %dot_general3A_15 = arith.constant dense<0.000000e+00> : vector<2048x128xf32>
    %dot_general3A_16 = tpu.matmul %get3A_11, %get3A_14, %dot_general3A_15 {dimension_numbers = #tpu.dot_dimension_numbers<[1], [0], [0], [1], [0, 0, 1, 1], [], []>, transpose_lhs_hint = false} : vector<2048x128xf32>, vector<128x128xf32>, vector<2048x128xf32> -> vector<2048x128xf32>
    %add3A = arith.addf %dot_general3A_8, %dot_general3A_16 : vector<2048x128xf32>
    %get3A_17 = arith.constant 0 : index
    %get3A_18 = arith.constant 0 : index
    %get3A_19 = vector.load %arg7[%get3A_17, %get3A_18] : memref<128x128xf32, #tpu.memory_space<vmem>>, vector<128x128xf32>
    %dot_general3A_20 = arith.constant dense<0.000000e+00> : vector<1x128xf32>
    %dot_general3A_21 = tpu.matmul %get3A_1, %get3A_19, %dot_general3A_20 {dimension_numbers = #tpu.dot_dimension_numbers<[1], [0], [0], [1], [0, 0, 1, 1], [], []>, transpose_lhs_hint = false} : vector<1x128xf32>, vector<128x128xf32>, vector<1x128xf32> -> vector<1x128xf32>
    %add3A_22 = vector.broadcast %dot_general3A_21 : vector<1x128xf32> to vector<2048x128xf32>
    %add3A_23 = arith.addf %add3A, %add3A_22 : vector<2048x128xf32>
    %get3A_24 = arith.constant 0 : index
    %get3A_25 = arith.constant 0 : index
    %get3A_26 = vector.load %arg8[%get3A_24, %get3A_25] : memref<1x128xf32, #tpu.memory_space<vmem>>, vector<1x128xf32>
    %mul3A = vector.broadcast %get3A_26 : vector<1x128xf32> to vector<2048x128xf32>
    %mul3A_27 = arith.mulf %add3A_23, %mul3A : vector<2048x128xf32>
    %get3A_28 = arith.constant 0 : index
    %get3A_29 = arith.constant 0 : index
    %get3A_30 = vector.load %arg9[%get3A_28, %get3A_29] : memref<1x128xf32, #tpu.memory_space<vmem>>, vector<1x128xf32>
    %add3A_31 = vector.broadcast %get3A_30 : vector<1x128xf32> to vector<2048x128xf32>
    %add3A_32 = arith.addf %mul3A_27, %add3A_31 : vector<2048x128xf32>
    %max3A = arith.constant 0.000000e+00 : f32
    %max3A_33 = vector.broadcast %max3A : f32 to vector<2048x128xf32>
    %max3A_34 = arith.maximumf %add3A_32, %max3A_33 : vector<2048x128xf32>
    %get3A_35 = arith.constant 0 : index
    %get3A_36 = arith.constant 0 : index
    %get3A_37 = vector.load %arg10[%get3A_35, %get3A_36] : memref<128x64xf32, #tpu.memory_space<vmem>>, vector<128x64xf32>
    %dot_general3A_38 = arith.constant dense<0.000000e+00> : vector<2048x64xf32>
    %dot_general3A_39 = tpu.matmul %max3A_34, %get3A_37, %dot_general3A_38 {dimension_numbers = #tpu.dot_dimension_numbers<[1], [0], [0], [1], [0, 0, 1, 1], [], []>, transpose_lhs_hint = false} : vector<2048x128xf32>, vector<128x64xf32>, vector<2048x64xf32> -> vector<2048x64xf32>
    %get3A_40 = arith.constant 0 : index
    %get3A_41 = arith.constant 0 : index
    %get3A_42 = vector.load %arg11[%get3A_40, %get3A_41] : memref<1x64xf32, #tpu.memory_space<vmem>>, vector<1x64xf32>
    %mul3A_43 = vector.broadcast %get3A_42 : vector<1x64xf32> to vector<2048x64xf32>
    %mul3A_44 = arith.mulf %dot_general3A_39, %mul3A_43 : vector<2048x64xf32>
    %get3A_45 = arith.constant 0 : index
    %get3A_46 = arith.constant 0 : index
    %get3A_47 = vector.load %arg12[%get3A_45, %get3A_46] : memref<1x64xf32, #tpu.memory_space<vmem>>, vector<1x64xf32>
    %add3A_48 = vector.broadcast %get3A_47 : vector<1x64xf32> to vector<2048x64xf32>
    %add3A_49 = arith.addf %mul3A_44, %add3A_48 : vector<2048x64xf32>
    %max3A_50 = arith.constant 0.000000e+00 : f32
    %max3A_51 = vector.broadcast %max3A_50 : f32 to vector<2048x64xf32>
    %max3A_52 = arith.maximumf %add3A_49, %max3A_51 : vector<2048x64xf32>
    %get3A_53 = arith.constant 0 : index
    %get3A_54 = arith.constant 0 : index
    %get3A_55 = vector.load %arg13[%get3A_53, %get3A_54] : memref<64x13xf32, #tpu.memory_space<vmem>>, vector<64x13xf32>
    %dot_general3A_56 = arith.constant dense<0.000000e+00> : vector<2048x13xf32>
    %dot_general3A_57 = tpu.matmul %max3A_52, %get3A_55, %dot_general3A_56 {dimension_numbers = #tpu.dot_dimension_numbers<[1], [0], [0], [1], [0, 0, 1, 1], [], []>, transpose_lhs_hint = false} : vector<2048x64xf32>, vector<64x13xf32>, vector<2048x13xf32> -> vector<2048x13xf32>
    %get3A_58 = arith.constant 0 : index
    %get3A_59 = arith.constant 0 : index
    %get3A_60 = vector.load %arg14[%get3A_58, %get3A_59] : memref<1x13xf32, #tpu.memory_space<vmem>>, vector<1x13xf32>
    %add3A_61 = vector.broadcast %get3A_60 : vector<1x13xf32> to vector<2048x13xf32>
    %add3A_62 = arith.addf %dot_general3A_57, %add3A_61 : vector<2048x13xf32>
    %swap3A = arith.constant 0 : index
    %swap3A_63 = arith.constant 0 : index
    %swap3A_64 = vector.load %arg15[%swap3A, %swap3A_63] : memref<2048x13xf32, #tpu.memory_space<vmem>>, vector<2048x13xf32>
    tpu.vector_store %arg15[%swap3A, %swap3A_63], %add3A_62 {strides = array<i32>} : memref<2048x13xf32, #tpu.memory_space<vmem>>, vector<2048x13xf32>,
    return
  }
  func.func @transform_0(%arg0: i32, %arg1: i32) -> (i32, i32) {
    %mul3A = arith.constant 2 : i32
    %mul3A_0 = arith.muli %arg0, %mul3A : i32
    %add3A = arith.addi %mul3A_0, %arg1 : i32
    %c0_i32 = arith.constant 0 : i32
    %c0_i32_1 = arith.constant 0 : i32
    return %add3A, %c0_i32 : i32, i32
  }
  func.func @transform_1(%arg0: i32, %arg1: i32) -> (i32, i32) {
    %mul3A = arith.constant 2 : i32
    %mul3A_0 = arith.muli %arg0, %mul3A : i32
    %add3A = arith.addi %mul3A_0, %arg1 : i32
    %c0_i32 = arith.constant 0 : i32
    %c0_i32_1 = arith.constant 0 : i32
    return %add3A, %c0_i32 : i32, i32
  }
  func.func @transform_2(%arg0: i32, %arg1: i32) -> (i32, i32) {
    %c0_i32 = arith.constant 0 : i32
    %c0_i32_0 = arith.constant 0 : i32
    %c0_i32_1 = arith.constant 0 : i32
    return %c0_i32, %c0_i32_0 : i32, i32
  }
  func.func @transform_3(%arg0: i32, %arg1: i32) -> (i32, i32) {
    %c0_i32 = arith.constant 0 : i32
    %c0_i32_0 = arith.constant 0 : i32
    %c0_i32_1 = arith.constant 0 : i32
    return %c0_i32, %c0_i32_0 : i32, i32
  }
  func.func @transform_4(%arg0: i32, %arg1: i32) -> (i32, i32) {
    %c0_i32 = arith.constant 0 : i32
    %c0_i32_0 = arith.constant 0 : i32
    %c0_i32_1 = arith.constant 0 : i32
    return %c0_i32, %c0_i32_0 : i32, i32
  }
  func.func @transform_5(%arg0: i32, %arg1: i32) -> (i32, i32) {
    %c0_i32 = arith.constant 0 : i32
    %c0_i32_0 = arith.constant 0 : i32
    %c0_i32_1 = arith.constant 0 : i32
    return %c0_i32, %c0_i32_0 : i32, i32
  }
  func.func @transform_6(%arg0: i32, %arg1: i32) -> (i32, i32) {
    %c0_i32 = arith.constant 0 : i32
    %c0_i32_0 = arith.constant 0 : i32
    %c0_i32_1 = arith.constant 0 : i32
    return %c0_i32, %c0_i32_0 : i32, i32
  }
  func.func @transform_7(%arg0: i32, %arg1: i32) -> (i32, i32) {
    %c0_i32 = arith.constant 0 : i32
    %c0_i32_0 = arith.constant 0 : i32
    %c0_i32_1 = arith.constant 0 : i32
    return %c0_i32, %c0_i32_0 : i32, i32
  }
  func.func @transform_8(%arg0: i32, %arg1: i32) -> (i32, i32) {
    %c0_i32 = arith.constant 0 : i32
    %c0_i32_0 = arith.constant 0 : i32
    %c0_i32_1 = arith.constant 0 : i32
    return %c0_i32, %c0_i32_0 : i32, i32
  }
  func.func @transform_9(%arg0: i32, %arg1: i32) -> (i32, i32) {
    %c0_i32 = arith.constant 0 : i32
    %c0_i32_0 = arith.constant 0 : i32
    %c0_i32_1 = arith.constant 0 : i32
    return %c0_i32, %c0_i32_0 : i32, i32
  }
  func.func @transform_10(%arg0: i32, %arg1: i32) -> (i32, i32) {
    %c0_i32 = arith.constant 0 : i32
    %c0_i32_0 = arith.constant 0 : i32
    %c0_i32_1 = arith.constant 0 : i32
    return %c0_i32, %c0_i32_0 : i32, i32
  }
  func.func @transform_11(%arg0: i32, %arg1: i32) -> (i32, i32) {
    %c0_i32 = arith.constant 0 : i32
    %c0_i32_0 = arith.constant 0 : i32
    %c0_i32_1 = arith.constant 0 : i32
    return %c0_i32, %c0_i32_0 : i32, i32
  }
  func.func @transform_12(%arg0: i32, %arg1: i32) -> (i32, i32) {
    %c0_i32 = arith.constant 0 : i32
    %c0_i32_0 = arith.constant 0 : i32
    %c0_i32_1 = arith.constant 0 : i32
    return %c0_i32, %c0_i32_0 : i32, i32
  }
  func.func @transform_13(%arg0: i32, %arg1: i32) -> (i32, i32) {
    %mul3A = arith.constant 2 : i32
    %mul3A_0 = arith.muli %arg0, %mul3A : i32
    %add3A = arith.addi %mul3A_0, %arg1 : i32
    %c0_i32 = arith.constant 0 : i32
    %c0_i32_1 = arith.constant 0 : i32
    return %add3A, %c0_i32 : i32, i32
  }
}

</mosaic_0001>

<sc_bundles>
// kernel: kernel.15.cloned.1.call-start
scs
__scs_entry_jumppad:
0x0: {  	(pc) =	sbr.rel $0x88, $3  }
0x1: {  	(tag) =	ssettag $0x0;
	lr =	simm.s32 $0x1  }
0x2: {  	[smem:$0x3F6C] =	sst lr;
	_ =	strace $0xD0000000  }
0x3: {  	_ = 	snop  }
0x4: {  	_ = 	snop  }
0x5: {  	_ = 	snop  }
0x6: {  	_ = 	snop  }
0x7: {  	_ = 	snop  }
__scs_overlays_trampoline_lowered:
0x8: {  	[smem:$0x3F7B] =	sst s0  }
0x9: {  	[smem:$0x3F7C] =	sst s1  }
0xa: {  	[smem:$0x3F7D] =	sst s2  }
0xb: {  	[smem:$0x3F7E] =	sst s3  }
0xc: {  	[smem:$0x3F7F] =	sst s4  }
0xd: {  	[smem:$0x3F80] =	sst s5  }
0xe: {  	[smem:$0x3F81] =	sst s6  }
0xf: {  	[smem:$0x3F82] =	sst s7  }
0x10: {  	[smem:$0x3F83] =	sst s8  }
0x11: {  	[smem:$0x3F84] =	sst s9;
	s0 =	simm.s32 @!p0 $0x0  }
0x12: {  	s1 =	sld [smem:$0x3F6A];
	s0 =	simm.s32 @p0 $0x1  }
0x13: {  	[smem:$0x3F85] =	sst s0;
	s0 =	simm.s32 @!p1 $0x0  }
0x14: {  	s2 =	sld [smem:$0x3F69];
	s0 =	simm.s32 @p1 $0x1  }
0x15: {  	[smem:$0x3F86] =	sst s0;
	s0 =	simm.s32 @!p2 $0x0  }
0x16: {  	s3 =	sld [smem:$0x3FDB];
	s0 =	simm.s32 @p2 $0x1  }
0x17: {  	s4 =	simm.s32 $0x1BF5;
	[smem:$0x3F88] =	sst s0  }
0x18: {  	s0 =	sld [smem:$0x3F6B];
	_ =	swait.ge [sflag:s4], $0x0  }
0x19: {  	s7 =	sld [smem:$0x3F6C]  }
0x1a: {  	s8 =	sadd.s32 $0xFFFFE003, lr  }
0x1b: {  	s9 =	sadd.s32 $0xFFFFFEF7, lr;
	s5 =	simm.s32 $0xFFFFFFFF;
	p2 =	slt.u32 s8, $0xFFFFF086  }
0x1c: {  	p1 =	slt.u32 s9, $0xF7A;
	s5 =	simm.s32 @!p2 $0x0  }
0x1d: {  	s5 =	simm.s32 @p1 $0x1;
	p0 =	seq.s32 s7, s2  }
0x1e: {  	s7 =	smul.u32 @!p0 $0xF7A, s2;
	p2 =	seq.s32 @!p0 s5, $0x0  }
0x1f: {  	s9 =	smul.u32 $0xF7A, s1;
	s8 =	simm.s32 @!p0 $0x1BF5;
	p2 =	por !p2, p0  }
0x20: {  	[sflag:s8] =	ssyncset.s32 @!p0 $0xFFFFF086;
	s6 =	sadd.s32 @!p0 s3, s7;
	s7 =	simm.s32 @!p0 $0x108  }
0x21: {  	s3 =	sadd.s32 s3, s9;
	s6 =	sadd.s32 @!p0 $0x88, s6;
	s7 =	simm.s32 @p2 $0x1082  }
0x22: {  	[simem:s7], [sflag:s8] =	dma.local @!p0 [hbm:s6], $0xF7A  }
0x23: {  	s9 =	sor.u32 $0xD0000000, s2;
	s6 =	simm.s32 $0x108;
	_ =	swait.ge @!p0 [sflag:s8], $0x0  }
0x24: {  	s3 =	sadd.s32 $0x88, s3;
	s6 =	simm.s32 @!p1 $0x1082;
	[sflag:s4] =	ssyncset.s32 $0xFFFFF086  }
0x25: {  	[simem:s6], [sflag:s4] =	dma.local [hbm:s3], $0xF7A  }
0x26: {  	[smem:$0x3F6C] =	sst s1;
	(tag) =	ssettag s2;
	_ =	strace s9  }
0x27: {  	s1 =	sld [smem:$0x3F7C]  }
0x28: {  	s2 =	sld [smem:$0x3F7D]  }
0x29: {  	s4 =	sld [smem:$0x3F7F]  }
0x2a: {  	p0 =	seq.s32 s5, $0x0;
	s5 =	sld [smem:$0x3F80]  }
0x2b: {  	s6 =	sld [smem:$0x3F81]  }
0x2c: {  	s7 =	sld [smem:$0x3F82]  }
0x2d: {  	s3 =	simm.s32 $0x108;
	s8 =	sld [smem:$0x3F83]  }
0x2e: {  	s3 =	simm.s32 @!p0 $0x1082;
	s9 =	sld [smem:$0x3F84]  }
0x2f: {  	lr =	sadd.s32 s0, s3;
	s0 =	sld [smem:$0x3F7B]  }
0x30: {  	s3 =	sld [smem:$0x3F7E]  }
0x31: {  	[smem:$0x3F87] =	sst s10  }
0x32: {  	s10 =	sld [smem:$0x3F85];
	_ =	sdelay $0x3  }
0x33: {  	p0 =	seq.s32 s10, $0x1;
	s10 =	sld [smem:$0x3F87];
	_ =	sdelay $0x3  }
0x34: {  	[smem:$0x3F87] =	sst s10  }
0x35: {  	s10 =	sld [smem:$0x3F86];
	_ =	sdelay $0x3  }
0x36: {  	p1 =	seq.s32 s10, $0x1;
	s10 =	sld [smem:$0x3F87];
	_ =	sdelay $0x3  }
0x37: {  	[smem:$0x3F87] =	sst s10  }
0x38: {  	s10 =	sld [smem:$0x3F88]  }
0x39: {  	_ = 	snop;
	(pc) =	sbr.ind lr, $3  }
0x3a: {  	_ = 	snop  }
0x3b: {  	_ = 	snop  }
0x3c: {  	p2 =	seq.s32 s10, $0x1;
	s10 =	sld [smem:$0x3F87]  }
0x3d: {  	_ =	shalt  }
0x3e: {  	_ =	shalt  }
0x3f: {  	_ =	shalt  }
0x40: {  	_ =	shalt  }
0x41: {  	_ =	shalt  }
0x42: {  	_ =	shalt  }
0x43: {  	_ =	shalt  }
0x44: {  	_ =	shalt  }
0x45: {  	_ =	shalt  }
0x46: {  	_ =	shalt  }
0x47: {  	_ =	shalt  }
0x48: {  	_ =	shalt  }
0x49: {  	_ =	shalt  }
0x4a: {  	_ =	shalt  }
0x4b: {  	_ =	shalt  }
0x4c: {  	_ =	shalt  }
0x4d: {  	_ =	shalt  }
0x4e: {  	_ =	shalt  }
0x4f: {  	_ =	shalt  }
0x50: {  	_ =	shalt  }
0x51: {  	_ =	shalt  }
0x52: {  	_ =	shalt  }
0x53: {  	_ =	shalt  }
0x54: {  	_ =	shalt  }
0x55: {  	_ =	shalt  }
0x56: {  	_ =	shalt  }
0x57: {  	_ =	shalt  }
0x58: {  	_ =	shalt  }
0x59: {  	_ =	shalt  }
0x5a: {  	_ =	shalt  }
0x5b: {  	_ =	shalt  }
0x5c: {  	_ =	shalt  }
0x5d: {  	_ =	shalt  }
0x5e: {  	_ =	shalt  }
0x5f: {  	_ =	shalt  }
0x60: {  	_ =	shalt  }
0x61: {  	_ =	shalt  }
0x62: {  	_ =	shalt  }
0x63: {  	_ =	shalt  }
0x64: {  	_ =	shalt  }
0x65: {  	_ =	shalt  }
0x66: {  	_ =	shalt  }
0x67: {  	_ =	shalt  }
0x68: {  	_ =	shalt  }
0x69: {  	_ =	shalt  }
0x6a: {  	_ =	shalt  }
0x6b: {  	_ =	shalt  }
0x6c: {  	_ =	shalt  }
0x6d: {  	_ =	shalt  }
0x6e: {  	_ =	shalt  }
0x6f: {  	_ =	shalt  }
0x70: {  	_ =	shalt  }
0x71: {  	_ =	shalt  }
0x72: {  	_ =	shalt  }
0x73: {  	_ =	shalt  }
0x74: {  	_ =	shalt  }
0x75: {  	_ =	shalt  }
0x76: {  	_ =	shalt  }
0x77: {  	_ =	shalt  }
0x78: {  	_ =	shalt  }
0x79: {  	_ =	shalt  }
0x7a: {  	_ =	shalt  }
0x7b: {  	_ =	shalt  }
0x7c: {  	_ =	shalt  }
0x7d: {  	_ =	shalt  }
0x7e: {  	_ =	shalt  }
0x7f: {  	_ =	shalt  }
0x80: {  	_ =	shalt  }
0x81: {  	_ =	shalt  }
0x82: {  	_ =	shalt  }
0x83: {  	_ =	shalt  }
0x84: {  	_ =	shalt  }
0x85: {  	_ =	shalt  }
0x86: {  	_ =	shalt  }
0x87: {  	_ =	shalt  }
.Lfunc_end0:
.L_simem_size_0:
called_computation_lowered:
.L_overlay_start_0:
0x88: {  	s2 =	sld [smem:$0x3FD9]  }
0x89: {  	s3 =	sld [smem:$0x3FFE];
	_ =	sdelay $0x1  }
0x8a: {  	s1 =	srdreg.scid  }
0x8b: {  	s0 =	sand.u32 $0x1, s1  }
0x8c: {  	s17 =	sshll.u32 s0, $0xA;
	s2 =	sadd.s32 s3, s2  }
0x8d: {  	s2 =	sadd.s32 s2, s17  }
0x8e: {  	[smem:$0x3F93] =	sst s2  }
0x8f: {  	_ = 	snop  }
0x90: {  	s2 =	sld [smem:$0x3FD0];
	(tm) =	ssettm $0x1  }
0x91: {  	s18 =	sld [smem:$0x3FFB];
	_ =	sdelay $0x3  }
0x92: {  	_ =	strace s18  }
0x93: {  	s3 =	sld [smem:$0x3FFC];
	_ =	sdelay $0x3  }
0x94: {  	_ =	strace s3  }
0x95: {  	s3 =	sld [smem:$0x3FFD];
	_ =	sdelay $0x3  }
0x96: {  	_ =	strace s3  }
0x97: {  	_ =	strace $0x8FFFFFFF  }
0x98: {  	s19 =	sld [smem:$0x3FDB];
	_ =	sdelay $0x1  }
0x99: {  	s4 =	simm.s32 $_scs_section_size  }
0x9a: {  	s5 =	simm.s32 $_size__tile_overlayer_lowered;
	s6 =	simm.s32 $_tile_overlayer_lowered  }
0x9b: {  	s22 =	simm.s32 $0x1BFF;
	s21 =	sshll.u32 s6, $0x1;
	s3 =	sadd.s32 s4, s19  }
0x9c: {  	s7 =	simm.s32 $0x0;
	s20 =	sshll.u32 s5, $0x1;
	s5 =	sadd.s32 s21, s3  }
0x9d: {  	[timem:s7], [sflag:s22] =	dma.local [hbm:s5], s20  }
0x9e: {  	_ =	swait.ge [sflag:s22], s20  }
0x9f: {  	s4 =	ssub.s32 $0x0, s20;
	[sflag:s22] =	ssyncset.done $0x0  }
0xa0: {  	[sflag:s22] =	ssyncadd.s32 s4;
	_ =	sdelay $0x1  }
0xa1: {  	s23 =	simm.s32 $0x1B8B  }
0xa2: {  	_ =	swait.ge [sflag:s23], $0x1  }
0xa3: {  	[sflag:s23] =	ssyncset.done $0x0  }
0xa4: {  	s25 =	simm.s32 $0x1B8E;
	s24 =	sld [smem:$0x3FFE];
	[sflag:s23] =	ssyncadd.s32 $0xFFFFFFFF  }
0xa5: {  	s26 =	simm.s32 $execute0_lowered;
	[smem:$0x3FD2] =	sst s25  }
0xa6: {  	s5 =	sshll.u32 s26, $0x1;
	_ =	strace $0x80000046;
	[dreg:$0x1] =	wrdreg $0xFFFFFFFF  }
0xa7: {  	s28 =	simm.s32 $_size_execute0_lowered;
	s3 =	sadd.s32 s3, s5;
	[dreg:$0x0] =	wrdreg $0x0  }
0xa8: {  	s5 =	sshll.u32 s28, $0x1;
	[dreg:$0x2] =	wrdreg s3  }
0xa9: {  	[dreg:$0x3] =	wrdreg s5  }
0xaa: {  	[dreg:$0x4] =	wrdreg $0xC0  }
0xab: {  	_ =	task [dreg:s7], $0x5FFFF  }
0xac: {  	[dreg:$0x1] =	wrdreg $0xFFFFFFFF  }
0xad: {  	[dreg:$0x0] =	wrdreg $0x60  }
0xae: {  	[dreg:$0x2] =	wrdreg s24  }
0xaf: {  	[dreg:$0x3] =	wrdreg s2  }
0xb0: {  	[dreg:$0x4] =	wrdreg $0x9  }
0xb1: {  	_ =	task.clear_ibuf [dreg:s7], $0x5FFFF;
	_ =	strace $0x90000046  }
0xb2: {  	s29 =	simm.s32 $0x9;
	_ =	strace $0x80000048  }
0xb3: {  	_ =	swait.ge [sflag:s29], $0x1  }
0xb4: {  	[sflag:s29] =	ssyncadd.s32 $0xFFFFFFFF  }
0xb5: {  	_ =	strace $0x90000048  }
0xb6: {  	_ =	sfence  }
0xb7: {  	s30 =	sld [smem:$0x0];
	_ =	sdelay $0x2  }
0xb8: {  	s31 =	sshll.u32 s1, $0xD;
	s1 =	sshrl.u32 s1, $0x2  }
0xb9: {  	s3 =	sand.u32 $0x4000, s31;
	s1 =	sadd.s32 s1, s30  }
0xba: {  	s0 =	sor.u32 s3, s0;
	s1 =	sshll.u32 s1, $0x11  }
0xbb: {  	s0 =	sor.u32 s1, s0  }
0xbc: {  	s0 =	sadd.s32 $0x8F2B, s0  }
0xbd: {  	[sflag:s0] =	ssyncadd.remote.s32 $0x1  }
0xbe: {  	_ =	sfence.sel $0xFFFF  }
0xbf: {  	[dreg:$0x0] =	wrdreg $0xFFFFFFFF;
	(pc) =	sbr.abs _section_cstart, $3  }
0xc0: {  	[dreg:$0x1] =	wrdreg $0xFFFFFFFF  }
0xc1: {  	_ =	task.clear_ibuf [dreg:s7], $0x2FFFF;
	_ =	strace $0x9FFFFFFF  }
0xc2: {  	(tm) =	ssettm $0x7FFFFFFF  }
0xc3: {  	_ =	shalt  }
tec
execute0_lowered:
.L_overlay_start_1:
0x0: {  	(tag) =	ssettag $0x1  }
0x1: {  	s6 =	rddreg [dreg:$0x0]  }
0x2: {  	s1 =	rddreg [dreg:$0x1]  }
0x3: {  	s0 =	rddreg [dreg:$0x2];
	s2 =	simm.s32 $0x0;
	v0 =	vlaneseq.u32  }
0x4: {  	s5 =	srdreg.scid;
	s3 =	stileid.u32;
	s13 =	simm.s32 $0xC000;
	v0 =	vmul.u32 $0x8, v0  }
0x5: {  	s14 =	simm.s32 $0xC080;
	s15 =	simm.s32 $0x0;
	[smem:$0x7FF] =	sst s2  }
0x6: {  	v1 =	vimm.f32 $0.0e+00;
	s4 =	sadd.s32 $0x9000, s6;
	s7 =	sand.u32 $0x1, s5;
	s5 =	sadd.s32 $0x8800, s6;
	v2 =	vor.u32 $0x1, v0;
	v3 =	vor.u32 $0x2, v0  }
0x7: {  	s8 =	sshll.u32 s3, $0xB;
	s10 =	sshll.u32 s3, $0xE;
	s30 =	sshll.u32 s3, $0xA;
	v4 =	vor.u32 $0x80, v0;
	v5 =	vor.u32 $0x81, v0;
	v6 =	vor.u32 $0x82, v0  }
0x8: {  	_ =	strace $0x80000047;
	s9 =	ssub.s32 $0x2, s7;
	s8 =	sadd.s32 s8, s6;
	v7 =	vor.u32 $0x100, v0;
	v8 =	vor.u32 $0x101, v0;
	v9 =	vor.u32 $0x102, v0  }
0x9: {  	s10 =	sadd.s32 s10, s6;
	s31 =	sshll.u32 s7, $0x9;
	s12 =	sshll.u32 s7, $0xD;
	v10 =	vor.u32 $0x180, v0;
	v11 =	vor.u32 $0x181, v0;
	v12 =	vor.u32 $0x182, v0  }
0xa: {  	s7 =	sshll.u32 s7, $0xA;
	s11 =	sshrl.u32 s9, $0x1;
	s10 =	sadd.s32 s12, s10;
	v13 =	vor.u32 $0x200, v0;
	v14 =	vor.u32 $0x201, v0;
	v15 =	vor.u32 $0x202, v0  }
0xb: {  	s8 =	sadd.s32 s7, s8;
	v16 =	vor.u32 $0x280, v0;
	v17 =	vor.u32 $0x281, v0;
	v18 =	vor.u32 $0x282, v0;
	s12 =	simm.s32 $0x8000;
	s29 =	ssub.s32 s9, s11  }
0xc: {  	v19 =	vor.u32 $0x300, v0;
	v20 =	vor.u32 $0x301, v0;
	v21 =	vor.u32 $0x302, v0;
	s7 =	sadd.s32 $0x11800, s10;
	s8 =	sadd.s32 $0x9800, s8;
	s9 =	sor.u32 s31, s30  }
0xd: {  	v22 =	vor.u32 $0x380, v0;
	v23 =	vor.u32 $0x381, v0;
	v24 =	vor.u32 $0x382, v0;
	s10 =	simm.s32 $0x1;
	s11 =	simm.s32 $0x4000;
	s6 =	smax.u32 s29, $0x1  }
.LBB2_1:
0xe: {  	[tilespmem:s2], [sflag:$0x1] =	stream.linear.gather [hbm4b:s4+s2], $0x4000, $0x38;
	[tilespmem:$0xC480] =	vst v63  }
0xf: {  	_ =	swait.ge [sflag:s10], $0x4000  }
0x10: {  	[sflag:s10] =	ssyncset.done $0x0  }
0x11: {  	[sflag:s10] =	ssyncadd.s32 $0xFFFFC000  }
0x12: {  	[tilespmem:s11], [sflag:$0x1] =	stream.linear.gather [hbm4b:s5+s2], $0x4000, $0x38;
	[tilespmem:$0xC480] =	vst v63  }
0x13: {  	_ =	swait.ge [sflag:s10], $0x4000  }
0x14: {  	[sflag:s10] =	ssyncset.done $0x0  }
0x15: {  	[sflag:s10] =	ssyncadd.s32 $0xFFFFC000  }
0x16: {  	[tilespmem:s12], [sflag:$0x1] =	stream.linear.gather [hbm4b:s1+s2], $0x4000, $0x38;
	[tilespmem:$0xC480] =	vst v63  }
0x17: {  	_ =	swait.ge [sflag:s10], $0x4000  }
0x18: {  	[sflag:s10] =	ssyncset.done $0x0  }
0x19: {  	[sflag:s10] =	ssyncadd.s32 $0xFFFFC000  }
0x1a: {  	[tilespmem:$0xC080] =	vst v1  }
0x1b: {  	[tilespmem:$0xC090] =	vst v1  }
0x1c: {  	[tilespmem:$0xC0A0] =	vst v1  }
0x1d: {  	[tilespmem:$0xC0B0] =	vst v1  }
0x1e: {  	[tilespmem:$0xC0C0] =	vst v1  }
0x1f: {  	[tilespmem:$0xC0D0] =	vst v1  }
0x20: {  	[tilespmem:$0xC0E0] =	vst v1  }
0x21: {  	[tilespmem:$0xC0F0] =	vst v1  }
0x22: {  	[tilespmem:$0xC100] =	vst v1  }
0x23: {  	[tilespmem:$0xC110] =	vst v1  }
0x24: {  	[tilespmem:$0xC120] =	vst v1  }
0x25: {  	[tilespmem:$0xC130] =	vst v1  }
0x26: {  	[tilespmem:$0xC140] =	vst v1  }
0x27: {  	[tilespmem:$0xC150] =	vst v1  }
0x28: {  	[tilespmem:$0xC160] =	vst v1  }
0x29: {  	[tilespmem:$0xC170] =	vst v1  }
0x2a: {  	[tilespmem:$0xC180] =	vst v1  }
0x2b: {  	[tilespmem:$0xC190] =	vst v1  }
0x2c: {  	[tilespmem:$0xC1A0] =	vst v1  }
0x2d: {  	[tilespmem:$0xC1B0] =	vst v1  }
0x2e: {  	[tilespmem:$0xC1C0] =	vst v1  }
0x2f: {  	[tilespmem:$0xC1D0] =	vst v1  }
0x30: {  	[tilespmem:$0xC1E0] =	vst v1  }
0x31: {  	[tilespmem:$0xC1F0] =	vst v1  }
0x32: {  	[tilespmem:$0xC200] =	vst v1  }
0x33: {  	[tilespmem:$0xC210] =	vst v1  }
0x34: {  	[tilespmem:$0xC220] =	vst v1  }
0x35: {  	[tilespmem:$0xC230] =	vst v1  }
0x36: {  	[tilespmem:$0xC240] =	vst v1  }
0x37: {  	[tilespmem:$0xC250] =	vst v1  }
0x38: {  	[tilespmem:$0xC260] =	vst v1  }
0x39: {  	[tilespmem:$0xC270] =	vst v1  }
0x3a: {  	[tilespmem:$0xC280] =	vst v1  }
0x3b: {  	[tilespmem:$0xC290] =	vst v1  }
0x3c: {  	[tilespmem:$0xC2A0] =	vst v1  }
0x3d: {  	[tilespmem:$0xC2B0] =	vst v1  }
0x3e: {  	[tilespmem:$0xC2C0] =	vst v1  }
0x3f: {  	[tilespmem:$0xC2D0] =	vst v1  }
0x40: {  	[tilespmem:$0xC2E0] =	vst v1  }
0x41: {  	[tilespmem:$0xC2F0] =	vst v1  }
0x42: {  	[tilespmem:$0xC300] =	vst v1  }
0x43: {  	[tilespmem:$0xC310] =	vst v1  }
0x44: {  	[tilespmem:$0xC320] =	vst v1  }
0x45: {  	[tilespmem:$0xC330] =	vst v1  }
0x46: {  	[tilespmem:$0xC340] =	vst v1  }
0x47: {  	[tilespmem:$0xC350] =	vst v1  }
0x48: {  	[tilespmem:$0xC360] =	vst v1  }
0x49: {  	[tilespmem:$0xC370] =	vst v1  }
0x4a: {  	[tilespmem:$0xC380] =	vst v1  }
0x4b: {  	[tilespmem:$0xC390] =	vst v1  }
0x4c: {  	[tilespmem:$0xC3A0] =	vst v1  }
0x4d: {  	[tilespmem:$0xC3B0] =	vst v1  }
0x4e: {  	[tilespmem:$0xC3C0] =	vst v1  }
0x4f: {  	[tilespmem:$0xC3D0] =	vst v1  }
0x50: {  	[tilespmem:$0xC3E0] =	vst v1  }
0x51: {  	[tilespmem:$0xC3F0] =	vst v1  }
0x52: {  	[tilespmem:$0xC400] =	vst v1  }
0x53: {  	[tilespmem:$0xC410] =	vst v1  }
0x54: {  	[tilespmem:$0xC420] =	vst v1  }
0x55: {  	[tilespmem:$0xC430] =	vst v1  }
0x56: {  	[tilespmem:$0xC440] =	vst v1  }
0x57: {  	[tilespmem:$0xC450] =	vst v1  }
0x58: {  	[tilespmem:$0xC460] =	vst v1  }
0x59: {  	s16 =	smov.u32 s8;
	s17 =	smov.u32 s7;
	s18 =	simm.s32 $0x0;
	[tilespmem:$0xC470] =	vst v1  }
.LBB2_2:
0x5a: {  	[tilespmem:s13], [sflag:$0x1] =	stream.linear.gather [hbm4b:s16+s2], $0x80, $0x38;
	[tilespmem:$0xC480] =	vst v63  }
0x5b: {  	_ =	swait.ge [sflag:s10], $0x80  }
0x5c: {  	s19 =	sadd.s32 s18, s9;
	[sflag:s10] =	ssyncset.done $0x0  }
0x5d: {  	v26 =	vmov s19;
	[sflag:s10] =	ssyncadd.s32 $0xFFFFFF80  }
0x5e: {  	v26 =	vand.u32 $0xFFFFFFF8, v26;
	v25 =	vld [tilespmem:$0xC000]  }
0x5f: {  	v26 =	vbroadcast v26, $0x0;
	_ =	sdelay $0x5  }
0x60: {  	v28 =	vld.idx.msk [tilespmem:v26+s2+$0x0], $0xffff  }
0x61: {  	v27 =	vld.idx.msk [tilespmem:v25+s2+$0x0], $0xffff;
	_ =	sdelay $0x4  }
0x62: {  	v27 =	vsub.f32 v27, v28;
	_ =	sdelay $0x1  }
0x63: {  	[tilespmem:v0+s14+$0x0] =	vst.idx.msk $0xffff, v27  }
0x64: {  	v27 =	vld.idx.msk [tilespmem:v25+s11+$0x0], $0xffff  }
0x65: {  	v49 =	vld.idx.msk [tilespmem:v26+s11+$0x0], $0xffff;
	_ =	sdelay $0x4  }
0x66: {  	v27 =	vsub.f32 v27, v49;
	_ =	sdelay $0x1  }
0x67: {  	[tilespmem:v2+s14+$0x0] =	vst.idx.msk $0xffff, v27  }
0x68: {  	v25 =	vld.idx.msk [tilespmem:v25+s12+$0x0], $0xffff  }
0x69: {  	v26 =	vld.idx.msk [tilespmem:v26+s12+$0x0], $0xffff;
	_ =	sdelay $0x4  }
0x6a: {  	v25 =	vsub.f32 v25, v26  }
0x6b: {  	s20 =	sadd.s32 $0x1, s19  }
0x6c: {  	v26 =	vmov s20;
	[tilespmem:v3+s14+$0x0] =	vst.idx.msk $0xffff, v25  }
0x6d: {  	v26 =	vand.u32 $0xFFFFFFF9, v26;
	v25 =	vld [tilespmem:$0xC010]  }
0x6e: {  	v26 =	vbroadcast v26, $0x0;
	_ =	sdelay $0x5  }
0x6f: {  	v50 =	vld.idx.msk [tilespmem:v26+s2+$0x0], $0xffff  }
0x70: {  	v27 =	vld.idx.msk [tilespmem:v25+s2+$0x0], $0xffff;
	_ =	sdelay $0x4  }
0x71: {  	v27 =	vsub.f32 v27, v50;
	_ =	sdelay $0x1  }
0x72: {  	[tilespmem:v4+s14+$0x0] =	vst.idx.msk $0xffff, v27  }
0x73: {  	v27 =	vld.idx.msk [tilespmem:v25+s11+$0x0], $0xffff  }
0x74: {  	v51 =	vld.idx.msk [tilespmem:v26+s11+$0x0], $0xffff;
	_ =	sdelay $0x4  }
0x75: {  	v27 =	vsub.f32 v27, v51;
	_ =	sdelay $0x1  }
0x76: {  	[tilespmem:v5+s14+$0x0] =	vst.idx.msk $0xffff, v27  }
0x77: {  	v25 =	vld.idx.msk [tilespmem:v25+s12+$0x0], $0xffff  }
0x78: {  	v26 =	vld.idx.msk [tilespmem:v26+s12+$0x0], $0xffff;
	_ =	sdelay $0x4  }
0x79: {  	v25 =	vsub.f32 v25, v26  }
0x7a: {  	s26 =	sadd.s32 $0x2, s19  }
0x7b: {  	v26 =	vmov s26;
	[tilespmem:v6+s14+$0x0] =	vst.idx.msk $0xffff, v25  }
0x7c: {  	v26 =	vand.u32 $0xFFFFFFFA, v26;
	v25 =	vld [tilespmem:$0xC020]  }
0x7d: {  	v26 =	vbroadcast v26, $0x0;
	_ =	sdelay $0x5  }
0x7e: {  	v52 =	vld.idx.msk [tilespmem:v26+s2+$0x0], $0xffff  }
0x7f: {  	v27 =	vld.idx.msk [tilespmem:v25+s2+$0x0], $0xffff;
	_ =	sdelay $0x4  }
0x80: {  	v27 =	vsub.f32 v27, v52;
	_ =	sdelay $0x1  }
0x81: {  	[tilespmem:v7+s14+$0x0] =	vst.idx.msk $0xffff, v27  }
0x82: {  	v27 =	vld.idx.msk [tilespmem:v25+s11+$0x0], $0xffff  }
0x83: {  	v53 =	vld.idx.msk [tilespmem:v26+s11+$0x0], $0xffff;
	_ =	sdelay $0x4  }
0x84: {  	v27 =	vsub.f32 v27, v53;
	_ =	sdelay $0x1  }
0x85: {  	[tilespmem:v8+s14+$0x0] =	vst.idx.msk $0xffff, v27  }
0x86: {  	v25 =	vld.idx.msk [tilespmem:v25+s12+$0x0], $0xffff  }
0x87: {  	v26 =	vld.idx.msk [tilespmem:v26+s12+$0x0], $0xffff;
	_ =	sdelay $0x4  }
0x88: {  	v25 =	vsub.f32 v25, v26  }
0x89: {  	s28 =	sadd.s32 $0x3, s19  }
0x8a: {  	v26 =	vmov s28;
	[tilespmem:v9+s14+$0x0] =	vst.idx.msk $0xffff, v25  }
0x8b: {  	v26 =	vand.u32 $0xFFFFFFFB, v26;
	v25 =	vld [tilespmem:$0xC030]  }
0x8c: {  	v26 =	vbroadcast v26, $0x0;
	_ =	sdelay $0x5  }
0x8d: {  	v54 =	vld.idx.msk [tilespmem:v26+s2+$0x0], $0xffff  }
0x8e: {  	v27 =	vld.idx.msk [tilespmem:v25+s2+$0x0], $0xffff;
	_ =	sdelay $0x4  }
0x8f: {  	v27 =	vsub.f32 v27, v54;
	_ =	sdelay $0x1  }
0x90: {  	[tilespmem:v10+s14+$0x0] =	vst.idx.msk $0xffff, v27  }
0x91: {  	v27 =	vld.idx.msk [tilespmem:v25+s11+$0x0], $0xffff  }
0x92: {  	v55 =	vld.idx.msk [tilespmem:v26+s11+$0x0], $0xffff;
	_ =	sdelay $0x4  }
0x93: {  	v27 =	vsub.f32 v27, v55;
	_ =	sdelay $0x1  }
0x94: {  	[tilespmem:v11+s14+$0x0] =	vst.idx.msk $0xffff, v27  }
0x95: {  	v25 =	vld.idx.msk [tilespmem:v25+s12+$0x0], $0xffff  }
0x96: {  	v26 =	vld.idx.msk [tilespmem:v26+s12+$0x0], $0xffff;
	_ =	sdelay $0x4  }
0x97: {  	v25 =	vsub.f32 v25, v26  }
0x98: {  	s29 =	sadd.s32 $0x4, s19  }
0x99: {  	v26 =	vmov s29;
	[tilespmem:v12+s14+$0x0] =	vst.idx.msk $0xffff, v25  }
0x9a: {  	v26 =	vand.u32 $0xFFFFFFFC, v26;
	v25 =	vld [tilespmem:$0xC040]  }
0x9b: {  	v26 =	vbroadcast v26, $0x0;
	_ =	sdelay $0x5  }
0x9c: {  	v56 =	vld.idx.msk [tilespmem:v26+s2+$0x0], $0xffff  }
0x9d: {  	v27 =	vld.idx.msk [tilespmem:v25+s2+$0x0], $0xffff;
	_ =	sdelay $0x4  }
0x9e: {  	v27 =	vsub.f32 v27, v56;
	_ =	sdelay $0x1  }
0x9f: {  	[tilespmem:v13+s14+$0x0] =	vst.idx.msk $0xffff, v27  }
0xa0: {  	v27 =	vld.idx.msk [tilespmem:v25+s11+$0x0], $0xffff  }
0xa1: {  	v57 =	vld.idx.msk [tilespmem:v26+s11+$0x0], $0xffff;
	_ =	sdelay $0x4  }
0xa2: {  	v27 =	vsub.f32 v27, v57;
	_ =	sdelay $0x1  }
0xa3: {  	[tilespmem:v14+s14+$0x0] =	vst.idx.msk $0xffff, v27  }
0xa4: {  	v25 =	vld.idx.msk [tilespmem:v25+s12+$0x0], $0xffff  }
0xa5: {  	v26 =	vld.idx.msk [tilespmem:v26+s12+$0x0], $0xffff;
	_ =	sdelay $0x4  }
0xa6: {  	v25 =	vsub.f32 v25, v26  }
0xa7: {  	s30 =	sadd.s32 $0x5, s19  }
0xa8: {  	v26 =	vmov s30;
	[tilespmem:v15+s14+$0x0] =	vst.idx.msk $0xffff, v25  }
0xa9: {  	v26 =	vand.u32 $0xFFFFFFFD, v26;
	v25 =	vld [tilespmem:$0xC050]  }
0xaa: {  	v26 =	vbroadcast v26, $0x0;
	_ =	sdelay $0x5  }
0xab: {  	v58 =	vld.idx.msk [tilespmem:v26+s2+$0x0], $0xffff  }
0xac: {  	v27 =	vld.idx.msk [tilespmem:v25+s2+$0x0], $0xffff;
	_ =	sdelay $0x4  }
0xad: {  	v27 =	vsub.f32 v27, v58;
	_ =	sdelay $0x1  }
0xae: {  	[tilespmem:v16+s14+$0x0] =	vst.idx.msk $0xffff, v27  }
0xaf: {  	v27 =	vld.idx.msk [tilespmem:v25+s11+$0x0], $0xffff  }
0xb0: {  	v59 =	vld.idx.msk [tilespmem:v26+s11+$0x0], $0xffff;
	_ =	sdelay $0x4  }
0xb1: {  	v27 =	vsub.f32 v27, v59;
	_ =	sdelay $0x1  }
0xb2: {  	[tilespmem:v17+s14+$0x0] =	vst.idx.msk $0xffff, v27  }
0xb3: {  	v25 =	vld.idx.msk [tilespmem:v25+s12+$0x0], $0xffff  }
0xb4: {  	v26 =	vld.idx.msk [tilespmem:v26+s12+$0x0], $0xffff;
	_ =	sdelay $0x4  }
0xb5: {  	v25 =	vsub.f32 v25, v26  }
0xb6: {  	s31 =	sadd.s32 $0x6, s19  }
0xb7: {  	v26 =	vmov s31;
	[tilespmem:v18+s14+$0x0] =	vst.idx.msk $0xffff, v25  }
0xb8: {  	v26 =	vand.u32 $0xFFFFFFFE, v26;
	v25 =	vld [tilespmem:$0xC060]  }
0xb9: {  	v26 =	vbroadcast v26, $0x0;
	_ =	sdelay $0x5  }
0xba: {  	v60 =	vld.idx.msk [tilespmem:v26+s2+$0x0], $0xffff  }
0xbb: {  	v27 =	vld.idx.msk [tilespmem:v25+s2+$0x0], $0xffff;
	_ =	sdelay $0x4  }
0xbc: {  	v27 =	vsub.f32 v27, v60;
	_ =	sdelay $0x1  }
0xbd: {  	[tilespmem:v19+s14+$0x0] =	vst.idx.msk $0xffff, v27  }
0xbe: {  	v27 =	vld.idx.msk [tilespmem:v25+s11+$0x0], $0xffff  }
0xbf: {  	v61 =	vld.idx.msk [tilespmem:v26+s11+$0x0], $0xffff;
	_ =	sdelay $0x4  }
0xc0: {  	v27 =	vsub.f32 v27, v61;
	_ =	sdelay $0x1  }
0xc1: {  	[tilespmem:v20+s14+$0x0] =	vst.idx.msk $0xffff, v27  }
0xc2: {  	v25 =	vld.idx.msk [tilespmem:v25+s12+$0x0], $0xffff  }
0xc3: {  	v26 =	vld.idx.msk [tilespmem:v26+s12+$0x0], $0xffff;
	_ =	sdelay $0x4  }
0xc4: {  	v25 =	vsub.f32 v25, v26;
	_ =	sdelay $0x1  }
0xc5: {  	[tilespmem:v21+s14+$0x0] =	vst.idx.msk $0xffff, v25  }
0xc6: {  	v25 =	vld [tilespmem:$0xC070]  }
0xc7: {  	s19 =	sadd.s32 $0x7, s19  }
0xc8: {  	v26 =	vmov s19;
	_ =	sdelay $0x4  }
0xc9: {  	v62 =	vld.idx.msk [tilespmem:v26+s2+$0x0], $0xffff  }
0xca: {  	v27 =	vld.idx.msk [tilespmem:v25+s2+$0x0], $0xffff;
	_ =	sdelay $0x4  }
0xcb: {  	v27 =	vsub.f32 v27, v62;
	_ =	sdelay $0x1  }
0xcc: {  	[tilespmem:v22+s14+$0x0] =	vst.idx.msk $0xffff, v27  }
0xcd: {  	v27 =	vld.idx.msk [tilespmem:v25+s11+$0x0], $0xffff  }
0xce: {  	v63 =	vld.idx.msk [tilespmem:v26+s11+$0x0], $0xffff;
	_ =	sdelay $0x4  }
0xcf: {  	v27 =	vsub.f32 v27, v63;
	_ =	sdelay $0x1  }
0xd0: {  	[tilespmem:v23+s14+$0x0] =	vst.idx.msk $0xffff, v27  }
0xd1: {  	v25 =	vld.idx.msk [tilespmem:v25+s12+$0x0], $0xffff  }
0xd2: {  	v26 =	vld.idx.msk [tilespmem:v26+s12+$0x0], $0xffff;
	_ =	sdelay $0x4  }
0xd3: {  	v25 =	vsub.f32 v25, v26  }
0xd4: {  	p0 =	sne.s32 s18, $0x1F8  }
.Ltmp0:
0xd5: {  	[tilespmem:v24+s14+$0x0] =	vst.idx.msk $0xffff, v25;
	(pc) =	sbr.rel @p0 .LBB2_2-.Ltmp0, $4  }
0xd6: {  	[hbm4b:s17+s2] =	stream.linear.scatter [tilespmem:s14], [sflag:$0x1], $0x400, $0x38;
	[tilespmem:$0xC480] =	vst v63  }
0xd7: {  	_ =	swait.ge [sflag:s10], $0x400  }
0xd8: {  	s16 =	sadd.s32 $0x10, s16;
	[sflag:s10] =	ssyncset.done $0x0  }
0xd9: {  	s18 =	sadd.s32 $0x8, s18;
	s17 =	sadd.s32 $0x80, s17;
	[sflag:s10] =	ssyncadd.s32 $0xFFFFFC00  }
0xda: {  	s15 =	sadd.s32 $0x1, s15  }
0xdb: {  	p0 =	sne.s32 s15, s6  }
.Ltmp1:
0xdc: {  	_ = 	snop;
	(pc) =	sbr.rel @p0 .LBB2_1-.Ltmp1, $1  }
0xdd: {  	_ =	sdelay $0x3  }
0xde: {  	_ =	sfence.sel $0x180000  }
0xdf: {  	[bflag:$0x0] =	sbarrier.arrive $0xFFFF  }
0xe0: {  	p0 =	sne.s32 s3, $0x0;
	_ =	strace $0x90000047  }
0xe1: {  	s0 =	sadd.s32 @!p0 $0x100000, s0;
	[bflag:$0x2] =	sbarrier.arrive $0xFFFF  }
0xe2: {  	[sflag:s0] =	ssyncadd.tile.s32 @!p0 $0x1;
	_ =	shalt  }
.Lfunc_end2:
_tile_overlayer_lowered:
.L_overlay_start_2:
0xe3: {  	(tag) =	ssettag $0x2  }
0xe4: {  	s0 =	rddreg [dreg:$0x0];
	s2 =	stileid.u32  }
0xe5: {  	s1 =	rddreg [dreg:$0x1];
	p0 =	sne.s32 s2, $0x0  }
0xe6: {  	s3 =	rddreg [dreg:$0x2];
	[bflag:$0x3] =	sbarrier.arrive $0xFFFF;
	s2 =	simm.s32 @!p0 $0x1C01  }
0xe7: {  	[timem:s3], [sflag:s2] =	dma.local @!p0 [hbm:s0], s1  }
0xe8: {  	s0 =	simm.s32 @!p0 $0x1  }
0xe9: {  	_ =	swait.ge @!p0 [sflag:s0], s1  }
0xea: {  	s1 =	ssub.s32 @!p0 $0x0, s1;
	[sflag:s0] =	ssyncset.done @!p0 $0x0  }
0xeb: {  	[sflag:s0] =	ssyncadd.s32 @!p0 s1  }
0xec: {  	[bflag:$0x3] =	sbarrier.arrive $0xFFFF  }
0xed: {  	_ =	shalt  }

// kernel: kernel.18.cloned.1.call-start
scs
__scs_entry_jumppad:
0x0: {  	(pc) =	sbr.rel $0x88, $3  }
0x1: {  	(tag) =	ssettag $0x0;
	lr =	simm.s32 $0x1  }
0x2: {  	[smem:$0x3F6C] =	sst lr;
	_ =	strace $0xD0000000  }
0x3: {  	_ = 	snop  }
0x4: {  	_ = 	snop  }
0x5: {  	_ = 	snop  }
0x6: {  	_ = 	snop  }
0x7: {  	_ = 	snop  }
__scs_overlays_trampoline_lowered:
0x8: {  	[smem:$0x3F7B] =	sst s0  }
0x9: {  	[smem:$0x3F7C] =	sst s1  }
0xa: {  	[smem:$0x3F7D] =	sst s2  }
0xb: {  	[smem:$0x3F7E] =	sst s3  }
0xc: {  	[smem:$0x3F7F] =	sst s4  }
0xd: {  	[smem:$0x3F80] =	sst s5  }
0xe: {  	[smem:$0x3F81] =	sst s6  }
0xf: {  	[smem:$0x3F82] =	sst s7  }
0x10: {  	[smem:$0x3F83] =	sst s8  }
0x11: {  	[smem:$0x3F84] =	sst s9;
	s0 =	simm.s32 @!p0 $0x0  }
0x12: {  	s1 =	sld [smem:$0x3F6A];
	s0 =	simm.s32 @p0 $0x1  }
0x13: {  	[smem:$0x3F85] =	sst s0;
	s0 =	simm.s32 @!p1 $0x0  }
0x14: {  	s2 =	sld [smem:$0x3F69];
	s0 =	simm.s32 @p1 $0x1  }
0x15: {  	[smem:$0x3F86] =	sst s0;
	s0 =	simm.s32 @!p2 $0x0  }
0x16: {  	s3 =	sld [smem:$0x3FDB];
	s0 =	simm.s32 @p2 $0x1  }
0x17: {  	s4 =	simm.s32 $0x1BF5;
	[smem:$0x3F88] =	sst s0  }
0x18: {  	s0 =	sld [smem:$0x3F6B];
	_ =	swait.ge [sflag:s4], $0x0  }
0x19: {  	s7 =	sld [smem:$0x3F6C]  }
0x1a: {  	s8 =	sadd.s32 $0xFFFFE003, lr  }
0x1b: {  	s9 =	sadd.s32 $0xFFFFFEF7, lr;
	s5 =	simm.s32 $0xFFFFFFFF;
	p2 =	slt.u32 s8, $0xFFFFF086  }
0x1c: {  	p1 =	slt.u32 s9, $0xF7A;
	s5 =	simm.s32 @!p2 $0x0  }
0x1d: {  	s5 =	simm.s32 @p1 $0x1;
	p0 =	seq.s32 s7, s2  }
0x1e: {  	s7 =	smul.u32 @!p0 $0xF7A, s2;
	p2 =	seq.s32 @!p0 s5, $0x0  }
0x1f: {  	s9 =	smul.u32 $0xF7A, s1;
	s8 =	simm.s32 @!p0 $0x1BF5;
	p2 =	por !p2, p0  }
0x20: {  	[sflag:s8] =	ssyncset.s32 @!p0 $0xFFFFF086;
	s6 =	sadd.s32 @!p0 s3, s7;
	s7 =	simm.s32 @!p0 $0x108  }
0x21: {  	s3 =	sadd.s32 s3, s9;
	s6 =	sadd.s32 @!p0 $0x88, s6;
	s7 =	simm.s32 @p2 $0x1082  }
0x22: {  	[simem:s7], [sflag:s8] =	dma.local @!p0 [hbm:s6], $0xF7A  }
0x23: {  	s9 =	sor.u32 $0xD0000000, s2;
	s6 =	simm.s32 $0x108;
	_ =	swait.ge @!p0 [sflag:s8], $0x0  }
0x24: {  	s3 =	sadd.s32 $0x88, s3;
	s6 =	simm.s32 @!p1 $0x1082;
	[sflag:s4] =	ssyncset.s32 $0xFFFFF086  }
0x25: {  	[simem:s6], [sflag:s4] =	dma.local [hbm:s3], $0xF7A  }
0x26: {  	[smem:$0x3F6C] =	sst s1;
	(tag) =	ssettag s2;
	_ =	strace s9  }
0x27: {  	s1 =	sld [smem:$0x3F7C]  }
0x28: {  	s2 =	sld [smem:$0x3F7D]  }
0x29: {  	s4 =	sld [smem:$0x3F7F]  }
0x2a: {  	p0 =	seq.s32 s5, $0x0;
	s5 =	sld [smem:$0x3F80]  }
0x2b: {  	s6 =	sld [smem:$0x3F81]  }
0x2c: {  	s7 =	sld [smem:$0x3F82]  }
0x2d: {  	s3 =	simm.s32 $0x108;
	s8 =	sld [smem:$0x3F83]  }
0x2e: {  	s3 =	simm.s32 @!p0 $0x1082;
	s9 =	sld [smem:$0x3F84]  }
0x2f: {  	lr =	sadd.s32 s0, s3;
	s0 =	sld [smem:$0x3F7B]  }
0x30: {  	s3 =	sld [smem:$0x3F7E]  }
0x31: {  	[smem:$0x3F87] =	sst s10  }
0x32: {  	s10 =	sld [smem:$0x3F85];
	_ =	sdelay $0x3  }
0x33: {  	p0 =	seq.s32 s10, $0x1;
	s10 =	sld [smem:$0x3F87];
	_ =	sdelay $0x3  }
0x34: {  	[smem:$0x3F87] =	sst s10  }
0x35: {  	s10 =	sld [smem:$0x3F86];
	_ =	sdelay $0x3  }
0x36: {  	p1 =	seq.s32 s10, $0x1;
	s10 =	sld [smem:$0x3F87];
	_ =	sdelay $0x3  }
0x37: {  	[smem:$0x3F87] =	sst s10  }
0x38: {  	s10 =	sld [smem:$0x3F88]  }
0x39: {  	_ = 	snop;
	(pc) =	sbr.ind lr, $3  }
0x3a: {  	_ = 	snop  }
0x3b: {  	_ = 	snop  }
0x3c: {  	p2 =	seq.s32 s10, $0x1;
	s10 =	sld [smem:$0x3F87]  }
0x3d: {  	_ =	shalt  }
0x3e: {  	_ =	shalt  }
0x3f: {  	_ =	shalt  }
0x40: {  	_ =	shalt  }
0x41: {  	_ =	shalt  }
0x42: {  	_ =	shalt  }
0x43: {  	_ =	shalt  }
0x44: {  	_ =	shalt  }
0x45: {  	_ =	shalt  }
0x46: {  	_ =	shalt  }
0x47: {  	_ =	shalt  }
0x48: {  	_ =	shalt  }
0x49: {  	_ =	shalt  }
0x4a: {  	_ =	shalt  }
0x4b: {  	_ =	shalt  }
0x4c: {  	_ =	shalt  }
0x4d: {  	_ =	shalt  }
0x4e: {  	_ =	shalt  }
0x4f: {  	_ =	shalt  }
0x50: {  	_ =	shalt  }
0x51: {  	_ =	shalt  }
0x52: {  	_ =	shalt  }
0x53: {  	_ =	shalt  }
0x54: {  	_ =	shalt  }
0x55: {  	_ =	shalt  }
0x56: {  	_ =	shalt  }
0x57: {  	_ =	shalt  }
0x58: {  	_ =	shalt  }
0x59: {  	_ =	shalt  }
0x5a: {  	_ =	shalt  }
0x5b: {  	_ =	shalt  }
0x5c: {  	_ =	shalt  }
0x5d: {  	_ =	shalt  }
0x5e: {  	_ =	shalt  }
0x5f: {  	_ =	shalt  }
0x60: {  	_ =	shalt  }
0x61: {  	_ =	shalt  }
0x62: {  	_ =	shalt  }
0x63: {  	_ =	shalt  }
0x64: {  	_ =	shalt  }
0x65: {  	_ =	shalt  }
0x66: {  	_ =	shalt  }
0x67: {  	_ =	shalt  }
0x68: {  	_ =	shalt  }
0x69: {  	_ =	shalt  }
0x6a: {  	_ =	shalt  }
0x6b: {  	_ =	shalt  }
0x6c: {  	_ =	shalt  }
0x6d: {  	_ =	shalt  }
0x6e: {  	_ =	shalt  }
0x6f: {  	_ =	shalt  }
0x70: {  	_ =	shalt  }
0x71: {  	_ =	shalt  }
0x72: {  	_ =	shalt  }
0x73: {  	_ =	shalt  }
0x74: {  	_ =	shalt  }
0x75: {  	_ =	shalt  }
0x76: {  	_ =	shalt  }
0x77: {  	_ =	shalt  }
0x78: {  	_ =	shalt  }
0x79: {  	_ =	shalt  }
0x7a: {  	_ =	shalt  }
0x7b: {  	_ =	shalt  }
0x7c: {  	_ =	shalt  }
0x7d: {  	_ =	shalt  }
0x7e: {  	_ =	shalt  }
0x7f: {  	_ =	shalt  }
0x80: {  	_ =	shalt  }
0x81: {  	_ =	shalt  }
0x82: {  	_ =	shalt  }
0x83: {  	_ =	shalt  }
0x84: {  	_ =	shalt  }
0x85: {  	_ =	shalt  }
0x86: {  	_ =	shalt  }
0x87: {  	_ =	shalt  }
.Lfunc_end0:
.L_simem_size_0:
called_computation.1_lowered:
.L_overlay_start_0:
0x88: {  	s2 =	sld [smem:$0x3FD9]  }
0x89: {  	s3 =	sld [smem:$0x3FFE];
	_ =	sdelay $0x1  }
0x8a: {  	s1 =	srdreg.scid  }
0x8b: {  	s0 =	sand.u32 $0x1, s1  }
0x8c: {  	s17 =	sshll.u32 s0, $0xA;
	s2 =	sadd.s32 s3, s2  }
0x8d: {  	s2 =	sadd.s32 s2, s17  }
0x8e: {  	[smem:$0x3F93] =	sst s2  }
0x8f: {  	_ = 	snop  }
0x90: {  	(tm) =	ssettm $0x1  }
0x91: {  	s18 =	sld [smem:$0x3FFB];
	_ =	sdelay $0x3  }
0x92: {  	_ =	strace s18  }
0x93: {  	s2 =	sld [smem:$0x3FFC];
	_ =	sdelay $0x3  }
0x94: {  	_ =	strace s2  }
0x95: {  	s2 =	sld [smem:$0x3FFD];
	_ =	sdelay $0x3  }
0x96: {  	_ =	strace s2  }
0x97: {  	_ =	strace $0x8FFFFFFF  }
0x98: {  	s19 =	sld [smem:$0x3FDB];
	_ =	sdelay $0x1  }
0x99: {  	s20 =	simm.s32 $_scs_section_size  }
0x9a: {  	s4 =	simm.s32 $_size__tile_overlayer_lowered;
	s5 =	simm.s32 $_tile_overlayer_lowered  }
0x9b: {  	s6 =	simm.s32 $0x1BFF;
	s21 =	sshll.u32 s5, $0x1;
	s3 =	sadd.s32 s20, s19  }
0x9c: {  	s22 =	simm.s32 $0x0;
	s4 =	sshll.u32 s4, $0x1;
	s5 =	sadd.s32 s21, s3  }
0x9d: {  	[timem:s22], [sflag:s6] =	dma.local [hbm:s5], s4  }
0x9e: {  	_ =	swait.ge [sflag:s6], s4  }
0x9f: {  	s4 =	ssub.s32 $0x0, s4;
	[sflag:s6] =	ssyncset.done $0x0  }
0xa0: {  	[sflag:s6] =	ssyncadd.s32 s4;
	_ =	sdelay $0x1  }
0xa1: {  	s23 =	simm.s32 $0x1B8B  }
0xa2: {  	_ =	swait.ge [sflag:s23], $0x1  }
0xa3: {  	[sflag:s23] =	ssyncset.done $0x0  }
0xa4: {  	[sflag:s23] =	ssyncadd.s32 $0xFFFFFFFF  }
0xa5: {  	s4 =	sld [smem:$0x0]  }
0xa6: {  	s5 =	sand.u32 $0xFFFFFFFE, s1  }
0xa7: {  	p0 =	sne.s32 s1, s5  }
0xa8: {  	s5 =	sshll.u32 @p0 s5, $0xE  }
0xa9: {  	s5 =	sadd.s32 @p0 $0x11B8D, s5;
	s6 =	sshll.u32 @p0 s4, $0x11  }
0xaa: {  	s5 =	sor.u32 @p0 s6, s5  }
0xab: {  	[sflag:s5] =	ssyncadd.remote.s32 @p0 $0x1;
	_ =	sdelay $0x1  }
0xac: {  	s5 =	simm.s32 @p0 $0x1B8D  }
0xad: {  	_ =	swait.eq @p0 [sflag:s5], $0x1  }
0xae: {  	[sflag:s5] =	ssyncadd.s32 @p0 $0xFFFFFFFF  }
0xaf: {  	s6 =	sshll.u32 @!p0 s1, $0xE  }
0xb0: {  	s6 =	sor.u32 @!p0 $0x4000, s6;
	s5 =	simm.s32 @!p0 $0x1B8D  }
0xb1: {  	s4 =	sshll.u32 @!p0 s4, $0x11;
	s6 =	sadd.s32 @!p0 $0x11B8D, s6;
	_ =	swait.eq @!p0 [sflag:s5], $0x1  }
0xb2: {  	s4 =	sor.u32 @!p0 s4, s6;
	[sflag:s5] =	ssyncadd.s32 @!p0 $0xFFFFFFFF  }
0xb3: {  	s25 =	simm.s32 $0x1B8E;
	s24 =	sld [smem:$0x3FFE];
	[sflag:s4] =	ssyncadd.remote.s32 @!p0 $0x1  }
0xb4: {  	s26 =	simm.s32 $execute0_lowered;
	[smem:$0x3FD2] =	sst s25  }
0xb5: {  	s5 =	sshll.u32 s26, $0x1;
	_ =	strace $0x80000049;
	[dreg:$0x1] =	wrdreg $0xFFFFFFFF  }
0xb6: {  	s28 =	simm.s32 $_size_execute0_lowered;
	s3 =	sadd.s32 s3, s5;
	[dreg:$0x0] =	wrdreg $0x0  }
0xb7: {  	s5 =	sshll.u32 s28, $0x1;
	[dreg:$0x2] =	wrdreg s3  }
0xb8: {  	[dreg:$0x3] =	wrdreg s5  }
0xb9: {  	[dreg:$0x4] =	wrdreg $0xC0  }
0xba: {  	_ =	task [dreg:s22], $0x5FFFF  }
0xbb: {  	[dreg:$0x1] =	wrdreg $0xFFFFFFFF  }
0xbc: {  	[dreg:$0x0] =	wrdreg $0x60  }
0xbd: {  	[dreg:$0x2] =	wrdreg s24  }
0xbe: {  	[dreg:$0x3] =	wrdreg $0xA  }
0xbf: {  	_ =	task.clear_ibuf [dreg:s22], $0x4FFFF;
	_ =	strace $0x90000049  }
0xc0: {  	s29 =	simm.s32 $0xA;
	_ =	strace $0x8000004B  }
0xc1: {  	_ =	swait.ge [sflag:s29], $0x1  }
0xc2: {  	[sflag:s29] =	ssyncadd.s32 $0xFFFFFFFF  }
0xc3: {  	_ =	strace $0x9000004B  }
0xc4: {  	_ =	sfence  }
0xc5: {  	s30 =	sld [smem:$0x0];
	_ =	sdelay $0x2  }
0xc6: {  	s31 =	sshll.u32 s1, $0xD;
	s1 =	sshrl.u32 s1, $0x2  }
0xc7: {  	s4 =	sand.u32 $0x4000, s31;
	s1 =	sadd.s32 s1, s30  }
0xc8: {  	s0 =	sor.u32 s4, s0;
	s1 =	sshll.u32 s1, $0x11  }
0xc9: {  	s0 =	sor.u32 s1, s0  }
0xca: {  	s0 =	sadd.s32 $0x8F2B, s0  }
0xcb: {  	[sflag:s0] =	ssyncadd.remote.s32 $0x1  }
0xcc: {  	_ =	sfence.sel $0xFFFF  }
0xcd: {  	[dreg:$0x0] =	wrdreg $0xFFFFFFFF;
	(pc) =	sbr.abs _section_cstart, $3  }
0xce: {  	[dreg:$0x1] =	wrdreg $0xFFFFFFFF  }
0xcf: {  	_ =	task.clear_ibuf [dreg:s22], $0x2FFFF;
	_ =	strace $0x9FFFFFFF  }
0xd0: {  	(tm) =	ssettm $0x7FFFFFFF  }
0xd1: {  	_ =	shalt  }
tec
execute0_lowered:
.L_overlay_start_1:
0x0: {  	(tag) =	ssettag $0x1  }
0x1: {  	s4 =	rddreg [dreg:$0x0]  }
0x2: {  	s0 =	rddreg [dreg:$0x1];
	s2 =	simm.s32 $0x0;
	s3 =	srdreg.scid  }
0x3: {  	s1 =	stileid.u32;
	s11 =	simm.s32 $0x2000;
	s12 =	simm.s32 $0x6000  }
0x4: {  	s13 =	simm.s32 $0x1;
	s14 =	simm.s32 $0x2;
	s15 =	simm.s32 $0x0  }
0x5: {  	[smem:$0x7FF] =	sst s2;
	s7 =	sand.u32 $0x1, s3;
	s28 =	sshll.u32 s1, $0x1  }
0x6: {  	s3 =	sadd.s32 $0x59800, s4;
	s9 =	sadd.s32 $0x99800, s4;
	s30 =	sshll.u32 s1, $0x12  }
0x7: {  	_ =	strace $0x8000004A;
	s5 =	sor.u32 s7, s28;
	s8 =	ssub.s32 $0x2, s7  }
0x8: {  	s31 =	sshll.u32 s7, $0x11;
	s6 =	sshll.u32 s5, $0xA;
	s29 =	sshrl.u32 s8, $0x1  }
0x9: {  	s5 =	sshll.u32 s5, $0x11;
	s6 =	sadd.s32 s6, s4;
	s8 =	ssub.s32 s8, s29  }
0xa: {  	s10 =	sadd.s32 s9, s5;
	s4 =	sadd.s32 $0x51800, s6;
	s5 =	smax.u32 s8, $0x1  }
0xb: {  	s6 =	sadd.s32 $0x1F000, s10;
	s8 =	sadd.s32 s30, s9;
	s7 =	sadd.s32 $0x1F800, s10  }
0xc: {  	s9 =	simm.s32 $0x3;
	s10 =	simm.s32 $0x80;
	s8 =	sadd.s32 s31, s8  }
.LBB2_1:
0xd: {  	[tilespmem:s2], [sflag:$0x3] =	stream.linear.gather [hbm4b:s4+s2], $0x2000, $0x38;
	[tilespmem:$0xA000] =	vst v63  }
0xe: {  	_ =	swait.ge [sflag:s9], $0x2000  }
0xf: {  	[sflag:s9] =	ssyncset.done $0x0  }
0x10: {  	[sflag:s9] =	ssyncadd.s32 $0xFFFFE000  }
0x11: {  	[tilespmem:s11], [sflag:$0x1] =	stream.indirect.gather [hbm4b:s3+s10], $0x80, s2, s10, $0xb8;
	[tilespmem:$0xA000] =	vst v63  }
0x12: {  	_ = 	snop  }
0x13: {  	[tilespmem:s12], [sflag:$0x2] =	stream.indirect.gather [hbm4b:s3+s10], $0x80, s10, s10, $0xb8;
	[tilespmem:$0xA000] =	vst v63  }
0x14: {  	_ =	swait.ge [sflag:s13], $0x4000  }
0x15: {  	[sflag:s13] =	ssyncset.done $0x0  }
0x16: {  	s16 =	sadd.s32 $0x0, s8;
	[sflag:s13] =	ssyncadd.s32 $0xFFFFC000  }
0x17: {  	[hbm4b:s16+s2] =	stream.linear.scatter [tilespmem:s11], [sflag:$0x3], $0x4000, $0x38;
	[tilespmem:$0xA000] =	vst v63  }
0x18: {  	_ =	swait.ge [sflag:s9], $0x4000  }
0x19: {  	[sflag:s9] =	ssyncset.done $0x0  }
0x1a: {  	s17 =	simm.s32 $0x100;
	[sflag:s9] =	ssyncadd.s32 $0xFFFFC000  }
0x1b: {  	[tilespmem:s11], [sflag:$0x1] =	stream.indirect.gather [hbm4b:s3+s10], $0x80, s17, s10, $0xb8;
	[tilespmem:$0xA000] =	vst v63  }
0x1c: {  	_ =	swait.ge [sflag:s14], $0x4000  }
0x1d: {  	[sflag:s14] =	ssyncset.done $0x0  }
0x1e: {  	s16 =	sadd.s32 $0x800, s16;
	[sflag:s14] =	ssyncadd.s32 $0xFFFFC000  }
0x1f: {  	[hbm4b:s16+s2] =	stream.linear.scatter [tilespmem:s12], [sflag:$0x3], $0x4000, $0x38;
	[tilespmem:$0xA000] =	vst v63  }
0x20: {  	_ =	swait.ge [sflag:s9], $0x4000  }
0x21: {  	s18 =	simm.s32 $0x280;
	[sflag:s9] =	ssyncset.done $0x0  }
0x22: {  	s17 =	simm.s32 $0x1000;
	s16 =	simm.s32 $0x180;
	[sflag:s9] =	ssyncadd.s32 $0xFFFFC000  }
.LBB2_2:
0x23: {  	[tilespmem:s12], [sflag:$0x2] =	stream.indirect.gather [hbm4b:s3+s10], $0x80, s16, s10, $0xb8;
	[tilespmem:$0xA000] =	vst v63  }
0x24: {  	s19 =	smov.u32 s17;
	s16 =	smov.u32 s18  }
0x25: {  	p0 =	sne.s32 s17, $0x1E000;
	s17 =	sadd.s32 $0x1000, s17;
	_ =	swait.ge [sflag:s13], $0x4000  }
0x26: {  	[sflag:s13] =	ssyncset.done $0x0  }
0x27: {  	s19 =	sadd.s32 s19, s8;
	[sflag:s13] =	ssyncadd.s32 $0xFFFFC000  }
0x28: {  	[hbm4b:s19+s2] =	stream.linear.scatter [tilespmem:s11], [sflag:$0x3], $0x4000, $0x38;
	[tilespmem:$0xA000] =	vst v63  }
0x29: {  	_ =	swait.ge [sflag:s9], $0x4000  }
0x2a: {  	[sflag:s9] =	ssyncset.done $0x0  }
0x2b: {  	s20 =	sadd.s32 $0xFFFFFF80, s18;
	[sflag:s9] =	ssyncadd.s32 $0xFFFFC000  }
0x2c: {  	[tilespmem:s11], [sflag:$0x1] =	stream.indirect.gather [hbm4b:s3+s10], $0x80, s20, s10, $0xb8;
	[tilespmem:$0xA000] =	vst v63  }
0x2d: {  	_ =	swait.ge [sflag:s14], $0x4000  }
0x2e: {  	[sflag:s14] =	ssyncset.done $0x0  }
.Ltmp0:
0x2f: {  	s19 =	sadd.s32 $0x800, s19;
	[sflag:s14] =	ssyncadd.s32 $0xFFFFC000;
	(pc) =	sbr.rel @p0 .LBB2_2-.Ltmp0, $4  }
0x30: {  	[hbm4b:s19+s2] =	stream.linear.scatter [tilespmem:s12], [sflag:$0x3], $0x4000, $0x38;
	[tilespmem:$0xA000] =	vst v63  }
0x31: {  	_ =	swait.ge [sflag:s9], $0x4000  }
0x32: {  	[sflag:s9] =	ssyncset.done $0x0  }
0x33: {  	s18 =	sadd.s32 $0x100, s18;
	[sflag:s9] =	ssyncadd.s32 $0xFFFFC000  }
0x34: {  	[tilespmem:s12], [sflag:$0x2] =	stream.indirect.gather [hbm4b:s3+s10], $0x80, s16, s10, $0xb8;
	[tilespmem:$0xA000] =	vst v63  }
0x35: {  	_ =	swait.ge [sflag:s13], $0x4000  }
0x36: {  	[sflag:s13] =	ssyncset.done $0x0  }
0x37: {  	[sflag:s13] =	ssyncadd.s32 $0xFFFFC000  }
0x38: {  	[hbm4b:s6+s2] =	stream.linear.scatter [tilespmem:s11], [sflag:$0x3], $0x4000, $0x38;
	[tilespmem:$0xA000] =	vst v63  }
0x39: {  	_ =	swait.ge [sflag:s9], $0x4000  }
0x3a: {  	[sflag:s9] =	ssyncset.done $0x0  }
0x3b: {  	[sflag:s9] =	ssyncadd.s32 $0xFFFFC000  }
0x3c: {  	s15 =	sadd.s32 $0x1, s15;
	_ =	swait.ge [sflag:s14], $0x4000  }
0x3d: {  	p0 =	sne.s32 s15, s5;
	[sflag:s14] =	ssyncset.done $0x0  }
.Ltmp1:
0x3e: {  	[sflag:s14] =	ssyncadd.s32 $0xFFFFC000;
	(pc) =	sbr.rel @p0 .LBB2_1-.Ltmp1, $4  }
0x3f: {  	[hbm4b:s7+s2] =	stream.linear.scatter [tilespmem:s12], [sflag:$0x3], $0x4000, $0x38;
	[tilespmem:$0xA000] =	vst v63  }
0x40: {  	_ =	swait.ge [sflag:s9], $0x4000  }
0x41: {  	[sflag:s9] =	ssyncset.done $0x0  }
0x42: {  	[sflag:s9] =	ssyncadd.s32 $0xFFFFC000  }
0x43: {  	_ =	sfence.sel $0x180000  }
0x44: {  	[bflag:$0x0] =	sbarrier.arrive $0xFFFF  }
0x45: {  	p0 =	sne.s32 s1, $0x0;
	_ =	strace $0x9000004A  }
0x46: {  	s0 =	sadd.s32 @!p0 $0x100000, s0;
	[bflag:$0x2] =	sbarrier.arrive $0xFFFF  }
0x47: {  	[sflag:s0] =	ssyncadd.tile.s32 @!p0 $0x1;
	_ =	shalt  }
.Lfunc_end2:
_tile_overlayer_lowered:
.L_overlay_start_2:
0x48: {  	(tag) =	ssettag $0x2  }
0x49: {  	s0 =	rddreg [dreg:$0x0];
	s2 =	stileid.u32  }
0x4a: {  	s1 =	rddreg [dreg:$0x1];
	p0 =	sne.s32 s2, $0x0  }
0x4b: {  	s3 =	rddreg [dreg:$0x2];
	[bflag:$0x3] =	sbarrier.arrive $0xFFFF;
	s2 =	simm.s32 @!p0 $0x1C03  }
0x4c: {  	[timem:s3], [sflag:s2] =	dma.local @!p0 [hbm:s0], s1  }
0x4d: {  	s0 =	simm.s32 @!p0 $0x3  }
0x4e: {  	_ =	swait.ge @!p0 [sflag:s0], s1  }
0x4f: {  	s1 =	ssub.s32 @!p0 $0x0, s1;
	[sflag:s0] =	ssyncset.done @!p0 $0x0  }
0x50: {  	[sflag:s0] =	ssyncadd.s32 @!p0 s1  }
0x51: {  	[bflag:$0x3] =	sbarrier.arrive $0xFFFF  }
0x52: {  	_ =	shalt  }

// kernel: kernel.21.cloned.1.call-start
scs
__scs_entry_jumppad:
0x0: {  	(pc) =	sbr.rel $0x88, $3  }
0x1: {  	(tag) =	ssettag $0x0;
	lr =	simm.s32 $0x1  }
0x2: {  	[smem:$0x3F6C] =	sst lr;
	_ =	strace $0xD0000000  }
0x3: {  	_ = 	snop  }
0x4: {  	_ = 	snop  }
0x5: {  	_ = 	snop  }
0x6: {  	_ = 	snop  }
0x7: {  	_ = 	snop  }
__scs_overlays_trampoline_lowered:
0x8: {  	[smem:$0x3F7B] =	sst s0  }
0x9: {  	[smem:$0x3F7C] =	sst s1  }
0xa: {  	[smem:$0x3F7D] =	sst s2  }
0xb: {  	[smem:$0x3F7E] =	sst s3  }
0xc: {  	[smem:$0x3F7F] =	sst s4  }
0xd: {  	[smem:$0x3F80] =	sst s5  }
0xe: {  	[smem:$0x3F81] =	sst s6  }
0xf: {  	[smem:$0x3F82] =	sst s7  }
0x10: {  	[smem:$0x3F83] =	sst s8  }
0x11: {  	[smem:$0x3F84] =	sst s9;
	s0 =	simm.s32 @!p0 $0x0  }
0x12: {  	s1 =	sld [smem:$0x3F6A];
	s0 =	simm.s32 @p0 $0x1  }
0x13: {  	[smem:$0x3F85] =	sst s0;
	s0 =	simm.s32 @!p1 $0x0  }
0x14: {  	s2 =	sld [smem:$0x3F69];
	s0 =	simm.s32 @p1 $0x1  }
0x15: {  	[smem:$0x3F86] =	sst s0;
	s0 =	simm.s32 @!p2 $0x0  }
0x16: {  	s3 =	sld [smem:$0x3FDB];
	s0 =	simm.s32 @p2 $0x1  }
0x17: {  	s4 =	simm.s32 $0x1BF5;
	[smem:$0x3F88] =	sst s0  }
0x18: {  	s0 =	sld [smem:$0x3F6B];
	_ =	swait.ge [sflag:s4], $0x0  }
0x19: {  	s7 =	sld [smem:$0x3F6C]  }
0x1a: {  	s8 =	sadd.s32 $0xFFFFE003, lr  }
0x1b: {  	s9 =	sadd.s32 $0xFFFFFEF7, lr;
	s5 =	simm.s32 $0xFFFFFFFF;
	p2 =	slt.u32 s8, $0xFFFFF086  }
0x1c: {  	p1 =	slt.u32 s9, $0xF7A;
	s5 =	simm.s32 @!p2 $0x0  }
0x1d: {  	s5 =	simm.s32 @p1 $0x1;
	p0 =	seq.s32 s7, s2  }
0x1e: {  	s7 =	smul.u32 @!p0 $0xF7A, s2;
	p2 =	seq.s32 @!p0 s5, $0x0  }
0x1f: {  	s9 =	smul.u32 $0xF7A, s1;
	s8 =	simm.s32 @!p0 $0x1BF5;
	p2 =	por !p2, p0  }
0x20: {  	[sflag:s8] =	ssyncset.s32 @!p0 $0xFFFFF086;
	s6 =	sadd.s32 @!p0 s3, s7;
	s7 =	simm.s32 @!p0 $0x108  }
0x21: {  	s3 =	sadd.s32 s3, s9;
	s6 =	sadd.s32 @!p0 $0x88, s6;
	s7 =	simm.s32 @p2 $0x1082  }
0x22: {  	[simem:s7], [sflag:s8] =	dma.local @!p0 [hbm:s6], $0xF7A  }
0x23: {  	s9 =	sor.u32 $0xD0000000, s2;
	s6 =	simm.s32 $0x108;
	_ =	swait.ge @!p0 [sflag:s8], $0x0  }
0x24: {  	s3 =	sadd.s32 $0x88, s3;
	s6 =	simm.s32 @!p1 $0x1082;
	[sflag:s4] =	ssyncset.s32 $0xFFFFF086  }
0x25: {  	[simem:s6], [sflag:s4] =	dma.local [hbm:s3], $0xF7A  }
0x26: {  	[smem:$0x3F6C] =	sst s1;
	(tag) =	ssettag s2;
	_ =	strace s9  }
0x27: {  	s1 =	sld [smem:$0x3F7C]  }
0x28: {  	s2 =	sld [smem:$0x3F7D]  }
0x29: {  	s4 =	sld [smem:$0x3F7F]  }
0x2a: {  	p0 =	seq.s32 s5, $0x0;
	s5 =	sld [smem:$0x3F80]  }
0x2b: {  	s6 =	sld [smem:$0x3F81]  }
0x2c: {  	s7 =	sld [smem:$0x3F82]  }
0x2d: {  	s3 =	simm.s32 $0x108;
	s8 =	sld [smem:$0x3F83]  }
0x2e: {  	s3 =	simm.s32 @!p0 $0x1082;
	s9 =	sld [smem:$0x3F84]  }
0x2f: {  	lr =	sadd.s32 s0, s3;
	s0 =	sld [smem:$0x3F7B]  }
0x30: {  	s3 =	sld [smem:$0x3F7E]  }
0x31: {  	[smem:$0x3F87] =	sst s10  }
0x32: {  	s10 =	sld [smem:$0x3F85];
	_ =	sdelay $0x3  }
0x33: {  	p0 =	seq.s32 s10, $0x1;
	s10 =	sld [smem:$0x3F87];
	_ =	sdelay $0x3  }
0x34: {  	[smem:$0x3F87] =	sst s10  }
0x35: {  	s10 =	sld [smem:$0x3F86];
	_ =	sdelay $0x3  }
0x36: {  	p1 =	seq.s32 s10, $0x1;
	s10 =	sld [smem:$0x3F87];
	_ =	sdelay $0x3  }
0x37: {  	[smem:$0x3F87] =	sst s10  }
0x38: {  	s10 =	sld [smem:$0x3F88]  }
0x39: {  	_ = 	snop;
	(pc) =	sbr.ind lr, $3  }
0x3a: {  	_ = 	snop  }
0x3b: {  	_ = 	snop  }
0x3c: {  	p2 =	seq.s32 s10, $0x1;
	s10 =	sld [smem:$0x3F87]  }
0x3d: {  	_ =	shalt  }
0x3e: {  	_ =	shalt  }
0x3f: {  	_ =	shalt  }
0x40: {  	_ =	shalt  }
0x41: {  	_ =	shalt  }
0x42: {  	_ =	shalt  }
0x43: {  	_ =	shalt  }
0x44: {  	_ =	shalt  }
0x45: {  	_ =	shalt  }
0x46: {  	_ =	shalt  }
0x47: {  	_ =	shalt  }
0x48: {  	_ =	shalt  }
0x49: {  	_ =	shalt  }
0x4a: {  	_ =	shalt  }
0x4b: {  	_ =	shalt  }
0x4c: {  	_ =	shalt  }
0x4d: {  	_ =	shalt  }
0x4e: {  	_ =	shalt  }
0x4f: {  	_ =	shalt  }
0x50: {  	_ =	shalt  }
0x51: {  	_ =	shalt  }
0x52: {  	_ =	shalt  }
0x53: {  	_ =	shalt  }
0x54: {  	_ =	shalt  }
0x55: {  	_ =	shalt  }
0x56: {  	_ =	shalt  }
0x57: {  	_ =	shalt  }
0x58: {  	_ =	shalt  }
0x59: {  	_ =	shalt  }
0x5a: {  	_ =	shalt  }
0x5b: {  	_ =	shalt  }
0x5c: {  	_ =	shalt  }
0x5d: {  	_ =	shalt  }
0x5e: {  	_ =	shalt  }
0x5f: {  	_ =	shalt  }
0x60: {  	_ =	shalt  }
0x61: {  	_ =	shalt  }
0x62: {  	_ =	shalt  }
0x63: {  	_ =	shalt  }
0x64: {  	_ =	shalt  }
0x65: {  	_ =	shalt  }
0x66: {  	_ =	shalt  }
0x67: {  	_ =	shalt  }
0x68: {  	_ =	shalt  }
0x69: {  	_ =	shalt  }
0x6a: {  	_ =	shalt  }
0x6b: {  	_ =	shalt  }
0x6c: {  	_ =	shalt  }
0x6d: {  	_ =	shalt  }
0x6e: {  	_ =	shalt  }
0x6f: {  	_ =	shalt  }
0x70: {  	_ =	shalt  }
0x71: {  	_ =	shalt  }
0x72: {  	_ =	shalt  }
0x73: {  	_ =	shalt  }
0x74: {  	_ =	shalt  }
0x75: {  	_ =	shalt  }
0x76: {  	_ =	shalt  }
0x77: {  	_ =	shalt  }
0x78: {  	_ =	shalt  }
0x79: {  	_ =	shalt  }
0x7a: {  	_ =	shalt  }
0x7b: {  	_ =	shalt  }
0x7c: {  	_ =	shalt  }
0x7d: {  	_ =	shalt  }
0x7e: {  	_ =	shalt  }
0x7f: {  	_ =	shalt  }
0x80: {  	_ =	shalt  }
0x81: {  	_ =	shalt  }
0x82: {  	_ =	shalt  }
0x83: {  	_ =	shalt  }
0x84: {  	_ =	shalt  }
0x85: {  	_ =	shalt  }
0x86: {  	_ =	shalt  }
0x87: {  	_ =	shalt  }
.Lfunc_end0:
.L_simem_size_0:
called_computation.2_lowered:
.L_overlay_start_0:
0x88: {  	s2 =	sld [smem:$0x3FD9]  }
0x89: {  	s3 =	sld [smem:$0x3FFE];
	_ =	sdelay $0x1  }
0x8a: {  	s1 =	srdreg.scid  }
0x8b: {  	s0 =	sand.u32 $0x1, s1  }
0x8c: {  	s16 =	sshll.u32 s0, $0xA;
	s2 =	sadd.s32 s3, s2  }
0x8d: {  	s2 =	sadd.s32 s2, s16  }
0x8e: {  	[smem:$0x3F93] =	sst s2  }
0x8f: {  	_ = 	snop  }
0x90: {  	(tm) =	ssettm $0x1  }
0x91: {  	s17 =	sld [smem:$0x3FFB];
	_ =	sdelay $0x3  }
0x92: {  	_ =	strace s17  }
0x93: {  	s2 =	sld [smem:$0x3FFC];
	_ =	sdelay $0x3  }
0x94: {  	_ =	strace s2  }
0x95: {  	s2 =	sld [smem:$0x3FFD];
	_ =	sdelay $0x3  }
0x96: {  	_ =	strace s2  }
0x97: {  	_ =	strace $0x8FFFFFFF  }
0x98: {  	s18 =	sld [smem:$0x3FDB];
	_ =	sdelay $0x1  }
0x99: {  	s19 =	simm.s32 $_scs_section_size  }
0x9a: {  	s4 =	simm.s32 $_size__tile_overlayer_lowered;
	s5 =	simm.s32 $_tile_overlayer_lowered  }
0x9b: {  	s22 =	simm.s32 $0x1BFF;
	s21 =	sshll.u32 s5, $0x1;
	s2 =	sadd.s32 s19, s18  }
0x9c: {  	s6 =	simm.s32 $0x0;
	s20 =	sshll.u32 s4, $0x1;
	s4 =	sadd.s32 s21, s2  }
0x9d: {  	[timem:s6], [sflag:s22] =	dma.local [hbm:s4], s20  }
0x9e: {  	_ =	swait.ge [sflag:s22], s20  }
0x9f: {  	s3 =	ssub.s32 $0x0, s20;
	[sflag:s22] =	ssyncset.done $0x0  }
0xa0: {  	[sflag:s22] =	ssyncadd.s32 s3;
	_ =	sdelay $0x1  }
0xa1: {  	s23 =	simm.s32 $0x1B8B  }
0xa2: {  	_ =	swait.ge [sflag:s23], $0x1  }
0xa3: {  	[sflag:s23] =	ssyncset.done $0x0  }
0xa4: {  	s25 =	simm.s32 $0x1B8E;
	s24 =	sld [smem:$0x3FFE];
	[sflag:s23] =	ssyncadd.s32 $0xFFFFFFFF  }
0xa5: {  	s26 =	simm.s32 $execute0_lowered;
	[smem:$0x3FD2] =	sst s25  }
0xa6: {  	s4 =	sshll.u32 s26, $0x1;
	_ =	strace $0x8000004C;
	[dreg:$0x1] =	wrdreg $0xFFFFFFFF  }
0xa7: {  	s28 =	simm.s32 $_size_execute0_lowered;
	s2 =	sadd.s32 s2, s4;
	[dreg:$0x0] =	wrdreg $0x0  }
0xa8: {  	s4 =	sshll.u32 s28, $0x1;
	[dreg:$0x2] =	wrdreg s2  }
0xa9: {  	[dreg:$0x3] =	wrdreg s4  }
0xaa: {  	[dreg:$0x4] =	wrdreg $0xC0  }
0xab: {  	_ =	task [dreg:s6], $0x5FFFF  }
0xac: {  	[dreg:$0x1] =	wrdreg $0xFFFFFFFF  }
0xad: {  	[dreg:$0x0] =	wrdreg $0x60  }
0xae: {  	[dreg:$0x2] =	wrdreg s24  }
0xaf: {  	[dreg:$0x3] =	wrdreg $0x9  }
0xb0: {  	_ =	task.clear_ibuf [dreg:s6], $0x4FFFF;
	_ =	strace $0x9000004C  }
0xb1: {  	s29 =	simm.s32 $0x9;
	_ =	strace $0x8000004E  }
0xb2: {  	_ =	swait.ge [sflag:s29], $0x1  }
0xb3: {  	[sflag:s29] =	ssyncadd.s32 $0xFFFFFFFF  }
0xb4: {  	_ =	strace $0x9000004E  }
0xb5: {  	_ =	sfence  }
0xb6: {  	s30 =	sld [smem:$0x0];
	_ =	sdelay $0x2  }
0xb7: {  	s31 =	sshll.u32 s1, $0xD;
	s1 =	sshrl.u32 s1, $0x2  }
0xb8: {  	s3 =	sand.u32 $0x4000, s31;
	s1 =	sadd.s32 s1, s30  }
0xb9: {  	s0 =	sor.u32 s3, s0;
	s1 =	sshll.u32 s1, $0x11  }
0xba: {  	s0 =	sor.u32 s1, s0  }
0xbb: {  	s0 =	sadd.s32 $0x8F2B, s0  }
0xbc: {  	[sflag:s0] =	ssyncadd.remote.s32 $0x1  }
0xbd: {  	_ =	sfence.sel $0xFFFF  }
0xbe: {  	[dreg:$0x0] =	wrdreg $0xFFFFFFFF;
	(pc) =	sbr.abs _section_cstart, $3  }
0xbf: {  	[dreg:$0x1] =	wrdreg $0xFFFFFFFF  }
0xc0: {  	_ =	task.clear_ibuf [dreg:s6], $0x2FFFF;
	_ =	strace $0x9FFFFFFF  }
0xc1: {  	(tm) =	ssettm $0x7FFFFFFF  }
tec
execute0_lowered:
.L_overlay_start_1:
0x0: {  	(tag) =	ssettag $0x1  }
0x1: {  	s4 =	rddreg [dreg:$0x0]  }
0x2: {  	s0 =	rddreg [dreg:$0x1];
	s2 =	simm.s32 $0x0;
	s3 =	srdreg.scid  }
0x3: {  	s1 =	stileid.u32;
	s11 =	simm.s32 $0x2000;
	s12 =	simm.s32 $0x6000  }
0x4: {  	s13 =	simm.s32 $0x1;
	s14 =	simm.s32 $0x2;
	s15 =	simm.s32 $0x0  }
0x5: {  	[smem:$0x7FF] =	sst s2;
	s7 =	sand.u32 $0x1, s3;
	s28 =	sshll.u32 s1, $0x1  }
0x6: {  	s3 =	sadd.s32 $0x59800, s4;
	s9 =	sadd.s32 $0x99800, s4;
	s30 =	sshll.u32 s1, $0x12  }
0x7: {  	_ =	strace $0x8000004D;
	s5 =	sor.u32 s7, s28;
	s8 =	ssub.s32 $0x2, s7  }
0x8: {  	s31 =	sshll.u32 s7, $0x11;
	s6 =	sshll.u32 s5, $0xA;
	s29 =	sshrl.u32 s8, $0x1  }
0x9: {  	s5 =	sshll.u32 s5, $0x11;
	s6 =	sadd.s32 s6, s4;
	s8 =	ssub.s32 s8, s29  }
0xa: {  	s10 =	sadd.s32 s9, s5;
	s4 =	sadd.s32 $0x51800, s6;
	s5 =	smax.u32 s8, $0x1  }
0xb: {  	s6 =	sadd.s32 $0x1F000, s10;
	s8 =	sadd.s32 s30, s9;
	s7 =	sadd.s32 $0x1F800, s10  }
0xc: {  	s9 =	simm.s32 $0x3;
	s10 =	simm.s32 $0x80;
	s8 =	sadd.s32 s31, s8  }
.LBB2_1:
0xd: {  	[tilespmem:s2], [sflag:$0x3] =	stream.linear.gather [hbm4b:s4+s2], $0x2000, $0x38;
	[tilespmem:$0xA000] =	vst v63  }
0xe: {  	_ =	swait.ge [sflag:s9], $0x2000  }
0xf: {  	[sflag:s9] =	ssyncset.done $0x0  }
0x10: {  	[sflag:s9] =	ssyncadd.s32 $0xFFFFE000  }
0x11: {  	[tilespmem:s11], [sflag:$0x1] =	stream.indirect.gather [hbm4b:s3+s10], $0x80, s2, s10, $0xb8;
	[tilespmem:$0xA000] =	vst v63  }
0x12: {  	_ = 	snop  }
0x13: {  	[tilespmem:s12], [sflag:$0x2] =	stream.indirect.gather [hbm4b:s3+s10], $0x80, s10, s10, $0xb8;
	[tilespmem:$0xA000] =	vst v63  }
0x14: {  	_ =	swait.ge [sflag:s13], $0x4000  }
0x15: {  	[sflag:s13] =	ssyncset.done $0x0  }
0x16: {  	s16 =	sadd.s32 $0x0, s8;
	[sflag:s13] =	ssyncadd.s32 $0xFFFFC000  }
0x17: {  	[hbm4b:s16+s2] =	stream.linear.scatter [tilespmem:s11], [sflag:$0x3], $0x4000, $0x38;
	[tilespmem:$0xA000] =	vst v63  }
0x18: {  	_ =	swait.ge [sflag:s9], $0x4000  }
0x19: {  	[sflag:s9] =	ssyncset.done $0x0  }
0x1a: {  	s17 =	simm.s32 $0x100;
	[sflag:s9] =	ssyncadd.s32 $0xFFFFC000  }
0x1b: {  	[tilespmem:s11], [sflag:$0x1] =	stream.indirect.gather [hbm4b:s3+s10], $0x80, s17, s10, $0xb8;
	[tilespmem:$0xA000] =	vst v63  }
0x1c: {  	_ =	swait.ge [sflag:s14], $0x4000  }
0x1d: {  	[sflag:s14] =	ssyncset.done $0x0  }
0x1e: {  	s16 =	sadd.s32 $0x800, s16;
	[sflag:s14] =	ssyncadd.s32 $0xFFFFC000  }
0x1f: {  	[hbm4b:s16+s2] =	stream.linear.scatter [tilespmem:s12], [sflag:$0x3], $0x4000, $0x38;
	[tilespmem:$0xA000] =	vst v63  }
0x20: {  	_ =	swait.ge [sflag:s9], $0x4000  }
0x21: {  	s18 =	simm.s32 $0x280;
	[sflag:s9] =	ssyncset.done $0x0  }
0x22: {  	s17 =	simm.s32 $0x1000;
	s16 =	simm.s32 $0x180;
	[sflag:s9] =	ssyncadd.s32 $0xFFFFC000  }
.LBB2_2:
0x23: {  	[tilespmem:s12], [sflag:$0x2] =	stream.indirect.gather [hbm4b:s3+s10], $0x80, s16, s10, $0xb8;
	[tilespmem:$0xA000] =	vst v63  }
0x24: {  	s19 =	smov.u32 s17;
	s16 =	smov.u32 s18  }
0x25: {  	p0 =	sne.s32 s17, $0x1E000;
	s17 =	sadd.s32 $0x1000, s17;
	_ =	swait.ge [sflag:s13], $0x4000  }
0x26: {  	[sflag:s13] =	ssyncset.done $0x0  }
0x27: {  	s19 =	sadd.s32 s19, s8;
	[sflag:s13] =	ssyncadd.s32 $0xFFFFC000  }
0x28: {  	[hbm4b:s19+s2] =	stream.linear.scatter [tilespmem:s11], [sflag:$0x3], $0x4000, $0x38;
	[tilespmem:$0xA000] =	vst v63  }
0x29: {  	_ =	swait.ge [sflag:s9], $0x4000  }
0x2a: {  	[sflag:s9] =	ssyncset.done $0x0  }
0x2b: {  	s20 =	sadd.s32 $0xFFFFFF80, s18;
	[sflag:s9] =	ssyncadd.s32 $0xFFFFC000  }
0x2c: {  	[tilespmem:s11], [sflag:$0x1] =	stream.indirect.gather [hbm4b:s3+s10], $0x80, s20, s10, $0xb8;
	[tilespmem:$0xA000] =	vst v63  }
0x2d: {  	_ =	swait.ge [sflag:s14], $0x4000  }
0x2e: {  	[sflag:s14] =	ssyncset.done $0x0  }
.Ltmp0:
0x2f: {  	s19 =	sadd.s32 $0x800, s19;
	[sflag:s14] =	ssyncadd.s32 $0xFFFFC000;
	(pc) =	sbr.rel @p0 .LBB2_2-.Ltmp0, $4  }
0x30: {  	[hbm4b:s19+s2] =	stream.linear.scatter [tilespmem:s12], [sflag:$0x3], $0x4000, $0x38;
	[tilespmem:$0xA000] =	vst v63  }
0x31: {  	_ =	swait.ge [sflag:s9], $0x4000  }
0x32: {  	[sflag:s9] =	ssyncset.done $0x0  }
0x33: {  	s18 =	sadd.s32 $0x100, s18;
	[sflag:s9] =	ssyncadd.s32 $0xFFFFC000  }
0x34: {  	[tilespmem:s12], [sflag:$0x2] =	stream.indirect.gather [hbm4b:s3+s10], $0x80, s16, s10, $0xb8;
	[tilespmem:$0xA000] =	vst v63  }
0x35: {  	_ =	swait.ge [sflag:s13], $0x4000  }
0x36: {  	[sflag:s13] =	ssyncset.done $0x0  }
0x37: {  	[sflag:s13] =	ssyncadd.s32 $0xFFFFC000  }
0x38: {  	[hbm4b:s6+s2] =	stream.linear.scatter [tilespmem:s11], [sflag:$0x3], $0x4000, $0x38;
	[tilespmem:$0xA000] =	vst v63  }
0x39: {  	_ =	swait.ge [sflag:s9], $0x4000  }
0x3a: {  	[sflag:s9] =	ssyncset.done $0x0  }
0x3b: {  	[sflag:s9] =	ssyncadd.s32 $0xFFFFC000  }
0x3c: {  	s15 =	sadd.s32 $0x1, s15;
	_ =	swait.ge [sflag:s14], $0x4000  }
0x3d: {  	p0 =	sne.s32 s15, s5;
	[sflag:s14] =	ssyncset.done $0x0  }
.Ltmp1:
0x3e: {  	[sflag:s14] =	ssyncadd.s32 $0xFFFFC000;
	(pc) =	sbr.rel @p0 .LBB2_1-.Ltmp1, $4  }
0x3f: {  	[hbm4b:s7+s2] =	stream.linear.scatter [tilespmem:s12], [sflag:$0x3], $0x4000, $0x38;
	[tilespmem:$0xA000] =	vst v63  }
0x40: {  	_ =	swait.ge [sflag:s9], $0x4000  }
0x41: {  	[sflag:s9] =	ssyncset.done $0x0  }
0x42: {  	[sflag:s9] =	ssyncadd.s32 $0xFFFFC000  }
0x43: {  	_ =	sfence.sel $0x180000  }
0x44: {  	[bflag:$0x0] =	sbarrier.arrive $0xFFFF  }
0x45: {  	p0 =	sne.s32 s1, $0x0;
	_ =	strace $0x9000004D  }
0x46: {  	s0 =	sadd.s32 @!p0 $0x100000, s0;
	[bflag:$0x2] =	sbarrier.arrive $0xFFFF  }
0x47: {  	[sflag:s0] =	ssyncadd.tile.s32 @!p0 $0x1;
	_ =	shalt  }
.Lfunc_end2:
_tile_overlayer_lowered:
.L_overlay_start_2:
0x48: {  	(tag) =	ssettag $0x2  }
0x49: {  	s0 =	rddreg [dreg:$0x0];
	s2 =	stileid.u32  }
0x4a: {  	s1 =	rddreg [dreg:$0x1];
	p0 =	sne.s32 s2, $0x0  }
0x4b: {  	s3 =	rddreg [dreg:$0x2];
	[bflag:$0x3] =	sbarrier.arrive $0xFFFF;
	s2 =	simm.s32 @!p0 $0x1C03  }
0x4c: {  	[timem:s3], [sflag:s2] =	dma.local @!p0 [hbm:s0], s1  }
0x4d: {  	s0 =	simm.s32 @!p0 $0x3  }
0x4e: {  	_ =	swait.ge @!p0 [sflag:s0], s1  }
0x4f: {  	s1 =	ssub.s32 @!p0 $0x0, s1;
	[sflag:s0] =	ssyncset.done @!p0 $0x0  }
0x50: {  	[sflag:s0] =	ssyncadd.s32 @!p0 s1  }
0x51: {  	[bflag:$0x3] =	sbarrier.arrive $0xFFFF  }
0x52: {  	_ =	shalt  }

// kernel: kernel.24.cloned.1.call-start
scs
__scs_entry_jumppad:
0x0: {  	(pc) =	sbr.rel $0x88, $3  }
0x1: {  	(tag) =	ssettag $0x0;
	lr =	simm.s32 $0x1  }
0x2: {  	[smem:$0x3F6C] =	sst lr;
	_ =	strace $0xD0000000  }
0x3: {  	_ = 	snop  }
0x4: {  	_ = 	snop  }
0x5: {  	_ = 	snop  }
0x6: {  	_ = 	snop  }
0x7: {  	_ = 	snop  }
__scs_overlays_trampoline_lowered:
0x8: {  	[smem:$0x3F7B] =	sst s0  }
0x9: {  	[smem:$0x3F7C] =	sst s1  }
0xa: {  	[smem:$0x3F7D] =	sst s2  }
0xb: {  	[smem:$0x3F7E] =	sst s3  }
0xc: {  	[smem:$0x3F7F] =	sst s4  }
0xd: {  	[smem:$0x3F80] =	sst s5  }
0xe: {  	[smem:$0x3F81] =	sst s6  }
0xf: {  	[smem:$0x3F82] =	sst s7  }
0x10: {  	[smem:$0x3F83] =	sst s8  }
0x11: {  	[smem:$0x3F84] =	sst s9;
	s0 =	simm.s32 @!p0 $0x0  }
0x12: {  	s1 =	sld [smem:$0x3F6A];
	s0 =	simm.s32 @p0 $0x1  }
0x13: {  	[smem:$0x3F85] =	sst s0;
	s0 =	simm.s32 @!p1 $0x0  }
0x14: {  	s2 =	sld [smem:$0x3F69];
	s0 =	simm.s32 @p1 $0x1  }
0x15: {  	[smem:$0x3F86] =	sst s0;
	s0 =	simm.s32 @!p2 $0x0  }
0x16: {  	s3 =	sld [smem:$0x3FDB];
	s0 =	simm.s32 @p2 $0x1  }
0x17: {  	s4 =	simm.s32 $0x1BF5;
	[smem:$0x3F88] =	sst s0  }
0x18: {  	s0 =	sld [smem:$0x3F6B];
	_ =	swait.ge [sflag:s4], $0x0  }
0x19: {  	s7 =	sld [smem:$0x3F6C]  }
0x1a: {  	s8 =	sadd.s32 $0xFFFFE003, lr  }
0x1b: {  	s9 =	sadd.s32 $0xFFFFFEF7, lr;
	s5 =	simm.s32 $0xFFFFFFFF;
	p2 =	slt.u32 s8, $0xFFFFF086  }
0x1c: {  	p1 =	slt.u32 s9, $0xF7A;
	s5 =	simm.s32 @!p2 $0x0  }
0x1d: {  	s5 =	simm.s32 @p1 $0x1;
	p0 =	seq.s32 s7, s2  }
0x1e: {  	s7 =	smul.u32 @!p0 $0xF7A, s2;
	p2 =	seq.s32 @!p0 s5, $0x0  }
0x1f: {  	s9 =	smul.u32 $0xF7A, s1;
	s8 =	simm.s32 @!p0 $0x1BF5;
	p2 =	por !p2, p0  }
0x20: {  	[sflag:s8] =	ssyncset.s32 @!p0 $0xFFFFF086;
	s6 =	sadd.s32 @!p0 s3, s7;
	s7 =	simm.s32 @!p0 $0x108  }
0x21: {  	s3 =	sadd.s32 s3, s9;
	s6 =	sadd.s32 @!p0 $0x88, s6;
	s7 =	simm.s32 @p2 $0x1082  }
0x22: {  	[simem:s7], [sflag:s8] =	dma.local @!p0 [hbm:s6], $0xF7A  }
0x23: {  	s9 =	sor.u32 $0xD0000000, s2;
	s6 =	simm.s32 $0x108;
	_ =	swait.ge @!p0 [sflag:s8], $0x0  }
0x24: {  	s3 =	sadd.s32 $0x88, s3;
	s6 =	simm.s32 @!p1 $0x1082;
	[sflag:s4] =	ssyncset.s32 $0xFFFFF086  }
0x25: {  	[simem:s6], [sflag:s4] =	dma.local [hbm:s3], $0xF7A  }
0x26: {  	[smem:$0x3F6C] =	sst s1;
	(tag) =	ssettag s2;
	_ =	strace s9  }
0x27: {  	s1 =	sld [smem:$0x3F7C]  }
0x28: {  	s2 =	sld [smem:$0x3F7D]  }
0x29: {  	s4 =	sld [smem:$0x3F7F]  }
0x2a: {  	p0 =	seq.s32 s5, $0x0;
	s5 =	sld [smem:$0x3F80]  }
0x2b: {  	s6 =	sld [smem:$0x3F81]  }
0x2c: {  	s7 =	sld [smem:$0x3F82]  }
0x2d: {  	s3 =	simm.s32 $0x108;
	s8 =	sld [smem:$0x3F83]  }
0x2e: {  	s3 =	simm.s32 @!p0 $0x1082;
	s9 =	sld [smem:$0x3F84]  }
0x2f: {  	lr =	sadd.s32 s0, s3;
	s0 =	sld [smem:$0x3F7B]  }
0x30: {  	s3 =	sld [smem:$0x3F7E]  }
0x31: {  	[smem:$0x3F87] =	sst s10  }
0x32: {  	s10 =	sld [smem:$0x3F85];
	_ =	sdelay $0x3  }
0x33: {  	p0 =	seq.s32 s10, $0x1;
	s10 =	sld [smem:$0x3F87];
	_ =	sdelay $0x3  }
0x34: {  	[smem:$0x3F87] =	sst s10  }
0x35: {  	s10 =	sld [smem:$0x3F86];
	_ =	sdelay $0x3  }
0x36: {  	p1 =	seq.s32 s10, $0x1;
	s10 =	sld [smem:$0x3F87];
	_ =	sdelay $0x3  }
0x37: {  	[smem:$0x3F87] =	sst s10  }
0x38: {  	s10 =	sld [smem:$0x3F88]  }
0x39: {  	_ = 	snop;
	(pc) =	sbr.ind lr, $3  }
0x3a: {  	_ = 	snop  }
0x3b: {  	_ = 	snop  }
0x3c: {  	p2 =	seq.s32 s10, $0x1;
	s10 =	sld [smem:$0x3F87]  }
0x3d: {  	_ =	shalt  }
0x3e: {  	_ =	shalt  }
0x3f: {  	_ =	shalt  }
0x40: {  	_ =	shalt  }
0x41: {  	_ =	shalt  }
0x42: {  	_ =	shalt  }
0x43: {  	_ =	shalt  }
0x44: {  	_ =	shalt  }
0x45: {  	_ =	shalt  }
0x46: {  	_ =	shalt  }
0x47: {  	_ =	shalt  }
0x48: {  	_ =	shalt  }
0x49: {  	_ =	shalt  }
0x4a: {  	_ =	shalt  }
0x4b: {  	_ =	shalt  }
0x4c: {  	_ =	shalt  }
0x4d: {  	_ =	shalt  }
0x4e: {  	_ =	shalt  }
0x4f: {  	_ =	shalt  }
0x50: {  	_ =	shalt  }
0x51: {  	_ =	shalt  }
0x52: {  	_ =	shalt  }
0x53: {  	_ =	shalt  }
0x54: {  	_ =	shalt  }
0x55: {  	_ =	shalt  }
0x56: {  	_ =	shalt  }
0x57: {  	_ =	shalt  }
0x58: {  	_ =	shalt  }
0x59: {  	_ =	shalt  }
0x5a: {  	_ =	shalt  }
0x5b: {  	_ =	shalt  }
0x5c: {  	_ =	shalt  }
0x5d: {  	_ =	shalt  }
0x5e: {  	_ =	shalt  }
0x5f: {  	_ =	shalt  }
0x60: {  	_ =	shalt  }
0x61: {  	_ =	shalt  }
0x62: {  	_ =	shalt  }
0x63: {  	_ =	shalt  }
0x64: {  	_ =	shalt  }
0x65: {  	_ =	shalt  }
0x66: {  	_ =	shalt  }
0x67: {  	_ =	shalt  }
0x68: {  	_ =	shalt  }
0x69: {  	_ =	shalt  }
0x6a: {  	_ =	shalt  }
0x6b: {  	_ =	shalt  }
0x6c: {  	_ =	shalt  }
0x6d: {  	_ =	shalt  }
0x6e: {  	_ =	shalt  }
0x6f: {  	_ =	shalt  }
0x70: {  	_ =	shalt  }
0x71: {  	_ =	shalt  }
0x72: {  	_ =	shalt  }
0x73: {  	_ =	shalt  }
0x74: {  	_ =	shalt  }
0x75: {  	_ =	shalt  }
0x76: {  	_ =	shalt  }
0x77: {  	_ =	shalt  }
0x78: {  	_ =	shalt  }
0x79: {  	_ =	shalt  }
0x7a: {  	_ =	shalt  }
0x7b: {  	_ =	shalt  }
0x7c: {  	_ =	shalt  }
0x7d: {  	_ =	shalt  }
0x7e: {  	_ =	shalt  }
0x7f: {  	_ =	shalt  }
0x80: {  	_ =	shalt  }
0x81: {  	_ =	shalt  }
0x82: {  	_ =	shalt  }
0x83: {  	_ =	shalt  }
0x84: {  	_ =	shalt  }
0x85: {  	_ =	shalt  }
0x86: {  	_ =	shalt  }
0x87: {  	_ =	shalt  }
.Lfunc_end0:
.L_simem_size_0:
called_computation.3_lowered:
.L_overlay_start_0:
0x88: {  	s2 =	sld [smem:$0x3FD9]  }
0x89: {  	s3 =	sld [smem:$0x3FFE];
	_ =	sdelay $0x1  }
0x8a: {  	s1 =	srdreg.scid  }
0x8b: {  	s0 =	sand.u32 $0x1, s1  }
0x8c: {  	s16 =	sshll.u32 s0, $0xA;
	s2 =	sadd.s32 s3, s2  }
0x8d: {  	s2 =	sadd.s32 s2, s16  }
0x8e: {  	[smem:$0x3F93] =	sst s2  }
0x8f: {  	_ = 	snop  }
0x90: {  	(tm) =	ssettm $0x1  }
0x91: {  	s17 =	sld [smem:$0x3FFB];
	_ =	sdelay $0x3  }
0x92: {  	_ =	strace s17  }
0x93: {  	s2 =	sld [smem:$0x3FFC];
	_ =	sdelay $0x3  }
0x94: {  	_ =	strace s2  }
0x95: {  	s2 =	sld [smem:$0x3FFD];
	_ =	sdelay $0x3  }
0x96: {  	_ =	strace s2  }
0x97: {  	_ =	strace $0x8FFFFFFF  }
0x98: {  	s18 =	sld [smem:$0x3FDB];
	_ =	sdelay $0x1  }
0x99: {  	s19 =	simm.s32 $_scs_section_size  }
0x9a: {  	s4 =	simm.s32 $_size__tile_overlayer_lowered;
	s5 =	simm.s32 $_tile_overlayer_lowered  }
0x9b: {  	s22 =	simm.s32 $0x1BFF;
	s21 =	sshll.u32 s5, $0x1;
	s2 =	sadd.s32 s19, s18  }
0x9c: {  	s6 =	simm.s32 $0x0;
	s20 =	sshll.u32 s4, $0x1;
	s4 =	sadd.s32 s21, s2  }
0x9d: {  	[timem:s6], [sflag:s22] =	dma.local [hbm:s4], s20  }
0x9e: {  	_ =	swait.ge [sflag:s22], s20  }
0x9f: {  	s3 =	ssub.s32 $0x0, s20;
	[sflag:s22] =	ssyncset.done $0x0  }
0xa0: {  	[sflag:s22] =	ssyncadd.s32 s3;
	_ =	sdelay $0x1  }
0xa1: {  	s23 =	simm.s32 $0x1B8B  }
0xa2: {  	_ =	swait.ge [sflag:s23], $0x1  }
0xa3: {  	[sflag:s23] =	ssyncset.done $0x0  }
0xa4: {  	s25 =	simm.s32 $0x1B8E;
	s24 =	sld [smem:$0x3FFE];
	[sflag:s23] =	ssyncadd.s32 $0xFFFFFFFF  }
0xa5: {  	s26 =	simm.s32 $execute0_lowered;
	[smem:$0x3FD2] =	sst s25  }
0xa6: {  	s4 =	sshll.u32 s26, $0x1;
	_ =	strace $0x8000004F;
	[dreg:$0x1] =	wrdreg $0xFFFFFFFF  }
0xa7: {  	s28 =	simm.s32 $_size_execute0_lowered;
	s2 =	sadd.s32 s2, s4;
	[dreg:$0x0] =	wrdreg $0x0  }
0xa8: {  	s4 =	sshll.u32 s28, $0x1;
	[dreg:$0x2] =	wrdreg s2  }
0xa9: {  	[dreg:$0x3] =	wrdreg s4  }
0xaa: {  	[dreg:$0x4] =	wrdreg $0xC0  }
0xab: {  	_ =	task [dreg:s6], $0x5FFFF  }
0xac: {  	[dreg:$0x1] =	wrdreg $0xFFFFFFFF  }
0xad: {  	[dreg:$0x0] =	wrdreg $0x60  }
0xae: {  	[dreg:$0x2] =	wrdreg s24  }
0xaf: {  	[dreg:$0x3] =	wrdreg $0x9  }
0xb0: {  	_ =	task.clear_ibuf [dreg:s6], $0x4FFFF;
	_ =	strace $0x9000004F  }
0xb1: {  	s29 =	simm.s32 $0x9;
	_ =	strace $0x80000051  }
0xb2: {  	_ =	swait.ge [sflag:s29], $0x1  }
0xb3: {  	[sflag:s29] =	ssyncadd.s32 $0xFFFFFFFF  }
0xb4: {  	_ =	strace $0x90000051  }
0xb5: {  	_ =	sfence  }
0xb6: {  	s30 =	sld [smem:$0x0];
	_ =	sdelay $0x2  }
0xb7: {  	s31 =	sshll.u32 s1, $0xD;
	s1 =	sshrl.u32 s1, $0x2  }
0xb8: {  	s3 =	sand.u32 $0x4000, s31;
	s1 =	sadd.s32 s1, s30  }
0xb9: {  	s0 =	sor.u32 s3, s0;
	s1 =	sshll.u32 s1, $0x11  }
0xba: {  	s0 =	sor.u32 s1, s0  }
0xbb: {  	s0 =	sadd.s32 $0x8F2B, s0  }
0xbc: {  	[sflag:s0] =	ssyncadd.remote.s32 $0x1  }
0xbd: {  	_ =	sfence.sel $0xFFFF  }
0xbe: {  	[dreg:$0x0] =	wrdreg $0xFFFFFFFF;
	(pc) =	sbr.abs _section_cstart, $3  }
0xbf: {  	[dreg:$0x1] =	wrdreg $0xFFFFFFFF  }
0xc0: {  	_ =	task.clear_ibuf [dreg:s6], $0x2FFFF;
	_ =	strace $0x9FFFFFFF  }
0xc1: {  	(tm) =	ssettm $0x7FFFFFFF  }
tec
execute0_lowered:
.L_overlay_start_1:
0x0: {  	(tag) =	ssettag $0x1  }
0x1: {  	s4 =	rddreg [dreg:$0x0]  }
0x2: {  	s0 =	rddreg [dreg:$0x1];
	s2 =	simm.s32 $0x0;
	s3 =	srdreg.scid  }
0x3: {  	s1 =	stileid.u32;
	s11 =	simm.s32 $0x2000;
	s12 =	simm.s32 $0x6000  }
0x4: {  	s13 =	simm.s32 $0x1;
	s14 =	simm.s32 $0x2;
	s15 =	simm.s32 $0x0  }
0x5: {  	[smem:$0x7FF] =	sst s2;
	s7 =	sand.u32 $0x1, s3;
	s28 =	sshll.u32 s1, $0x1  }
0x6: {  	s3 =	sadd.s32 $0x59800, s4;
	s9 =	sadd.s32 $0x99800, s4;
	s30 =	sshll.u32 s1, $0x12  }
0x7: {  	_ =	strace $0x80000050;
	s5 =	sor.u32 s7, s28;
	s8 =	ssub.s32 $0x2, s7  }
0x8: {  	s31 =	sshll.u32 s7, $0x11;
	s6 =	sshll.u32 s5, $0xA;
	s29 =	sshrl.u32 s8, $0x1  }
0x9: {  	s5 =	sshll.u32 s5, $0x11;
	s6 =	sadd.s32 s6, s4;
	s8 =	ssub.s32 s8, s29  }
0xa: {  	s10 =	sadd.s32 s9, s5;
	s4 =	sadd.s32 $0x51800, s6;
	s5 =	smax.u32 s8, $0x1  }
0xb: {  	s6 =	sadd.s32 $0x1F000, s10;
	s8 =	sadd.s32 s30, s9;
	s7 =	sadd.s32 $0x1F800, s10  }
0xc: {  	s9 =	simm.s32 $0x3;
	s10 =	simm.s32 $0x80;
	s8 =	sadd.s32 s31, s8  }
.LBB2_1:
0xd: {  	[tilespmem:s2], [sflag:$0x3] =	stream.linear.gather [hbm4b:s4+s2], $0x2000, $0x38;
	[tilespmem:$0xA000] =	vst v63  }
0xe: {  	_ =	swait.ge [sflag:s9], $0x2000  }
0xf: {  	[sflag:s9] =	ssyncset.done $0x0  }
0x10: {  	[sflag:s9] =	ssyncadd.s32 $0xFFFFE000  }
0x11: {  	[tilespmem:s11], [sflag:$0x1] =	stream.indirect.gather [hbm4b:s3+s10], $0x80, s2, s10, $0xb8;
	[tilespmem:$0xA000] =	vst v63  }
0x12: {  	_ = 	snop  }
0x13: {  	[tilespmem:s12], [sflag:$0x2] =	stream.indirect.gather [hbm4b:s3+s10], $0x80, s10, s10, $0xb8;
	[tilespmem:$0xA000] =	vst v63  }
0x14: {  	_ =	swait.ge [sflag:s13], $0x4000  }
0x15: {  	[sflag:s13] =	ssyncset.done $0x0  }
0x16: {  	s16 =	sadd.s32 $0x0, s8;
	[sflag:s13] =	ssyncadd.s32 $0xFFFFC000  }
0x17: {  	[hbm4b:s16+s2] =	stream.linear.scatter [tilespmem:s11], [sflag:$0x3], $0x4000, $0x38;
	[tilespmem:$0xA000] =	vst v63  }
0x18: {  	_ =	swait.ge [sflag:s9], $0x4000  }
0x19: {  	[sflag:s9] =	ssyncset.done $0x0  }
0x1a: {  	s17 =	simm.s32 $0x100;
	[sflag:s9] =	ssyncadd.s32 $0xFFFFC000  }
0x1b: {  	[tilespmem:s11], [sflag:$0x1] =	stream.indirect.gather [hbm4b:s3+s10], $0x80, s17, s10, $0xb8;
	[tilespmem:$0xA000] =	vst v63  }
0x1c: {  	_ =	swait.ge [sflag:s14], $0x4000  }
0x1d: {  	[sflag:s14] =	ssyncset.done $0x0  }
0x1e: {  	s16 =	sadd.s32 $0x800, s16;
	[sflag:s14] =	ssyncadd.s32 $0xFFFFC000  }
0x1f: {  	[hbm4b:s16+s2] =	stream.linear.scatter [tilespmem:s12], [sflag:$0x3], $0x4000, $0x38;
	[tilespmem:$0xA000] =	vst v63  }
0x20: {  	_ =	swait.ge [sflag:s9], $0x4000  }
0x21: {  	s18 =	simm.s32 $0x280;
	[sflag:s9] =	ssyncset.done $0x0  }
0x22: {  	s17 =	simm.s32 $0x1000;
	s16 =	simm.s32 $0x180;
	[sflag:s9] =	ssyncadd.s32 $0xFFFFC000  }
.LBB2_2:
0x23: {  	[tilespmem:s12], [sflag:$0x2] =	stream.indirect.gather [hbm4b:s3+s10], $0x80, s16, s10, $0xb8;
	[tilespmem:$0xA000] =	vst v63  }
0x24: {  	s19 =	smov.u32 s17;
	s16 =	smov.u32 s18  }
0x25: {  	p0 =	sne.s32 s17, $0x1E000;
	s17 =	sadd.s32 $0x1000, s17;
	_ =	swait.ge [sflag:s13], $0x4000  }
0x26: {  	[sflag:s13] =	ssyncset.done $0x0  }
0x27: {  	s19 =	sadd.s32 s19, s8;
	[sflag:s13] =	ssyncadd.s32 $0xFFFFC000  }
0x28: {  	[hbm4b:s19+s2] =	stream.linear.scatter [tilespmem:s11], [sflag:$0x3], $0x4000, $0x38;
	[tilespmem:$0xA000] =	vst v63  }
0x29: {  	_ =	swait.ge [sflag:s9], $0x4000  }
0x2a: {  	[sflag:s9] =	ssyncset.done $0x0  }
0x2b: {  	s20 =	sadd.s32 $0xFFFFFF80, s18;
	[sflag:s9] =	ssyncadd.s32 $0xFFFFC000  }
0x2c: {  	[tilespmem:s11], [sflag:$0x1] =	stream.indirect.gather [hbm4b:s3+s10], $0x80, s20, s10, $0xb8;
	[tilespmem:$0xA000] =	vst v63  }
0x2d: {  	_ =	swait.ge [sflag:s14], $0x4000  }
0x2e: {  	[sflag:s14] =	ssyncset.done $0x0  }
.Ltmp0:
0x2f: {  	s19 =	sadd.s32 $0x800, s19;
	[sflag:s14] =	ssyncadd.s32 $0xFFFFC000;
	(pc) =	sbr.rel @p0 .LBB2_2-.Ltmp0, $4  }
0x30: {  	[hbm4b:s19+s2] =	stream.linear.scatter [tilespmem:s12], [sflag:$0x3], $0x4000, $0x38;
	[tilespmem:$0xA000] =	vst v63  }
0x31: {  	_ =	swait.ge [sflag:s9], $0x4000  }
0x32: {  	[sflag:s9] =	ssyncset.done $0x0  }
0x33: {  	s18 =	sadd.s32 $0x100, s18;
	[sflag:s9] =	ssyncadd.s32 $0xFFFFC000  }
0x34: {  	[tilespmem:s12], [sflag:$0x2] =	stream.indirect.gather [hbm4b:s3+s10], $0x80, s16, s10, $0xb8;
	[tilespmem:$0xA000] =	vst v63  }
0x35: {  	_ =	swait.ge [sflag:s13], $0x4000  }
0x36: {  	[sflag:s13] =	ssyncset.done $0x0  }
0x37: {  	[sflag:s13] =	ssyncadd.s32 $0xFFFFC000  }
0x38: {  	[hbm4b:s6+s2] =	stream.linear.scatter [tilespmem:s11], [sflag:$0x3], $0x4000, $0x38;
	[tilespmem:$0xA000] =	vst v63  }
0x39: {  	_ =	swait.ge [sflag:s9], $0x4000  }
0x3a: {  	[sflag:s9] =	ssyncset.done $0x0  }
0x3b: {  	[sflag:s9] =	ssyncadd.s32 $0xFFFFC000  }
0x3c: {  	s15 =	sadd.s32 $0x1, s15;
	_ =	swait.ge [sflag:s14], $0x4000  }
0x3d: {  	p0 =	sne.s32 s15, s5;
	[sflag:s14] =	ssyncset.done $0x0  }
.Ltmp1:
0x3e: {  	[sflag:s14] =	ssyncadd.s32 $0xFFFFC000;
	(pc) =	sbr.rel @p0 .LBB2_1-.Ltmp1, $4  }
0x3f: {  	[hbm4b:s7+s2] =	stream.linear.scatter [tilespmem:s12], [sflag:$0x3], $0x4000, $0x38;
	[tilespmem:$0xA000] =	vst v63  }
0x40: {  	_ =	swait.ge [sflag:s9], $0x4000  }
0x41: {  	[sflag:s9] =	ssyncset.done $0x0  }
0x42: {  	[sflag:s9] =	ssyncadd.s32 $0xFFFFC000  }
0x43: {  	_ =	sfence.sel $0x180000  }
0x44: {  	[bflag:$0x0] =	sbarrier.arrive $0xFFFF  }
0x45: {  	p0 =	sne.s32 s1, $0x0;
	_ =	strace $0x90000050  }
0x46: {  	s0 =	sadd.s32 @!p0 $0x100000, s0;
	[bflag:$0x2] =	sbarrier.arrive $0xFFFF  }
0x47: {  	[sflag:s0] =	ssyncadd.tile.s32 @!p0 $0x1;
	_ =	shalt  }
.Lfunc_end2:
_tile_overlayer_lowered:
.L_overlay_start_2:
0x48: {  	(tag) =	ssettag $0x2  }
0x49: {  	s0 =	rddreg [dreg:$0x0];
	s2 =	stileid.u32  }
0x4a: {  	s1 =	rddreg [dreg:$0x1];
	p0 =	sne.s32 s2, $0x0  }
0x4b: {  	s3 =	rddreg [dreg:$0x2];
	[bflag:$0x3] =	sbarrier.arrive $0xFFFF;
	s2 =	simm.s32 @!p0 $0x1C03  }
0x4c: {  	[timem:s3], [sflag:s2] =	dma.local @!p0 [hbm:s0], s1  }
0x4d: {  	s0 =	simm.s32 @!p0 $0x3  }
0x4e: {  	_ =	swait.ge @!p0 [sflag:s0], s1  }
0x4f: {  	s1 =	ssub.s32 @!p0 $0x0, s1;
	[sflag:s0] =	ssyncset.done @!p0 $0x0  }
0x50: {  	[sflag:s0] =	ssyncadd.s32 @!p0 s1  }
0x51: {  	[bflag:$0x3] =	sbarrier.arrive $0xFFFF  }
0x52: {  	_ =	shalt  }

// kernel: kernel.27.cloned.1.call-start
scs
__scs_entry_jumppad:
0x0: {  	(pc) =	sbr.rel $0x88, $3  }
0x1: {  	(tag) =	ssettag $0x0;
	lr =	simm.s32 $0x1  }
0x2: {  	[smem:$0x3F6C] =	sst lr;
	_ =	strace $0xD0000000  }
0x3: {  	_ = 	snop  }
0x4: {  	_ = 	snop  }
0x5: {  	_ = 	snop  }
0x6: {  	_ = 	snop  }
0x7: {  	_ = 	snop  }
__scs_overlays_trampoline_lowered:
0x8: {  	[smem:$0x3F7B] =	sst s0  }
0x9: {  	[smem:$0x3F7C] =	sst s1  }
0xa: {  	[smem:$0x3F7D] =	sst s2  }
0xb: {  	[smem:$0x3F7E] =	sst s3  }
0xc: {  	[smem:$0x3F7F] =	sst s4  }
0xd: {  	[smem:$0x3F80] =	sst s5  }
0xe: {  	[smem:$0x3F81] =	sst s6  }
0xf: {  	[smem:$0x3F82] =	sst s7  }
0x10: {  	[smem:$0x3F83] =	sst s8  }
0x11: {  	[smem:$0x3F84] =	sst s9;
	s0 =	simm.s32 @!p0 $0x0  }
0x12: {  	s1 =	sld [smem:$0x3F6A];
	s0 =	simm.s32 @p0 $0x1  }
0x13: {  	[smem:$0x3F85] =	sst s0;
	s0 =	simm.s32 @!p1 $0x0  }
0x14: {  	s2 =	sld [smem:$0x3F69];
	s0 =	simm.s32 @p1 $0x1  }
0x15: {  	[smem:$0x3F86] =	sst s0;
	s0 =	simm.s32 @!p2 $0x0  }
0x16: {  	s3 =	sld [smem:$0x3FDB];
	s0 =	simm.s32 @p2 $0x1  }
0x17: {  	s4 =	simm.s32 $0x1BF5;
	[smem:$0x3F88] =	sst s0  }
0x18: {  	s0 =	sld [smem:$0x3F6B];
	_ =	swait.ge [sflag:s4], $0x0  }
0x19: {  	s7 =	sld [smem:$0x3F6C]  }
0x1a: {  	s8 =	sadd.s32 $0xFFFFE003, lr  }
0x1b: {  	s9 =	sadd.s32 $0xFFFFFEF7, lr;
	s5 =	simm.s32 $0xFFFFFFFF;
	p2 =	slt.u32 s8, $0xFFFFF086  }
0x1c: {  	p1 =	slt.u32 s9, $0xF7A;
	s5 =	simm.s32 @!p2 $0x0  }
0x1d: {  	s5 =	simm.s32 @p1 $0x1;
	p0 =	seq.s32 s7, s2  }
0x1e: {  	s7 =	smul.u32 @!p0 $0xF7A, s2;
	p2 =	seq.s32 @!p0 s5, $0x0  }
0x1f: {  	s9 =	smul.u32 $0xF7A, s1;
	s8 =	simm.s32 @!p0 $0x1BF5;
	p2 =	por !p2, p0  }
0x20: {  	[sflag:s8] =	ssyncset.s32 @!p0 $0xFFFFF086;
	s6 =	sadd.s32 @!p0 s3, s7;
	s7 =	simm.s32 @!p0 $0x108  }
0x21: {  	s3 =	sadd.s32 s3, s9;
	s6 =	sadd.s32 @!p0 $0x88, s6;
	s7 =	simm.s32 @p2 $0x1082  }
0x22: {  	[simem:s7], [sflag:s8] =	dma.local @!p0 [hbm:s6], $0xF7A  }
0x23: {  	s9 =	sor.u32 $0xD0000000, s2;
	s6 =	simm.s32 $0x108;
	_ =	swait.ge @!p0 [sflag:s8], $0x0  }
0x24: {  	s3 =	sadd.s32 $0x88, s3;
	s6 =	simm.s32 @!p1 $0x1082;
	[sflag:s4] =	ssyncset.s32 $0xFFFFF086  }
0x25: {  	[simem:s6], [sflag:s4] =	dma.local [hbm:s3], $0xF7A  }
0x26: {  	[smem:$0x3F6C] =	sst s1;
	(tag) =	ssettag s2;
	_ =	strace s9  }
0x27: {  	s1 =	sld [smem:$0x3F7C]  }
0x28: {  	s2 =	sld [smem:$0x3F7D]  }
0x29: {  	s4 =	sld [smem:$0x3F7F]  }
0x2a: {  	p0 =	seq.s32 s5, $0x0;
	s5 =	sld [smem:$0x3F80]  }
0x2b: {  	s6 =	sld [smem:$0x3F81]  }
0x2c: {  	s7 =	sld [smem:$0x3F82]  }
0x2d: {  	s3 =	simm.s32 $0x108;
	s8 =	sld [smem:$0x3F83]  }
0x2e: {  	s3 =	simm.s32 @!p0 $0x1082;
	s9 =	sld [smem:$0x3F84]  }
0x2f: {  	lr =	sadd.s32 s0, s3;
	s0 =	sld [smem:$0x3F7B]  }
0x30: {  	s3 =	sld [smem:$0x3F7E]  }
0x31: {  	[smem:$0x3F87] =	sst s10  }
0x32: {  	s10 =	sld [smem:$0x3F85];
	_ =	sdelay $0x3  }
0x33: {  	p0 =	seq.s32 s10, $0x1;
	s10 =	sld [smem:$0x3F87];
	_ =	sdelay $0x3  }
0x34: {  	[smem:$0x3F87] =	sst s10  }
0x35: {  	s10 =	sld [smem:$0x3F86];
	_ =	sdelay $0x3  }
0x36: {  	p1 =	seq.s32 s10, $0x1;
	s10 =	sld [smem:$0x3F87];
	_ =	sdelay $0x3  }
0x37: {  	[smem:$0x3F87] =	sst s10  }
0x38: {  	s10 =	sld [smem:$0x3F88]  }
0x39: {  	_ = 	snop;
	(pc) =	sbr.ind lr, $3  }
0x3a: {  	_ = 	snop  }
0x3b: {  	_ = 	snop  }
0x3c: {  	p2 =	seq.s32 s10, $0x1;
	s10 =	sld [smem:$0x3F87]  }
0x3d: {  	_ =	shalt  }
0x3e: {  	_ =	shalt  }
0x3f: {  	_ =	shalt  }
0x40: {  	_ =	shalt  }
0x41: {  	_ =	shalt  }
0x42: {  	_ =	shalt  }
0x43: {  	_ =	shalt  }
0x44: {  	_ =	shalt  }
0x45: {  	_ =	shalt  }
0x46: {  	_ =	shalt  }
0x47: {  	_ =	shalt  }
0x48: {  	_ =	shalt  }
0x49: {  	_ =	shalt  }
0x4a: {  	_ =	shalt  }
0x4b: {  	_ =	shalt  }
0x4c: {  	_ =	shalt  }
0x4d: {  	_ =	shalt  }
0x4e: {  	_ =	shalt  }
0x4f: {  	_ =	shalt  }
0x50: {  	_ =	shalt  }
0x51: {  	_ =	shalt  }
0x52: {  	_ =	shalt  }
0x53: {  	_ =	shalt  }
0x54: {  	_ =	shalt  }
0x55: {  	_ =	shalt  }
0x56: {  	_ =	shalt  }
0x57: {  	_ =	shalt  }
0x58: {  	_ =	shalt  }
0x59: {  	_ =	shalt  }
0x5a: {  	_ =	shalt  }
0x5b: {  	_ =	shalt  }
0x5c: {  	_ =	shalt  }
0x5d: {  	_ =	shalt  }
0x5e: {  	_ =	shalt  }
0x5f: {  	_ =	shalt  }
0x60: {  	_ =	shalt  }
0x61: {  	_ =	shalt  }
0x62: {  	_ =	shalt  }
0x63: {  	_ =	shalt  }
0x64: {  	_ =	shalt  }
0x65: {  	_ =	shalt  }
0x66: {  	_ =	shalt  }
0x67: {  	_ =	shalt  }
0x68: {  	_ =	shalt  }
0x69: {  	_ =	shalt  }
0x6a: {  	_ =	shalt  }
0x6b: {  	_ =	shalt  }
0x6c: {  	_ =	shalt  }
0x6d: {  	_ =	shalt  }
0x6e: {  	_ =	shalt  }
0x6f: {  	_ =	shalt  }
0x70: {  	_ =	shalt  }
0x71: {  	_ =	shalt  }
0x72: {  	_ =	shalt  }
0x73: {  	_ =	shalt  }
0x74: {  	_ =	shalt  }
0x75: {  	_ =	shalt  }
0x76: {  	_ =	shalt  }
0x77: {  	_ =	shalt  }
0x78: {  	_ =	shalt  }
0x79: {  	_ =	shalt  }
0x7a: {  	_ =	shalt  }
0x7b: {  	_ =	shalt  }
0x7c: {  	_ =	shalt  }
0x7d: {  	_ =	shalt  }
0x7e: {  	_ =	shalt  }
0x7f: {  	_ =	shalt  }
0x80: {  	_ =	shalt  }
0x81: {  	_ =	shalt  }
0x82: {  	_ =	shalt  }
0x83: {  	_ =	shalt  }
0x84: {  	_ =	shalt  }
0x85: {  	_ =	shalt  }
0x86: {  	_ =	shalt  }
0x87: {  	_ =	shalt  }
.Lfunc_end0:
.L_simem_size_0:
called_computation.4_lowered:
.L_overlay_start_0:
0x88: {  	s2 =	sld [smem:$0x3FD9]  }
0x89: {  	s3 =	sld [smem:$0x3FFE];
	_ =	sdelay $0x1  }
0x8a: {  	s1 =	srdreg.scid  }
0x8b: {  	s0 =	sand.u32 $0x1, s1  }
0x8c: {  	s16 =	sshll.u32 s0, $0xA;
	s2 =	sadd.s32 s3, s2  }
0x8d: {  	s2 =	sadd.s32 s2, s16  }
0x8e: {  	[smem:$0x3F93] =	sst s2  }
0x8f: {  	_ = 	snop  }
0x90: {  	(tm) =	ssettm $0x1  }
0x91: {  	s17 =	sld [smem:$0x3FFB];
	_ =	sdelay $0x3  }
0x92: {  	_ =	strace s17  }
0x93: {  	s2 =	sld [smem:$0x3FFC];
	_ =	sdelay $0x3  }
0x94: {  	_ =	strace s2  }
0x95: {  	s2 =	sld [smem:$0x3FFD];
	_ =	sdelay $0x3  }
0x96: {  	_ =	strace s2  }
0x97: {  	_ =	strace $0x8FFFFFFF  }
0x98: {  	s18 =	sld [smem:$0x3FDB];
	_ =	sdelay $0x1  }
0x99: {  	s19 =	simm.s32 $_scs_section_size  }
0x9a: {  	s4 =	simm.s32 $_size__tile_overlayer_lowered;
	s5 =	simm.s32 $_tile_overlayer_lowered  }
0x9b: {  	s22 =	simm.s32 $0x1BFF;
	s21 =	sshll.u32 s5, $0x1;
	s2 =	sadd.s32 s19, s18  }
0x9c: {  	s6 =	simm.s32 $0x0;
	s20 =	sshll.u32 s4, $0x1;
	s4 =	sadd.s32 s21, s2  }
0x9d: {  	[timem:s6], [sflag:s22] =	dma.local [hbm:s4], s20  }
0x9e: {  	_ =	swait.ge [sflag:s22], s20  }
0x9f: {  	s3 =	ssub.s32 $0x0, s20;
	[sflag:s22] =	ssyncset.done $0x0  }
0xa0: {  	[sflag:s22] =	ssyncadd.s32 s3;
	_ =	sdelay $0x1  }
0xa1: {  	s23 =	simm.s32 $0x1B8B  }
0xa2: {  	_ =	swait.ge [sflag:s23], $0x1  }
0xa3: {  	[sflag:s23] =	ssyncset.done $0x0  }
0xa4: {  	s25 =	simm.s32 $0x1B8E;
	s24 =	sld [smem:$0x3FFE];
	[sflag:s23] =	ssyncadd.s32 $0xFFFFFFFF  }
0xa5: {  	s26 =	simm.s32 $execute0_lowered;
	[smem:$0x3FD2] =	sst s25  }
0xa6: {  	s4 =	sshll.u32 s26, $0x1;
	_ =	strace $0x80000052;
	[dreg:$0x1] =	wrdreg $0xFFFFFFFF  }
0xa7: {  	s28 =	simm.s32 $_size_execute0_lowered;
	s2 =	sadd.s32 s2, s4;
	[dreg:$0x0] =	wrdreg $0x0  }
0xa8: {  	s4 =	sshll.u32 s28, $0x1;
	[dreg:$0x2] =	wrdreg s2  }
0xa9: {  	[dreg:$0x3] =	wrdreg s4  }
0xaa: {  	[dreg:$0x4] =	wrdreg $0xC0  }
0xab: {  	_ =	task [dreg:s6], $0x5FFFF  }
0xac: {  	[dreg:$0x1] =	wrdreg $0xFFFFFFFF  }
0xad: {  	[dreg:$0x0] =	wrdreg $0x60  }
0xae: {  	[dreg:$0x2] =	wrdreg s24  }
0xaf: {  	[dreg:$0x3] =	wrdreg $0x9  }
0xb0: {  	_ =	task.clear_ibuf [dreg:s6], $0x4FFFF;
	_ =	strace $0x90000052  }
0xb1: {  	s29 =	simm.s32 $0x9;
	_ =	strace $0x80000054  }
0xb2: {  	_ =	swait.ge [sflag:s29], $0x1  }
0xb3: {  	[sflag:s29] =	ssyncadd.s32 $0xFFFFFFFF  }
0xb4: {  	_ =	strace $0x90000054  }
0xb5: {  	_ =	sfence  }
0xb6: {  	s30 =	sld [smem:$0x0];
	_ =	sdelay $0x2  }
0xb7: {  	s31 =	sshll.u32 s1, $0xD;
	s1 =	sshrl.u32 s1, $0x2  }
0xb8: {  	s3 =	sand.u32 $0x4000, s31;
	s1 =	sadd.s32 s1, s30  }
0xb9: {  	s0 =	sor.u32 s3, s0;
	s1 =	sshll.u32 s1, $0x11  }
0xba: {  	s0 =	sor.u32 s1, s0  }
0xbb: {  	s0 =	sadd.s32 $0x8F2B, s0  }
0xbc: {  	[sflag:s0] =	ssyncadd.remote.s32 $0x1  }
0xbd: {  	_ =	sfence.sel $0xFFFF  }
0xbe: {  	[dreg:$0x0] =	wrdreg $0xFFFFFFFF;
	(pc) =	sbr.abs _section_cstart, $3  }
0xbf: {  	[dreg:$0x1] =	wrdreg $0xFFFFFFFF  }
0xc0: {  	_ =	task.clear_ibuf [dreg:s6], $0x2FFFF;
	_ =	strace $0x9FFFFFFF  }
0xc1: {  	(tm) =	ssettm $0x7FFFFFFF  }
tec
execute0_lowered:
.L_overlay_start_1:
0x0: {  	(tag) =	ssettag $0x1  }
0x1: {  	s4 =	rddreg [dreg:$0x0]  }
0x2: {  	s0 =	rddreg [dreg:$0x1];
	s2 =	simm.s32 $0x0;
	s3 =	srdreg.scid  }
0x3: {  	s1 =	stileid.u32;
	s11 =	simm.s32 $0x2000;
	s12 =	simm.s32 $0x6000  }
0x4: {  	s13 =	simm.s32 $0x1;
	s14 =	simm.s32 $0x2;
	s15 =	simm.s32 $0x0  }
0x5: {  	[smem:$0x7FF] =	sst s2;
	s7 =	sand.u32 $0x1, s3;
	s28 =	sshll.u32 s1, $0x1  }
0x6: {  	s3 =	sadd.s32 $0x99800, s4;
	s9 =	sadd.s32 $0xD9800, s4;
	s30 =	sshll.u32 s1, $0x12  }
0x7: {  	_ =	strace $0x80000053;
	s5 =	sor.u32 s7, s28;
	s8 =	ssub.s32 $0x2, s7  }
0x8: {  	s31 =	sshll.u32 s7, $0x11;
	s6 =	sshll.u32 s5, $0xA;
	s29 =	sshrl.u32 s8, $0x1  }
0x9: {  	s5 =	sshll.u32 s5, $0x11;
	s6 =	sadd.s32 s6, s4;
	s8 =	ssub.s32 s8, s29  }
0xa: {  	s10 =	sadd.s32 s9, s5;
	s4 =	sadd.s32 $0x51800, s6;
	s5 =	smax.u32 s8, $0x1  }
0xb: {  	s6 =	sadd.s32 $0x1F000, s10;
	s8 =	sadd.s32 s30, s9;
	s7 =	sadd.s32 $0x1F800, s10  }
0xc: {  	s9 =	simm.s32 $0x3;
	s10 =	simm.s32 $0x80;
	s8 =	sadd.s32 s31, s8  }
.LBB2_1:
0xd: {  	[tilespmem:s2], [sflag:$0x3] =	stream.linear.gather [hbm4b:s4+s2], $0x2000, $0x38;
	[tilespmem:$0xA000] =	vst v63  }
0xe: {  	_ =	swait.ge [sflag:s9], $0x2000  }
0xf: {  	[sflag:s9] =	ssyncset.done $0x0  }
0x10: {  	[sflag:s9] =	ssyncadd.s32 $0xFFFFE000  }
0x11: {  	[tilespmem:s11], [sflag:$0x1] =	stream.indirect.gather [hbm4b:s3+s10], $0x80, s2, s10, $0xb8;
	[tilespmem:$0xA000] =	vst v63  }
0x12: {  	_ = 	snop  }
0x13: {  	[tilespmem:s12], [sflag:$0x2] =	stream.indirect.gather [hbm4b:s3+s10], $0x80, s10, s10, $0xb8;
	[tilespmem:$0xA000] =	vst v63  }
0x14: {  	_ =	swait.ge [sflag:s13], $0x4000  }
0x15: {  	[sflag:s13] =	ssyncset.done $0x0  }
0x16: {  	s16 =	sadd.s32 $0x0, s8;
	[sflag:s13] =	ssyncadd.s32 $0xFFFFC000  }
0x17: {  	[hbm4b:s16+s2] =	stream.linear.scatter [tilespmem:s11], [sflag:$0x3], $0x4000, $0x38;
	[tilespmem:$0xA000] =	vst v63  }
0x18: {  	_ =	swait.ge [sflag:s9], $0x4000  }
0x19: {  	[sflag:s9] =	ssyncset.done $0x0  }
0x1a: {  	s17 =	simm.s32 $0x100;
	[sflag:s9] =	ssyncadd.s32 $0xFFFFC000  }
0x1b: {  	[tilespmem:s11], [sflag:$0x1] =	stream.indirect.gather [hbm4b:s3+s10], $0x80, s17, s10, $0xb8;
	[tilespmem:$0xA000] =	vst v63  }
0x1c: {  	_ =	swait.ge [sflag:s14], $0x4000  }
0x1d: {  	[sflag:s14] =	ssyncset.done $0x0  }
0x1e: {  	s16 =	sadd.s32 $0x800, s16;
	[sflag:s14] =	ssyncadd.s32 $0xFFFFC000  }
0x1f: {  	[hbm4b:s16+s2] =	stream.linear.scatter [tilespmem:s12], [sflag:$0x3], $0x4000, $0x38;
	[tilespmem:$0xA000] =	vst v63  }
0x20: {  	_ =	swait.ge [sflag:s9], $0x4000  }
0x21: {  	s18 =	simm.s32 $0x280;
	[sflag:s9] =	ssyncset.done $0x0  }
0x22: {  	s17 =	simm.s32 $0x1000;
	s16 =	simm.s32 $0x180;
	[sflag:s9] =	ssyncadd.s32 $0xFFFFC000  }
.LBB2_2:
0x23: {  	[tilespmem:s12], [sflag:$0x2] =	stream.indirect.gather [hbm4b:s3+s10], $0x80, s16, s10, $0xb8;
	[tilespmem:$0xA000] =	vst v63  }
0x24: {  	s19 =	smov.u32 s17;
	s16 =	smov.u32 s18  }
0x25: {  	p0 =	sne.s32 s17, $0x1E000;
	s17 =	sadd.s32 $0x1000, s17;
	_ =	swait.ge [sflag:s13], $0x4000  }
0x26: {  	[sflag:s13] =	ssyncset.done $0x0  }
0x27: {  	s19 =	sadd.s32 s19, s8;
	[sflag:s13] =	ssyncadd.s32 $0xFFFFC000  }
0x28: {  	[hbm4b:s19+s2] =	stream.linear.scatter [tilespmem:s11], [sflag:$0x3], $0x4000, $0x38;
	[tilespmem:$0xA000] =	vst v63  }
0x29: {  	_ =	swait.ge [sflag:s9], $0x4000  }
0x2a: {  	[sflag:s9] =	ssyncset.done $0x0  }
0x2b: {  	s20 =	sadd.s32 $0xFFFFFF80, s18;
	[sflag:s9] =	ssyncadd.s32 $0xFFFFC000  }
0x2c: {  	[tilespmem:s11], [sflag:$0x1] =	stream.indirect.gather [hbm4b:s3+s10], $0x80, s20, s10, $0xb8;
	[tilespmem:$0xA000] =	vst v63  }
0x2d: {  	_ =	swait.ge [sflag:s14], $0x4000  }
0x2e: {  	[sflag:s14] =	ssyncset.done $0x0  }
.Ltmp0:
0x2f: {  	s19 =	sadd.s32 $0x800, s19;
	[sflag:s14] =	ssyncadd.s32 $0xFFFFC000;
	(pc) =	sbr.rel @p0 .LBB2_2-.Ltmp0, $4  }
0x30: {  	[hbm4b:s19+s2] =	stream.linear.scatter [tilespmem:s12], [sflag:$0x3], $0x4000, $0x38;
	[tilespmem:$0xA000] =	vst v63  }
0x31: {  	_ =	swait.ge [sflag:s9], $0x4000  }
0x32: {  	[sflag:s9] =	ssyncset.done $0x0  }
0x33: {  	s18 =	sadd.s32 $0x100, s18;
	[sflag:s9] =	ssyncadd.s32 $0xFFFFC000  }
0x34: {  	[tilespmem:s12], [sflag:$0x2] =	stream.indirect.gather [hbm4b:s3+s10], $0x80, s16, s10, $0xb8;
	[tilespmem:$0xA000] =	vst v63  }
0x35: {  	_ =	swait.ge [sflag:s13], $0x4000  }
0x36: {  	[sflag:s13] =	ssyncset.done $0x0  }
0x37: {  	[sflag:s13] =	ssyncadd.s32 $0xFFFFC000  }
0x38: {  	[hbm4b:s6+s2] =	stream.linear.scatter [tilespmem:s11], [sflag:$0x3], $0x4000, $0x38;
	[tilespmem:$0xA000] =	vst v63  }
0x39: {  	_ =	swait.ge [sflag:s9], $0x4000  }
0x3a: {  	[sflag:s9] =	ssyncset.done $0x0  }
0x3b: {  	[sflag:s9] =	ssyncadd.s32 $0xFFFFC000  }
0x3c: {  	s15 =	sadd.s32 $0x1, s15;
	_ =	swait.ge [sflag:s14], $0x4000  }
0x3d: {  	p0 =	sne.s32 s15, s5;
	[sflag:s14] =	ssyncset.done $0x0  }
.Ltmp1:
0x3e: {  	[sflag:s14] =	ssyncadd.s32 $0xFFFFC000;
	(pc) =	sbr.rel @p0 .LBB2_1-.Ltmp1, $4  }
0x3f: {  	[hbm4b:s7+s2] =	stream.linear.scatter [tilespmem:s12], [sflag:$0x3], $0x4000, $0x38;
	[tilespmem:$0xA000] =	vst v63  }
0x40: {  	_ =	swait.ge [sflag:s9], $0x4000  }
0x41: {  	[sflag:s9] =	ssyncset.done $0x0  }
0x42: {  	[sflag:s9] =	ssyncadd.s32 $0xFFFFC000  }
0x43: {  	_ =	sfence.sel $0x180000  }
0x44: {  	[bflag:$0x0] =	sbarrier.arrive $0xFFFF  }
0x45: {  	p0 =	sne.s32 s1, $0x0;
	_ =	strace $0x90000053  }
0x46: {  	s0 =	sadd.s32 @!p0 $0x100000, s0;
	[bflag:$0x2] =	sbarrier.arrive $0xFFFF  }
0x47: {  	[sflag:s0] =	ssyncadd.tile.s32 @!p0 $0x1;
	_ =	shalt  }
.Lfunc_end2:
_tile_overlayer_lowered:
.L_overlay_start_2:
0x48: {  	(tag) =	ssettag $0x2  }
0x49: {  	s0 =	rddreg [dreg:$0x0];
	s2 =	stileid.u32  }
0x4a: {  	s1 =	rddreg [dreg:$0x1];
	p0 =	sne.s32 s2, $0x0  }
0x4b: {  	s3 =	rddreg [dreg:$0x2];
	[bflag:$0x3] =	sbarrier.arrive $0xFFFF;
	s2 =	simm.s32 @!p0 $0x1C03  }
0x4c: {  	[timem:s3], [sflag:s2] =	dma.local @!p0 [hbm:s0], s1  }
0x4d: {  	s0 =	simm.s32 @!p0 $0x3  }
0x4e: {  	_ =	swait.ge @!p0 [sflag:s0], s1  }
0x4f: {  	s1 =	ssub.s32 @!p0 $0x0, s1;
	[sflag:s0] =	ssyncset.done @!p0 $0x0  }
0x50: {  	[sflag:s0] =	ssyncadd.s32 @!p0 s1  }
0x51: {  	[bflag:$0x3] =	sbarrier.arrive $0xFFFF  }
0x52: {  	_ =	shalt  }

</sc_bundles>
